<compile_context>
chip_gen: v7x
topology: tpu7x:2x2x1
jax: 0.10.2.dev20260603
libtpu: 0.0.44.dev20260713+nightly
codegen_flags: <defaults>
</compile_context>

<pallas_src>
import jax
import jax.numpy as jnp
from jax import lax
from jax.experimental import pallas as pl
from jax.experimental.pallas import tpu as pltpu
from jax.experimental.pallas import tpu_sc as plsc

N = 10000
E = 320000
G = 128
D = 128
H = 32
C = 10
EPS = 1e-5

NW = 32
NP = 10112
RPT = NP // 16
EPT = E // NW
CW = 128
NG = 79
EPT_PAD = NG * CW


def _relu(t):
    return jnp.maximum(t, 0.0)


def _dot(a, b):
    return jnp.dot(a, b, preferred_element_type=jnp.float32)



def _make_sc_scatter(ncols, with_ew):
    mesh = plsc.VectorSubcoreMesh(core_axis_name="c", subcore_axis_name="s")
    out_type = [jax.ShapeDtypeStruct((2, NP, ncols), jnp.float32)]
    if with_ew:
        out_type.append(jax.ShapeDtypeStruct((NW, NG, CW), jnp.float32))
    scratch = [
        pltpu.VMEM((NG, CW), jnp.int32),
        pltpu.VMEM((NG, CW), jnp.int32),
        pltpu.VMEM((CW, ncols), jnp.float32),
        pltpu.VMEM((CW, ncols), jnp.float32),
        pltpu.SemaphoreType.DMA,
        pltpu.SemaphoreType.DMA,
        pltpu.SemaphoreType.DMA,
        pltpu.SemaphoreType.DMA,
        pltpu.VMEM_SHARED((NP, ncols), jnp.float32),
    ]
    if with_ew:
        scratch += [
            pltpu.VMEM((NP,), jnp.float32),
            pltpu.VMEM((NG, CW), jnp.float32),
        ]

    def body(v_hbm, srcs_hbm, dsts_hbm, zeros_hbm, *rest):
        if with_ew:
            (a0_hbm, out_hbm, ew_hbm, src_v, dst_v, rows0, rows1, sem0, sem1,
             sem2, sem3, acc, a0_v, ew_v) = rest
        else:
            (out_hbm, src_v, dst_v, rows0, rows1, sem0, sem1, sem2, sem3,
             acc) = rest
        c = lax.axis_index("c")
        s = lax.axis_index("s")
        b = c * 16 + s
        pltpu.sync_copy(srcs_hbm.at[b], src_v)
        pltpu.sync_copy(dsts_hbm.at[b], dst_v)
        pltpu.sync_copy(zeros_hbm.at[pl.ds(s * RPT, RPT)],
                        acc.at[pl.ds(s * RPT, RPT)])
        plsc.subcore_barrier()

        def step(jj, carry):
            j = jj * 2
            d0 = pltpu.async_copy(v_hbm.at[src_v.at[j]], rows0, sem0)
            d1 = pltpu.async_copy(v_hbm.at[src_v.at[j + 1]], rows1, sem1)
            d0.wait()
            s0 = pltpu.async_copy(rows0, acc.at[dst_v.at[j]], sem2, add=True)
            d1.wait()
            s1 = pltpu.async_copy(rows1, acc.at[dst_v.at[j + 1]], sem3,
                                  add=True)
            s0.wait()
            s1.wait()
            return carry

        lax.fori_loop(0, NG // 2, step, 0)
        if NG % 2:
            pltpu.async_copy(v_hbm.at[src_v.at[NG - 1]], rows0, sem0).wait()
            pltpu.sync_copy(rows0, acc.at[dst_v.at[NG - 1]], add=True)

        if with_ew:
            pltpu.sync_copy(a0_hbm, a0_v)

            def ewstep(j, carry):
                for k in range(CW // 16):
                    si = src_v[j, pl.ds(k * 16, 16)]
                    di = dst_v[j, pl.ds(k * 16, 16)]
                    av = plsc.load_gather(a0_v, [si])
                    bv = plsc.load_gather(a0_v, [di])
                    ew_v[j, pl.ds(k * 16, 16)] = av * bv
                return carry

            lax.fori_loop(0, NG, ewstep, 0)
            pltpu.sync_copy(ew_v, ew_hbm.at[b])

        plsc.subcore_barrier()
        pltpu.sync_copy(acc.at[pl.ds(s * RPT, RPT)],
                        out_hbm.at[c, pl.ds(s * RPT, RPT)])

    return pl.kernel(body,
                     out_type=tuple(out_type) if with_ew else out_type[0],
                     mesh=mesh, scratch_types=scratch,
                     compiler_params=pltpu.CompilerParams(
                         use_tc_tiling_on_sc=False,
                         needs_layout_passes=False))



def _pre_body(x_ref, w_ref, o_ref):
    o_ref[...] = _dot(x_ref[...], w_ref[...])


def _gin_body(p0, p1, z, w1, b1, w2, b2, o_ref):
    h = p0[...] + p1[...] + z[...]
    h1 = _relu(_dot(h, w1[...]) + b1[...])
    o_ref[...] = _relu(_dot(h1, w2[...]) + b2[...])


def _gin0_body(pa0, pa1, pb0, pb1, z, w1, b1, w2, b2, o_ref):
    agg = jnp.concatenate([pa0[...] + pa1[...], pb0[...] + pb1[...]], 1)
    h = agg + z[...]
    h1 = _relu(_dot(h, w1[...]) + b1[...])
    o_ref[...] = _relu(_dot(h1, w2[...]) + b2[...])


def _big_body(p0, p1, z, ucat, w1, b1, w2, b2, wi1, bi1, wi2, bi2, wi3, bi3,
              z1_o, as_o, vc_o):
    h = p0[...] + p1[...] + z[...]
    h1 = _relu(_dot(h, w1[...]) + b1[...])
    z1 = _relu(_dot(h1, w2[...]) + b2[...])
    z1_o[...] = z1
    mask = lax.broadcasted_iota(jnp.int32, (NP, 1), 0) < N

    def inorm(t):
        m = jnp.sum(jnp.where(mask, t, 0.0), 0, keepdims=True) / N
        d = t - m
        v = jnp.sum(jnp.where(mask, d * d, 0.0), 0, keepdims=True) / N
        return d / jnp.sqrt(v + EPS)

    h = _relu(inorm(_dot(z1, wi1[...]) + bi1[...]))
    h = _relu(inorm(_dot(h, wi2[...]) + bi2[...]))
    ib = _dot(h, wi3[...]) + bi3[...]
    e = jnp.exp(ib - jnp.max(ib, 1, keepdims=True))
    a = e / jnp.sum(e, 1, keepdims=True)
    as_o[...] = a
    u2 = ucat[...]
    vc_o[...] = jnp.concatenate(
        [u2[:, :H] * a[:, 0:1], u2[:, H:] * a[:, 1:2]], 1)


def _mid2_body(p0, p1, u, a, b1c, b1o, w2c, b2c, w2o, b2o, w1c, w1o,
               u_o, v_o):
    a0 = a[:, 0:1]
    a1 = a[:, 1:2]
    s = p0[...] + p1[...]
    hc = _relu(s[:, :H] * a0 + u[:, :H] + b1c[...])
    ho = _relu(s[:, H:] * a1 + u[:, H:] + b1o[...])
    zc = _relu(_dot(hc, w2c[...]) + b2c[...])
    zo = _relu(_dot(ho, w2o[...]) + b2o[...])
    uc = _dot(zc, w1c[...])
    uo = _dot(zo, w1o[...])
    u_o[...] = jnp.concatenate([uc, uo], 1)
    v_o[...] = jnp.concatenate([uc * a0, uo * a1], 1)


def _fin_body(p0, p1, u, a, b1c, b1o, w2c, b2c, w2o, b2o, z1, bb, perm,
              w11, b11, w12, b12, wo1, bo1, wo2, bo2, wc1, bc1, wc2, bc2,
              wco1, bco1, wco2, bco2, ws1, bs1, ws2, bs2,
              h1_o, g1_o, hm_o, gm_o, hco_o, hres_o, hs_o):
    a0 = a[:, 0:1]
    a1 = a[:, 1:2]
    s = p0[...] + p1[...]
    hc = _relu(s[:, :H] * a0 + u[:, :H] + b1c[...])
    ho = _relu(s[:, H:] * a1 + u[:, H:] + b1o[...])
    z_m = _relu(_dot(hc, w2c[...]) + b2c[...])
    z_r = _relu(_dot(ho, w2o[...]) + b2o[...])
    oh = (bb[...] == lax.broadcasted_iota(jnp.int32, (G, 1), 0)
          ).astype(jnp.float32)
    g1 = _dot(oh, z1[...])
    gm = _dot(oh, z_m)
    gr = _dot(oh, z_r)
    g1_o[...] = g1
    gm_o[...] = gm
    grp = _dot(perm[...], gr)
    gmp = _dot(perm[...], gm)

    def fc(t, w1_, b1_, w2_, b2_):
        return _dot(_relu(_dot(t, w1_[...]) + b1_[...]), w2_[...]) + b2_[...]

    h1_o[...] = fc(g1, w11, b11, w12, b12)
    hm_o[...] = fc(gm, wo1, bo1, wo2, bo2)
    hco_o[...] = fc(jnp.concatenate([grp, gm], 1), wco1, bco1, wco2, bco2)
    hres_o[...] = fc(gr, wc1, bc1, wc2, bc2)
    hs_o[...] = fc(jnp.concatenate([gr, gmp], 1), ws1, bs1, ws2, bs2)


def _tc(body, out_shape):
    return pl.pallas_call(body, out_shape=out_shape)



def kernel(x, edge_index, batch, y, params):
    f32 = jnp.float32
    sds = jax.ShapeDtypeStruct

    x_pad = jnp.pad(x, ((0, NP - N), (0, 0)))

    def pad_idx(v):
        vb = v.reshape(NW, EPT)
        fill = N + (jnp.arange(EPT_PAD - EPT, dtype=jnp.int32) % (NP - N))
        fill = jnp.broadcast_to(fill, (NW, EPT_PAD - EPT))
        vb = jnp.concatenate([vb, fill], 1)
        return vb.reshape(NW, NG, CW)

    srcs = pad_idx(edge_index[0])
    dsts = pad_idx(edge_index[1])
    bb = jnp.pad(batch, (0, NP - N), constant_values=G).reshape(1, NP)
    zeros32 = jnp.zeros((NP, H), f32)
    zeros64 = jnp.zeros((NP, 2 * H), f32)
    ridx = jax.random.permutation(jax.random.key(42), G)
    perm = jnp.zeros((G, G), f32).at[jnp.arange(G), ridx].set(1.0)

    def r2(b):
        return b.reshape(1, -1)

    sc32 = _make_sc_scatter(H, False)
    sc64ew = _make_sc_scatter(2 * H, True)
    sc64 = _make_sc_scatter(2 * H, False)

    gp = params["gcn1"]
    cp = params["context"]
    op = params["objects"]

    w1cat0 = jnp.concatenate([cp[0][0], op[0][0]], 1)
    ucat = _tc(_pre_body, sds((NP, 2 * H), f32))(x_pad, w1cat0)

    pa = sc64(x_pad[:, :2 * H], srcs, dsts, zeros64)
    pb = sc64(x_pad[:, 2 * H:], srcs, dsts, zeros64)
    z = _tc(_gin0_body, sds((NP, H), f32))(
        pa[0], pa[1], pb[0], pb[1], x_pad,
        gp[0][0], r2(gp[0][1]), gp[0][2], r2(gp[0][3]))
    p = sc32(z, srcs, dsts, zeros32)
    z = _tc(_gin_body, sds((NP, H), f32))(
        p[0], p[1], z, gp[1][0], r2(gp[1][1]), gp[1][2], r2(gp[1][3]))
    p = sc32(z, srcs, dsts, zeros32)

    wib = params["mlp_IB"]
    z1, assign, vcat = _tc(
        _big_body,
        (sds((NP, H), f32), sds((NP, 2), f32), sds((NP, 2 * H), f32)))(
        p[0], p[1], z, ucat, gp[2][0], r2(gp[2][1]), gp[2][2], r2(gp[2][3]),
        wib[0], r2(wib[1]), wib[2], r2(wib[3]), wib[4], r2(wib[5]))

    a0flat = assign[:, 0]
    p, ew = sc64ew(vcat, srcs, dsts, zeros64, a0flat)
    for l in range(2):
        args = (p[0], p[1], ucat, assign,
                r2(cp[l][1]), r2(op[l][1]), cp[l][2], r2(cp[l][3]),
                op[l][2], r2(op[l][3]), cp[l + 1][0], op[l + 1][0])
        ucat, vcat = _tc(
            _mid2_body, (sds((NP, 2 * H), f32), sds((NP, 2 * H), f32)))(*args)
        p = sc64(vcat, srcs, dsts, zeros64)

    m1 = params["mlp1"]
    mo = params["mlp_o"]
    mc = params["mlp_c"]
    mco = params["mlp_co"]
    ms = params["mlp_co_s"]
    h1, g1, hm, gm, hco, hres, hs = _tc(
        _fin_body,
        (sds((G, C), f32), sds((G, H), f32), sds((G, C), f32),
         sds((G, H), f32), sds((G, C), f32), sds((G, C), f32),
         sds((G, C), f32)))(
        p[0], p[1], ucat, assign,
        r2(cp[2][1]), r2(op[2][1]), cp[2][2], r2(cp[2][3]),
        op[2][2], r2(op[2][3]), z1, bb, perm,
        m1[0], r2(m1[1]), m1[2], r2(m1[3]),
        mo[0], r2(mo[1]), mo[2], r2(mo[3]),
        mc[0], r2(mc[1]), mc[2], r2(mc[3]),
        mco[0], r2(mco[1]), mco[2], r2(mco[3]),
        ms[0], r2(ms[1]), ms[2], r2(ms[3]))

    assignment = assign[:N]
    a0_out = assignment[:, 0]
    ew_o = ew.reshape(NW, EPT_PAD)[:, :EPT].reshape(E, 1)
    y_shuf = y[ridx]
    return (h1, g1, hm, gm, assignment, hco, hres, ew_o, a0_out, hs, y_shuf)

# --- scband reference (transcript-rebuilt; emitter-appended) ---
"""Pipeline reference for scband-encoder-89747636617496 (READ-ONLY COPY).

The authoritative reference and input builder live on the scoring server;
editing this copy changes nothing except your own understanding.
"""

import jax, jax.numpy as jnp
import numpy as np

N = 10000
E = 320000
G = 128
D = 128
H = 32
C = 10
EPS = 1e-5

def _p(key, i, shape):
    return jax.random.normal(jax.random.fold_in(key, i), shape, dtype=jnp.float32) * 0.1

def _gconv_params(key, base, in_dim):
    layers = []
    dims = [in_dim, H, H]
    for i, d in enumerate(dims):
        layers.append((_p(key, base + 4 * i, (d, H)),
                       _p(key, base + 4 * i + 1, (H,)),
                       _p(key, base + 4 * i + 2, (H, H)),
                       _p(key, base + 4 * i + 3, (H,))))
    return layers

def setup_inputs(seed: int = 0):
    key = jax.random.key(seed)
    x = jax.random.normal(jax.random.fold_in(key, 0), (N, D), dtype=jnp.float32)
    edge_index = jax.random.randint(jax.random.fold_in(key, 1), (2, E), 0, N, dtype=jnp.int32)
    batch = jnp.sort(jax.random.randint(jax.random.fold_in(key, 2), (N,), 0, G, dtype=jnp.int32))
    y = jax.random.randint(jax.random.fold_in(key, 3), (G,), 0, C, dtype=jnp.int32)
    params = {
        "gcn1": _gconv_params(key, 100, D),
        "context": _gconv_params(key, 200, D),
        "objects": _gconv_params(key, 300, D),
        "mlp1": (_p(key, 400, (H, H)), _p(key, 401, (H,)), _p(key, 402, (H, C)), _p(key, 403, (C,))),
        "mlp_IB": (_p(key, 410, (H, 2 * H)), _p(key, 411, (2 * H,)), _p(key, 412, (2 * H, H)), _p(key, 413, (H,)), _p(key, 414, (H, 2)), _p(key, 415, (2,))),
        "mlp_co": (_p(key, 420, (2 * H, H)), _p(key, 421, (H,)), _p(key, 422, (H, C)), _p(key, 423, (C,))),
        "mlp_co_s": (_p(key, 430, (2 * H, H)), _p(key, 431, (H,)), _p(key, 432, (H, C)), _p(key, 433, (C,))),
        "mlp_o": (_p(key, 440, (H, H)), _p(key, 441, (H,)), _p(key, 442, (H, C)), _p(key, 443, (C,))),
        "mlp_c": (_p(key, 450, (H, H)), _p(key, 451, (H,)), _p(key, 452, (H, C)), _p(key, 453, (C,))),
    }
    return {"x": x, "edge_index": edge_index, "batch": batch, "y": y, "params": params}

def _fc(x, p):
    # FC: Linear -> ReLU -> Dropout(eval=identity) -> Linear
    W1, b1, W2, b2 = p
    return jax.nn.relu(x @ W1 + b1) @ W2 + b2

def _inorm(x):
    # PyG InstanceNorm called inside nn.Sequential => batch=None (whole tensor is one graph),
    # affine=False, track_running_stats=False: normalize per-channel over nodes (biased var)
    m = jnp.mean(x, axis=0, keepdims=True)
    v = jnp.var(x, axis=0, keepdims=True)
    return (x - m) / jnp.sqrt(v + EPS)

def _fc_sub(x, p):
    W1, b1, W2, b2, W3, b3 = p
    h = jax.nn.relu(_inorm(x @ W1 + b1))
    h = jax.nn.relu(_inorm(h @ W2 + b2))
    return h @ W3 + b3

def _gin(z, src, dst, p, atten, n):
    # GINConv, train_eps=False (eps=0); optional edge attention multiplies messages
    W1, b1, W2, b2 = p
    msg = z[src]
    if atten is not None:
        msg = msg * atten
    agg = jnp.zeros((n, z.shape[1]), z.dtype).at[dst].add(msg)
    h = agg + z
    return jax.nn.relu(h @ W1 + b1) @ W2 + b2

def _gconv(x, src, dst, layers, atten, n):
    z = x
    for p in layers:
        z = jax.nn.relu(_gin(z, src, dst, p, atten, n))
    return z

def _pool(z, batch):
    return jax.ops.segment_sum(z, batch, num_segments=G)

def reference(x, edge_index, batch, y, params):
    n = x.shape[0]
    src, dst = edge_index[0], edge_index[1]
    z1 = _gconv(x, src, dst, params["gcn1"], None, n)
    g1 = _pool(z1, batch)
    IB_score = _fc_sub(z1, params["mlp_IB"])
    assignment = jax.nn.softmax(IB_score, axis=1)
    a0 = assignment[:, 0]
    a1 = assignment[:, 1]
    edge_weight_o = (a0[src] * a0[dst])[:, None]
    edge_weight_c = (a1[src] * a1[dst])[:, None]
    z_M = _gconv(x, src, dst, params["context"], edge_weight_o, n)
    z_res = _gconv(x, src, dst, params["objects"], edge_weight_c, n)
    g_res = _pool(z_res, batch)
    g_M = _pool(z_M, batch)
    # random.shuffle replaced by deterministic fixed-key permutation
    ridx = jax.random.permutation(jax.random.key(42), G)
    g_co = jnp.concatenate([g_res[ridx], g_M], axis=1)
    g_co_s = jnp.concatenate([g_res, g_M[ridx]], axis=1)
    y_shuf = y[ridx]
    h_co = _fc(g_co, params["mlp_co"])
    h_M = _fc(g_M, params["mlp_o"])
    h1 = _fc(g1, params["mlp1"])
    h_res = _fc(g_res, params["mlp_c"])
    h_shuf = _fc(g_co_s, params["mlp_co_s"])
    return (h1, g1, h_M, g_M, assignment, h_co, h_res, edge_weight_o, a0, h_shuf, y_shuf)

if __name__ == "__main__":
    import jax
    _d = setup_inputs()
    print(jax.jit(kernel)(*tuple(_d.values())))

</pallas_src>

<mosaic_0001>
#map = affine_map<(d0, d1) -> (0, 0)>
#map1 = affine_map<(d0, d1) -> (0, 0, 0)>
module attributes {stable_mosaic.version = 14 : i64} {
  func.func @body(%arg0: i32, %arg1: i32, %arg2: memref<10112x64xf32, #tpu.memory_space<hbm>>, %arg3: memref<32x79x128xi32, #tpu.memory_space<hbm>>, %arg4: memref<32x79x128xi32, #tpu.memory_space<hbm>>, %arg5: memref<10112x64xf32, #tpu.memory_space<hbm>>, %arg6: memref<2x10112x64xf32, #tpu.memory_space<hbm>>, %arg7: memref<79x128xi32, #tpu.memory_space<vmem>>, %arg8: memref<79x128xi32, #tpu.memory_space<vmem>>, %arg9: memref<128x64xf32, #tpu.memory_space<vmem>>, %arg10: memref<128x64xf32, #tpu.memory_space<vmem>>, %arg11: memref<!tpu.dma_semaphore, #tpu.memory_space<semaphore_mem>>, %arg12: memref<!tpu.dma_semaphore, #tpu.memory_space<semaphore_mem>>, %arg13: memref<!tpu.dma_semaphore, #tpu.memory_space<semaphore_mem>>, %arg14: memref<!tpu.dma_semaphore, #tpu.memory_space<semaphore_mem>>, %arg15: memref<10112x64xf32, #tpu.memory_space<vmem_shared>>) attributes {dimension_semantics = [#tpu.dimension_semantics<core_parallel>, #tpu.dimension_semantics<subcore_parallel>], iteration_bounds = array<i64: 2, 16>, scalar_prefetch = 0 : i64, scratch_operands = 9 : i64, tpu.core_type = #tpu.core_type<sc_vector_subcore>, window_params = [{transform_indices = #map}, {transform_indices = #map1}, {transform_indices = #map1}, {transform_indices = #map}, {transform_indices = #map1}]} {
    %mul3A = arith.constant 16 : i32
    %mul3A_0 = arith.muli %arg0, %mul3A : i32
    %add3A = arith.addi %mul3A_0, %arg1 : i32
    "tpu.region"() ({
      %run_scoped3A_27 = tpu.sem_alloc : memref<!tpu.dma_semaphore, #tpu.memory_space<semaphore_mem>>
      %dma_start3A_28 = arith.constant 0 : i32
      %dma_start3A_29 = arith.constant 0 : i32
      %dma_start3A_30 = tpu.memref_slice %arg3[%add3A, %dma_start3A_28, %dma_start3A_29] : memref<32x79x128xi32, #tpu.memory_space<hbm>> -> memref<1x79x128xi32, #tpu.memory_space<hbm>>
      %dma_start3A_31 = tpu.memref_squeeze %dma_start3A_30 : memref<1x79x128xi32, #tpu.memory_space<hbm>> -> memref<79x128xi32, #tpu.memory_space<hbm>>
      %dma_start3A_32 = arith.constant 0 : i32
      %dma_start3A_33 = arith.constant 0 : i32
      %dma_start3A_34 = tpu.memref_slice %arg3[%add3A, %dma_start3A_32, %dma_start3A_33] : memref<32x79x128xi32, #tpu.memory_space<hbm>> -> memref<1x79x128xi32, #tpu.memory_space<hbm>>
      %dma_start3A_35 = tpu.memref_squeeze %dma_start3A_34 : memref<1x79x128xi32, #tpu.memory_space<hbm>> -> memref<79x128xi32, #tpu.memory_space<hbm>>
      tpu.enqueue_dma source(%dma_start3A_35 : memref<79x128xi32, #tpu.memory_space<hbm>>) target(%arg7 : memref<79x128xi32, #tpu.memory_space<vmem>>) target_semaphore(%run_scoped3A_27 : memref<!tpu.dma_semaphore, #tpu.memory_space<semaphore_mem>>)
      %dma_wait3A_36 = arith.constant 0 : i32
      %dma_wait3A_37 = arith.constant 0 : i32
      %dma_wait3A_38 = tpu.memref_slice %arg3[%add3A, %dma_wait3A_36, %dma_wait3A_37] : memref<32x79x128xi32, #tpu.memory_space<hbm>> -> memref<1x79x128xi32, #tpu.memory_space<hbm>>
      %dma_wait3A_39 = tpu.memref_squeeze %dma_wait3A_38 : memref<1x79x128xi32, #tpu.memory_space<hbm>> -> memref<79x128xi32, #tpu.memory_space<hbm>>
      %dma_wait3A_40 = arith.constant 0 : i32
      %dma_wait3A_41 = arith.constant 0 : i32
      %dma_wait3A_42 = tpu.memref_slice %arg3[%add3A, %dma_wait3A_40, %dma_wait3A_41] : memref<32x79x128xi32, #tpu.memory_space<hbm>> -> memref<1x79x128xi32, #tpu.memory_space<hbm>>
      %dma_wait3A_43 = tpu.memref_squeeze %dma_wait3A_42 : memref<1x79x128xi32, #tpu.memory_space<hbm>> -> memref<79x128xi32, #tpu.memory_space<hbm>>
      tpu.wait_dma2 semaphore(%run_scoped3A_27 : memref<!tpu.dma_semaphore, #tpu.memory_space<semaphore_mem>>) src(%dma_wait3A_43 : memref<79x128xi32, #tpu.memory_space<hbm>>) dst(%arg7 : memref<79x128xi32, #tpu.memory_space<vmem>>)
      tpu.yield
    }) : () -> ()
    "tpu.region"() ({
      %run_scoped3A_27 = tpu.sem_alloc : memref<!tpu.dma_semaphore, #tpu.memory_space<semaphore_mem>>
      %dma_start3A_28 = arith.constant 0 : i32
      %dma_start3A_29 = arith.constant 0 : i32
      %dma_start3A_30 = tpu.memref_slice %arg4[%add3A, %dma_start3A_28, %dma_start3A_29] : memref<32x79x128xi32, #tpu.memory_space<hbm>> -> memref<1x79x128xi32, #tpu.memory_space<hbm>>
      %dma_start3A_31 = tpu.memref_squeeze %dma_start3A_30 : memref<1x79x128xi32, #tpu.memory_space<hbm>> -> memref<79x128xi32, #tpu.memory_space<hbm>>
      %dma_start3A_32 = arith.constant 0 : i32
      %dma_start3A_33 = arith.constant 0 : i32
      %dma_start3A_34 = tpu.memref_slice %arg4[%add3A, %dma_start3A_32, %dma_start3A_33] : memref<32x79x128xi32, #tpu.memory_space<hbm>> -> memref<1x79x128xi32, #tpu.memory_space<hbm>>
      %dma_start3A_35 = tpu.memref_squeeze %dma_start3A_34 : memref<1x79x128xi32, #tpu.memory_space<hbm>> -> memref<79x128xi32, #tpu.memory_space<hbm>>
      tpu.enqueue_dma source(%dma_start3A_35 : memref<79x128xi32, #tpu.memory_space<hbm>>) target(%arg8 : memref<79x128xi32, #tpu.memory_space<vmem>>) target_semaphore(%run_scoped3A_27 : memref<!tpu.dma_semaphore, #tpu.memory_space<semaphore_mem>>)
      %dma_wait3A_36 = arith.constant 0 : i32
      %dma_wait3A_37 = arith.constant 0 : i32
      %dma_wait3A_38 = tpu.memref_slice %arg4[%add3A, %dma_wait3A_36, %dma_wait3A_37] : memref<32x79x128xi32, #tpu.memory_space<hbm>> -> memref<1x79x128xi32, #tpu.memory_space<hbm>>
      %dma_wait3A_39 = tpu.memref_squeeze %dma_wait3A_38 : memref<1x79x128xi32, #tpu.memory_space<hbm>> -> memref<79x128xi32, #tpu.memory_space<hbm>>
      %dma_wait3A_40 = arith.constant 0 : i32
      %dma_wait3A_41 = arith.constant 0 : i32
      %dma_wait3A_42 = tpu.memref_slice %arg4[%add3A, %dma_wait3A_40, %dma_wait3A_41] : memref<32x79x128xi32, #tpu.memory_space<hbm>> -> memref<1x79x128xi32, #tpu.memory_space<hbm>>
      %dma_wait3A_43 = tpu.memref_squeeze %dma_wait3A_42 : memref<1x79x128xi32, #tpu.memory_space<hbm>> -> memref<79x128xi32, #tpu.memory_space<hbm>>
      tpu.wait_dma2 semaphore(%run_scoped3A_27 : memref<!tpu.dma_semaphore, #tpu.memory_space<semaphore_mem>>) src(%dma_wait3A_43 : memref<79x128xi32, #tpu.memory_space<hbm>>) dst(%arg8 : memref<79x128xi32, #tpu.memory_space<vmem>>)
      tpu.yield
    }) : () -> ()
    %mul3A_1 = arith.constant 632 : i32
    %mul3A_2 = arith.muli %arg1, %mul3A_1 : i32
    %mul3A_3 = arith.constant 632 : i32
    %mul3A_4 = arith.muli %arg1, %mul3A_3 : i32
    "tpu.region"() ({
      %run_scoped3A_27 = tpu.sem_alloc : memref<!tpu.dma_semaphore, #tpu.memory_space<semaphore_mem>>
      %dma_start3A_28 = arith.constant 0 : i32
      %dma_start3A_29 = tpu.memref_slice %arg15[%mul3A_4, %dma_start3A_28] : memref<10112x64xf32, #tpu.memory_space<vmem_shared>> -> memref<632x64xf32, #tpu.memory_space<vmem_shared>>
      %dma_start3A_30 = arith.constant 0 : i32
      %dma_start3A_31 = tpu.memref_slice %arg5[%mul3A_2, %dma_start3A_30] : memref<10112x64xf32, #tpu.memory_space<hbm>> -> memref<632x64xf32, #tpu.memory_space<hbm>>
      tpu.enqueue_dma source(%dma_start3A_31 : memref<632x64xf32, #tpu.memory_space<hbm>>) target(%dma_start3A_29 : memref<632x64xf32, #tpu.memory_space<vmem_shared>>) target_semaphore(%run_scoped3A_27 : memref<!tpu.dma_semaphore, #tpu.memory_space<semaphore_mem>>)
      %dma_wait3A_32 = arith.constant 0 : i32
      %dma_wait3A_33 = tpu.memref_slice %arg15[%mul3A_4, %dma_wait3A_32] : memref<10112x64xf32, #tpu.memory_space<vmem_shared>> -> memref<632x64xf32, #tpu.memory_space<vmem_shared>>
      %dma_wait3A_34 = arith.constant 0 : i32
      %dma_wait3A_35 = tpu.memref_slice %arg5[%mul3A_2, %dma_wait3A_34] : memref<10112x64xf32, #tpu.memory_space<hbm>> -> memref<632x64xf32, #tpu.memory_space<hbm>>
      tpu.wait_dma2 semaphore(%run_scoped3A_27 : memref<!tpu.dma_semaphore, #tpu.memory_space<semaphore_mem>>) src(%dma_wait3A_35 : memref<632x64xf32, #tpu.memory_space<hbm>>) dst(%dma_wait3A_33 : memref<632x64xf32, #tpu.memory_space<vmem_shared>>)
      tpu.yield
    }) : () -> ()
    %barrier3A = arith.constant 0 : index
    tpu.barrier barrier_id(%barrier3A)
    %scan3A = arith.constant 0 : i32
    %scan3A_5 = arith.constant 0 : i32
    %scan3A_6 = arith.constant 39 : i32
    %scan3A_7 = arith.addi %scan3A_5, %scan3A_6 : i32
    %scan3A_8 = arith.constant 1 : i32
    scf.for %scan3A_27 = %scan3A_5 to %scan3A_7 step %scan3A_8  : i32 {
      %mul3A_28 = arith.constant 2 : i32
      %mul3A_29 = arith.muli %scan3A_27, %mul3A_28 : i32
      %dma_start3A_30 = arith.constant 0 : i32
      %dma_start3A_31 = tpu.memref_slice %arg7[%mul3A_29, %dma_start3A_30] : memref<79x128xi32, #tpu.memory_space<vmem>> -> memref<1x128xi32, #tpu.memory_space<vmem>>
      %dma_start3A_32 = tpu.memref_squeeze %dma_start3A_31 : memref<1x128xi32, #tpu.memory_space<vmem>> -> memref<128xi32, #tpu.memory_space<vmem>>
      %dma_start3A_33 = arith.constant 0 : i32
      %dma_start3A_34 = arith.constant 0 : i32
      %dma_start3A_35 = tpu.memref_slice %arg2[%dma_start3A_33, %dma_start3A_34] : memref<10112x64xf32, #tpu.memory_space<hbm>> -> memref<10112x64xf32, #tpu.memory_space<hbm>>
      tpu.enqueue_indirect_dma source(%dma_start3A_35 : memref<10112x64xf32, #tpu.memory_space<hbm>>) target(%arg9 : memref<128x64xf32, #tpu.memory_space<vmem>>) offsets(%dma_start3A_32 : memref<128xi32, #tpu.memory_space<vmem>>) semaphore(%arg11 : memref<!tpu.dma_semaphore, #tpu.memory_space<semaphore_mem>>)
      %add3A_36 = arith.constant 1 : i32
      %add3A_37 = arith.addi %mul3A_29, %add3A_36 : i32
      %dma_start3A_38 = arith.constant 0 : i32
      %dma_start3A_39 = tpu.memref_slice %arg7[%add3A_37, %dma_start3A_38] : memref<79x128xi32, #tpu.memory_space<vmem>> -> memref<1x128xi32, #tpu.memory_space<vmem>>
      %dma_start3A_40 = tpu.memref_squeeze %dma_start3A_39 : memref<1x128xi32, #tpu.memory_space<vmem>> -> memref<128xi32, #tpu.memory_space<vmem>>
      %dma_start3A_41 = arith.constant 0 : i32
      %dma_start3A_42 = arith.constant 0 : i32
      %dma_start3A_43 = tpu.memref_slice %arg2[%dma_start3A_41, %dma_start3A_42] : memref<10112x64xf32, #tpu.memory_space<hbm>> -> memref<10112x64xf32, #tpu.memory_space<hbm>>
      tpu.enqueue_indirect_dma source(%dma_start3A_43 : memref<10112x64xf32, #tpu.memory_space<hbm>>) target(%arg10 : memref<128x64xf32, #tpu.memory_space<vmem>>) offsets(%dma_start3A_40 : memref<128xi32, #tpu.memory_space<vmem>>) semaphore(%arg12 : memref<!tpu.dma_semaphore, #tpu.memory_space<semaphore_mem>>)
      %dma_wait3A_44 = arith.constant 0 : i32
      %dma_wait3A_45 = tpu.memref_slice %arg7[%mul3A_29, %dma_wait3A_44] : memref<79x128xi32, #tpu.memory_space<vmem>> -> memref<1x128xi32, #tpu.memory_space<vmem>>
      %dma_wait3A_46 = tpu.memref_squeeze %dma_wait3A_45 : memref<1x128xi32, #tpu.memory_space<vmem>> -> memref<128xi32, #tpu.memory_space<vmem>>
      %dma_wait3A_47 = arith.constant 0 : i32
      %dma_wait3A_48 = arith.constant 0 : i32
      %dma_wait3A_49 = tpu.memref_slice %arg2[%dma_wait3A_47, %dma_wait3A_48] : memref<10112x64xf32, #tpu.memory_space<hbm>> -> memref<10112x64xf32, #tpu.memory_space<hbm>>
      tpu.wait_indirect_dma semaphore(%arg11 : memref<!tpu.dma_semaphore, #tpu.memory_space<semaphore_mem>>) src(%dma_wait3A_49 : memref<10112x64xf32, #tpu.memory_space<hbm>>) dst(%arg9 : memref<128x64xf32, #tpu.memory_space<vmem>>)
      %dma_start3A_50 = arith.constant 0 : i32
      %dma_start3A_51 = tpu.memref_slice %arg8[%mul3A_29, %dma_start3A_50] : memref<79x128xi32, #tpu.memory_space<vmem>> -> memref<1x128xi32, #tpu.memory_space<vmem>>
      %dma_start3A_52 = tpu.memref_squeeze %dma_start3A_51 : memref<1x128xi32, #tpu.memory_space<vmem>> -> memref<128xi32, #tpu.memory_space<vmem>>
      %dma_start3A_53 = arith.constant 0 : i32
      %dma_start3A_54 = arith.constant 0 : i32
      %dma_start3A_55 = tpu.memref_slice %arg15[%dma_start3A_53, %dma_start3A_54] : memref<10112x64xf32, #tpu.memory_space<vmem_shared>> -> memref<10112x64xf32, #tpu.memory_space<vmem_shared>>
      tpu.enqueue_indirect_dma source(%arg9 : memref<128x64xf32, #tpu.memory_space<vmem>>) target(%dma_start3A_55 : memref<10112x64xf32, #tpu.memory_space<vmem_shared>>) offsets(%dma_start3A_52 : memref<128xi32, #tpu.memory_space<vmem>>) semaphore(%arg13 : memref<!tpu.dma_semaphore, #tpu.memory_space<semaphore_mem>>) {add = true}
      %dma_wait3A_56 = arith.constant 0 : i32
      %dma_wait3A_57 = tpu.memref_slice %arg7[%add3A_37, %dma_wait3A_56] : memref<79x128xi32, #tpu.memory_space<vmem>> -> memref<1x128xi32, #tpu.memory_space<vmem>>
      %dma_wait3A_58 = tpu.memref_squeeze %dma_wait3A_57 : memref<1x128xi32, #tpu.memory_space<vmem>> -> memref<128xi32, #tpu.memory_space<vmem>>
      %dma_wait3A_59 = arith.constant 0 : i32
      %dma_wait3A_60 = arith.constant 0 : i32
      %dma_wait3A_61 = tpu.memref_slice %arg2[%dma_wait3A_59, %dma_wait3A_60] : memref<10112x64xf32, #tpu.memory_space<hbm>> -> memref<10112x64xf32, #tpu.memory_space<hbm>>
      tpu.wait_indirect_dma semaphore(%arg12 : memref<!tpu.dma_semaphore, #tpu.memory_space<semaphore_mem>>) src(%dma_wait3A_61 : memref<10112x64xf32, #tpu.memory_space<hbm>>) dst(%arg10 : memref<128x64xf32, #tpu.memory_space<vmem>>)
      %add3A_62 = arith.constant 1 : i32
      %add3A_63 = arith.addi %mul3A_29, %add3A_62 : i32
      %dma_start3A_64 = arith.constant 0 : i32
      %dma_start3A_65 = tpu.memref_slice %arg8[%add3A_63, %dma_start3A_64] : memref<79x128xi32, #tpu.memory_space<vmem>> -> memref<1x128xi32, #tpu.memory_space<vmem>>
      %dma_start3A_66 = tpu.memref_squeeze %dma_start3A_65 : memref<1x128xi32, #tpu.memory_space<vmem>> -> memref<128xi32, #tpu.memory_space<vmem>>
      %dma_start3A_67 = arith.constant 0 : i32
      %dma_start3A_68 = arith.constant 0 : i32
      %dma_start3A_69 = tpu.memref_slice %arg15[%dma_start3A_67, %dma_start3A_68] : memref<10112x64xf32, #tpu.memory_space<vmem_shared>> -> memref<10112x64xf32, #tpu.memory_space<vmem_shared>>
      tpu.enqueue_indirect_dma source(%arg10 : memref<128x64xf32, #tpu.memory_space<vmem>>) target(%dma_start3A_69 : memref<10112x64xf32, #tpu.memory_space<vmem_shared>>) offsets(%dma_start3A_66 : memref<128xi32, #tpu.memory_space<vmem>>) semaphore(%arg14 : memref<!tpu.dma_semaphore, #tpu.memory_space<semaphore_mem>>) {add = true}
      %dma_wait3A_70 = arith.constant 0 : i32
      %dma_wait3A_71 = tpu.memref_slice %arg8[%mul3A_29, %dma_wait3A_70] : memref<79x128xi32, #tpu.memory_space<vmem>> -> memref<1x128xi32, #tpu.memory_space<vmem>>
      %dma_wait3A_72 = tpu.memref_squeeze %dma_wait3A_71 : memref<1x128xi32, #tpu.memory_space<vmem>> -> memref<128xi32, #tpu.memory_space<vmem>>
      %dma_wait3A_73 = arith.constant 0 : i32
      %dma_wait3A_74 = arith.constant 0 : i32
      %dma_wait3A_75 = tpu.memref_slice %arg15[%dma_wait3A_73, %dma_wait3A_74] : memref<10112x64xf32, #tpu.memory_space<vmem_shared>> -> memref<10112x64xf32, #tpu.memory_space<vmem_shared>>
      tpu.wait_indirect_dma semaphore(%arg13 : memref<!tpu.dma_semaphore, #tpu.memory_space<semaphore_mem>>) src(%arg9 : memref<128x64xf32, #tpu.memory_space<vmem>>) dst(%dma_wait3A_75 : memref<10112x64xf32, #tpu.memory_space<vmem_shared>>)
      %dma_wait3A_76 = arith.constant 0 : i32
      %dma_wait3A_77 = tpu.memref_slice %arg8[%add3A_63, %dma_wait3A_76] : memref<79x128xi32, #tpu.memory_space<vmem>> -> memref<1x128xi32, #tpu.memory_space<vmem>>
      %dma_wait3A_78 = tpu.memref_squeeze %dma_wait3A_77 : memref<1x128xi32, #tpu.memory_space<vmem>> -> memref<128xi32, #tpu.memory_space<vmem>>
      %dma_wait3A_79 = arith.constant 0 : i32
      %dma_wait3A_80 = arith.constant 0 : i32
      %dma_wait3A_81 = tpu.memref_slice %arg15[%dma_wait3A_79, %dma_wait3A_80] : memref<10112x64xf32, #tpu.memory_space<vmem_shared>> -> memref<10112x64xf32, #tpu.memory_space<vmem_shared>>
      tpu.wait_indirect_dma semaphore(%arg14 : memref<!tpu.dma_semaphore, #tpu.memory_space<semaphore_mem>>) src(%arg10 : memref<128x64xf32, #tpu.memory_space<vmem>>) dst(%dma_wait3A_81 : memref<10112x64xf32, #tpu.memory_space<vmem_shared>>)
    }
    %scan3A_9 = arith.constant 39 : i32
    %dma_start3A = arith.constant 78 : i32
    %dma_start3A_10 = arith.constant 0 : i32
    %dma_start3A_11 = tpu.memref_slice %arg7[%dma_start3A, %dma_start3A_10] : memref<79x128xi32, #tpu.memory_space<vmem>> -> memref<1x128xi32, #tpu.memory_space<vmem>>
    %dma_start3A_12 = tpu.memref_squeeze %dma_start3A_11 : memref<1x128xi32, #tpu.memory_space<vmem>> -> memref<128xi32, #tpu.memory_space<vmem>>
    %dma_start3A_13 = arith.constant 0 : i32
    %dma_start3A_14 = arith.constant 0 : i32
    %dma_start3A_15 = tpu.memref_slice %arg2[%dma_start3A_13, %dma_start3A_14] : memref<10112x64xf32, #tpu.memory_space<hbm>> -> memref<10112x64xf32, #tpu.memory_space<hbm>>
    tpu.enqueue_indirect_dma source(%dma_start3A_15 : memref<10112x64xf32, #tpu.memory_space<hbm>>) target(%arg9 : memref<128x64xf32, #tpu.memory_space<vmem>>) offsets(%dma_start3A_12 : memref<128xi32, #tpu.memory_space<vmem>>) semaphore(%arg11 : memref<!tpu.dma_semaphore, #tpu.memory_space<semaphore_mem>>)
    %dma_wait3A = arith.constant 78 : i32
    %dma_wait3A_16 = arith.constant 0 : i32
    %dma_wait3A_17 = tpu.memref_slice %arg7[%dma_wait3A, %dma_wait3A_16] : memref<79x128xi32, #tpu.memory_space<vmem>> -> memref<1x128xi32, #tpu.memory_space<vmem>>
    %dma_wait3A_18 = tpu.memref_squeeze %dma_wait3A_17 : memref<1x128xi32, #tpu.memory_space<vmem>> -> memref<128xi32, #tpu.memory_space<vmem>>
    %dma_wait3A_19 = arith.constant 0 : i32
    %dma_wait3A_20 = arith.constant 0 : i32
    %dma_wait3A_21 = tpu.memref_slice %arg2[%dma_wait3A_19, %dma_wait3A_20] : memref<10112x64xf32, #tpu.memory_space<hbm>> -> memref<10112x64xf32, #tpu.memory_space<hbm>>
    tpu.wait_indirect_dma semaphore(%arg11 : memref<!tpu.dma_semaphore, #tpu.memory_space<semaphore_mem>>) src(%dma_wait3A_21 : memref<10112x64xf32, #tpu.memory_space<hbm>>) dst(%arg9 : memref<128x64xf32, #tpu.memory_space<vmem>>)
    %run_scoped3A = arith.constant 78 : i32
    "tpu.region"() ({
      %run_scoped3A_27 = tpu.sem_alloc : memref<!tpu.dma_semaphore, #tpu.memory_space<semaphore_mem>>
      %dma_start3A_28 = arith.constant 0 : i32
      %dma_start3A_29 = tpu.memref_slice %arg8[%run_scoped3A, %dma_start3A_28] : memref<79x128xi32, #tpu.memory_space<vmem>> -> memref<1x128xi32, #tpu.memory_space<vmem>>
      %dma_start3A_30 = tpu.memref_squeeze %dma_start3A_29 : memref<1x128xi32, #tpu.memory_space<vmem>> -> memref<128xi32, #tpu.memory_space<vmem>>
      %dma_start3A_31 = arith.constant 0 : i32
      %dma_start3A_32 = arith.constant 0 : i32
      %dma_start3A_33 = tpu.memref_slice %arg15[%dma_start3A_31, %dma_start3A_32] : memref<10112x64xf32, #tpu.memory_space<vmem_shared>> -> memref<10112x64xf32, #tpu.memory_space<vmem_shared>>
      tpu.enqueue_indirect_dma source(%arg9 : memref<128x64xf32, #tpu.memory_space<vmem>>) target(%dma_start3A_33 : memref<10112x64xf32, #tpu.memory_space<vmem_shared>>) offsets(%dma_start3A_30 : memref<128xi32, #tpu.memory_space<vmem>>) semaphore(%run_scoped3A_27 : memref<!tpu.dma_semaphore, #tpu.memory_space<semaphore_mem>>) {add = true}
      %dma_wait3A_34 = arith.constant 0 : i32
      %dma_wait3A_35 = tpu.memref_slice %arg8[%run_scoped3A, %dma_wait3A_34] : memref<79x128xi32, #tpu.memory_space<vmem>> -> memref<1x128xi32, #tpu.memory_space<vmem>>
      %dma_wait3A_36 = tpu.memref_squeeze %dma_wait3A_35 : memref<1x128xi32, #tpu.memory_space<vmem>> -> memref<128xi32, #tpu.memory_space<vmem>>
      %dma_wait3A_37 = arith.constant 0 : i32
      %dma_wait3A_38 = arith.constant 0 : i32
      %dma_wait3A_39 = tpu.memref_slice %arg15[%dma_wait3A_37, %dma_wait3A_38] : memref<10112x64xf32, #tpu.memory_space<vmem_shared>> -> memref<10112x64xf32, #tpu.memory_space<vmem_shared>>
      tpu.wait_indirect_dma semaphore(%run_scoped3A_27 : memref<!tpu.dma_semaphore, #tpu.memory_space<semaphore_mem>>) src(%arg9 : memref<128x64xf32, #tpu.memory_space<vmem>>) dst(%dma_wait3A_39 : memref<10112x64xf32, #tpu.memory_space<vmem_shared>>)
      tpu.yield
    }) : () -> ()
    %barrier3A_22 = arith.constant 0 : index
    tpu.barrier barrier_id(%barrier3A_22)
    %mul3A_23 = arith.constant 632 : i32
    %mul3A_24 = arith.muli %arg1, %mul3A_23 : i32
    %mul3A_25 = arith.constant 632 : i32
    %mul3A_26 = arith.muli %arg1, %mul3A_25 : i32
    "tpu.region"() ({
      %run_scoped3A_27 = tpu.sem_alloc : memref<!tpu.dma_semaphore, #tpu.memory_space<semaphore_mem>>
      %dma_start3A_28 = arith.constant 0 : i32
      %dma_start3A_29 = tpu.memref_slice %arg6[%arg0, %mul3A_26, %dma_start3A_28] : memref<2x10112x64xf32, #tpu.memory_space<hbm>> -> memref<1x632x64xf32, #tpu.memory_space<hbm>>
      %dma_start3A_30 = tpu.memref_squeeze %dma_start3A_29 : memref<1x632x64xf32, #tpu.memory_space<hbm>> -> memref<632x64xf32, #tpu.memory_space<hbm>>
      %dma_start3A_31 = arith.constant 0 : i32
      %dma_start3A_32 = tpu.memref_slice %arg15[%mul3A_24, %dma_start3A_31] : memref<10112x64xf32, #tpu.memory_space<vmem_shared>> -> memref<632x64xf32, #tpu.memory_space<vmem_shared>>
      tpu.enqueue_dma source(%dma_start3A_32 : memref<632x64xf32, #tpu.memory_space<vmem_shared>>) target(%dma_start3A_30 : memref<632x64xf32, #tpu.memory_space<hbm>>) target_semaphore(%run_scoped3A_27 : memref<!tpu.dma_semaphore, #tpu.memory_space<semaphore_mem>>)
      %dma_wait3A_33 = arith.constant 0 : i32
      %dma_wait3A_34 = tpu.memref_slice %arg6[%arg0, %mul3A_26, %dma_wait3A_33] : memref<2x10112x64xf32, #tpu.memory_space<hbm>> -> memref<1x632x64xf32, #tpu.memory_space<hbm>>
      %dma_wait3A_35 = tpu.memref_squeeze %dma_wait3A_34 : memref<1x632x64xf32, #tpu.memory_space<hbm>> -> memref<632x64xf32, #tpu.memory_space<hbm>>
      %dma_wait3A_36 = arith.constant 0 : i32
      %dma_wait3A_37 = tpu.memref_slice %arg15[%mul3A_24, %dma_wait3A_36] : memref<10112x64xf32, #tpu.memory_space<vmem_shared>> -> memref<632x64xf32, #tpu.memory_space<vmem_shared>>
      tpu.wait_dma2 semaphore(%run_scoped3A_27 : memref<!tpu.dma_semaphore, #tpu.memory_space<semaphore_mem>>) src(%dma_wait3A_37 : memref<632x64xf32, #tpu.memory_space<vmem_shared>>) dst(%dma_wait3A_35 : memref<632x64xf32, #tpu.memory_space<hbm>>)
      tpu.yield
    }) : () -> ()
    return
  }
}

#map = affine_map<(d0, d1) -> (0, 0)>
#map1 = affine_map<(d0, d1) -> (0, 0, 0)>
module attributes {stable_mosaic.version = 14 : i64} {
  func.func @body(%arg0: i32, %arg1: i32, %arg2: memref<10112x64xf32, #tpu.memory_space<hbm>>, %arg3: memref<32x79x128xi32, #tpu.memory_space<hbm>>, %arg4: memref<32x79x128xi32, #tpu.memory_space<hbm>>, %arg5: memref<10112x64xf32, #tpu.memory_space<hbm>>, %arg6: memref<2x10112x64xf32, #tpu.memory_space<hbm>>, %arg7: memref<79x128xi32, #tpu.memory_space<vmem>>, %arg8: memref<79x128xi32, #tpu.memory_space<vmem>>, %arg9: memref<128x64xf32, #tpu.memory_space<vmem>>, %arg10: memref<128x64xf32, #tpu.memory_space<vmem>>, %arg11: memref<!tpu.dma_semaphore, #tpu.memory_space<semaphore_mem>>, %arg12: memref<!tpu.dma_semaphore, #tpu.memory_space<semaphore_mem>>, %arg13: memref<!tpu.dma_semaphore, #tpu.memory_space<semaphore_mem>>, %arg14: memref<!tpu.dma_semaphore, #tpu.memory_space<semaphore_mem>>, %arg15: memref<10112x64xf32, #tpu.memory_space<vmem_shared>>) attributes {dimension_semantics = [#tpu.dimension_semantics<core_parallel>, #tpu.dimension_semantics<subcore_parallel>], iteration_bounds = array<i64: 2, 16>, scalar_prefetch = 0 : i64, scratch_operands = 9 : i64, tpu.core_type = #tpu.core_type<sc_vector_subcore>, window_params = [{transform_indices = #map}, {transform_indices = #map1}, {transform_indices = #map1}, {transform_indices = #map}, {transform_indices = #map1}]} {
    %mul3A = arith.constant 16 : i32
    %mul3A_0 = arith.muli %arg0, %mul3A : i32
    %add3A = arith.addi %mul3A_0, %arg1 : i32
    "tpu.region"() ({
      %run_scoped3A_27 = tpu.sem_alloc : memref<!tpu.dma_semaphore, #tpu.memory_space<semaphore_mem>>
      %dma_start3A_28 = arith.constant 0 : i32
      %dma_start3A_29 = arith.constant 0 : i32
      %dma_start3A_30 = tpu.memref_slice %arg3[%add3A, %dma_start3A_28, %dma_start3A_29] : memref<32x79x128xi32, #tpu.memory_space<hbm>> -> memref<1x79x128xi32, #tpu.memory_space<hbm>>
      %dma_start3A_31 = tpu.memref_squeeze %dma_start3A_30 : memref<1x79x128xi32, #tpu.memory_space<hbm>> -> memref<79x128xi32, #tpu.memory_space<hbm>>
      %dma_start3A_32 = arith.constant 0 : i32
      %dma_start3A_33 = arith.constant 0 : i32
      %dma_start3A_34 = tpu.memref_slice %arg3[%add3A, %dma_start3A_32, %dma_start3A_33] : memref<32x79x128xi32, #tpu.memory_space<hbm>> -> memref<1x79x128xi32, #tpu.memory_space<hbm>>
      %dma_start3A_35 = tpu.memref_squeeze %dma_start3A_34 : memref<1x79x128xi32, #tpu.memory_space<hbm>> -> memref<79x128xi32, #tpu.memory_space<hbm>>
      tpu.enqueue_dma source(%dma_start3A_35 : memref<79x128xi32, #tpu.memory_space<hbm>>) target(%arg7 : memref<79x128xi32, #tpu.memory_space<vmem>>) target_semaphore(%run_scoped3A_27 : memref<!tpu.dma_semaphore, #tpu.memory_space<semaphore_mem>>)
      %dma_wait3A_36 = arith.constant 0 : i32
      %dma_wait3A_37 = arith.constant 0 : i32
      %dma_wait3A_38 = tpu.memref_slice %arg3[%add3A, %dma_wait3A_36, %dma_wait3A_37] : memref<32x79x128xi32, #tpu.memory_space<hbm>> -> memref<1x79x128xi32, #tpu.memory_space<hbm>>
      %dma_wait3A_39 = tpu.memref_squeeze %dma_wait3A_38 : memref<1x79x128xi32, #tpu.memory_space<hbm>> -> memref<79x128xi32, #tpu.memory_space<hbm>>
      %dma_wait3A_40 = arith.constant 0 : i32
      %dma_wait3A_41 = arith.constant 0 : i32
      %dma_wait3A_42 = tpu.memref_slice %arg3[%add3A, %dma_wait3A_40, %dma_wait3A_41] : memref<32x79x128xi32, #tpu.memory_space<hbm>> -> memref<1x79x128xi32, #tpu.memory_space<hbm>>
      %dma_wait3A_43 = tpu.memref_squeeze %dma_wait3A_42 : memref<1x79x128xi32, #tpu.memory_space<hbm>> -> memref<79x128xi32, #tpu.memory_space<hbm>>
      tpu.wait_dma2 semaphore(%run_scoped3A_27 : memref<!tpu.dma_semaphore, #tpu.memory_space<semaphore_mem>>) src(%dma_wait3A_43 : memref<79x128xi32, #tpu.memory_space<hbm>>) dst(%arg7 : memref<79x128xi32, #tpu.memory_space<vmem>>)
      tpu.yield
    }) : () -> ()
    "tpu.region"() ({
      %run_scoped3A_27 = tpu.sem_alloc : memref<!tpu.dma_semaphore, #tpu.memory_space<semaphore_mem>>
      %dma_start3A_28 = arith.constant 0 : i32
      %dma_start3A_29 = arith.constant 0 : i32
      %dma_start3A_30 = tpu.memref_slice %arg4[%add3A, %dma_start3A_28, %dma_start3A_29] : memref<32x79x128xi32, #tpu.memory_space<hbm>> -> memref<1x79x128xi32, #tpu.memory_space<hbm>>
      %dma_start3A_31 = tpu.memref_squeeze %dma_start3A_30 : memref<1x79x128xi32, #tpu.memory_space<hbm>> -> memref<79x128xi32, #tpu.memory_space<hbm>>
      %dma_start3A_32 = arith.constant 0 : i32
      %dma_start3A_33 = arith.constant 0 : i32
      %dma_start3A_34 = tpu.memref_slice %arg4[%add3A, %dma_start3A_32, %dma_start3A_33] : memref<32x79x128xi32, #tpu.memory_space<hbm>> -> memref<1x79x128xi32, #tpu.memory_space<hbm>>
      %dma_start3A_35 = tpu.memref_squeeze %dma_start3A_34 : memref<1x79x128xi32, #tpu.memory_space<hbm>> -> memref<79x128xi32, #tpu.memory_space<hbm>>
      tpu.enqueue_dma source(%dma_start3A_35 : memref<79x128xi32, #tpu.memory_space<hbm>>) target(%arg8 : memref<79x128xi32, #tpu.memory_space<vmem>>) target_semaphore(%run_scoped3A_27 : memref<!tpu.dma_semaphore, #tpu.memory_space<semaphore_mem>>)
      %dma_wait3A_36 = arith.constant 0 : i32
      %dma_wait3A_37 = arith.constant 0 : i32
      %dma_wait3A_38 = tpu.memref_slice %arg4[%add3A, %dma_wait3A_36, %dma_wait3A_37] : memref<32x79x128xi32, #tpu.memory_space<hbm>> -> memref<1x79x128xi32, #tpu.memory_space<hbm>>
      %dma_wait3A_39 = tpu.memref_squeeze %dma_wait3A_38 : memref<1x79x128xi32, #tpu.memory_space<hbm>> -> memref<79x128xi32, #tpu.memory_space<hbm>>
      %dma_wait3A_40 = arith.constant 0 : i32
      %dma_wait3A_41 = arith.constant 0 : i32
      %dma_wait3A_42 = tpu.memref_slice %arg4[%add3A, %dma_wait3A_40, %dma_wait3A_41] : memref<32x79x128xi32, #tpu.memory_space<hbm>> -> memref<1x79x128xi32, #tpu.memory_space<hbm>>
      %dma_wait3A_43 = tpu.memref_squeeze %dma_wait3A_42 : memref<1x79x128xi32, #tpu.memory_space<hbm>> -> memref<79x128xi32, #tpu.memory_space<hbm>>
      tpu.wait_dma2 semaphore(%run_scoped3A_27 : memref<!tpu.dma_semaphore, #tpu.memory_space<semaphore_mem>>) src(%dma_wait3A_43 : memref<79x128xi32, #tpu.memory_space<hbm>>) dst(%arg8 : memref<79x128xi32, #tpu.memory_space<vmem>>)
      tpu.yield
    }) : () -> ()
    %mul3A_1 = arith.constant 632 : i32
    %mul3A_2 = arith.muli %arg1, %mul3A_1 : i32
    %mul3A_3 = arith.constant 632 : i32
    %mul3A_4 = arith.muli %arg1, %mul3A_3 : i32
    "tpu.region"() ({
      %run_scoped3A_27 = tpu.sem_alloc : memref<!tpu.dma_semaphore, #tpu.memory_space<semaphore_mem>>
      %dma_start3A_28 = arith.constant 0 : i32
      %dma_start3A_29 = tpu.memref_slice %arg15[%mul3A_4, %dma_start3A_28] : memref<10112x64xf32, #tpu.memory_space<vmem_shared>> -> memref<632x64xf32, #tpu.memory_space<vmem_shared>>
      %dma_start3A_30 = arith.constant 0 : i32
      %dma_start3A_31 = tpu.memref_slice %arg5[%mul3A_2, %dma_start3A_30] : memref<10112x64xf32, #tpu.memory_space<hbm>> -> memref<632x64xf32, #tpu.memory_space<hbm>>
      tpu.enqueue_dma source(%dma_start3A_31 : memref<632x64xf32, #tpu.memory_space<hbm>>) target(%dma_start3A_29 : memref<632x64xf32, #tpu.memory_space<vmem_shared>>) target_semaphore(%run_scoped3A_27 : memref<!tpu.dma_semaphore, #tpu.memory_space<semaphore_mem>>)
      %dma_wait3A_32 = arith.constant 0 : i32
      %dma_wait3A_33 = tpu.memref_slice %arg15[%mul3A_4, %dma_wait3A_32] : memref<10112x64xf32, #tpu.memory_space<vmem_shared>> -> memref<632x64xf32, #tpu.memory_space<vmem_shared>>
      %dma_wait3A_34 = arith.constant 0 : i32
      %dma_wait3A_35 = tpu.memref_slice %arg5[%mul3A_2, %dma_wait3A_34] : memref<10112x64xf32, #tpu.memory_space<hbm>> -> memref<632x64xf32, #tpu.memory_space<hbm>>
      tpu.wait_dma2 semaphore(%run_scoped3A_27 : memref<!tpu.dma_semaphore, #tpu.memory_space<semaphore_mem>>) src(%dma_wait3A_35 : memref<632x64xf32, #tpu.memory_space<hbm>>) dst(%dma_wait3A_33 : memref<632x64xf32, #tpu.memory_space<vmem_shared>>)
      tpu.yield
    }) : () -> ()
    %barrier3A = arith.constant 0 : index
    tpu.barrier barrier_id(%barrier3A)
    %scan3A = arith.constant 0 : i32
    %scan3A_5 = arith.constant 0 : i32
    %scan3A_6 = arith.constant 39 : i32
    %scan3A_7 = arith.addi %scan3A_5, %scan3A_6 : i32
    %scan3A_8 = arith.constant 1 : i32
    scf.for %scan3A_27 = %scan3A_5 to %scan3A_7 step %scan3A_8  : i32 {
      %mul3A_28 = arith.constant 2 : i32
      %mul3A_29 = arith.muli %scan3A_27, %mul3A_28 : i32
      %dma_start3A_30 = arith.constant 0 : i32
      %dma_start3A_31 = tpu.memref_slice %arg7[%mul3A_29, %dma_start3A_30] : memref<79x128xi32, #tpu.memory_space<vmem>> -> memref<1x128xi32, #tpu.memory_space<vmem>>
      %dma_start3A_32 = tpu.memref_squeeze %dma_start3A_31 : memref<1x128xi32, #tpu.memory_space<vmem>> -> memref<128xi32, #tpu.memory_space<vmem>>
      %dma_start3A_33 = arith.constant 0 : i32
      %dma_start3A_34 = arith.constant 0 : i32
      %dma_start3A_35 = tpu.memref_slice %arg2[%dma_start3A_33, %dma_start3A_34] : memref<10112x64xf32, #tpu.memory_space<hbm>> -> memref<10112x64xf32, #tpu.memory_space<hbm>>
      tpu.enqueue_indirect_dma source(%dma_start3A_35 : memref<10112x64xf32, #tpu.memory_space<hbm>>) target(%arg9 : memref<128x64xf32, #tpu.memory_space<vmem>>) offsets(%dma_start3A_32 : memref<128xi32, #tpu.memory_space<vmem>>) semaphore(%arg11 : memref<!tpu.dma_semaphore, #tpu.memory_space<semaphore_mem>>)
      %add3A_36 = arith.constant 1 : i32
      %add3A_37 = arith.addi %mul3A_29, %add3A_36 : i32
      %dma_start3A_38 = arith.constant 0 : i32
      %dma_start3A_39 = tpu.memref_slice %arg7[%add3A_37, %dma_start3A_38] : memref<79x128xi32, #tpu.memory_space<vmem>> -> memref<1x128xi32, #tpu.memory_space<vmem>>
      %dma_start3A_40 = tpu.memref_squeeze %dma_start3A_39 : memref<1x128xi32, #tpu.memory_space<vmem>> -> memref<128xi32, #tpu.memory_space<vmem>>
      %dma_start3A_41 = arith.constant 0 : i32
      %dma_start3A_42 = arith.constant 0 : i32
      %dma_start3A_43 = tpu.memref_slice %arg2[%dma_start3A_41, %dma_start3A_42] : memref<10112x64xf32, #tpu.memory_space<hbm>> -> memref<10112x64xf32, #tpu.memory_space<hbm>>
      tpu.enqueue_indirect_dma source(%dma_start3A_43 : memref<10112x64xf32, #tpu.memory_space<hbm>>) target(%arg10 : memref<128x64xf32, #tpu.memory_space<vmem>>) offsets(%dma_start3A_40 : memref<128xi32, #tpu.memory_space<vmem>>) semaphore(%arg12 : memref<!tpu.dma_semaphore, #tpu.memory_space<semaphore_mem>>)
      %dma_wait3A_44 = arith.constant 0 : i32
      %dma_wait3A_45 = tpu.memref_slice %arg7[%mul3A_29, %dma_wait3A_44] : memref<79x128xi32, #tpu.memory_space<vmem>> -> memref<1x128xi32, #tpu.memory_space<vmem>>
      %dma_wait3A_46 = tpu.memref_squeeze %dma_wait3A_45 : memref<1x128xi32, #tpu.memory_space<vmem>> -> memref<128xi32, #tpu.memory_space<vmem>>
      %dma_wait3A_47 = arith.constant 0 : i32
      %dma_wait3A_48 = arith.constant 0 : i32
      %dma_wait3A_49 = tpu.memref_slice %arg2[%dma_wait3A_47, %dma_wait3A_48] : memref<10112x64xf32, #tpu.memory_space<hbm>> -> memref<10112x64xf32, #tpu.memory_space<hbm>>
      tpu.wait_indirect_dma semaphore(%arg11 : memref<!tpu.dma_semaphore, #tpu.memory_space<semaphore_mem>>) src(%dma_wait3A_49 : memref<10112x64xf32, #tpu.memory_space<hbm>>) dst(%arg9 : memref<128x64xf32, #tpu.memory_space<vmem>>)
      %dma_start3A_50 = arith.constant 0 : i32
      %dma_start3A_51 = tpu.memref_slice %arg8[%mul3A_29, %dma_start3A_50] : memref<79x128xi32, #tpu.memory_space<vmem>> -> memref<1x128xi32, #tpu.memory_space<vmem>>
      %dma_start3A_52 = tpu.memref_squeeze %dma_start3A_51 : memref<1x128xi32, #tpu.memory_space<vmem>> -> memref<128xi32, #tpu.memory_space<vmem>>
      %dma_start3A_53 = arith.constant 0 : i32
      %dma_start3A_54 = arith.constant 0 : i32
      %dma_start3A_55 = tpu.memref_slice %arg15[%dma_start3A_53, %dma_start3A_54] : memref<10112x64xf32, #tpu.memory_space<vmem_shared>> -> memref<10112x64xf32, #tpu.memory_space<vmem_shared>>
      tpu.enqueue_indirect_dma source(%arg9 : memref<128x64xf32, #tpu.memory_space<vmem>>) target(%dma_start3A_55 : memref<10112x64xf32, #tpu.memory_space<vmem_shared>>) offsets(%dma_start3A_52 : memref<128xi32, #tpu.memory_space<vmem>>) semaphore(%arg13 : memref<!tpu.dma_semaphore, #tpu.memory_space<semaphore_mem>>) {add = true}
      %dma_wait3A_56 = arith.constant 0 : i32
      %dma_wait3A_57 = tpu.memref_slice %arg7[%add3A_37, %dma_wait3A_56] : memref<79x128xi32, #tpu.memory_space<vmem>> -> memref<1x128xi32, #tpu.memory_space<vmem>>
      %dma_wait3A_58 = tpu.memref_squeeze %dma_wait3A_57 : memref<1x128xi32, #tpu.memory_space<vmem>> -> memref<128xi32, #tpu.memory_space<vmem>>
      %dma_wait3A_59 = arith.constant 0 : i32
      %dma_wait3A_60 = arith.constant 0 : i32
      %dma_wait3A_61 = tpu.memref_slice %arg2[%dma_wait3A_59, %dma_wait3A_60] : memref<10112x64xf32, #tpu.memory_space<hbm>> -> memref<10112x64xf32, #tpu.memory_space<hbm>>
      tpu.wait_indirect_dma semaphore(%arg12 : memref<!tpu.dma_semaphore, #tpu.memory_space<semaphore_mem>>) src(%dma_wait3A_61 : memref<10112x64xf32, #tpu.memory_space<hbm>>) dst(%arg10 : memref<128x64xf32, #tpu.memory_space<vmem>>)
      %add3A_62 = arith.constant 1 : i32
      %add3A_63 = arith.addi %mul3A_29, %add3A_62 : i32
      %dma_start3A_64 = arith.constant 0 : i32
      %dma_start3A_65 = tpu.memref_slice %arg8[%add3A_63, %dma_start3A_64] : memref<79x128xi32, #tpu.memory_space<vmem>> -> memref<1x128xi32, #tpu.memory_space<vmem>>
      %dma_start3A_66 = tpu.memref_squeeze %dma_start3A_65 : memref<1x128xi32, #tpu.memory_space<vmem>> -> memref<128xi32, #tpu.memory_space<vmem>>
      %dma_start3A_67 = arith.constant 0 : i32
      %dma_start3A_68 = arith.constant 0 : i32
      %dma_start3A_69 = tpu.memref_slice %arg15[%dma_start3A_67, %dma_start3A_68] : memref<10112x64xf32, #tpu.memory_space<vmem_shared>> -> memref<10112x64xf32, #tpu.memory_space<vmem_shared>>
      tpu.enqueue_indirect_dma source(%arg10 : memref<128x64xf32, #tpu.memory_space<vmem>>) target(%dma_start3A_69 : memref<10112x64xf32, #tpu.memory_space<vmem_shared>>) offsets(%dma_start3A_66 : memref<128xi32, #tpu.memory_space<vmem>>) semaphore(%arg14 : memref<!tpu.dma_semaphore, #tpu.memory_space<semaphore_mem>>) {add = true}
      %dma_wait3A_70 = arith.constant 0 : i32
      %dma_wait3A_71 = tpu.memref_slice %arg8[%mul3A_29, %dma_wait3A_70] : memref<79x128xi32, #tpu.memory_space<vmem>> -> memref<1x128xi32, #tpu.memory_space<vmem>>
      %dma_wait3A_72 = tpu.memref_squeeze %dma_wait3A_71 : memref<1x128xi32, #tpu.memory_space<vmem>> -> memref<128xi32, #tpu.memory_space<vmem>>
      %dma_wait3A_73 = arith.constant 0 : i32
      %dma_wait3A_74 = arith.constant 0 : i32
      %dma_wait3A_75 = tpu.memref_slice %arg15[%dma_wait3A_73, %dma_wait3A_74] : memref<10112x64xf32, #tpu.memory_space<vmem_shared>> -> memref<10112x64xf32, #tpu.memory_space<vmem_shared>>
      tpu.wait_indirect_dma semaphore(%arg13 : memref<!tpu.dma_semaphore, #tpu.memory_space<semaphore_mem>>) src(%arg9 : memref<128x64xf32, #tpu.memory_space<vmem>>) dst(%dma_wait3A_75 : memref<10112x64xf32, #tpu.memory_space<vmem_shared>>)
      %dma_wait3A_76 = arith.constant 0 : i32
      %dma_wait3A_77 = tpu.memref_slice %arg8[%add3A_63, %dma_wait3A_76] : memref<79x128xi32, #tpu.memory_space<vmem>> -> memref<1x128xi32, #tpu.memory_space<vmem>>
      %dma_wait3A_78 = tpu.memref_squeeze %dma_wait3A_77 : memref<1x128xi32, #tpu.memory_space<vmem>> -> memref<128xi32, #tpu.memory_space<vmem>>
      %dma_wait3A_79 = arith.constant 0 : i32
      %dma_wait3A_80 = arith.constant 0 : i32
      %dma_wait3A_81 = tpu.memref_slice %arg15[%dma_wait3A_79, %dma_wait3A_80] : memref<10112x64xf32, #tpu.memory_space<vmem_shared>> -> memref<10112x64xf32, #tpu.memory_space<vmem_shared>>
      tpu.wait_indirect_dma semaphore(%arg14 : memref<!tpu.dma_semaphore, #tpu.memory_space<semaphore_mem>>) src(%arg10 : memref<128x64xf32, #tpu.memory_space<vmem>>) dst(%dma_wait3A_81 : memref<10112x64xf32, #tpu.memory_space<vmem_shared>>)
    }
    %scan3A_9 = arith.constant 39 : i32
    %dma_start3A = arith.constant 78 : i32
    %dma_start3A_10 = arith.constant 0 : i32
    %dma_start3A_11 = tpu.memref_slice %arg7[%dma_start3A, %dma_start3A_10] : memref<79x128xi32, #tpu.memory_space<vmem>> -> memref<1x128xi32, #tpu.memory_space<vmem>>
    %dma_start3A_12 = tpu.memref_squeeze %dma_start3A_11 : memref<1x128xi32, #tpu.memory_space<vmem>> -> memref<128xi32, #tpu.memory_space<vmem>>
    %dma_start3A_13 = arith.constant 0 : i32
    %dma_start3A_14 = arith.constant 0 : i32
    %dma_start3A_15 = tpu.memref_slice %arg2[%dma_start3A_13, %dma_start3A_14] : memref<10112x64xf32, #tpu.memory_space<hbm>> -> memref<10112x64xf32, #tpu.memory_space<hbm>>
    tpu.enqueue_indirect_dma source(%dma_start3A_15 : memref<10112x64xf32, #tpu.memory_space<hbm>>) target(%arg9 : memref<128x64xf32, #tpu.memory_space<vmem>>) offsets(%dma_start3A_12 : memref<128xi32, #tpu.memory_space<vmem>>) semaphore(%arg11 : memref<!tpu.dma_semaphore, #tpu.memory_space<semaphore_mem>>)
    %dma_wait3A = arith.constant 78 : i32
    %dma_wait3A_16 = arith.constant 0 : i32
    %dma_wait3A_17 = tpu.memref_slice %arg7[%dma_wait3A, %dma_wait3A_16] : memref<79x128xi32, #tpu.memory_space<vmem>> -> memref<1x128xi32, #tpu.memory_space<vmem>>
    %dma_wait3A_18 = tpu.memref_squeeze %dma_wait3A_17 : memref<1x128xi32, #tpu.memory_space<vmem>> -> memref<128xi32, #tpu.memory_space<vmem>>
    %dma_wait3A_19 = arith.constant 0 : i32
    %dma_wait3A_20 = arith.constant 0 : i32
    %dma_wait3A_21 = tpu.memref_slice %arg2[%dma_wait3A_19, %dma_wait3A_20] : memref<10112x64xf32, #tpu.memory_space<hbm>> -> memref<10112x64xf32, #tpu.memory_space<hbm>>
    tpu.wait_indirect_dma semaphore(%arg11 : memref<!tpu.dma_semaphore, #tpu.memory_space<semaphore_mem>>) src(%dma_wait3A_21 : memref<10112x64xf32, #tpu.memory_space<hbm>>) dst(%arg9 : memref<128x64xf32, #tpu.memory_space<vmem>>)
    %run_scoped3A = arith.constant 78 : i32
    "tpu.region"() ({
      %run_scoped3A_27 = tpu.sem_alloc : memref<!tpu.dma_semaphore, #tpu.memory_space<semaphore_mem>>
      %dma_start3A_28 = arith.constant 0 : i32
      %dma_start3A_29 = tpu.memref_slice %arg8[%run_scoped3A, %dma_start3A_28] : memref<79x128xi32, #tpu.memory_space<vmem>> -> memref<1x128xi32, #tpu.memory_space<vmem>>
      %dma_start3A_30 = tpu.memref_squeeze %dma_start3A_29 : memref<1x128xi32, #tpu.memory_space<vmem>> -> memref<128xi32, #tpu.memory_space<vmem>>
      %dma_start3A_31 = arith.constant 0 : i32
      %dma_start3A_32 = arith.constant 0 : i32
      %dma_start3A_33 = tpu.memref_slice %arg15[%dma_start3A_31, %dma_start3A_32] : memref<10112x64xf32, #tpu.memory_space<vmem_shared>> -> memref<10112x64xf32, #tpu.memory_space<vmem_shared>>
      tpu.enqueue_indirect_dma source(%arg9 : memref<128x64xf32, #tpu.memory_space<vmem>>) target(%dma_start3A_33 : memref<10112x64xf32, #tpu.memory_space<vmem_shared>>) offsets(%dma_start3A_30 : memref<128xi32, #tpu.memory_space<vmem>>) semaphore(%run_scoped3A_27 : memref<!tpu.dma_semaphore, #tpu.memory_space<semaphore_mem>>) {add = true}
      %dma_wait3A_34 = arith.constant 0 : i32
      %dma_wait3A_35 = tpu.memref_slice %arg8[%run_scoped3A, %dma_wait3A_34] : memref<79x128xi32, #tpu.memory_space<vmem>> -> memref<1x128xi32, #tpu.memory_space<vmem>>
      %dma_wait3A_36 = tpu.memref_squeeze %dma_wait3A_35 : memref<1x128xi32, #tpu.memory_space<vmem>> -> memref<128xi32, #tpu.memory_space<vmem>>
      %dma_wait3A_37 = arith.constant 0 : i32
      %dma_wait3A_38 = arith.constant 0 : i32
      %dma_wait3A_39 = tpu.memref_slice %arg15[%dma_wait3A_37, %dma_wait3A_38] : memref<10112x64xf32, #tpu.memory_space<vmem_shared>> -> memref<10112x64xf32, #tpu.memory_space<vmem_shared>>
      tpu.wait_indirect_dma semaphore(%run_scoped3A_27 : memref<!tpu.dma_semaphore, #tpu.memory_space<semaphore_mem>>) src(%arg9 : memref<128x64xf32, #tpu.memory_space<vmem>>) dst(%dma_wait3A_39 : memref<10112x64xf32, #tpu.memory_space<vmem_shared>>)
      tpu.yield
    }) : () -> ()
    %barrier3A_22 = arith.constant 0 : index
    tpu.barrier barrier_id(%barrier3A_22)
    %mul3A_23 = arith.constant 632 : i32
    %mul3A_24 = arith.muli %arg1, %mul3A_23 : i32
    %mul3A_25 = arith.constant 632 : i32
    %mul3A_26 = arith.muli %arg1, %mul3A_25 : i32
    "tpu.region"() ({
      %run_scoped3A_27 = tpu.sem_alloc : memref<!tpu.dma_semaphore, #tpu.memory_space<semaphore_mem>>
      %dma_start3A_28 = arith.constant 0 : i32
      %dma_start3A_29 = tpu.memref_slice %arg6[%arg0, %mul3A_26, %dma_start3A_28] : memref<2x10112x64xf32, #tpu.memory_space<hbm>> -> memref<1x632x64xf32, #tpu.memory_space<hbm>>
      %dma_start3A_30 = tpu.memref_squeeze %dma_start3A_29 : memref<1x632x64xf32, #tpu.memory_space<hbm>> -> memref<632x64xf32, #tpu.memory_space<hbm>>
      %dma_start3A_31 = arith.constant 0 : i32
      %dma_start3A_32 = tpu.memref_slice %arg15[%mul3A_24, %dma_start3A_31] : memref<10112x64xf32, #tpu.memory_space<vmem_shared>> -> memref<632x64xf32, #tpu.memory_space<vmem_shared>>
      tpu.enqueue_dma source(%dma_start3A_32 : memref<632x64xf32, #tpu.memory_space<vmem_shared>>) target(%dma_start3A_30 : memref<632x64xf32, #tpu.memory_space<hbm>>) target_semaphore(%run_scoped3A_27 : memref<!tpu.dma_semaphore, #tpu.memory_space<semaphore_mem>>)
      %dma_wait3A_33 = arith.constant 0 : i32
      %dma_wait3A_34 = tpu.memref_slice %arg6[%arg0, %mul3A_26, %dma_wait3A_33] : memref<2x10112x64xf32, #tpu.memory_space<hbm>> -> memref<1x632x64xf32, #tpu.memory_space<hbm>>
      %dma_wait3A_35 = tpu.memref_squeeze %dma_wait3A_34 : memref<1x632x64xf32, #tpu.memory_space<hbm>> -> memref<632x64xf32, #tpu.memory_space<hbm>>
      %dma_wait3A_36 = arith.constant 0 : i32
      %dma_wait3A_37 = tpu.memref_slice %arg15[%mul3A_24, %dma_wait3A_36] : memref<10112x64xf32, #tpu.memory_space<vmem_shared>> -> memref<632x64xf32, #tpu.memory_space<vmem_shared>>
      tpu.wait_dma2 semaphore(%run_scoped3A_27 : memref<!tpu.dma_semaphore, #tpu.memory_space<semaphore_mem>>) src(%dma_wait3A_37 : memref<632x64xf32, #tpu.memory_space<vmem_shared>>) dst(%dma_wait3A_35 : memref<632x64xf32, #tpu.memory_space<hbm>>)
      tpu.yield
    }) : () -> ()
    return
  }
}

#map = affine_map<(d0, d1) -> (0, 0)>
#map1 = affine_map<(d0, d1) -> (0, 0, 0)>
module attributes {stable_mosaic.version = 14 : i64} {
  func.func @body(%arg0: i32, %arg1: i32, %arg2: memref<10112x32xf32, #tpu.memory_space<hbm>>, %arg3: memref<32x79x128xi32, #tpu.memory_space<hbm>>, %arg4: memref<32x79x128xi32, #tpu.memory_space<hbm>>, %arg5: memref<10112x32xf32, #tpu.memory_space<hbm>>, %arg6: memref<2x10112x32xf32, #tpu.memory_space<hbm>>, %arg7: memref<79x128xi32, #tpu.memory_space<vmem>>, %arg8: memref<79x128xi32, #tpu.memory_space<vmem>>, %arg9: memref<128x32xf32, #tpu.memory_space<vmem>>, %arg10: memref<128x32xf32, #tpu.memory_space<vmem>>, %arg11: memref<!tpu.dma_semaphore, #tpu.memory_space<semaphore_mem>>, %arg12: memref<!tpu.dma_semaphore, #tpu.memory_space<semaphore_mem>>, %arg13: memref<!tpu.dma_semaphore, #tpu.memory_space<semaphore_mem>>, %arg14: memref<!tpu.dma_semaphore, #tpu.memory_space<semaphore_mem>>, %arg15: memref<10112x32xf32, #tpu.memory_space<vmem_shared>>) attributes {dimension_semantics = [#tpu.dimension_semantics<core_parallel>, #tpu.dimension_semantics<subcore_parallel>], iteration_bounds = array<i64: 2, 16>, scalar_prefetch = 0 : i64, scratch_operands = 9 : i64, tpu.core_type = #tpu.core_type<sc_vector_subcore>, window_params = [{transform_indices = #map}, {transform_indices = #map1}, {transform_indices = #map1}, {transform_indices = #map}, {transform_indices = #map1}]} {
    %mul3A = arith.constant 16 : i32
    %mul3A_0 = arith.muli %arg0, %mul3A : i32
    %add3A = arith.addi %mul3A_0, %arg1 : i32
    "tpu.region"() ({
      %run_scoped3A_27 = tpu.sem_alloc : memref<!tpu.dma_semaphore, #tpu.memory_space<semaphore_mem>>
      %dma_start3A_28 = arith.constant 0 : i32
      %dma_start3A_29 = arith.constant 0 : i32
      %dma_start3A_30 = tpu.memref_slice %arg3[%add3A, %dma_start3A_28, %dma_start3A_29] : memref<32x79x128xi32, #tpu.memory_space<hbm>> -> memref<1x79x128xi32, #tpu.memory_space<hbm>>
      %dma_start3A_31 = tpu.memref_squeeze %dma_start3A_30 : memref<1x79x128xi32, #tpu.memory_space<hbm>> -> memref<79x128xi32, #tpu.memory_space<hbm>>
      %dma_start3A_32 = arith.constant 0 : i32
      %dma_start3A_33 = arith.constant 0 : i32
      %dma_start3A_34 = tpu.memref_slice %arg3[%add3A, %dma_start3A_32, %dma_start3A_33] : memref<32x79x128xi32, #tpu.memory_space<hbm>> -> memref<1x79x128xi32, #tpu.memory_space<hbm>>
      %dma_start3A_35 = tpu.memref_squeeze %dma_start3A_34 : memref<1x79x128xi32, #tpu.memory_space<hbm>> -> memref<79x128xi32, #tpu.memory_space<hbm>>
      tpu.enqueue_dma source(%dma_start3A_35 : memref<79x128xi32, #tpu.memory_space<hbm>>) target(%arg7 : memref<79x128xi32, #tpu.memory_space<vmem>>) target_semaphore(%run_scoped3A_27 : memref<!tpu.dma_semaphore, #tpu.memory_space<semaphore_mem>>)
      %dma_wait3A_36 = arith.constant 0 : i32
      %dma_wait3A_37 = arith.constant 0 : i32
      %dma_wait3A_38 = tpu.memref_slice %arg3[%add3A, %dma_wait3A_36, %dma_wait3A_37] : memref<32x79x128xi32, #tpu.memory_space<hbm>> -> memref<1x79x128xi32, #tpu.memory_space<hbm>>
      %dma_wait3A_39 = tpu.memref_squeeze %dma_wait3A_38 : memref<1x79x128xi32, #tpu.memory_space<hbm>> -> memref<79x128xi32, #tpu.memory_space<hbm>>
      %dma_wait3A_40 = arith.constant 0 : i32
      %dma_wait3A_41 = arith.constant 0 : i32
      %dma_wait3A_42 = tpu.memref_slice %arg3[%add3A, %dma_wait3A_40, %dma_wait3A_41] : memref<32x79x128xi32, #tpu.memory_space<hbm>> -> memref<1x79x128xi32, #tpu.memory_space<hbm>>
      %dma_wait3A_43 = tpu.memref_squeeze %dma_wait3A_42 : memref<1x79x128xi32, #tpu.memory_space<hbm>> -> memref<79x128xi32, #tpu.memory_space<hbm>>
      tpu.wait_dma2 semaphore(%run_scoped3A_27 : memref<!tpu.dma_semaphore, #tpu.memory_space<semaphore_mem>>) src(%dma_wait3A_43 : memref<79x128xi32, #tpu.memory_space<hbm>>) dst(%arg7 : memref<79x128xi32, #tpu.memory_space<vmem>>)
      tpu.yield
    }) : () -> ()
    "tpu.region"() ({
      %run_scoped3A_27 = tpu.sem_alloc : memref<!tpu.dma_semaphore, #tpu.memory_space<semaphore_mem>>
      %dma_start3A_28 = arith.constant 0 : i32
      %dma_start3A_29 = arith.constant 0 : i32
      %dma_start3A_30 = tpu.memref_slice %arg4[%add3A, %dma_start3A_28, %dma_start3A_29] : memref<32x79x128xi32, #tpu.memory_space<hbm>> -> memref<1x79x128xi32, #tpu.memory_space<hbm>>
      %dma_start3A_31 = tpu.memref_squeeze %dma_start3A_30 : memref<1x79x128xi32, #tpu.memory_space<hbm>> -> memref<79x128xi32, #tpu.memory_space<hbm>>
      %dma_start3A_32 = arith.constant 0 : i32
      %dma_start3A_33 = arith.constant 0 : i32
      %dma_start3A_34 = tpu.memref_slice %arg4[%add3A, %dma_start3A_32, %dma_start3A_33] : memref<32x79x128xi32, #tpu.memory_space<hbm>> -> memref<1x79x128xi32, #tpu.memory_space<hbm>>
      %dma_start3A_35 = tpu.memref_squeeze %dma_start3A_34 : memref<1x79x128xi32, #tpu.memory_space<hbm>> -> memref<79x128xi32, #tpu.memory_space<hbm>>
      tpu.enqueue_dma source(%dma_start3A_35 : memref<79x128xi32, #tpu.memory_space<hbm>>) target(%arg8 : memref<79x128xi32, #tpu.memory_space<vmem>>) target_semaphore(%run_scoped3A_27 : memref<!tpu.dma_semaphore, #tpu.memory_space<semaphore_mem>>)
      %dma_wait3A_36 = arith.constant 0 : i32
      %dma_wait3A_37 = arith.constant 0 : i32
      %dma_wait3A_38 = tpu.memref_slice %arg4[%add3A, %dma_wait3A_36, %dma_wait3A_37] : memref<32x79x128xi32, #tpu.memory_space<hbm>> -> memref<1x79x128xi32, #tpu.memory_space<hbm>>
      %dma_wait3A_39 = tpu.memref_squeeze %dma_wait3A_38 : memref<1x79x128xi32, #tpu.memory_space<hbm>> -> memref<79x128xi32, #tpu.memory_space<hbm>>
      %dma_wait3A_40 = arith.constant 0 : i32
      %dma_wait3A_41 = arith.constant 0 : i32
      %dma_wait3A_42 = tpu.memref_slice %arg4[%add3A, %dma_wait3A_40, %dma_wait3A_41] : memref<32x79x128xi32, #tpu.memory_space<hbm>> -> memref<1x79x128xi32, #tpu.memory_space<hbm>>
      %dma_wait3A_43 = tpu.memref_squeeze %dma_wait3A_42 : memref<1x79x128xi32, #tpu.memory_space<hbm>> -> memref<79x128xi32, #tpu.memory_space<hbm>>
      tpu.wait_dma2 semaphore(%run_scoped3A_27 : memref<!tpu.dma_semaphore, #tpu.memory_space<semaphore_mem>>) src(%dma_wait3A_43 : memref<79x128xi32, #tpu.memory_space<hbm>>) dst(%arg8 : memref<79x128xi32, #tpu.memory_space<vmem>>)
      tpu.yield
    }) : () -> ()
    %mul3A_1 = arith.constant 632 : i32
    %mul3A_2 = arith.muli %arg1, %mul3A_1 : i32
    %mul3A_3 = arith.constant 632 : i32
    %mul3A_4 = arith.muli %arg1, %mul3A_3 : i32
    "tpu.region"() ({
      %run_scoped3A_27 = tpu.sem_alloc : memref<!tpu.dma_semaphore, #tpu.memory_space<semaphore_mem>>
      %dma_start3A_28 = arith.constant 0 : i32
      %dma_start3A_29 = tpu.memref_slice %arg15[%mul3A_4, %dma_start3A_28] : memref<10112x32xf32, #tpu.memory_space<vmem_shared>> -> memref<632x32xf32, #tpu.memory_space<vmem_shared>>
      %dma_start3A_30 = arith.constant 0 : i32
      %dma_start3A_31 = tpu.memref_slice %arg5[%mul3A_2, %dma_start3A_30] : memref<10112x32xf32, #tpu.memory_space<hbm>> -> memref<632x32xf32, #tpu.memory_space<hbm>>
      tpu.enqueue_dma source(%dma_start3A_31 : memref<632x32xf32, #tpu.memory_space<hbm>>) target(%dma_start3A_29 : memref<632x32xf32, #tpu.memory_space<vmem_shared>>) target_semaphore(%run_scoped3A_27 : memref<!tpu.dma_semaphore, #tpu.memory_space<semaphore_mem>>)
      %dma_wait3A_32 = arith.constant 0 : i32
      %dma_wait3A_33 = tpu.memref_slice %arg15[%mul3A_4, %dma_wait3A_32] : memref<10112x32xf32, #tpu.memory_space<vmem_shared>> -> memref<632x32xf32, #tpu.memory_space<vmem_shared>>
      %dma_wait3A_34 = arith.constant 0 : i32
      %dma_wait3A_35 = tpu.memref_slice %arg5[%mul3A_2, %dma_wait3A_34] : memref<10112x32xf32, #tpu.memory_space<hbm>> -> memref<632x32xf32, #tpu.memory_space<hbm>>
      tpu.wait_dma2 semaphore(%run_scoped3A_27 : memref<!tpu.dma_semaphore, #tpu.memory_space<semaphore_mem>>) src(%dma_wait3A_35 : memref<632x32xf32, #tpu.memory_space<hbm>>) dst(%dma_wait3A_33 : memref<632x32xf32, #tpu.memory_space<vmem_shared>>)
      tpu.yield
    }) : () -> ()
    %barrier3A = arith.constant 0 : index
    tpu.barrier barrier_id(%barrier3A)
    %scan3A = arith.constant 0 : i32
    %scan3A_5 = arith.constant 0 : i32
    %scan3A_6 = arith.constant 39 : i32
    %scan3A_7 = arith.addi %scan3A_5, %scan3A_6 : i32
    %scan3A_8 = arith.constant 1 : i32
    scf.for %scan3A_27 = %scan3A_5 to %scan3A_7 step %scan3A_8  : i32 {
      %mul3A_28 = arith.constant 2 : i32
      %mul3A_29 = arith.muli %scan3A_27, %mul3A_28 : i32
      %dma_start3A_30 = arith.constant 0 : i32
      %dma_start3A_31 = tpu.memref_slice %arg7[%mul3A_29, %dma_start3A_30] : memref<79x128xi32, #tpu.memory_space<vmem>> -> memref<1x128xi32, #tpu.memory_space<vmem>>
      %dma_start3A_32 = tpu.memref_squeeze %dma_start3A_31 : memref<1x128xi32, #tpu.memory_space<vmem>> -> memref<128xi32, #tpu.memory_space<vmem>>
      %dma_start3A_33 = arith.constant 0 : i32
      %dma_start3A_34 = arith.constant 0 : i32
      %dma_start3A_35 = tpu.memref_slice %arg2[%dma_start3A_33, %dma_start3A_34] : memref<10112x32xf32, #tpu.memory_space<hbm>> -> memref<10112x32xf32, #tpu.memory_space<hbm>>
      tpu.enqueue_indirect_dma source(%dma_start3A_35 : memref<10112x32xf32, #tpu.memory_space<hbm>>) target(%arg9 : memref<128x32xf32, #tpu.memory_space<vmem>>) offsets(%dma_start3A_32 : memref<128xi32, #tpu.memory_space<vmem>>) semaphore(%arg11 : memref<!tpu.dma_semaphore, #tpu.memory_space<semaphore_mem>>)
      %add3A_36 = arith.constant 1 : i32
      %add3A_37 = arith.addi %mul3A_29, %add3A_36 : i32
      %dma_start3A_38 = arith.constant 0 : i32
      %dma_start3A_39 = tpu.memref_slice %arg7[%add3A_37, %dma_start3A_38] : memref<79x128xi32, #tpu.memory_space<vmem>> -> memref<1x128xi32, #tpu.memory_space<vmem>>
      %dma_start3A_40 = tpu.memref_squeeze %dma_start3A_39 : memref<1x128xi32, #tpu.memory_space<vmem>> -> memref<128xi32, #tpu.memory_space<vmem>>
      %dma_start3A_41 = arith.constant 0 : i32
      %dma_start3A_42 = arith.constant 0 : i32
      %dma_start3A_43 = tpu.memref_slice %arg2[%dma_start3A_41, %dma_start3A_42] : memref<10112x32xf32, #tpu.memory_space<hbm>> -> memref<10112x32xf32, #tpu.memory_space<hbm>>
      tpu.enqueue_indirect_dma source(%dma_start3A_43 : memref<10112x32xf32, #tpu.memory_space<hbm>>) target(%arg10 : memref<128x32xf32, #tpu.memory_space<vmem>>) offsets(%dma_start3A_40 : memref<128xi32, #tpu.memory_space<vmem>>) semaphore(%arg12 : memref<!tpu.dma_semaphore, #tpu.memory_space<semaphore_mem>>)
      %dma_wait3A_44 = arith.constant 0 : i32
      %dma_wait3A_45 = tpu.memref_slice %arg7[%mul3A_29, %dma_wait3A_44] : memref<79x128xi32, #tpu.memory_space<vmem>> -> memref<1x128xi32, #tpu.memory_space<vmem>>
      %dma_wait3A_46 = tpu.memref_squeeze %dma_wait3A_45 : memref<1x128xi32, #tpu.memory_space<vmem>> -> memref<128xi32, #tpu.memory_space<vmem>>
      %dma_wait3A_47 = arith.constant 0 : i32
      %dma_wait3A_48 = arith.constant 0 : i32
      %dma_wait3A_49 = tpu.memref_slice %arg2[%dma_wait3A_47, %dma_wait3A_48] : memref<10112x32xf32, #tpu.memory_space<hbm>> -> memref<10112x32xf32, #tpu.memory_space<hbm>>
      tpu.wait_indirect_dma semaphore(%arg11 : memref<!tpu.dma_semaphore, #tpu.memory_space<semaphore_mem>>) src(%dma_wait3A_49 : memref<10112x32xf32, #tpu.memory_space<hbm>>) dst(%arg9 : memref<128x32xf32, #tpu.memory_space<vmem>>)
      %dma_start3A_50 = arith.constant 0 : i32
      %dma_start3A_51 = tpu.memref_slice %arg8[%mul3A_29, %dma_start3A_50] : memref<79x128xi32, #tpu.memory_space<vmem>> -> memref<1x128xi32, #tpu.memory_space<vmem>>
      %dma_start3A_52 = tpu.memref_squeeze %dma_start3A_51 : memref<1x128xi32, #tpu.memory_space<vmem>> -> memref<128xi32, #tpu.memory_space<vmem>>
      %dma_start3A_53 = arith.constant 0 : i32
      %dma_start3A_54 = arith.constant 0 : i32
      %dma_start3A_55 = tpu.memref_slice %arg15[%dma_start3A_53, %dma_start3A_54] : memref<10112x32xf32, #tpu.memory_space<vmem_shared>> -> memref<10112x32xf32, #tpu.memory_space<vmem_shared>>
      tpu.enqueue_indirect_dma source(%arg9 : memref<128x32xf32, #tpu.memory_space<vmem>>) target(%dma_start3A_55 : memref<10112x32xf32, #tpu.memory_space<vmem_shared>>) offsets(%dma_start3A_52 : memref<128xi32, #tpu.memory_space<vmem>>) semaphore(%arg13 : memref<!tpu.dma_semaphore, #tpu.memory_space<semaphore_mem>>) {add = true}
      %dma_wait3A_56 = arith.constant 0 : i32
      %dma_wait3A_57 = tpu.memref_slice %arg7[%add3A_37, %dma_wait3A_56] : memref<79x128xi32, #tpu.memory_space<vmem>> -> memref<1x128xi32, #tpu.memory_space<vmem>>
      %dma_wait3A_58 = tpu.memref_squeeze %dma_wait3A_57 : memref<1x128xi32, #tpu.memory_space<vmem>> -> memref<128xi32, #tpu.memory_space<vmem>>
      %dma_wait3A_59 = arith.constant 0 : i32
      %dma_wait3A_60 = arith.constant 0 : i32
      %dma_wait3A_61 = tpu.memref_slice %arg2[%dma_wait3A_59, %dma_wait3A_60] : memref<10112x32xf32, #tpu.memory_space<hbm>> -> memref<10112x32xf32, #tpu.memory_space<hbm>>
      tpu.wait_indirect_dma semaphore(%arg12 : memref<!tpu.dma_semaphore, #tpu.memory_space<semaphore_mem>>) src(%dma_wait3A_61 : memref<10112x32xf32, #tpu.memory_space<hbm>>) dst(%arg10 : memref<128x32xf32, #tpu.memory_space<vmem>>)
      %add3A_62 = arith.constant 1 : i32
      %add3A_63 = arith.addi %mul3A_29, %add3A_62 : i32
      %dma_start3A_64 = arith.constant 0 : i32
      %dma_start3A_65 = tpu.memref_slice %arg8[%add3A_63, %dma_start3A_64] : memref<79x128xi32, #tpu.memory_space<vmem>> -> memref<1x128xi32, #tpu.memory_space<vmem>>
      %dma_start3A_66 = tpu.memref_squeeze %dma_start3A_65 : memref<1x128xi32, #tpu.memory_space<vmem>> -> memref<128xi32, #tpu.memory_space<vmem>>
      %dma_start3A_67 = arith.constant 0 : i32
      %dma_start3A_68 = arith.constant 0 : i32
      %dma_start3A_69 = tpu.memref_slice %arg15[%dma_start3A_67, %dma_start3A_68] : memref<10112x32xf32, #tpu.memory_space<vmem_shared>> -> memref<10112x32xf32, #tpu.memory_space<vmem_shared>>
      tpu.enqueue_indirect_dma source(%arg10 : memref<128x32xf32, #tpu.memory_space<vmem>>) target(%dma_start3A_69 : memref<10112x32xf32, #tpu.memory_space<vmem_shared>>) offsets(%dma_start3A_66 : memref<128xi32, #tpu.memory_space<vmem>>) semaphore(%arg14 : memref<!tpu.dma_semaphore, #tpu.memory_space<semaphore_mem>>) {add = true}
      %dma_wait3A_70 = arith.constant 0 : i32
      %dma_wait3A_71 = tpu.memref_slice %arg8[%mul3A_29, %dma_wait3A_70] : memref<79x128xi32, #tpu.memory_space<vmem>> -> memref<1x128xi32, #tpu.memory_space<vmem>>
      %dma_wait3A_72 = tpu.memref_squeeze %dma_wait3A_71 : memref<1x128xi32, #tpu.memory_space<vmem>> -> memref<128xi32, #tpu.memory_space<vmem>>
      %dma_wait3A_73 = arith.constant 0 : i32
      %dma_wait3A_74 = arith.constant 0 : i32
      %dma_wait3A_75 = tpu.memref_slice %arg15[%dma_wait3A_73, %dma_wait3A_74] : memref<10112x32xf32, #tpu.memory_space<vmem_shared>> -> memref<10112x32xf32, #tpu.memory_space<vmem_shared>>
      tpu.wait_indirect_dma semaphore(%arg13 : memref<!tpu.dma_semaphore, #tpu.memory_space<semaphore_mem>>) src(%arg9 : memref<128x32xf32, #tpu.memory_space<vmem>>) dst(%dma_wait3A_75 : memref<10112x32xf32, #tpu.memory_space<vmem_shared>>)
      %dma_wait3A_76 = arith.constant 0 : i32
      %dma_wait3A_77 = tpu.memref_slice %arg8[%add3A_63, %dma_wait3A_76] : memref<79x128xi32, #tpu.memory_space<vmem>> -> memref<1x128xi32, #tpu.memory_space<vmem>>
      %dma_wait3A_78 = tpu.memref_squeeze %dma_wait3A_77 : memref<1x128xi32, #tpu.memory_space<vmem>> -> memref<128xi32, #tpu.memory_space<vmem>>
      %dma_wait3A_79 = arith.constant 0 : i32
      %dma_wait3A_80 = arith.constant 0 : i32
      %dma_wait3A_81 = tpu.memref_slice %arg15[%dma_wait3A_79, %dma_wait3A_80] : memref<10112x32xf32, #tpu.memory_space<vmem_shared>> -> memref<10112x32xf32, #tpu.memory_space<vmem_shared>>
      tpu.wait_indirect_dma semaphore(%arg14 : memref<!tpu.dma_semaphore, #tpu.memory_space<semaphore_mem>>) src(%arg10 : memref<128x32xf32, #tpu.memory_space<vmem>>) dst(%dma_wait3A_81 : memref<10112x32xf32, #tpu.memory_space<vmem_shared>>)
    }
    %scan3A_9 = arith.constant 39 : i32
    %dma_start3A = arith.constant 78 : i32
    %dma_start3A_10 = arith.constant 0 : i32
    %dma_start3A_11 = tpu.memref_slice %arg7[%dma_start3A, %dma_start3A_10] : memref<79x128xi32, #tpu.memory_space<vmem>> -> memref<1x128xi32, #tpu.memory_space<vmem>>
    %dma_start3A_12 = tpu.memref_squeeze %dma_start3A_11 : memref<1x128xi32, #tpu.memory_space<vmem>> -> memref<128xi32, #tpu.memory_space<vmem>>
    %dma_start3A_13 = arith.constant 0 : i32
    %dma_start3A_14 = arith.constant 0 : i32
    %dma_start3A_15 = tpu.memref_slice %arg2[%dma_start3A_13, %dma_start3A_14] : memref<10112x32xf32, #tpu.memory_space<hbm>> -> memref<10112x32xf32, #tpu.memory_space<hbm>>
    tpu.enqueue_indirect_dma source(%dma_start3A_15 : memref<10112x32xf32, #tpu.memory_space<hbm>>) target(%arg9 : memref<128x32xf32, #tpu.memory_space<vmem>>) offsets(%dma_start3A_12 : memref<128xi32, #tpu.memory_space<vmem>>) semaphore(%arg11 : memref<!tpu.dma_semaphore, #tpu.memory_space<semaphore_mem>>)
    %dma_wait3A = arith.constant 78 : i32
    %dma_wait3A_16 = arith.constant 0 : i32
    %dma_wait3A_17 = tpu.memref_slice %arg7[%dma_wait3A, %dma_wait3A_16] : memref<79x128xi32, #tpu.memory_space<vmem>> -> memref<1x128xi32, #tpu.memory_space<vmem>>
    %dma_wait3A_18 = tpu.memref_squeeze %dma_wait3A_17 : memref<1x128xi32, #tpu.memory_space<vmem>> -> memref<128xi32, #tpu.memory_space<vmem>>
    %dma_wait3A_19 = arith.constant 0 : i32
    %dma_wait3A_20 = arith.constant 0 : i32
    %dma_wait3A_21 = tpu.memref_slice %arg2[%dma_wait3A_19, %dma_wait3A_20] : memref<10112x32xf32, #tpu.memory_space<hbm>> -> memref<10112x32xf32, #tpu.memory_space<hbm>>
    tpu.wait_indirect_dma semaphore(%arg11 : memref<!tpu.dma_semaphore, #tpu.memory_space<semaphore_mem>>) src(%dma_wait3A_21 : memref<10112x32xf32, #tpu.memory_space<hbm>>) dst(%arg9 : memref<128x32xf32, #tpu.memory_space<vmem>>)
    %run_scoped3A = arith.constant 78 : i32
    "tpu.region"() ({
      %run_scoped3A_27 = tpu.sem_alloc : memref<!tpu.dma_semaphore, #tpu.memory_space<semaphore_mem>>
      %dma_start3A_28 = arith.constant 0 : i32
      %dma_start3A_29 = tpu.memref_slice %arg8[%run_scoped3A, %dma_start3A_28] : memref<79x128xi32, #tpu.memory_space<vmem>> -> memref<1x128xi32, #tpu.memory_space<vmem>>
      %dma_start3A_30 = tpu.memref_squeeze %dma_start3A_29 : memref<1x128xi32, #tpu.memory_space<vmem>> -> memref<128xi32, #tpu.memory_space<vmem>>
      %dma_start3A_31 = arith.constant 0 : i32
      %dma_start3A_32 = arith.constant 0 : i32
      %dma_start3A_33 = tpu.memref_slice %arg15[%dma_start3A_31, %dma_start3A_32] : memref<10112x32xf32, #tpu.memory_space<vmem_shared>> -> memref<10112x32xf32, #tpu.memory_space<vmem_shared>>
      tpu.enqueue_indirect_dma source(%arg9 : memref<128x32xf32, #tpu.memory_space<vmem>>) target(%dma_start3A_33 : memref<10112x32xf32, #tpu.memory_space<vmem_shared>>) offsets(%dma_start3A_30 : memref<128xi32, #tpu.memory_space<vmem>>) semaphore(%run_scoped3A_27 : memref<!tpu.dma_semaphore, #tpu.memory_space<semaphore_mem>>) {add = true}
      %dma_wait3A_34 = arith.constant 0 : i32
      %dma_wait3A_35 = tpu.memref_slice %arg8[%run_scoped3A, %dma_wait3A_34] : memref<79x128xi32, #tpu.memory_space<vmem>> -> memref<1x128xi32, #tpu.memory_space<vmem>>
      %dma_wait3A_36 = tpu.memref_squeeze %dma_wait3A_35 : memref<1x128xi32, #tpu.memory_space<vmem>> -> memref<128xi32, #tpu.memory_space<vmem>>
      %dma_wait3A_37 = arith.constant 0 : i32
      %dma_wait3A_38 = arith.constant 0 : i32
      %dma_wait3A_39 = tpu.memref_slice %arg15[%dma_wait3A_37, %dma_wait3A_38] : memref<10112x32xf32, #tpu.memory_space<vmem_shared>> -> memref<10112x32xf32, #tpu.memory_space<vmem_shared>>
      tpu.wait_indirect_dma semaphore(%run_scoped3A_27 : memref<!tpu.dma_semaphore, #tpu.memory_space<semaphore_mem>>) src(%arg9 : memref<128x32xf32, #tpu.memory_space<vmem>>) dst(%dma_wait3A_39 : memref<10112x32xf32, #tpu.memory_space<vmem_shared>>)
      tpu.yield
    }) : () -> ()
    %barrier3A_22 = arith.constant 0 : index
    tpu.barrier barrier_id(%barrier3A_22)
    %mul3A_23 = arith.constant 632 : i32
    %mul3A_24 = arith.muli %arg1, %mul3A_23 : i32
    %mul3A_25 = arith.constant 632 : i32
    %mul3A_26 = arith.muli %arg1, %mul3A_25 : i32
    "tpu.region"() ({
      %run_scoped3A_27 = tpu.sem_alloc : memref<!tpu.dma_semaphore, #tpu.memory_space<semaphore_mem>>
      %dma_start3A_28 = arith.constant 0 : i32
      %dma_start3A_29 = tpu.memref_slice %arg6[%arg0, %mul3A_26, %dma_start3A_28] : memref<2x10112x32xf32, #tpu.memory_space<hbm>> -> memref<1x632x32xf32, #tpu.memory_space<hbm>>
      %dma_start3A_30 = tpu.memref_squeeze %dma_start3A_29 : memref<1x632x32xf32, #tpu.memory_space<hbm>> -> memref<632x32xf32, #tpu.memory_space<hbm>>
      %dma_start3A_31 = arith.constant 0 : i32
      %dma_start3A_32 = tpu.memref_slice %arg15[%mul3A_24, %dma_start3A_31] : memref<10112x32xf32, #tpu.memory_space<vmem_shared>> -> memref<632x32xf32, #tpu.memory_space<vmem_shared>>
      tpu.enqueue_dma source(%dma_start3A_32 : memref<632x32xf32, #tpu.memory_space<vmem_shared>>) target(%dma_start3A_30 : memref<632x32xf32, #tpu.memory_space<hbm>>) target_semaphore(%run_scoped3A_27 : memref<!tpu.dma_semaphore, #tpu.memory_space<semaphore_mem>>)
      %dma_wait3A_33 = arith.constant 0 : i32
      %dma_wait3A_34 = tpu.memref_slice %arg6[%arg0, %mul3A_26, %dma_wait3A_33] : memref<2x10112x32xf32, #tpu.memory_space<hbm>> -> memref<1x632x32xf32, #tpu.memory_space<hbm>>
      %dma_wait3A_35 = tpu.memref_squeeze %dma_wait3A_34 : memref<1x632x32xf32, #tpu.memory_space<hbm>> -> memref<632x32xf32, #tpu.memory_space<hbm>>
      %dma_wait3A_36 = arith.constant 0 : i32
      %dma_wait3A_37 = tpu.memref_slice %arg15[%mul3A_24, %dma_wait3A_36] : memref<10112x32xf32, #tpu.memory_space<vmem_shared>> -> memref<632x32xf32, #tpu.memory_space<vmem_shared>>
      tpu.wait_dma2 semaphore(%run_scoped3A_27 : memref<!tpu.dma_semaphore, #tpu.memory_space<semaphore_mem>>) src(%dma_wait3A_37 : memref<632x32xf32, #tpu.memory_space<vmem_shared>>) dst(%dma_wait3A_35 : memref<632x32xf32, #tpu.memory_space<hbm>>)
      tpu.yield
    }) : () -> ()
    return
  }
}

#map = affine_map<(d0, d1) -> (0, 0)>
#map1 = affine_map<(d0, d1) -> (0, 0, 0)>
module attributes {stable_mosaic.version = 14 : i64} {
  func.func @body(%arg0: i32, %arg1: i32, %arg2: memref<10112x32xf32, #tpu.memory_space<hbm>>, %arg3: memref<32x79x128xi32, #tpu.memory_space<hbm>>, %arg4: memref<32x79x128xi32, #tpu.memory_space<hbm>>, %arg5: memref<10112x32xf32, #tpu.memory_space<hbm>>, %arg6: memref<2x10112x32xf32, #tpu.memory_space<hbm>>, %arg7: memref<79x128xi32, #tpu.memory_space<vmem>>, %arg8: memref<79x128xi32, #tpu.memory_space<vmem>>, %arg9: memref<128x32xf32, #tpu.memory_space<vmem>>, %arg10: memref<128x32xf32, #tpu.memory_space<vmem>>, %arg11: memref<!tpu.dma_semaphore, #tpu.memory_space<semaphore_mem>>, %arg12: memref<!tpu.dma_semaphore, #tpu.memory_space<semaphore_mem>>, %arg13: memref<!tpu.dma_semaphore, #tpu.memory_space<semaphore_mem>>, %arg14: memref<!tpu.dma_semaphore, #tpu.memory_space<semaphore_mem>>, %arg15: memref<10112x32xf32, #tpu.memory_space<vmem_shared>>) attributes {dimension_semantics = [#tpu.dimension_semantics<core_parallel>, #tpu.dimension_semantics<subcore_parallel>], iteration_bounds = array<i64: 2, 16>, scalar_prefetch = 0 : i64, scratch_operands = 9 : i64, tpu.core_type = #tpu.core_type<sc_vector_subcore>, window_params = [{transform_indices = #map}, {transform_indices = #map1}, {transform_indices = #map1}, {transform_indices = #map}, {transform_indices = #map1}]} {
    %mul3A = arith.constant 16 : i32
    %mul3A_0 = arith.muli %arg0, %mul3A : i32
    %add3A = arith.addi %mul3A_0, %arg1 : i32
    "tpu.region"() ({
      %run_scoped3A_27 = tpu.sem_alloc : memref<!tpu.dma_semaphore, #tpu.memory_space<semaphore_mem>>
      %dma_start3A_28 = arith.constant 0 : i32
      %dma_start3A_29 = arith.constant 0 : i32
      %dma_start3A_30 = tpu.memref_slice %arg3[%add3A, %dma_start3A_28, %dma_start3A_29] : memref<32x79x128xi32, #tpu.memory_space<hbm>> -> memref<1x79x128xi32, #tpu.memory_space<hbm>>
      %dma_start3A_31 = tpu.memref_squeeze %dma_start3A_30 : memref<1x79x128xi32, #tpu.memory_space<hbm>> -> memref<79x128xi32, #tpu.memory_space<hbm>>
      %dma_start3A_32 = arith.constant 0 : i32
      %dma_start3A_33 = arith.constant 0 : i32
      %dma_start3A_34 = tpu.memref_slice %arg3[%add3A, %dma_start3A_32, %dma_start3A_33] : memref<32x79x128xi32, #tpu.memory_space<hbm>> -> memref<1x79x128xi32, #tpu.memory_space<hbm>>
      %dma_start3A_35 = tpu.memref_squeeze %dma_start3A_34 : memref<1x79x128xi32, #tpu.memory_space<hbm>> -> memref<79x128xi32, #tpu.memory_space<hbm>>
      tpu.enqueue_dma source(%dma_start3A_35 : memref<79x128xi32, #tpu.memory_space<hbm>>) target(%arg7 : memref<79x128xi32, #tpu.memory_space<vmem>>) target_semaphore(%run_scoped3A_27 : memref<!tpu.dma_semaphore, #tpu.memory_space<semaphore_mem>>)
      %dma_wait3A_36 = arith.constant 0 : i32
      %dma_wait3A_37 = arith.constant 0 : i32
      %dma_wait3A_38 = tpu.memref_slice %arg3[%add3A, %dma_wait3A_36, %dma_wait3A_37] : memref<32x79x128xi32, #tpu.memory_space<hbm>> -> memref<1x79x128xi32, #tpu.memory_space<hbm>>
      %dma_wait3A_39 = tpu.memref_squeeze %dma_wait3A_38 : memref<1x79x128xi32, #tpu.memory_space<hbm>> -> memref<79x128xi32, #tpu.memory_space<hbm>>
      %dma_wait3A_40 = arith.constant 0 : i32
      %dma_wait3A_41 = arith.constant 0 : i32
      %dma_wait3A_42 = tpu.memref_slice %arg3[%add3A, %dma_wait3A_40, %dma_wait3A_41] : memref<32x79x128xi32, #tpu.memory_space<hbm>> -> memref<1x79x128xi32, #tpu.memory_space<hbm>>
      %dma_wait3A_43 = tpu.memref_squeeze %dma_wait3A_42 : memref<1x79x128xi32, #tpu.memory_space<hbm>> -> memref<79x128xi32, #tpu.memory_space<hbm>>
      tpu.wait_dma2 semaphore(%run_scoped3A_27 : memref<!tpu.dma_semaphore, #tpu.memory_space<semaphore_mem>>) src(%dma_wait3A_43 : memref<79x128xi32, #tpu.memory_space<hbm>>) dst(%arg7 : memref<79x128xi32, #tpu.memory_space<vmem>>)
      tpu.yield
    }) : () -> ()
    "tpu.region"() ({
      %run_scoped3A_27 = tpu.sem_alloc : memref<!tpu.dma_semaphore, #tpu.memory_space<semaphore_mem>>
      %dma_start3A_28 = arith.constant 0 : i32
      %dma_start3A_29 = arith.constant 0 : i32
      %dma_start3A_30 = tpu.memref_slice %arg4[%add3A, %dma_start3A_28, %dma_start3A_29] : memref<32x79x128xi32, #tpu.memory_space<hbm>> -> memref<1x79x128xi32, #tpu.memory_space<hbm>>
      %dma_start3A_31 = tpu.memref_squeeze %dma_start3A_30 : memref<1x79x128xi32, #tpu.memory_space<hbm>> -> memref<79x128xi32, #tpu.memory_space<hbm>>
      %dma_start3A_32 = arith.constant 0 : i32
      %dma_start3A_33 = arith.constant 0 : i32
      %dma_start3A_34 = tpu.memref_slice %arg4[%add3A, %dma_start3A_32, %dma_start3A_33] : memref<32x79x128xi32, #tpu.memory_space<hbm>> -> memref<1x79x128xi32, #tpu.memory_space<hbm>>
      %dma_start3A_35 = tpu.memref_squeeze %dma_start3A_34 : memref<1x79x128xi32, #tpu.memory_space<hbm>> -> memref<79x128xi32, #tpu.memory_space<hbm>>
      tpu.enqueue_dma source(%dma_start3A_35 : memref<79x128xi32, #tpu.memory_space<hbm>>) target(%arg8 : memref<79x128xi32, #tpu.memory_space<vmem>>) target_semaphore(%run_scoped3A_27 : memref<!tpu.dma_semaphore, #tpu.memory_space<semaphore_mem>>)
      %dma_wait3A_36 = arith.constant 0 : i32
      %dma_wait3A_37 = arith.constant 0 : i32
      %dma_wait3A_38 = tpu.memref_slice %arg4[%add3A, %dma_wait3A_36, %dma_wait3A_37] : memref<32x79x128xi32, #tpu.memory_space<hbm>> -> memref<1x79x128xi32, #tpu.memory_space<hbm>>
      %dma_wait3A_39 = tpu.memref_squeeze %dma_wait3A_38 : memref<1x79x128xi32, #tpu.memory_space<hbm>> -> memref<79x128xi32, #tpu.memory_space<hbm>>
      %dma_wait3A_40 = arith.constant 0 : i32
      %dma_wait3A_41 = arith.constant 0 : i32
      %dma_wait3A_42 = tpu.memref_slice %arg4[%add3A, %dma_wait3A_40, %dma_wait3A_41] : memref<32x79x128xi32, #tpu.memory_space<hbm>> -> memref<1x79x128xi32, #tpu.memory_space<hbm>>
      %dma_wait3A_43 = tpu.memref_squeeze %dma_wait3A_42 : memref<1x79x128xi32, #tpu.memory_space<hbm>> -> memref<79x128xi32, #tpu.memory_space<hbm>>
      tpu.wait_dma2 semaphore(%run_scoped3A_27 : memref<!tpu.dma_semaphore, #tpu.memory_space<semaphore_mem>>) src(%dma_wait3A_43 : memref<79x128xi32, #tpu.memory_space<hbm>>) dst(%arg8 : memref<79x128xi32, #tpu.memory_space<vmem>>)
      tpu.yield
    }) : () -> ()
    %mul3A_1 = arith.constant 632 : i32
    %mul3A_2 = arith.muli %arg1, %mul3A_1 : i32
    %mul3A_3 = arith.constant 632 : i32
    %mul3A_4 = arith.muli %arg1, %mul3A_3 : i32
    "tpu.region"() ({
      %run_scoped3A_27 = tpu.sem_alloc : memref<!tpu.dma_semaphore, #tpu.memory_space<semaphore_mem>>
      %dma_start3A_28 = arith.constant 0 : i32
      %dma_start3A_29 = tpu.memref_slice %arg15[%mul3A_4, %dma_start3A_28] : memref<10112x32xf32, #tpu.memory_space<vmem_shared>> -> memref<632x32xf32, #tpu.memory_space<vmem_shared>>
      %dma_start3A_30 = arith.constant 0 : i32
      %dma_start3A_31 = tpu.memref_slice %arg5[%mul3A_2, %dma_start3A_30] : memref<10112x32xf32, #tpu.memory_space<hbm>> -> memref<632x32xf32, #tpu.memory_space<hbm>>
      tpu.enqueue_dma source(%dma_start3A_31 : memref<632x32xf32, #tpu.memory_space<hbm>>) target(%dma_start3A_29 : memref<632x32xf32, #tpu.memory_space<vmem_shared>>) target_semaphore(%run_scoped3A_27 : memref<!tpu.dma_semaphore, #tpu.memory_space<semaphore_mem>>)
      %dma_wait3A_32 = arith.constant 0 : i32
      %dma_wait3A_33 = tpu.memref_slice %arg15[%mul3A_4, %dma_wait3A_32] : memref<10112x32xf32, #tpu.memory_space<vmem_shared>> -> memref<632x32xf32, #tpu.memory_space<vmem_shared>>
      %dma_wait3A_34 = arith.constant 0 : i32
      %dma_wait3A_35 = tpu.memref_slice %arg5[%mul3A_2, %dma_wait3A_34] : memref<10112x32xf32, #tpu.memory_space<hbm>> -> memref<632x32xf32, #tpu.memory_space<hbm>>
      tpu.wait_dma2 semaphore(%run_scoped3A_27 : memref<!tpu.dma_semaphore, #tpu.memory_space<semaphore_mem>>) src(%dma_wait3A_35 : memref<632x32xf32, #tpu.memory_space<hbm>>) dst(%dma_wait3A_33 : memref<632x32xf32, #tpu.memory_space<vmem_shared>>)
      tpu.yield
    }) : () -> ()
    %barrier3A = arith.constant 0 : index
    tpu.barrier barrier_id(%barrier3A)
    %scan3A = arith.constant 0 : i32
    %scan3A_5 = arith.constant 0 : i32
    %scan3A_6 = arith.constant 39 : i32
    %scan3A_7 = arith.addi %scan3A_5, %scan3A_6 : i32
    %scan3A_8 = arith.constant 1 : i32
    scf.for %scan3A_27 = %scan3A_5 to %scan3A_7 step %scan3A_8  : i32 {
      %mul3A_28 = arith.constant 2 : i32
      %mul3A_29 = arith.muli %scan3A_27, %mul3A_28 : i32
      %dma_start3A_30 = arith.constant 0 : i32
      %dma_start3A_31 = tpu.memref_slice %arg7[%mul3A_29, %dma_start3A_30] : memref<79x128xi32, #tpu.memory_space<vmem>> -> memref<1x128xi32, #tpu.memory_space<vmem>>
      %dma_start3A_32 = tpu.memref_squeeze %dma_start3A_31 : memref<1x128xi32, #tpu.memory_space<vmem>> -> memref<128xi32, #tpu.memory_space<vmem>>
      %dma_start3A_33 = arith.constant 0 : i32
      %dma_start3A_34 = arith.constant 0 : i32
      %dma_start3A_35 = tpu.memref_slice %arg2[%dma_start3A_33, %dma_start3A_34] : memref<10112x32xf32, #tpu.memory_space<hbm>> -> memref<10112x32xf32, #tpu.memory_space<hbm>>
      tpu.enqueue_indirect_dma source(%dma_start3A_35 : memref<10112x32xf32, #tpu.memory_space<hbm>>) target(%arg9 : memref<128x32xf32, #tpu.memory_space<vmem>>) offsets(%dma_start3A_32 : memref<128xi32, #tpu.memory_space<vmem>>) semaphore(%arg11 : memref<!tpu.dma_semaphore, #tpu.memory_space<semaphore_mem>>)
      %add3A_36 = arith.constant 1 : i32
      %add3A_37 = arith.addi %mul3A_29, %add3A_36 : i32
      %dma_start3A_38 = arith.constant 0 : i32
      %dma_start3A_39 = tpu.memref_slice %arg7[%add3A_37, %dma_start3A_38] : memref<79x128xi32, #tpu.memory_space<vmem>> -> memref<1x128xi32, #tpu.memory_space<vmem>>
      %dma_start3A_40 = tpu.memref_squeeze %dma_start3A_39 : memref<1x128xi32, #tpu.memory_space<vmem>> -> memref<128xi32, #tpu.memory_space<vmem>>
      %dma_start3A_41 = arith.constant 0 : i32
      %dma_start3A_42 = arith.constant 0 : i32
      %dma_start3A_43 = tpu.memref_slice %arg2[%dma_start3A_41, %dma_start3A_42] : memref<10112x32xf32, #tpu.memory_space<hbm>> -> memref<10112x32xf32, #tpu.memory_space<hbm>>
      tpu.enqueue_indirect_dma source(%dma_start3A_43 : memref<10112x32xf32, #tpu.memory_space<hbm>>) target(%arg10 : memref<128x32xf32, #tpu.memory_space<vmem>>) offsets(%dma_start3A_40 : memref<128xi32, #tpu.memory_space<vmem>>) semaphore(%arg12 : memref<!tpu.dma_semaphore, #tpu.memory_space<semaphore_mem>>)
      %dma_wait3A_44 = arith.constant 0 : i32
      %dma_wait3A_45 = tpu.memref_slice %arg7[%mul3A_29, %dma_wait3A_44] : memref<79x128xi32, #tpu.memory_space<vmem>> -> memref<1x128xi32, #tpu.memory_space<vmem>>
      %dma_wait3A_46 = tpu.memref_squeeze %dma_wait3A_45 : memref<1x128xi32, #tpu.memory_space<vmem>> -> memref<128xi32, #tpu.memory_space<vmem>>
      %dma_wait3A_47 = arith.constant 0 : i32
      %dma_wait3A_48 = arith.constant 0 : i32
      %dma_wait3A_49 = tpu.memref_slice %arg2[%dma_wait3A_47, %dma_wait3A_48] : memref<10112x32xf32, #tpu.memory_space<hbm>> -> memref<10112x32xf32, #tpu.memory_space<hbm>>
      tpu.wait_indirect_dma semaphore(%arg11 : memref<!tpu.dma_semaphore, #tpu.memory_space<semaphore_mem>>) src(%dma_wait3A_49 : memref<10112x32xf32, #tpu.memory_space<hbm>>) dst(%arg9 : memref<128x32xf32, #tpu.memory_space<vmem>>)
      %dma_start3A_50 = arith.constant 0 : i32
      %dma_start3A_51 = tpu.memref_slice %arg8[%mul3A_29, %dma_start3A_50] : memref<79x128xi32, #tpu.memory_space<vmem>> -> memref<1x128xi32, #tpu.memory_space<vmem>>
      %dma_start3A_52 = tpu.memref_squeeze %dma_start3A_51 : memref<1x128xi32, #tpu.memory_space<vmem>> -> memref<128xi32, #tpu.memory_space<vmem>>
      %dma_start3A_53 = arith.constant 0 : i32
      %dma_start3A_54 = arith.constant 0 : i32
      %dma_start3A_55 = tpu.memref_slice %arg15[%dma_start3A_53, %dma_start3A_54] : memref<10112x32xf32, #tpu.memory_space<vmem_shared>> -> memref<10112x32xf32, #tpu.memory_space<vmem_shared>>
      tpu.enqueue_indirect_dma source(%arg9 : memref<128x32xf32, #tpu.memory_space<vmem>>) target(%dma_start3A_55 : memref<10112x32xf32, #tpu.memory_space<vmem_shared>>) offsets(%dma_start3A_52 : memref<128xi32, #tpu.memory_space<vmem>>) semaphore(%arg13 : memref<!tpu.dma_semaphore, #tpu.memory_space<semaphore_mem>>) {add = true}
      %dma_wait3A_56 = arith.constant 0 : i32
      %dma_wait3A_57 = tpu.memref_slice %arg7[%add3A_37, %dma_wait3A_56] : memref<79x128xi32, #tpu.memory_space<vmem>> -> memref<1x128xi32, #tpu.memory_space<vmem>>
      %dma_wait3A_58 = tpu.memref_squeeze %dma_wait3A_57 : memref<1x128xi32, #tpu.memory_space<vmem>> -> memref<128xi32, #tpu.memory_space<vmem>>
      %dma_wait3A_59 = arith.constant 0 : i32
      %dma_wait3A_60 = arith.constant 0 : i32
      %dma_wait3A_61 = tpu.memref_slice %arg2[%dma_wait3A_59, %dma_wait3A_60] : memref<10112x32xf32, #tpu.memory_space<hbm>> -> memref<10112x32xf32, #tpu.memory_space<hbm>>
      tpu.wait_indirect_dma semaphore(%arg12 : memref<!tpu.dma_semaphore, #tpu.memory_space<semaphore_mem>>) src(%dma_wait3A_61 : memref<10112x32xf32, #tpu.memory_space<hbm>>) dst(%arg10 : memref<128x32xf32, #tpu.memory_space<vmem>>)
      %add3A_62 = arith.constant 1 : i32
      %add3A_63 = arith.addi %mul3A_29, %add3A_62 : i32
      %dma_start3A_64 = arith.constant 0 : i32
      %dma_start3A_65 = tpu.memref_slice %arg8[%add3A_63, %dma_start3A_64] : memref<79x128xi32, #tpu.memory_space<vmem>> -> memref<1x128xi32, #tpu.memory_space<vmem>>
      %dma_start3A_66 = tpu.memref_squeeze %dma_start3A_65 : memref<1x128xi32, #tpu.memory_space<vmem>> -> memref<128xi32, #tpu.memory_space<vmem>>
      %dma_start3A_67 = arith.constant 0 : i32
      %dma_start3A_68 = arith.constant 0 : i32
      %dma_start3A_69 = tpu.memref_slice %arg15[%dma_start3A_67, %dma_start3A_68] : memref<10112x32xf32, #tpu.memory_space<vmem_shared>> -> memref<10112x32xf32, #tpu.memory_space<vmem_shared>>
      tpu.enqueue_indirect_dma source(%arg10 : memref<128x32xf32, #tpu.memory_space<vmem>>) target(%dma_start3A_69 : memref<10112x32xf32, #tpu.memory_space<vmem_shared>>) offsets(%dma_start3A_66 : memref<128xi32, #tpu.memory_space<vmem>>) semaphore(%arg14 : memref<!tpu.dma_semaphore, #tpu.memory_space<semaphore_mem>>) {add = true}
      %dma_wait3A_70 = arith.constant 0 : i32
      %dma_wait3A_71 = tpu.memref_slice %arg8[%mul3A_29, %dma_wait3A_70] : memref<79x128xi32, #tpu.memory_space<vmem>> -> memref<1x128xi32, #tpu.memory_space<vmem>>
      %dma_wait3A_72 = tpu.memref_squeeze %dma_wait3A_71 : memref<1x128xi32, #tpu.memory_space<vmem>> -> memref<128xi32, #tpu.memory_space<vmem>>
      %dma_wait3A_73 = arith.constant 0 : i32
      %dma_wait3A_74 = arith.constant 0 : i32
      %dma_wait3A_75 = tpu.memref_slice %arg15[%dma_wait3A_73, %dma_wait3A_74] : memref<10112x32xf32, #tpu.memory_space<vmem_shared>> -> memref<10112x32xf32, #tpu.memory_space<vmem_shared>>
      tpu.wait_indirect_dma semaphore(%arg13 : memref<!tpu.dma_semaphore, #tpu.memory_space<semaphore_mem>>) src(%arg9 : memref<128x32xf32, #tpu.memory_space<vmem>>) dst(%dma_wait3A_75 : memref<10112x32xf32, #tpu.memory_space<vmem_shared>>)
      %dma_wait3A_76 = arith.constant 0 : i32
      %dma_wait3A_77 = tpu.memref_slice %arg8[%add3A_63, %dma_wait3A_76] : memref<79x128xi32, #tpu.memory_space<vmem>> -> memref<1x128xi32, #tpu.memory_space<vmem>>
      %dma_wait3A_78 = tpu.memref_squeeze %dma_wait3A_77 : memref<1x128xi32, #tpu.memory_space<vmem>> -> memref<128xi32, #tpu.memory_space<vmem>>
      %dma_wait3A_79 = arith.constant 0 : i32
      %dma_wait3A_80 = arith.constant 0 : i32
      %dma_wait3A_81 = tpu.memref_slice %arg15[%dma_wait3A_79, %dma_wait3A_80] : memref<10112x32xf32, #tpu.memory_space<vmem_shared>> -> memref<10112x32xf32, #tpu.memory_space<vmem_shared>>
      tpu.wait_indirect_dma semaphore(%arg14 : memref<!tpu.dma_semaphore, #tpu.memory_space<semaphore_mem>>) src(%arg10 : memref<128x32xf32, #tpu.memory_space<vmem>>) dst(%dma_wait3A_81 : memref<10112x32xf32, #tpu.memory_space<vmem_shared>>)
    }
    %scan3A_9 = arith.constant 39 : i32
    %dma_start3A = arith.constant 78 : i32
    %dma_start3A_10 = arith.constant 0 : i32
    %dma_start3A_11 = tpu.memref_slice %arg7[%dma_start3A, %dma_start3A_10] : memref<79x128xi32, #tpu.memory_space<vmem>> -> memref<1x128xi32, #tpu.memory_space<vmem>>
    %dma_start3A_12 = tpu.memref_squeeze %dma_start3A_11 : memref<1x128xi32, #tpu.memory_space<vmem>> -> memref<128xi32, #tpu.memory_space<vmem>>
    %dma_start3A_13 = arith.constant 0 : i32
    %dma_start3A_14 = arith.constant 0 : i32
    %dma_start3A_15 = tpu.memref_slice %arg2[%dma_start3A_13, %dma_start3A_14] : memref<10112x32xf32, #tpu.memory_space<hbm>> -> memref<10112x32xf32, #tpu.memory_space<hbm>>
    tpu.enqueue_indirect_dma source(%dma_start3A_15 : memref<10112x32xf32, #tpu.memory_space<hbm>>) target(%arg9 : memref<128x32xf32, #tpu.memory_space<vmem>>) offsets(%dma_start3A_12 : memref<128xi32, #tpu.memory_space<vmem>>) semaphore(%arg11 : memref<!tpu.dma_semaphore, #tpu.memory_space<semaphore_mem>>)
    %dma_wait3A = arith.constant 78 : i32
    %dma_wait3A_16 = arith.constant 0 : i32
    %dma_wait3A_17 = tpu.memref_slice %arg7[%dma_wait3A, %dma_wait3A_16] : memref<79x128xi32, #tpu.memory_space<vmem>> -> memref<1x128xi32, #tpu.memory_space<vmem>>
    %dma_wait3A_18 = tpu.memref_squeeze %dma_wait3A_17 : memref<1x128xi32, #tpu.memory_space<vmem>> -> memref<128xi32, #tpu.memory_space<vmem>>
    %dma_wait3A_19 = arith.constant 0 : i32
    %dma_wait3A_20 = arith.constant 0 : i32
    %dma_wait3A_21 = tpu.memref_slice %arg2[%dma_wait3A_19, %dma_wait3A_20] : memref<10112x32xf32, #tpu.memory_space<hbm>> -> memref<10112x32xf32, #tpu.memory_space<hbm>>
    tpu.wait_indirect_dma semaphore(%arg11 : memref<!tpu.dma_semaphore, #tpu.memory_space<semaphore_mem>>) src(%dma_wait3A_21 : memref<10112x32xf32, #tpu.memory_space<hbm>>) dst(%arg9 : memref<128x32xf32, #tpu.memory_space<vmem>>)
    %run_scoped3A = arith.constant 78 : i32
    "tpu.region"() ({
      %run_scoped3A_27 = tpu.sem_alloc : memref<!tpu.dma_semaphore, #tpu.memory_space<semaphore_mem>>
      %dma_start3A_28 = arith.constant 0 : i32
      %dma_start3A_29 = tpu.memref_slice %arg8[%run_scoped3A, %dma_start3A_28] : memref<79x128xi32, #tpu.memory_space<vmem>> -> memref<1x128xi32, #tpu.memory_space<vmem>>
      %dma_start3A_30 = tpu.memref_squeeze %dma_start3A_29 : memref<1x128xi32, #tpu.memory_space<vmem>> -> memref<128xi32, #tpu.memory_space<vmem>>
      %dma_start3A_31 = arith.constant 0 : i32
      %dma_start3A_32 = arith.constant 0 : i32
      %dma_start3A_33 = tpu.memref_slice %arg15[%dma_start3A_31, %dma_start3A_32] : memref<10112x32xf32, #tpu.memory_space<vmem_shared>> -> memref<10112x32xf32, #tpu.memory_space<vmem_shared>>
      tpu.enqueue_indirect_dma source(%arg9 : memref<128x32xf32, #tpu.memory_space<vmem>>) target(%dma_start3A_33 : memref<10112x32xf32, #tpu.memory_space<vmem_shared>>) offsets(%dma_start3A_30 : memref<128xi32, #tpu.memory_space<vmem>>) semaphore(%run_scoped3A_27 : memref<!tpu.dma_semaphore, #tpu.memory_space<semaphore_mem>>) {add = true}
      %dma_wait3A_34 = arith.constant 0 : i32
      %dma_wait3A_35 = tpu.memref_slice %arg8[%run_scoped3A, %dma_wait3A_34] : memref<79x128xi32, #tpu.memory_space<vmem>> -> memref<1x128xi32, #tpu.memory_space<vmem>>
      %dma_wait3A_36 = tpu.memref_squeeze %dma_wait3A_35 : memref<1x128xi32, #tpu.memory_space<vmem>> -> memref<128xi32, #tpu.memory_space<vmem>>
      %dma_wait3A_37 = arith.constant 0 : i32
      %dma_wait3A_38 = arith.constant 0 : i32
      %dma_wait3A_39 = tpu.memref_slice %arg15[%dma_wait3A_37, %dma_wait3A_38] : memref<10112x32xf32, #tpu.memory_space<vmem_shared>> -> memref<10112x32xf32, #tpu.memory_space<vmem_shared>>
      tpu.wait_indirect_dma semaphore(%run_scoped3A_27 : memref<!tpu.dma_semaphore, #tpu.memory_space<semaphore_mem>>) src(%arg9 : memref<128x32xf32, #tpu.memory_space<vmem>>) dst(%dma_wait3A_39 : memref<10112x32xf32, #tpu.memory_space<vmem_shared>>)
      tpu.yield
    }) : () -> ()
    %barrier3A_22 = arith.constant 0 : index
    tpu.barrier barrier_id(%barrier3A_22)
    %mul3A_23 = arith.constant 632 : i32
    %mul3A_24 = arith.muli %arg1, %mul3A_23 : i32
    %mul3A_25 = arith.constant 632 : i32
    %mul3A_26 = arith.muli %arg1, %mul3A_25 : i32
    "tpu.region"() ({
      %run_scoped3A_27 = tpu.sem_alloc : memref<!tpu.dma_semaphore, #tpu.memory_space<semaphore_mem>>
      %dma_start3A_28 = arith.constant 0 : i32
      %dma_start3A_29 = tpu.memref_slice %arg6[%arg0, %mul3A_26, %dma_start3A_28] : memref<2x10112x32xf32, #tpu.memory_space<hbm>> -> memref<1x632x32xf32, #tpu.memory_space<hbm>>
      %dma_start3A_30 = tpu.memref_squeeze %dma_start3A_29 : memref<1x632x32xf32, #tpu.memory_space<hbm>> -> memref<632x32xf32, #tpu.memory_space<hbm>>
      %dma_start3A_31 = arith.constant 0 : i32
      %dma_start3A_32 = tpu.memref_slice %arg15[%mul3A_24, %dma_start3A_31] : memref<10112x32xf32, #tpu.memory_space<vmem_shared>> -> memref<632x32xf32, #tpu.memory_space<vmem_shared>>
      tpu.enqueue_dma source(%dma_start3A_32 : memref<632x32xf32, #tpu.memory_space<vmem_shared>>) target(%dma_start3A_30 : memref<632x32xf32, #tpu.memory_space<hbm>>) target_semaphore(%run_scoped3A_27 : memref<!tpu.dma_semaphore, #tpu.memory_space<semaphore_mem>>)
      %dma_wait3A_33 = arith.constant 0 : i32
      %dma_wait3A_34 = tpu.memref_slice %arg6[%arg0, %mul3A_26, %dma_wait3A_33] : memref<2x10112x32xf32, #tpu.memory_space<hbm>> -> memref<1x632x32xf32, #tpu.memory_space<hbm>>
      %dma_wait3A_35 = tpu.memref_squeeze %dma_wait3A_34 : memref<1x632x32xf32, #tpu.memory_space<hbm>> -> memref<632x32xf32, #tpu.memory_space<hbm>>
      %dma_wait3A_36 = arith.constant 0 : i32
      %dma_wait3A_37 = tpu.memref_slice %arg15[%mul3A_24, %dma_wait3A_36] : memref<10112x32xf32, #tpu.memory_space<vmem_shared>> -> memref<632x32xf32, #tpu.memory_space<vmem_shared>>
      tpu.wait_dma2 semaphore(%run_scoped3A_27 : memref<!tpu.dma_semaphore, #tpu.memory_space<semaphore_mem>>) src(%dma_wait3A_37 : memref<632x32xf32, #tpu.memory_space<vmem_shared>>) dst(%dma_wait3A_35 : memref<632x32xf32, #tpu.memory_space<hbm>>)
      tpu.yield
    }) : () -> ()
    return
  }
}

#map = affine_map<(d0, d1) -> (0, 0)>
#map1 = affine_map<(d0, d1) -> (0, 0, 0)>
#map2 = affine_map<(d0, d1) -> (0)>
module attributes {stable_mosaic.version = 14 : i64} {
  func.func @body(%arg0: i32, %arg1: i32, %arg2: memref<10112x64xf32, #tpu.memory_space<hbm>>, %arg3: memref<32x79x128xi32, #tpu.memory_space<hbm>>, %arg4: memref<32x79x128xi32, #tpu.memory_space<hbm>>, %arg5: memref<10112x64xf32, #tpu.memory_space<hbm>>, %arg6: memref<10112xf32, #tpu.memory_space<hbm>>, %arg7: memref<2x10112x64xf32, #tpu.memory_space<hbm>>, %arg8: memref<32x79x128xf32, #tpu.memory_space<hbm>>, %arg9: memref<79x128xi32, #tpu.memory_space<vmem>>, %arg10: memref<79x128xi32, #tpu.memory_space<vmem>>, %arg11: memref<128x64xf32, #tpu.memory_space<vmem>>, %arg12: memref<128x64xf32, #tpu.memory_space<vmem>>, %arg13: memref<!tpu.dma_semaphore, #tpu.memory_space<semaphore_mem>>, %arg14: memref<!tpu.dma_semaphore, #tpu.memory_space<semaphore_mem>>, %arg15: memref<!tpu.dma_semaphore, #tpu.memory_space<semaphore_mem>>, %arg16: memref<!tpu.dma_semaphore, #tpu.memory_space<semaphore_mem>>, %arg17: memref<10112x64xf32, #tpu.memory_space<vmem_shared>>, %arg18: memref<10112xf32, #tpu.memory_space<vmem>>, %arg19: memref<79x128xf32, #tpu.memory_space<vmem>>) attributes {dimension_semantics = [#tpu.dimension_semantics<core_parallel>, #tpu.dimension_semantics<subcore_parallel>], iteration_bounds = array<i64: 2, 16>, scalar_prefetch = 0 : i64, scratch_operands = 11 : i64, tpu.core_type = #tpu.core_type<sc_vector_subcore>, window_params = [{transform_indices = #map}, {transform_indices = #map1}, {transform_indices = #map1}, {transform_indices = #map}, {transform_indices = #map2}, {transform_indices = #map1}, {transform_indices = #map1}]} {
    %mul3A = arith.constant 16 : i32
    %mul3A_0 = arith.muli %arg0, %mul3A : i32
    %add3A = arith.addi %mul3A_0, %arg1 : i32
    "tpu.region"() ({
      %run_scoped3A_33 = tpu.sem_alloc : memref<!tpu.dma_semaphore, #tpu.memory_space<semaphore_mem>>
      %dma_start3A_34 = arith.constant 0 : i32
      %dma_start3A_35 = arith.constant 0 : i32
      %dma_start3A_36 = tpu.memref_slice %arg3[%add3A, %dma_start3A_34, %dma_start3A_35] : memref<32x79x128xi32, #tpu.memory_space<hbm>> -> memref<1x79x128xi32, #tpu.memory_space<hbm>>
      %dma_start3A_37 = tpu.memref_squeeze %dma_start3A_36 : memref<1x79x128xi32, #tpu.memory_space<hbm>> -> memref<79x128xi32, #tpu.memory_space<hbm>>
      %dma_start3A_38 = arith.constant 0 : i32
      %dma_start3A_39 = arith.constant 0 : i32
      %dma_start3A_40 = tpu.memref_slice %arg3[%add3A, %dma_start3A_38, %dma_start3A_39] : memref<32x79x128xi32, #tpu.memory_space<hbm>> -> memref<1x79x128xi32, #tpu.memory_space<hbm>>
      %dma_start3A_41 = tpu.memref_squeeze %dma_start3A_40 : memref<1x79x128xi32, #tpu.memory_space<hbm>> -> memref<79x128xi32, #tpu.memory_space<hbm>>
      tpu.enqueue_dma source(%dma_start3A_41 : memref<79x128xi32, #tpu.memory_space<hbm>>) target(%arg9 : memref<79x128xi32, #tpu.memory_space<vmem>>) target_semaphore(%run_scoped3A_33 : memref<!tpu.dma_semaphore, #tpu.memory_space<semaphore_mem>>)
      %dma_wait3A_42 = arith.constant 0 : i32
      %dma_wait3A_43 = arith.constant 0 : i32
      %dma_wait3A_44 = tpu.memref_slice %arg3[%add3A, %dma_wait3A_42, %dma_wait3A_43] : memref<32x79x128xi32, #tpu.memory_space<hbm>> -> memref<1x79x128xi32, #tpu.memory_space<hbm>>
      %dma_wait3A_45 = tpu.memref_squeeze %dma_wait3A_44 : memref<1x79x128xi32, #tpu.memory_space<hbm>> -> memref<79x128xi32, #tpu.memory_space<hbm>>
      %dma_wait3A_46 = arith.constant 0 : i32
      %dma_wait3A_47 = arith.constant 0 : i32
      %dma_wait3A_48 = tpu.memref_slice %arg3[%add3A, %dma_wait3A_46, %dma_wait3A_47] : memref<32x79x128xi32, #tpu.memory_space<hbm>> -> memref<1x79x128xi32, #tpu.memory_space<hbm>>
      %dma_wait3A_49 = tpu.memref_squeeze %dma_wait3A_48 : memref<1x79x128xi32, #tpu.memory_space<hbm>> -> memref<79x128xi32, #tpu.memory_space<hbm>>
      tpu.wait_dma2 semaphore(%run_scoped3A_33 : memref<!tpu.dma_semaphore, #tpu.memory_space<semaphore_mem>>) src(%dma_wait3A_49 : memref<79x128xi32, #tpu.memory_space<hbm>>) dst(%arg9 : memref<79x128xi32, #tpu.memory_space<vmem>>)
      tpu.yield
    }) : () -> ()
    "tpu.region"() ({
      %run_scoped3A_33 = tpu.sem_alloc : memref<!tpu.dma_semaphore, #tpu.memory_space<semaphore_mem>>
      %dma_start3A_34 = arith.constant 0 : i32
      %dma_start3A_35 = arith.constant 0 : i32
      %dma_start3A_36 = tpu.memref_slice %arg4[%add3A, %dma_start3A_34, %dma_start3A_35] : memref<32x79x128xi32, #tpu.memory_space<hbm>> -> memref<1x79x128xi32, #tpu.memory_space<hbm>>
      %dma_start3A_37 = tpu.memref_squeeze %dma_start3A_36 : memref<1x79x128xi32, #tpu.memory_space<hbm>> -> memref<79x128xi32, #tpu.memory_space<hbm>>
      %dma_start3A_38 = arith.constant 0 : i32
      %dma_start3A_39 = arith.constant 0 : i32
      %dma_start3A_40 = tpu.memref_slice %arg4[%add3A, %dma_start3A_38, %dma_start3A_39] : memref<32x79x128xi32, #tpu.memory_space<hbm>> -> memref<1x79x128xi32, #tpu.memory_space<hbm>>
      %dma_start3A_41 = tpu.memref_squeeze %dma_start3A_40 : memref<1x79x128xi32, #tpu.memory_space<hbm>> -> memref<79x128xi32, #tpu.memory_space<hbm>>
      tpu.enqueue_dma source(%dma_start3A_41 : memref<79x128xi32, #tpu.memory_space<hbm>>) target(%arg10 : memref<79x128xi32, #tpu.memory_space<vmem>>) target_semaphore(%run_scoped3A_33 : memref<!tpu.dma_semaphore, #tpu.memory_space<semaphore_mem>>)
      %dma_wait3A_42 = arith.constant 0 : i32
      %dma_wait3A_43 = arith.constant 0 : i32
      %dma_wait3A_44 = tpu.memref_slice %arg4[%add3A, %dma_wait3A_42, %dma_wait3A_43] : memref<32x79x128xi32, #tpu.memory_space<hbm>> -> memref<1x79x128xi32, #tpu.memory_space<hbm>>
      %dma_wait3A_45 = tpu.memref_squeeze %dma_wait3A_44 : memref<1x79x128xi32, #tpu.memory_space<hbm>> -> memref<79x128xi32, #tpu.memory_space<hbm>>
      %dma_wait3A_46 = arith.constant 0 : i32
      %dma_wait3A_47 = arith.constant 0 : i32
      %dma_wait3A_48 = tpu.memref_slice %arg4[%add3A, %dma_wait3A_46, %dma_wait3A_47] : memref<32x79x128xi32, #tpu.memory_space<hbm>> -> memref<1x79x128xi32, #tpu.memory_space<hbm>>
      %dma_wait3A_49 = tpu.memref_squeeze %dma_wait3A_48 : memref<1x79x128xi32, #tpu.memory_space<hbm>> -> memref<79x128xi32, #tpu.memory_space<hbm>>
      tpu.wait_dma2 semaphore(%run_scoped3A_33 : memref<!tpu.dma_semaphore, #tpu.memory_space<semaphore_mem>>) src(%dma_wait3A_49 : memref<79x128xi32, #tpu.memory_space<hbm>>) dst(%arg10 : memref<79x128xi32, #tpu.memory_space<vmem>>)
      tpu.yield
    }) : () -> ()
    %mul3A_1 = arith.constant 632 : i32
    %mul3A_2 = arith.muli %arg1, %mul3A_1 : i32
    %mul3A_3 = arith.constant 632 : i32
    %mul3A_4 = arith.muli %arg1, %mul3A_3 : i32
    "tpu.region"() ({
      %run_scoped3A_33 = tpu.sem_alloc : memref<!tpu.dma_semaphore, #tpu.memory_space<semaphore_mem>>
      %dma_start3A_34 = arith.constant 0 : i32
      %dma_start3A_35 = tpu.memref_slice %arg17[%mul3A_4, %dma_start3A_34] : memref<10112x64xf32, #tpu.memory_space<vmem_shared>> -> memref<632x64xf32, #tpu.memory_space<vmem_shared>>
      %dma_start3A_36 = arith.constant 0 : i32
      %dma_start3A_37 = tpu.memref_slice %arg5[%mul3A_2, %dma_start3A_36] : memref<10112x64xf32, #tpu.memory_space<hbm>> -> memref<632x64xf32, #tpu.memory_space<hbm>>
      tpu.enqueue_dma source(%dma_start3A_37 : memref<632x64xf32, #tpu.memory_space<hbm>>) target(%dma_start3A_35 : memref<632x64xf32, #tpu.memory_space<vmem_shared>>) target_semaphore(%run_scoped3A_33 : memref<!tpu.dma_semaphore, #tpu.memory_space<semaphore_mem>>)
      %dma_wait3A_38 = arith.constant 0 : i32
      %dma_wait3A_39 = tpu.memref_slice %arg17[%mul3A_4, %dma_wait3A_38] : memref<10112x64xf32, #tpu.memory_space<vmem_shared>> -> memref<632x64xf32, #tpu.memory_space<vmem_shared>>
      %dma_wait3A_40 = arith.constant 0 : i32
      %dma_wait3A_41 = tpu.memref_slice %arg5[%mul3A_2, %dma_wait3A_40] : memref<10112x64xf32, #tpu.memory_space<hbm>> -> memref<632x64xf32, #tpu.memory_space<hbm>>
      tpu.wait_dma2 semaphore(%run_scoped3A_33 : memref<!tpu.dma_semaphore, #tpu.memory_space<semaphore_mem>>) src(%dma_wait3A_41 : memref<632x64xf32, #tpu.memory_space<hbm>>) dst(%dma_wait3A_39 : memref<632x64xf32, #tpu.memory_space<vmem_shared>>)
      tpu.yield
    }) : () -> ()
    %barrier3A = arith.constant 0 : index
    tpu.barrier barrier_id(%barrier3A)
    %scan3A = arith.constant 0 : i32
    %scan3A_5 = arith.constant 0 : i32
    %scan3A_6 = arith.constant 39 : i32
    %scan3A_7 = arith.addi %scan3A_5, %scan3A_6 : i32
    %scan3A_8 = arith.constant 1 : i32
    scf.for %scan3A_33 = %scan3A_5 to %scan3A_7 step %scan3A_8  : i32 {
      %mul3A_34 = arith.constant 2 : i32
      %mul3A_35 = arith.muli %scan3A_33, %mul3A_34 : i32
      %dma_start3A_36 = arith.constant 0 : i32
      %dma_start3A_37 = tpu.memref_slice %arg9[%mul3A_35, %dma_start3A_36] : memref<79x128xi32, #tpu.memory_space<vmem>> -> memref<1x128xi32, #tpu.memory_space<vmem>>
      %dma_start3A_38 = tpu.memref_squeeze %dma_start3A_37 : memref<1x128xi32, #tpu.memory_space<vmem>> -> memref<128xi32, #tpu.memory_space<vmem>>
      %dma_start3A_39 = arith.constant 0 : i32
      %dma_start3A_40 = arith.constant 0 : i32
      %dma_start3A_41 = tpu.memref_slice %arg2[%dma_start3A_39, %dma_start3A_40] : memref<10112x64xf32, #tpu.memory_space<hbm>> -> memref<10112x64xf32, #tpu.memory_space<hbm>>
      tpu.enqueue_indirect_dma source(%dma_start3A_41 : memref<10112x64xf32, #tpu.memory_space<hbm>>) target(%arg11 : memref<128x64xf32, #tpu.memory_space<vmem>>) offsets(%dma_start3A_38 : memref<128xi32, #tpu.memory_space<vmem>>) semaphore(%arg13 : memref<!tpu.dma_semaphore, #tpu.memory_space<semaphore_mem>>)
      %add3A_42 = arith.constant 1 : i32
      %add3A_43 = arith.addi %mul3A_35, %add3A_42 : i32
      %dma_start3A_44 = arith.constant 0 : i32
      %dma_start3A_45 = tpu.memref_slice %arg9[%add3A_43, %dma_start3A_44] : memref<79x128xi32, #tpu.memory_space<vmem>> -> memref<1x128xi32, #tpu.memory_space<vmem>>
      %dma_start3A_46 = tpu.memref_squeeze %dma_start3A_45 : memref<1x128xi32, #tpu.memory_space<vmem>> -> memref<128xi32, #tpu.memory_space<vmem>>
      %dma_start3A_47 = arith.constant 0 : i32
      %dma_start3A_48 = arith.constant 0 : i32
      %dma_start3A_49 = tpu.memref_slice %arg2[%dma_start3A_47, %dma_start3A_48] : memref<10112x64xf32, #tpu.memory_space<hbm>> -> memref<10112x64xf32, #tpu.memory_space<hbm>>
      tpu.enqueue_indirect_dma source(%dma_start3A_49 : memref<10112x64xf32, #tpu.memory_space<hbm>>) target(%arg12 : memref<128x64xf32, #tpu.memory_space<vmem>>) offsets(%dma_start3A_46 : memref<128xi32, #tpu.memory_space<vmem>>) semaphore(%arg14 : memref<!tpu.dma_semaphore, #tpu.memory_space<semaphore_mem>>)
      %dma_wait3A_50 = arith.constant 0 : i32
      %dma_wait3A_51 = tpu.memref_slice %arg9[%mul3A_35, %dma_wait3A_50] : memref<79x128xi32, #tpu.memory_space<vmem>> -> memref<1x128xi32, #tpu.memory_space<vmem>>
      %dma_wait3A_52 = tpu.memref_squeeze %dma_wait3A_51 : memref<1x128xi32, #tpu.memory_space<vmem>> -> memref<128xi32, #tpu.memory_space<vmem>>
      %dma_wait3A_53 = arith.constant 0 : i32
      %dma_wait3A_54 = arith.constant 0 : i32
      %dma_wait3A_55 = tpu.memref_slice %arg2[%dma_wait3A_53, %dma_wait3A_54] : memref<10112x64xf32, #tpu.memory_space<hbm>> -> memref<10112x64xf32, #tpu.memory_space<hbm>>
      tpu.wait_indirect_dma semaphore(%arg13 : memref<!tpu.dma_semaphore, #tpu.memory_space<semaphore_mem>>) src(%dma_wait3A_55 : memref<10112x64xf32, #tpu.memory_space<hbm>>) dst(%arg11 : memref<128x64xf32, #tpu.memory_space<vmem>>)
      %dma_start3A_56 = arith.constant 0 : i32
      %dma_start3A_57 = tpu.memref_slice %arg10[%mul3A_35, %dma_start3A_56] : memref<79x128xi32, #tpu.memory_space<vmem>> -> memref<1x128xi32, #tpu.memory_space<vmem>>
      %dma_start3A_58 = tpu.memref_squeeze %dma_start3A_57 : memref<1x128xi32, #tpu.memory_space<vmem>> -> memref<128xi32, #tpu.memory_space<vmem>>
      %dma_start3A_59 = arith.constant 0 : i32
      %dma_start3A_60 = arith.constant 0 : i32
      %dma_start3A_61 = tpu.memref_slice %arg17[%dma_start3A_59, %dma_start3A_60] : memref<10112x64xf32, #tpu.memory_space<vmem_shared>> -> memref<10112x64xf32, #tpu.memory_space<vmem_shared>>
      tpu.enqueue_indirect_dma source(%arg11 : memref<128x64xf32, #tpu.memory_space<vmem>>) target(%dma_start3A_61 : memref<10112x64xf32, #tpu.memory_space<vmem_shared>>) offsets(%dma_start3A_58 : memref<128xi32, #tpu.memory_space<vmem>>) semaphore(%arg15 : memref<!tpu.dma_semaphore, #tpu.memory_space<semaphore_mem>>) {add = true}
      %dma_wait3A_62 = arith.constant 0 : i32
      %dma_wait3A_63 = tpu.memref_slice %arg9[%add3A_43, %dma_wait3A_62] : memref<79x128xi32, #tpu.memory_space<vmem>> -> memref<1x128xi32, #tpu.memory_space<vmem>>
      %dma_wait3A_64 = tpu.memref_squeeze %dma_wait3A_63 : memref<1x128xi32, #tpu.memory_space<vmem>> -> memref<128xi32, #tpu.memory_space<vmem>>
      %dma_wait3A_65 = arith.constant 0 : i32
      %dma_wait3A_66 = arith.constant 0 : i32
      %dma_wait3A_67 = tpu.memref_slice %arg2[%dma_wait3A_65, %dma_wait3A_66] : memref<10112x64xf32, #tpu.memory_space<hbm>> -> memref<10112x64xf32, #tpu.memory_space<hbm>>
      tpu.wait_indirect_dma semaphore(%arg14 : memref<!tpu.dma_semaphore, #tpu.memory_space<semaphore_mem>>) src(%dma_wait3A_67 : memref<10112x64xf32, #tpu.memory_space<hbm>>) dst(%arg12 : memref<128x64xf32, #tpu.memory_space<vmem>>)
      %add3A_68 = arith.constant 1 : i32
      %add3A_69 = arith.addi %mul3A_35, %add3A_68 : i32
      %dma_start3A_70 = arith.constant 0 : i32
      %dma_start3A_71 = tpu.memref_slice %arg10[%add3A_69, %dma_start3A_70] : memref<79x128xi32, #tpu.memory_space<vmem>> -> memref<1x128xi32, #tpu.memory_space<vmem>>
      %dma_start3A_72 = tpu.memref_squeeze %dma_start3A_71 : memref<1x128xi32, #tpu.memory_space<vmem>> -> memref<128xi32, #tpu.memory_space<vmem>>
      %dma_start3A_73 = arith.constant 0 : i32
      %dma_start3A_74 = arith.constant 0 : i32
      %dma_start3A_75 = tpu.memref_slice %arg17[%dma_start3A_73, %dma_start3A_74] : memref<10112x64xf32, #tpu.memory_space<vmem_shared>> -> memref<10112x64xf32, #tpu.memory_space<vmem_shared>>
      tpu.enqueue_indirect_dma source(%arg12 : memref<128x64xf32, #tpu.memory_space<vmem>>) target(%dma_start3A_75 : memref<10112x64xf32, #tpu.memory_space<vmem_shared>>) offsets(%dma_start3A_72 : memref<128xi32, #tpu.memory_space<vmem>>) semaphore(%arg16 : memref<!tpu.dma_semaphore, #tpu.memory_space<semaphore_mem>>) {add = true}
      %dma_wait3A_76 = arith.constant 0 : i32
      %dma_wait3A_77 = tpu.memref_slice %arg10[%mul3A_35, %dma_wait3A_76] : memref<79x128xi32, #tpu.memory_space<vmem>> -> memref<1x128xi32, #tpu.memory_space<vmem>>
      %dma_wait3A_78 = tpu.memref_squeeze %dma_wait3A_77 : memref<1x128xi32, #tpu.memory_space<vmem>> -> memref<128xi32, #tpu.memory_space<vmem>>
      %dma_wait3A_79 = arith.constant 0 : i32
      %dma_wait3A_80 = arith.constant 0 : i32
      %dma_wait3A_81 = tpu.memref_slice %arg17[%dma_wait3A_79, %dma_wait3A_80] : memref<10112x64xf32, #tpu.memory_space<vmem_shared>> -> memref<10112x64xf32, #tpu.memory_space<vmem_shared>>
      tpu.wait_indirect_dma semaphore(%arg15 : memref<!tpu.dma_semaphore, #tpu.memory_space<semaphore_mem>>) src(%arg11 : memref<128x64xf32, #tpu.memory_space<vmem>>) dst(%dma_wait3A_81 : memref<10112x64xf32, #tpu.memory_space<vmem_shared>>)
      %dma_wait3A_82 = arith.constant 0 : i32
      %dma_wait3A_83 = tpu.memref_slice %arg10[%add3A_69, %dma_wait3A_82] : memref<79x128xi32, #tpu.memory_space<vmem>> -> memref<1x128xi32, #tpu.memory_space<vmem>>
      %dma_wait3A_84 = tpu.memref_squeeze %dma_wait3A_83 : memref<1x128xi32, #tpu.memory_space<vmem>> -> memref<128xi32, #tpu.memory_space<vmem>>
      %dma_wait3A_85 = arith.constant 0 : i32
      %dma_wait3A_86 = arith.constant 0 : i32
      %dma_wait3A_87 = tpu.memref_slice %arg17[%dma_wait3A_85, %dma_wait3A_86] : memref<10112x64xf32, #tpu.memory_space<vmem_shared>> -> memref<10112x64xf32, #tpu.memory_space<vmem_shared>>
      tpu.wait_indirect_dma semaphore(%arg16 : memref<!tpu.dma_semaphore, #tpu.memory_space<semaphore_mem>>) src(%arg12 : memref<128x64xf32, #tpu.memory_space<vmem>>) dst(%dma_wait3A_87 : memref<10112x64xf32, #tpu.memory_space<vmem_shared>>)
    }
    %scan3A_9 = arith.constant 39 : i32
    %dma_start3A = arith.constant 78 : i32
    %dma_start3A_10 = arith.constant 0 : i32
    %dma_start3A_11 = tpu.memref_slice %arg9[%dma_start3A, %dma_start3A_10] : memref<79x128xi32, #tpu.memory_space<vmem>> -> memref<1x128xi32, #tpu.memory_space<vmem>>
    %dma_start3A_12 = tpu.memref_squeeze %dma_start3A_11 : memref<1x128xi32, #tpu.memory_space<vmem>> -> memref<128xi32, #tpu.memory_space<vmem>>
    %dma_start3A_13 = arith.constant 0 : i32
    %dma_start3A_14 = arith.constant 0 : i32
    %dma_start3A_15 = tpu.memref_slice %arg2[%dma_start3A_13, %dma_start3A_14] : memref<10112x64xf32, #tpu.memory_space<hbm>> -> memref<10112x64xf32, #tpu.memory_space<hbm>>
    tpu.enqueue_indirect_dma source(%dma_start3A_15 : memref<10112x64xf32, #tpu.memory_space<hbm>>) target(%arg11 : memref<128x64xf32, #tpu.memory_space<vmem>>) offsets(%dma_start3A_12 : memref<128xi32, #tpu.memory_space<vmem>>) semaphore(%arg13 : memref<!tpu.dma_semaphore, #tpu.memory_space<semaphore_mem>>)
    %dma_wait3A = arith.constant 78 : i32
    %dma_wait3A_16 = arith.constant 0 : i32
    %dma_wait3A_17 = tpu.memref_slice %arg9[%dma_wait3A, %dma_wait3A_16] : memref<79x128xi32, #tpu.memory_space<vmem>> -> memref<1x128xi32, #tpu.memory_space<vmem>>
    %dma_wait3A_18 = tpu.memref_squeeze %dma_wait3A_17 : memref<1x128xi32, #tpu.memory_space<vmem>> -> memref<128xi32, #tpu.memory_space<vmem>>
    %dma_wait3A_19 = arith.constant 0 : i32
    %dma_wait3A_20 = arith.constant 0 : i32
    %dma_wait3A_21 = tpu.memref_slice %arg2[%dma_wait3A_19, %dma_wait3A_20] : memref<10112x64xf32, #tpu.memory_space<hbm>> -> memref<10112x64xf32, #tpu.memory_space<hbm>>
    tpu.wait_indirect_dma semaphore(%arg13 : memref<!tpu.dma_semaphore, #tpu.memory_space<semaphore_mem>>) src(%dma_wait3A_21 : memref<10112x64xf32, #tpu.memory_space<hbm>>) dst(%arg11 : memref<128x64xf32, #tpu.memory_space<vmem>>)
    %run_scoped3A = arith.constant 78 : i32
    "tpu.region"() ({
      %run_scoped3A_33 = tpu.sem_alloc : memref<!tpu.dma_semaphore, #tpu.memory_space<semaphore_mem>>
      %dma_start3A_34 = arith.constant 0 : i32
      %dma_start3A_35 = tpu.memref_slice %arg10[%run_scoped3A, %dma_start3A_34] : memref<79x128xi32, #tpu.memory_space<vmem>> -> memref<1x128xi32, #tpu.memory_space<vmem>>
      %dma_start3A_36 = tpu.memref_squeeze %dma_start3A_35 : memref<1x128xi32, #tpu.memory_space<vmem>> -> memref<128xi32, #tpu.memory_space<vmem>>
      %dma_start3A_37 = arith.constant 0 : i32
      %dma_start3A_38 = arith.constant 0 : i32
      %dma_start3A_39 = tpu.memref_slice %arg17[%dma_start3A_37, %dma_start3A_38] : memref<10112x64xf32, #tpu.memory_space<vmem_shared>> -> memref<10112x64xf32, #tpu.memory_space<vmem_shared>>
      tpu.enqueue_indirect_dma source(%arg11 : memref<128x64xf32, #tpu.memory_space<vmem>>) target(%dma_start3A_39 : memref<10112x64xf32, #tpu.memory_space<vmem_shared>>) offsets(%dma_start3A_36 : memref<128xi32, #tpu.memory_space<vmem>>) semaphore(%run_scoped3A_33 : memref<!tpu.dma_semaphore, #tpu.memory_space<semaphore_mem>>) {add = true}
      %dma_wait3A_40 = arith.constant 0 : i32
      %dma_wait3A_41 = tpu.memref_slice %arg10[%run_scoped3A, %dma_wait3A_40] : memref<79x128xi32, #tpu.memory_space<vmem>> -> memref<1x128xi32, #tpu.memory_space<vmem>>
      %dma_wait3A_42 = tpu.memref_squeeze %dma_wait3A_41 : memref<1x128xi32, #tpu.memory_space<vmem>> -> memref<128xi32, #tpu.memory_space<vmem>>
      %dma_wait3A_43 = arith.constant 0 : i32
      %dma_wait3A_44 = arith.constant 0 : i32
      %dma_wait3A_45 = tpu.memref_slice %arg17[%dma_wait3A_43, %dma_wait3A_44] : memref<10112x64xf32, #tpu.memory_space<vmem_shared>> -> memref<10112x64xf32, #tpu.memory_space<vmem_shared>>
      tpu.wait_indirect_dma semaphore(%run_scoped3A_33 : memref<!tpu.dma_semaphore, #tpu.memory_space<semaphore_mem>>) src(%arg11 : memref<128x64xf32, #tpu.memory_space<vmem>>) dst(%dma_wait3A_45 : memref<10112x64xf32, #tpu.memory_space<vmem_shared>>)
      tpu.yield
    }) : () -> ()
    "tpu.region"() ({
      %run_scoped3A_33 = tpu.sem_alloc : memref<!tpu.dma_semaphore, #tpu.memory_space<semaphore_mem>>
      tpu.enqueue_dma source(%arg6 : memref<10112xf32, #tpu.memory_space<hbm>>) target(%arg18 : memref<10112xf32, #tpu.memory_space<vmem>>) target_semaphore(%run_scoped3A_33 : memref<!tpu.dma_semaphore, #tpu.memory_space<semaphore_mem>>)
      tpu.wait_dma2 semaphore(%run_scoped3A_33 : memref<!tpu.dma_semaphore, #tpu.memory_space<semaphore_mem>>) src(%arg6 : memref<10112xf32, #tpu.memory_space<hbm>>) dst(%arg18 : memref<10112xf32, #tpu.memory_space<vmem>>)
      tpu.yield
    }) : () -> ()
    %scan3A_22 = arith.constant 0 : i32
    %scan3A_23 = arith.constant 0 : i32
    %scan3A_24 = arith.constant 79 : i32
    %scan3A_25 = arith.addi %scan3A_23, %scan3A_24 : i32
    %scan3A_26 = arith.constant 1 : i32
    scf.for %scan3A_33 = %scan3A_23 to %scan3A_25 step %scan3A_26  : i32 {
      %get3A = arith.index_cast %scan3A_33 : i32 to index
      %get3A_34 = arith.constant 0 : index
      %get3A_35 = tpu.vector_load %arg9[%get3A, %get3A_34] {strides = array<i32>} : memref<79x128xi32, #tpu.memory_space<vmem>>, vector<16xi32>,
      %get3A_36 = arith.index_cast %scan3A_33 : i32 to index
      %get3A_37 = arith.constant 0 : index
      %get3A_38 = tpu.vector_load %arg10[%get3A_36, %get3A_37] {strides = array<i32>} : memref<79x128xi32, #tpu.memory_space<vmem>>, vector<16xi32>,
      %gather3A = tpu.vector_load_idx %arg18[%get3A_35] : memref<10112xf32, #tpu.memory_space<vmem>>[vector<16xi32>], vector<16xf32>,
      %gather3A_39 = tpu.vector_load_idx %arg18[%get3A_38] : memref<10112xf32, #tpu.memory_space<vmem>>[vector<16xi32>], vector<16xf32>,
      %mul3A_40 = arith.mulf %gather3A, %gather3A_39 : vector<16xf32>
      %swap3A = arith.index_cast %scan3A_33 : i32 to index
      %swap3A_41 = arith.constant 0 : index
      %swap3A_42 = tpu.vector_load %arg19[%swap3A, %swap3A_41] {strides = array<i32>} : memref<79x128xf32, #tpu.memory_space<vmem>>, vector<16xf32>,
      tpu.vector_store %arg19[%swap3A, %swap3A_41], %mul3A_40 {strides = array<i32>} : memref<79x128xf32, #tpu.memory_space<vmem>>, vector<16xf32>,
      %get3A_43 = arith.index_cast %scan3A_33 : i32 to index
      %get3A_44 = arith.constant 16 : index
      %get3A_45 = tpu.vector_load %arg9[%get3A_43, %get3A_44] {strides = array<i32>} : memref<79x128xi32, #tpu.memory_space<vmem>>, vector<16xi32>,
      %get3A_46 = arith.index_cast %scan3A_33 : i32 to index
      %get3A_47 = arith.constant 16 : index
      %get3A_48 = tpu.vector_load %arg10[%get3A_46, %get3A_47] {strides = array<i32>} : memref<79x128xi32, #tpu.memory_space<vmem>>, vector<16xi32>,
      %gather3A_49 = tpu.vector_load_idx %arg18[%get3A_45] : memref<10112xf32, #tpu.memory_space<vmem>>[vector<16xi32>], vector<16xf32>,
      %gather3A_50 = tpu.vector_load_idx %arg18[%get3A_48] : memref<10112xf32, #tpu.memory_space<vmem>>[vector<16xi32>], vector<16xf32>,
      %mul3A_51 = arith.mulf %gather3A_49, %gather3A_50 : vector<16xf32>
      %swap3A_52 = arith.index_cast %scan3A_33 : i32 to index
      %swap3A_53 = arith.constant 16 : index
      %swap3A_54 = tpu.vector_load %arg19[%swap3A_52, %swap3A_53] {strides = array<i32>} : memref<79x128xf32, #tpu.memory_space<vmem>>, vector<16xf32>,
      tpu.vector_store %arg19[%swap3A_52, %swap3A_53], %mul3A_51 {strides = array<i32>} : memref<79x128xf32, #tpu.memory_space<vmem>>, vector<16xf32>,
      %get3A_55 = arith.index_cast %scan3A_33 : i32 to index
      %get3A_56 = arith.constant 32 : index
      %get3A_57 = tpu.vector_load %arg9[%get3A_55, %get3A_56] {strides = array<i32>} : memref<79x128xi32, #tpu.memory_space<vmem>>, vector<16xi32>,
      %get3A_58 = arith.index_cast %scan3A_33 : i32 to index
      %get3A_59 = arith.constant 32 : index
      %get3A_60 = tpu.vector_load %arg10[%get3A_58, %get3A_59] {strides = array<i32>} : memref<79x128xi32, #tpu.memory_space<vmem>>, vector<16xi32>,
      %gather3A_61 = tpu.vector_load_idx %arg18[%get3A_57] : memref<10112xf32, #tpu.memory_space<vmem>>[vector<16xi32>], vector<16xf32>,
      %gather3A_62 = tpu.vector_load_idx %arg18[%get3A_60] : memref<10112xf32, #tpu.memory_space<vmem>>[vector<16xi32>], vector<16xf32>,
      %mul3A_63 = arith.mulf %gather3A_61, %gather3A_62 : vector<16xf32>
      %swap3A_64 = arith.index_cast %scan3A_33 : i32 to index
      %swap3A_65 = arith.constant 32 : index
      %swap3A_66 = tpu.vector_load %arg19[%swap3A_64, %swap3A_65] {strides = array<i32>} : memref<79x128xf32, #tpu.memory_space<vmem>>, vector<16xf32>,
      tpu.vector_store %arg19[%swap3A_64, %swap3A_65], %mul3A_63 {strides = array<i32>} : memref<79x128xf32, #tpu.memory_space<vmem>>, vector<16xf32>,
      %get3A_67 = arith.index_cast %scan3A_33 : i32 to index
      %get3A_68 = arith.constant 48 : index
      %get3A_69 = tpu.vector_load %arg9[%get3A_67, %get3A_68] {strides = array<i32>} : memref<79x128xi32, #tpu.memory_space<vmem>>, vector<16xi32>,
      %get3A_70 = arith.index_cast %scan3A_33 : i32 to index
      %get3A_71 = arith.constant 48 : index
      %get3A_72 = tpu.vector_load %arg10[%get3A_70, %get3A_71] {strides = array<i32>} : memref<79x128xi32, #tpu.memory_space<vmem>>, vector<16xi32>,
      %gather3A_73 = tpu.vector_load_idx %arg18[%get3A_69] : memref<10112xf32, #tpu.memory_space<vmem>>[vector<16xi32>], vector<16xf32>,
      %gather3A_74 = tpu.vector_load_idx %arg18[%get3A_72] : memref<10112xf32, #tpu.memory_space<vmem>>[vector<16xi32>], vector<16xf32>,
      %mul3A_75 = arith.mulf %gather3A_73, %gather3A_74 : vector<16xf32>
      %swap3A_76 = arith.index_cast %scan3A_33 : i32 to index
      %swap3A_77 = arith.constant 48 : index
      %swap3A_78 = tpu.vector_load %arg19[%swap3A_76, %swap3A_77] {strides = array<i32>} : memref<79x128xf32, #tpu.memory_space<vmem>>, vector<16xf32>,
      tpu.vector_store %arg19[%swap3A_76, %swap3A_77], %mul3A_75 {strides = array<i32>} : memref<79x128xf32, #tpu.memory_space<vmem>>, vector<16xf32>,
      %get3A_79 = arith.index_cast %scan3A_33 : i32 to index
      %get3A_80 = arith.constant 64 : index
      %get3A_81 = tpu.vector_load %arg9[%get3A_79, %get3A_80] {strides = array<i32>} : memref<79x128xi32, #tpu.memory_space<vmem>>, vector<16xi32>,
      %get3A_82 = arith.index_cast %scan3A_33 : i32 to index
      %get3A_83 = arith.constant 64 : index
      %get3A_84 = tpu.vector_load %arg10[%get3A_82, %get3A_83] {strides = array<i32>} : memref<79x128xi32, #tpu.memory_space<vmem>>, vector<16xi32>,
      %gather3A_85 = tpu.vector_load_idx %arg18[%get3A_81] : memref<10112xf32, #tpu.memory_space<vmem>>[vector<16xi32>], vector<16xf32>,
      %gather3A_86 = tpu.vector_load_idx %arg18[%get3A_84] : memref<10112xf32, #tpu.memory_space<vmem>>[vector<16xi32>], vector<16xf32>,
      %mul3A_87 = arith.mulf %gather3A_85, %gather3A_86 : vector<16xf32>
      %swap3A_88 = arith.index_cast %scan3A_33 : i32 to index
      %swap3A_89 = arith.constant 64 : index
      %swap3A_90 = tpu.vector_load %arg19[%swap3A_88, %swap3A_89] {strides = array<i32>} : memref<79x128xf32, #tpu.memory_space<vmem>>, vector<16xf32>,
      tpu.vector_store %arg19[%swap3A_88, %swap3A_89], %mul3A_87 {strides = array<i32>} : memref<79x128xf32, #tpu.memory_space<vmem>>, vector<16xf32>,
      %get3A_91 = arith.index_cast %scan3A_33 : i32 to index
      %get3A_92 = arith.constant 80 : index
      %get3A_93 = tpu.vector_load %arg9[%get3A_91, %get3A_92] {strides = array<i32>} : memref<79x128xi32, #tpu.memory_space<vmem>>, vector<16xi32>,
      %get3A_94 = arith.index_cast %scan3A_33 : i32 to index
      %get3A_95 = arith.constant 80 : index
      %get3A_96 = tpu.vector_load %arg10[%get3A_94, %get3A_95] {strides = array<i32>} : memref<79x128xi32, #tpu.memory_space<vmem>>, vector<16xi32>,
      %gather3A_97 = tpu.vector_load_idx %arg18[%get3A_93] : memref<10112xf32, #tpu.memory_space<vmem>>[vector<16xi32>], vector<16xf32>,
      %gather3A_98 = tpu.vector_load_idx %arg18[%get3A_96] : memref<10112xf32, #tpu.memory_space<vmem>>[vector<16xi32>], vector<16xf32>,
      %mul3A_99 = arith.mulf %gather3A_97, %gather3A_98 : vector<16xf32>
      %swap3A_100 = arith.index_cast %scan3A_33 : i32 to index
      %swap3A_101 = arith.constant 80 : index
      %swap3A_102 = tpu.vector_load %arg19[%swap3A_100, %swap3A_101] {strides = array<i32>} : memref<79x128xf32, #tpu.memory_space<vmem>>, vector<16xf32>,
      tpu.vector_store %arg19[%swap3A_100, %swap3A_101], %mul3A_99 {strides = array<i32>} : memref<79x128xf32, #tpu.memory_space<vmem>>, vector<16xf32>,
      %get3A_103 = arith.index_cast %scan3A_33 : i32 to index
      %get3A_104 = arith.constant 96 : index
      %get3A_105 = tpu.vector_load %arg9[%get3A_103, %get3A_104] {strides = array<i32>} : memref<79x128xi32, #tpu.memory_space<vmem>>, vector<16xi32>,
      %get3A_106 = arith.index_cast %scan3A_33 : i32 to index
      %get3A_107 = arith.constant 96 : index
      %get3A_108 = tpu.vector_load %arg10[%get3A_106, %get3A_107] {strides = array<i32>} : memref<79x128xi32, #tpu.memory_space<vmem>>, vector<16xi32>,
      %gather3A_109 = tpu.vector_load_idx %arg18[%get3A_105] : memref<10112xf32, #tpu.memory_space<vmem>>[vector<16xi32>], vector<16xf32>,
      %gather3A_110 = tpu.vector_load_idx %arg18[%get3A_108] : memref<10112xf32, #tpu.memory_space<vmem>>[vector<16xi32>], vector<16xf32>,
      %mul3A_111 = arith.mulf %gather3A_109, %gather3A_110 : vector<16xf32>
      %swap3A_112 = arith.index_cast %scan3A_33 : i32 to index
      %swap3A_113 = arith.constant 96 : index
      %swap3A_114 = tpu.vector_load %arg19[%swap3A_112, %swap3A_113] {strides = array<i32>} : memref<79x128xf32, #tpu.memory_space<vmem>>, vector<16xf32>,
      tpu.vector_store %arg19[%swap3A_112, %swap3A_113], %mul3A_111 {strides = array<i32>} : memref<79x128xf32, #tpu.memory_space<vmem>>, vector<16xf32>,
      %get3A_115 = arith.index_cast %scan3A_33 : i32 to index
      %get3A_116 = arith.constant 112 : index
      %get3A_117 = tpu.vector_load %arg9[%get3A_115, %get3A_116] {strides = array<i32>} : memref<79x128xi32, #tpu.memory_space<vmem>>, vector<16xi32>,
      %get3A_118 = arith.index_cast %scan3A_33 : i32 to index
      %get3A_119 = arith.constant 112 : index
      %get3A_120 = tpu.vector_load %arg10[%get3A_118, %get3A_119] {strides = array<i32>} : memref<79x128xi32, #tpu.memory_space<vmem>>, vector<16xi32>,
      %gather3A_121 = tpu.vector_load_idx %arg18[%get3A_117] : memref<10112xf32, #tpu.memory_space<vmem>>[vector<16xi32>], vector<16xf32>,
      %gather3A_122 = tpu.vector_load_idx %arg18[%get3A_120] : memref<10112xf32, #tpu.memory_space<vmem>>[vector<16xi32>], vector<16xf32>,
      %mul3A_123 = arith.mulf %gather3A_121, %gather3A_122 : vector<16xf32>
      %swap3A_124 = arith.index_cast %scan3A_33 : i32 to index
      %swap3A_125 = arith.constant 112 : index
      %swap3A_126 = tpu.vector_load %arg19[%swap3A_124, %swap3A_125] {strides = array<i32>} : memref<79x128xf32, #tpu.memory_space<vmem>>, vector<16xf32>,
      tpu.vector_store %arg19[%swap3A_124, %swap3A_125], %mul3A_123 {strides = array<i32>} : memref<79x128xf32, #tpu.memory_space<vmem>>, vector<16xf32>,
    }
    %scan3A_27 = arith.constant 79 : i32
    "tpu.region"() ({
      %run_scoped3A_33 = tpu.sem_alloc : memref<!tpu.dma_semaphore, #tpu.memory_space<semaphore_mem>>
      %dma_start3A_34 = arith.constant 0 : i32
      %dma_start3A_35 = arith.constant 0 : i32
      %dma_start3A_36 = tpu.memref_slice %arg8[%add3A, %dma_start3A_34, %dma_start3A_35] : memref<32x79x128xf32, #tpu.memory_space<hbm>> -> memref<1x79x128xf32, #tpu.memory_space<hbm>>
      %dma_start3A_37 = tpu.memref_squeeze %dma_start3A_36 : memref<1x79x128xf32, #tpu.memory_space<hbm>> -> memref<79x128xf32, #tpu.memory_space<hbm>>
      %dma_start3A_38 = arith.constant 0 : i32
      %dma_start3A_39 = arith.constant 0 : i32
      %dma_start3A_40 = tpu.memref_slice %arg8[%add3A, %dma_start3A_38, %dma_start3A_39] : memref<32x79x128xf32, #tpu.memory_space<hbm>> -> memref<1x79x128xf32, #tpu.memory_space<hbm>>
      %dma_start3A_41 = tpu.memref_squeeze %dma_start3A_40 : memref<1x79x128xf32, #tpu.memory_space<hbm>> -> memref<79x128xf32, #tpu.memory_space<hbm>>
      tpu.enqueue_dma source(%arg19 : memref<79x128xf32, #tpu.memory_space<vmem>>) target(%dma_start3A_41 : memref<79x128xf32, #tpu.memory_space<hbm>>) target_semaphore(%run_scoped3A_33 : memref<!tpu.dma_semaphore, #tpu.memory_space<semaphore_mem>>)
      %dma_wait3A_42 = arith.constant 0 : i32
      %dma_wait3A_43 = arith.constant 0 : i32
      %dma_wait3A_44 = tpu.memref_slice %arg8[%add3A, %dma_wait3A_42, %dma_wait3A_43] : memref<32x79x128xf32, #tpu.memory_space<hbm>> -> memref<1x79x128xf32, #tpu.memory_space<hbm>>
      %dma_wait3A_45 = tpu.memref_squeeze %dma_wait3A_44 : memref<1x79x128xf32, #tpu.memory_space<hbm>> -> memref<79x128xf32, #tpu.memory_space<hbm>>
      %dma_wait3A_46 = arith.constant 0 : i32
      %dma_wait3A_47 = arith.constant 0 : i32
      %dma_wait3A_48 = tpu.memref_slice %arg8[%add3A, %dma_wait3A_46, %dma_wait3A_47] : memref<32x79x128xf32, #tpu.memory_space<hbm>> -> memref<1x79x128xf32, #tpu.memory_space<hbm>>
      %dma_wait3A_49 = tpu.memref_squeeze %dma_wait3A_48 : memref<1x79x128xf32, #tpu.memory_space<hbm>> -> memref<79x128xf32, #tpu.memory_space<hbm>>
      tpu.wait_dma2 semaphore(%run_scoped3A_33 : memref<!tpu.dma_semaphore, #tpu.memory_space<semaphore_mem>>) src(%arg19 : memref<79x128xf32, #tpu.memory_space<vmem>>) dst(%dma_wait3A_49 : memref<79x128xf32, #tpu.memory_space<hbm>>)
      tpu.yield
    }) : () -> ()
    %barrier3A_28 = arith.constant 0 : index
    tpu.barrier barrier_id(%barrier3A_28)
    %mul3A_29 = arith.constant 632 : i32
    %mul3A_30 = arith.muli %arg1, %mul3A_29 : i32
    %mul3A_31 = arith.constant 632 : i32
    %mul3A_32 = arith.muli %arg1, %mul3A_31 : i32
    "tpu.region"() ({
      %run_scoped3A_33 = tpu.sem_alloc : memref<!tpu.dma_semaphore, #tpu.memory_space<semaphore_mem>>
      %dma_start3A_34 = arith.constant 0 : i32
      %dma_start3A_35 = tpu.memref_slice %arg7[%arg0, %mul3A_32, %dma_start3A_34] : memref<2x10112x64xf32, #tpu.memory_space<hbm>> -> memref<1x632x64xf32, #tpu.memory_space<hbm>>
      %dma_start3A_36 = tpu.memref_squeeze %dma_start3A_35 : memref<1x632x64xf32, #tpu.memory_space<hbm>> -> memref<632x64xf32, #tpu.memory_space<hbm>>
      %dma_start3A_37 = arith.constant 0 : i32
      %dma_start3A_38 = tpu.memref_slice %arg17[%mul3A_30, %dma_start3A_37] : memref<10112x64xf32, #tpu.memory_space<vmem_shared>> -> memref<632x64xf32, #tpu.memory_space<vmem_shared>>
      tpu.enqueue_dma source(%dma_start3A_38 : memref<632x64xf32, #tpu.memory_space<vmem_shared>>) target(%dma_start3A_36 : memref<632x64xf32, #tpu.memory_space<hbm>>) target_semaphore(%run_scoped3A_33 : memref<!tpu.dma_semaphore, #tpu.memory_space<semaphore_mem>>)
      %dma_wait3A_39 = arith.constant 0 : i32
      %dma_wait3A_40 = tpu.memref_slice %arg7[%arg0, %mul3A_32, %dma_wait3A_39] : memref<2x10112x64xf32, #tpu.memory_space<hbm>> -> memref<1x632x64xf32, #tpu.memory_space<hbm>>
      %dma_wait3A_41 = tpu.memref_squeeze %dma_wait3A_40 : memref<1x632x64xf32, #tpu.memory_space<hbm>> -> memref<632x64xf32, #tpu.memory_space<hbm>>
      %dma_wait3A_42 = arith.constant 0 : i32
      %dma_wait3A_43 = tpu.memref_slice %arg17[%mul3A_30, %dma_wait3A_42] : memref<10112x64xf32, #tpu.memory_space<vmem_shared>> -> memref<632x64xf32, #tpu.memory_space<vmem_shared>>
      tpu.wait_dma2 semaphore(%run_scoped3A_33 : memref<!tpu.dma_semaphore, #tpu.memory_space<semaphore_mem>>) src(%dma_wait3A_43 : memref<632x64xf32, #tpu.memory_space<vmem_shared>>) dst(%dma_wait3A_41 : memref<632x64xf32, #tpu.memory_space<hbm>>)
      tpu.yield
    }) : () -> ()
    return
  }
}

#map = affine_map<(d0, d1) -> (0, 0)>
#map1 = affine_map<(d0, d1) -> (0, 0, 0)>
module attributes {stable_mosaic.version = 14 : i64} {
  func.func @body(%arg0: i32, %arg1: i32, %arg2: memref<10112x64xf32, #tpu.memory_space<hbm>>, %arg3: memref<32x79x128xi32, #tpu.memory_space<hbm>>, %arg4: memref<32x79x128xi32, #tpu.memory_space<hbm>>, %arg5: memref<10112x64xf32, #tpu.memory_space<hbm>>, %arg6: memref<2x10112x64xf32, #tpu.memory_space<hbm>>, %arg7: memref<79x128xi32, #tpu.memory_space<vmem>>, %arg8: memref<79x128xi32, #tpu.memory_space<vmem>>, %arg9: memref<128x64xf32, #tpu.memory_space<vmem>>, %arg10: memref<128x64xf32, #tpu.memory_space<vmem>>, %arg11: memref<!tpu.dma_semaphore, #tpu.memory_space<semaphore_mem>>, %arg12: memref<!tpu.dma_semaphore, #tpu.memory_space<semaphore_mem>>, %arg13: memref<!tpu.dma_semaphore, #tpu.memory_space<semaphore_mem>>, %arg14: memref<!tpu.dma_semaphore, #tpu.memory_space<semaphore_mem>>, %arg15: memref<10112x64xf32, #tpu.memory_space<vmem_shared>>) attributes {dimension_semantics = [#tpu.dimension_semantics<core_parallel>, #tpu.dimension_semantics<subcore_parallel>], iteration_bounds = array<i64: 2, 16>, scalar_prefetch = 0 : i64, scratch_operands = 9 : i64, tpu.core_type = #tpu.core_type<sc_vector_subcore>, window_params = [{transform_indices = #map}, {transform_indices = #map1}, {transform_indices = #map1}, {transform_indices = #map}, {transform_indices = #map1}]} {
    %mul3A = arith.constant 16 : i32
    %mul3A_0 = arith.muli %arg0, %mul3A : i32
    %add3A = arith.addi %mul3A_0, %arg1 : i32
    "tpu.region"() ({
      %run_scoped3A_27 = tpu.sem_alloc : memref<!tpu.dma_semaphore, #tpu.memory_space<semaphore_mem>>
      %dma_start3A_28 = arith.constant 0 : i32
      %dma_start3A_29 = arith.constant 0 : i32
      %dma_start3A_30 = tpu.memref_slice %arg3[%add3A, %dma_start3A_28, %dma_start3A_29] : memref<32x79x128xi32, #tpu.memory_space<hbm>> -> memref<1x79x128xi32, #tpu.memory_space<hbm>>
      %dma_start3A_31 = tpu.memref_squeeze %dma_start3A_30 : memref<1x79x128xi32, #tpu.memory_space<hbm>> -> memref<79x128xi32, #tpu.memory_space<hbm>>
      %dma_start3A_32 = arith.constant 0 : i32
      %dma_start3A_33 = arith.constant 0 : i32
      %dma_start3A_34 = tpu.memref_slice %arg3[%add3A, %dma_start3A_32, %dma_start3A_33] : memref<32x79x128xi32, #tpu.memory_space<hbm>> -> memref<1x79x128xi32, #tpu.memory_space<hbm>>
      %dma_start3A_35 = tpu.memref_squeeze %dma_start3A_34 : memref<1x79x128xi32, #tpu.memory_space<hbm>> -> memref<79x128xi32, #tpu.memory_space<hbm>>
      tpu.enqueue_dma source(%dma_start3A_35 : memref<79x128xi32, #tpu.memory_space<hbm>>) target(%arg7 : memref<79x128xi32, #tpu.memory_space<vmem>>) target_semaphore(%run_scoped3A_27 : memref<!tpu.dma_semaphore, #tpu.memory_space<semaphore_mem>>)
      %dma_wait3A_36 = arith.constant 0 : i32
      %dma_wait3A_37 = arith.constant 0 : i32
      %dma_wait3A_38 = tpu.memref_slice %arg3[%add3A, %dma_wait3A_36, %dma_wait3A_37] : memref<32x79x128xi32, #tpu.memory_space<hbm>> -> memref<1x79x128xi32, #tpu.memory_space<hbm>>
      %dma_wait3A_39 = tpu.memref_squeeze %dma_wait3A_38 : memref<1x79x128xi32, #tpu.memory_space<hbm>> -> memref<79x128xi32, #tpu.memory_space<hbm>>
      %dma_wait3A_40 = arith.constant 0 : i32
      %dma_wait3A_41 = arith.constant 0 : i32
      %dma_wait3A_42 = tpu.memref_slice %arg3[%add3A, %dma_wait3A_40, %dma_wait3A_41] : memref<32x79x128xi32, #tpu.memory_space<hbm>> -> memref<1x79x128xi32, #tpu.memory_space<hbm>>
      %dma_wait3A_43 = tpu.memref_squeeze %dma_wait3A_42 : memref<1x79x128xi32, #tpu.memory_space<hbm>> -> memref<79x128xi32, #tpu.memory_space<hbm>>
      tpu.wait_dma2 semaphore(%run_scoped3A_27 : memref<!tpu.dma_semaphore, #tpu.memory_space<semaphore_mem>>) src(%dma_wait3A_43 : memref<79x128xi32, #tpu.memory_space<hbm>>) dst(%arg7 : memref<79x128xi32, #tpu.memory_space<vmem>>)
      tpu.yield
    }) : () -> ()
    "tpu.region"() ({
      %run_scoped3A_27 = tpu.sem_alloc : memref<!tpu.dma_semaphore, #tpu.memory_space<semaphore_mem>>
      %dma_start3A_28 = arith.constant 0 : i32
      %dma_start3A_29 = arith.constant 0 : i32
      %dma_start3A_30 = tpu.memref_slice %arg4[%add3A, %dma_start3A_28, %dma_start3A_29] : memref<32x79x128xi32, #tpu.memory_space<hbm>> -> memref<1x79x128xi32, #tpu.memory_space<hbm>>
      %dma_start3A_31 = tpu.memref_squeeze %dma_start3A_30 : memref<1x79x128xi32, #tpu.memory_space<hbm>> -> memref<79x128xi32, #tpu.memory_space<hbm>>
      %dma_start3A_32 = arith.constant 0 : i32
      %dma_start3A_33 = arith.constant 0 : i32
      %dma_start3A_34 = tpu.memref_slice %arg4[%add3A, %dma_start3A_32, %dma_start3A_33] : memref<32x79x128xi32, #tpu.memory_space<hbm>> -> memref<1x79x128xi32, #tpu.memory_space<hbm>>
      %dma_start3A_35 = tpu.memref_squeeze %dma_start3A_34 : memref<1x79x128xi32, #tpu.memory_space<hbm>> -> memref<79x128xi32, #tpu.memory_space<hbm>>
      tpu.enqueue_dma source(%dma_start3A_35 : memref<79x128xi32, #tpu.memory_space<hbm>>) target(%arg8 : memref<79x128xi32, #tpu.memory_space<vmem>>) target_semaphore(%run_scoped3A_27 : memref<!tpu.dma_semaphore, #tpu.memory_space<semaphore_mem>>)
      %dma_wait3A_36 = arith.constant 0 : i32
      %dma_wait3A_37 = arith.constant 0 : i32
      %dma_wait3A_38 = tpu.memref_slice %arg4[%add3A, %dma_wait3A_36, %dma_wait3A_37] : memref<32x79x128xi32, #tpu.memory_space<hbm>> -> memref<1x79x128xi32, #tpu.memory_space<hbm>>
      %dma_wait3A_39 = tpu.memref_squeeze %dma_wait3A_38 : memref<1x79x128xi32, #tpu.memory_space<hbm>> -> memref<79x128xi32, #tpu.memory_space<hbm>>
      %dma_wait3A_40 = arith.constant 0 : i32
      %dma_wait3A_41 = arith.constant 0 : i32
      %dma_wait3A_42 = tpu.memref_slice %arg4[%add3A, %dma_wait3A_40, %dma_wait3A_41] : memref<32x79x128xi32, #tpu.memory_space<hbm>> -> memref<1x79x128xi32, #tpu.memory_space<hbm>>
      %dma_wait3A_43 = tpu.memref_squeeze %dma_wait3A_42 : memref<1x79x128xi32, #tpu.memory_space<hbm>> -> memref<79x128xi32, #tpu.memory_space<hbm>>
      tpu.wait_dma2 semaphore(%run_scoped3A_27 : memref<!tpu.dma_semaphore, #tpu.memory_space<semaphore_mem>>) src(%dma_wait3A_43 : memref<79x128xi32, #tpu.memory_space<hbm>>) dst(%arg8 : memref<79x128xi32, #tpu.memory_space<vmem>>)
      tpu.yield
    }) : () -> ()
    %mul3A_1 = arith.constant 632 : i32
    %mul3A_2 = arith.muli %arg1, %mul3A_1 : i32
    %mul3A_3 = arith.constant 632 : i32
    %mul3A_4 = arith.muli %arg1, %mul3A_3 : i32
    "tpu.region"() ({
      %run_scoped3A_27 = tpu.sem_alloc : memref<!tpu.dma_semaphore, #tpu.memory_space<semaphore_mem>>
      %dma_start3A_28 = arith.constant 0 : i32
      %dma_start3A_29 = tpu.memref_slice %arg15[%mul3A_4, %dma_start3A_28] : memref<10112x64xf32, #tpu.memory_space<vmem_shared>> -> memref<632x64xf32, #tpu.memory_space<vmem_shared>>
      %dma_start3A_30 = arith.constant 0 : i32
      %dma_start3A_31 = tpu.memref_slice %arg5[%mul3A_2, %dma_start3A_30] : memref<10112x64xf32, #tpu.memory_space<hbm>> -> memref<632x64xf32, #tpu.memory_space<hbm>>
      tpu.enqueue_dma source(%dma_start3A_31 : memref<632x64xf32, #tpu.memory_space<hbm>>) target(%dma_start3A_29 : memref<632x64xf32, #tpu.memory_space<vmem_shared>>) target_semaphore(%run_scoped3A_27 : memref<!tpu.dma_semaphore, #tpu.memory_space<semaphore_mem>>)
      %dma_wait3A_32 = arith.constant 0 : i32
      %dma_wait3A_33 = tpu.memref_slice %arg15[%mul3A_4, %dma_wait3A_32] : memref<10112x64xf32, #tpu.memory_space<vmem_shared>> -> memref<632x64xf32, #tpu.memory_space<vmem_shared>>
      %dma_wait3A_34 = arith.constant 0 : i32
      %dma_wait3A_35 = tpu.memref_slice %arg5[%mul3A_2, %dma_wait3A_34] : memref<10112x64xf32, #tpu.memory_space<hbm>> -> memref<632x64xf32, #tpu.memory_space<hbm>>
      tpu.wait_dma2 semaphore(%run_scoped3A_27 : memref<!tpu.dma_semaphore, #tpu.memory_space<semaphore_mem>>) src(%dma_wait3A_35 : memref<632x64xf32, #tpu.memory_space<hbm>>) dst(%dma_wait3A_33 : memref<632x64xf32, #tpu.memory_space<vmem_shared>>)
      tpu.yield
    }) : () -> ()
    %barrier3A = arith.constant 0 : index
    tpu.barrier barrier_id(%barrier3A)
    %scan3A = arith.constant 0 : i32
    %scan3A_5 = arith.constant 0 : i32
    %scan3A_6 = arith.constant 39 : i32
    %scan3A_7 = arith.addi %scan3A_5, %scan3A_6 : i32
    %scan3A_8 = arith.constant 1 : i32
    scf.for %scan3A_27 = %scan3A_5 to %scan3A_7 step %scan3A_8  : i32 {
      %mul3A_28 = arith.constant 2 : i32
      %mul3A_29 = arith.muli %scan3A_27, %mul3A_28 : i32
      %dma_start3A_30 = arith.constant 0 : i32
      %dma_start3A_31 = tpu.memref_slice %arg7[%mul3A_29, %dma_start3A_30] : memref<79x128xi32, #tpu.memory_space<vmem>> -> memref<1x128xi32, #tpu.memory_space<vmem>>
      %dma_start3A_32 = tpu.memref_squeeze %dma_start3A_31 : memref<1x128xi32, #tpu.memory_space<vmem>> -> memref<128xi32, #tpu.memory_space<vmem>>
      %dma_start3A_33 = arith.constant 0 : i32
      %dma_start3A_34 = arith.constant 0 : i32
      %dma_start3A_35 = tpu.memref_slice %arg2[%dma_start3A_33, %dma_start3A_34] : memref<10112x64xf32, #tpu.memory_space<hbm>> -> memref<10112x64xf32, #tpu.memory_space<hbm>>
      tpu.enqueue_indirect_dma source(%dma_start3A_35 : memref<10112x64xf32, #tpu.memory_space<hbm>>) target(%arg9 : memref<128x64xf32, #tpu.memory_space<vmem>>) offsets(%dma_start3A_32 : memref<128xi32, #tpu.memory_space<vmem>>) semaphore(%arg11 : memref<!tpu.dma_semaphore, #tpu.memory_space<semaphore_mem>>)
      %add3A_36 = arith.constant 1 : i32
      %add3A_37 = arith.addi %mul3A_29, %add3A_36 : i32
      %dma_start3A_38 = arith.constant 0 : i32
      %dma_start3A_39 = tpu.memref_slice %arg7[%add3A_37, %dma_start3A_38] : memref<79x128xi32, #tpu.memory_space<vmem>> -> memref<1x128xi32, #tpu.memory_space<vmem>>
      %dma_start3A_40 = tpu.memref_squeeze %dma_start3A_39 : memref<1x128xi32, #tpu.memory_space<vmem>> -> memref<128xi32, #tpu.memory_space<vmem>>
      %dma_start3A_41 = arith.constant 0 : i32
      %dma_start3A_42 = arith.constant 0 : i32
      %dma_start3A_43 = tpu.memref_slice %arg2[%dma_start3A_41, %dma_start3A_42] : memref<10112x64xf32, #tpu.memory_space<hbm>> -> memref<10112x64xf32, #tpu.memory_space<hbm>>
      tpu.enqueue_indirect_dma source(%dma_start3A_43 : memref<10112x64xf32, #tpu.memory_space<hbm>>) target(%arg10 : memref<128x64xf32, #tpu.memory_space<vmem>>) offsets(%dma_start3A_40 : memref<128xi32, #tpu.memory_space<vmem>>) semaphore(%arg12 : memref<!tpu.dma_semaphore, #tpu.memory_space<semaphore_mem>>)
      %dma_wait3A_44 = arith.constant 0 : i32
      %dma_wait3A_45 = tpu.memref_slice %arg7[%mul3A_29, %dma_wait3A_44] : memref<79x128xi32, #tpu.memory_space<vmem>> -> memref<1x128xi32, #tpu.memory_space<vmem>>
      %dma_wait3A_46 = tpu.memref_squeeze %dma_wait3A_45 : memref<1x128xi32, #tpu.memory_space<vmem>> -> memref<128xi32, #tpu.memory_space<vmem>>
      %dma_wait3A_47 = arith.constant 0 : i32
      %dma_wait3A_48 = arith.constant 0 : i32
      %dma_wait3A_49 = tpu.memref_slice %arg2[%dma_wait3A_47, %dma_wait3A_48] : memref<10112x64xf32, #tpu.memory_space<hbm>> -> memref<10112x64xf32, #tpu.memory_space<hbm>>
      tpu.wait_indirect_dma semaphore(%arg11 : memref<!tpu.dma_semaphore, #tpu.memory_space<semaphore_mem>>) src(%dma_wait3A_49 : memref<10112x64xf32, #tpu.memory_space<hbm>>) dst(%arg9 : memref<128x64xf32, #tpu.memory_space<vmem>>)
      %dma_start3A_50 = arith.constant 0 : i32
      %dma_start3A_51 = tpu.memref_slice %arg8[%mul3A_29, %dma_start3A_50] : memref<79x128xi32, #tpu.memory_space<vmem>> -> memref<1x128xi32, #tpu.memory_space<vmem>>
      %dma_start3A_52 = tpu.memref_squeeze %dma_start3A_51 : memref<1x128xi32, #tpu.memory_space<vmem>> -> memref<128xi32, #tpu.memory_space<vmem>>
      %dma_start3A_53 = arith.constant 0 : i32
      %dma_start3A_54 = arith.constant 0 : i32
      %dma_start3A_55 = tpu.memref_slice %arg15[%dma_start3A_53, %dma_start3A_54] : memref<10112x64xf32, #tpu.memory_space<vmem_shared>> -> memref<10112x64xf32, #tpu.memory_space<vmem_shared>>
      tpu.enqueue_indirect_dma source(%arg9 : memref<128x64xf32, #tpu.memory_space<vmem>>) target(%dma_start3A_55 : memref<10112x64xf32, #tpu.memory_space<vmem_shared>>) offsets(%dma_start3A_52 : memref<128xi32, #tpu.memory_space<vmem>>) semaphore(%arg13 : memref<!tpu.dma_semaphore, #tpu.memory_space<semaphore_mem>>) {add = true}
      %dma_wait3A_56 = arith.constant 0 : i32
      %dma_wait3A_57 = tpu.memref_slice %arg7[%add3A_37, %dma_wait3A_56] : memref<79x128xi32, #tpu.memory_space<vmem>> -> memref<1x128xi32, #tpu.memory_space<vmem>>
      %dma_wait3A_58 = tpu.memref_squeeze %dma_wait3A_57 : memref<1x128xi32, #tpu.memory_space<vmem>> -> memref<128xi32, #tpu.memory_space<vmem>>
      %dma_wait3A_59 = arith.constant 0 : i32
      %dma_wait3A_60 = arith.constant 0 : i32
      %dma_wait3A_61 = tpu.memref_slice %arg2[%dma_wait3A_59, %dma_wait3A_60] : memref<10112x64xf32, #tpu.memory_space<hbm>> -> memref<10112x64xf32, #tpu.memory_space<hbm>>
      tpu.wait_indirect_dma semaphore(%arg12 : memref<!tpu.dma_semaphore, #tpu.memory_space<semaphore_mem>>) src(%dma_wait3A_61 : memref<10112x64xf32, #tpu.memory_space<hbm>>) dst(%arg10 : memref<128x64xf32, #tpu.memory_space<vmem>>)
      %add3A_62 = arith.constant 1 : i32
      %add3A_63 = arith.addi %mul3A_29, %add3A_62 : i32
      %dma_start3A_64 = arith.constant 0 : i32
      %dma_start3A_65 = tpu.memref_slice %arg8[%add3A_63, %dma_start3A_64] : memref<79x128xi32, #tpu.memory_space<vmem>> -> memref<1x128xi32, #tpu.memory_space<vmem>>
      %dma_start3A_66 = tpu.memref_squeeze %dma_start3A_65 : memref<1x128xi32, #tpu.memory_space<vmem>> -> memref<128xi32, #tpu.memory_space<vmem>>
      %dma_start3A_67 = arith.constant 0 : i32
      %dma_start3A_68 = arith.constant 0 : i32
      %dma_start3A_69 = tpu.memref_slice %arg15[%dma_start3A_67, %dma_start3A_68] : memref<10112x64xf32, #tpu.memory_space<vmem_shared>> -> memref<10112x64xf32, #tpu.memory_space<vmem_shared>>
      tpu.enqueue_indirect_dma source(%arg10 : memref<128x64xf32, #tpu.memory_space<vmem>>) target(%dma_start3A_69 : memref<10112x64xf32, #tpu.memory_space<vmem_shared>>) offsets(%dma_start3A_66 : memref<128xi32, #tpu.memory_space<vmem>>) semaphore(%arg14 : memref<!tpu.dma_semaphore, #tpu.memory_space<semaphore_mem>>) {add = true}
      %dma_wait3A_70 = arith.constant 0 : i32
      %dma_wait3A_71 = tpu.memref_slice %arg8[%mul3A_29, %dma_wait3A_70] : memref<79x128xi32, #tpu.memory_space<vmem>> -> memref<1x128xi32, #tpu.memory_space<vmem>>
      %dma_wait3A_72 = tpu.memref_squeeze %dma_wait3A_71 : memref<1x128xi32, #tpu.memory_space<vmem>> -> memref<128xi32, #tpu.memory_space<vmem>>
      %dma_wait3A_73 = arith.constant 0 : i32
      %dma_wait3A_74 = arith.constant 0 : i32
      %dma_wait3A_75 = tpu.memref_slice %arg15[%dma_wait3A_73, %dma_wait3A_74] : memref<10112x64xf32, #tpu.memory_space<vmem_shared>> -> memref<10112x64xf32, #tpu.memory_space<vmem_shared>>
      tpu.wait_indirect_dma semaphore(%arg13 : memref<!tpu.dma_semaphore, #tpu.memory_space<semaphore_mem>>) src(%arg9 : memref<128x64xf32, #tpu.memory_space<vmem>>) dst(%dma_wait3A_75 : memref<10112x64xf32, #tpu.memory_space<vmem_shared>>)
      %dma_wait3A_76 = arith.constant 0 : i32
      %dma_wait3A_77 = tpu.memref_slice %arg8[%add3A_63, %dma_wait3A_76] : memref<79x128xi32, #tpu.memory_space<vmem>> -> memref<1x128xi32, #tpu.memory_space<vmem>>
      %dma_wait3A_78 = tpu.memref_squeeze %dma_wait3A_77 : memref<1x128xi32, #tpu.memory_space<vmem>> -> memref<128xi32, #tpu.memory_space<vmem>>
      %dma_wait3A_79 = arith.constant 0 : i32
      %dma_wait3A_80 = arith.constant 0 : i32
      %dma_wait3A_81 = tpu.memref_slice %arg15[%dma_wait3A_79, %dma_wait3A_80] : memref<10112x64xf32, #tpu.memory_space<vmem_shared>> -> memref<10112x64xf32, #tpu.memory_space<vmem_shared>>
      tpu.wait_indirect_dma semaphore(%arg14 : memref<!tpu.dma_semaphore, #tpu.memory_space<semaphore_mem>>) src(%arg10 : memref<128x64xf32, #tpu.memory_space<vmem>>) dst(%dma_wait3A_81 : memref<10112x64xf32, #tpu.memory_space<vmem_shared>>)
    }
    %scan3A_9 = arith.constant 39 : i32
    %dma_start3A = arith.constant 78 : i32
    %dma_start3A_10 = arith.constant 0 : i32
    %dma_start3A_11 = tpu.memref_slice %arg7[%dma_start3A, %dma_start3A_10] : memref<79x128xi32, #tpu.memory_space<vmem>> -> memref<1x128xi32, #tpu.memory_space<vmem>>
    %dma_start3A_12 = tpu.memref_squeeze %dma_start3A_11 : memref<1x128xi32, #tpu.memory_space<vmem>> -> memref<128xi32, #tpu.memory_space<vmem>>
    %dma_start3A_13 = arith.constant 0 : i32
    %dma_start3A_14 = arith.constant 0 : i32
    %dma_start3A_15 = tpu.memref_slice %arg2[%dma_start3A_13, %dma_start3A_14] : memref<10112x64xf32, #tpu.memory_space<hbm>> -> memref<10112x64xf32, #tpu.memory_space<hbm>>
    tpu.enqueue_indirect_dma source(%dma_start3A_15 : memref<10112x64xf32, #tpu.memory_space<hbm>>) target(%arg9 : memref<128x64xf32, #tpu.memory_space<vmem>>) offsets(%dma_start3A_12 : memref<128xi32, #tpu.memory_space<vmem>>) semaphore(%arg11 : memref<!tpu.dma_semaphore, #tpu.memory_space<semaphore_mem>>)
    %dma_wait3A = arith.constant 78 : i32
    %dma_wait3A_16 = arith.constant 0 : i32
    %dma_wait3A_17 = tpu.memref_slice %arg7[%dma_wait3A, %dma_wait3A_16] : memref<79x128xi32, #tpu.memory_space<vmem>> -> memref<1x128xi32, #tpu.memory_space<vmem>>
    %dma_wait3A_18 = tpu.memref_squeeze %dma_wait3A_17 : memref<1x128xi32, #tpu.memory_space<vmem>> -> memref<128xi32, #tpu.memory_space<vmem>>
    %dma_wait3A_19 = arith.constant 0 : i32
    %dma_wait3A_20 = arith.constant 0 : i32
    %dma_wait3A_21 = tpu.memref_slice %arg2[%dma_wait3A_19, %dma_wait3A_20] : memref<10112x64xf32, #tpu.memory_space<hbm>> -> memref<10112x64xf32, #tpu.memory_space<hbm>>
    tpu.wait_indirect_dma semaphore(%arg11 : memref<!tpu.dma_semaphore, #tpu.memory_space<semaphore_mem>>) src(%dma_wait3A_21 : memref<10112x64xf32, #tpu.memory_space<hbm>>) dst(%arg9 : memref<128x64xf32, #tpu.memory_space<vmem>>)
    %run_scoped3A = arith.constant 78 : i32
    "tpu.region"() ({
      %run_scoped3A_27 = tpu.sem_alloc : memref<!tpu.dma_semaphore, #tpu.memory_space<semaphore_mem>>
      %dma_start3A_28 = arith.constant 0 : i32
      %dma_start3A_29 = tpu.memref_slice %arg8[%run_scoped3A, %dma_start3A_28] : memref<79x128xi32, #tpu.memory_space<vmem>> -> memref<1x128xi32, #tpu.memory_space<vmem>>
      %dma_start3A_30 = tpu.memref_squeeze %dma_start3A_29 : memref<1x128xi32, #tpu.memory_space<vmem>> -> memref<128xi32, #tpu.memory_space<vmem>>
      %dma_start3A_31 = arith.constant 0 : i32
      %dma_start3A_32 = arith.constant 0 : i32
      %dma_start3A_33 = tpu.memref_slice %arg15[%dma_start3A_31, %dma_start3A_32] : memref<10112x64xf32, #tpu.memory_space<vmem_shared>> -> memref<10112x64xf32, #tpu.memory_space<vmem_shared>>
      tpu.enqueue_indirect_dma source(%arg9 : memref<128x64xf32, #tpu.memory_space<vmem>>) target(%dma_start3A_33 : memref<10112x64xf32, #tpu.memory_space<vmem_shared>>) offsets(%dma_start3A_30 : memref<128xi32, #tpu.memory_space<vmem>>) semaphore(%run_scoped3A_27 : memref<!tpu.dma_semaphore, #tpu.memory_space<semaphore_mem>>) {add = true}
      %dma_wait3A_34 = arith.constant 0 : i32
      %dma_wait3A_35 = tpu.memref_slice %arg8[%run_scoped3A, %dma_wait3A_34] : memref<79x128xi32, #tpu.memory_space<vmem>> -> memref<1x128xi32, #tpu.memory_space<vmem>>
      %dma_wait3A_36 = tpu.memref_squeeze %dma_wait3A_35 : memref<1x128xi32, #tpu.memory_space<vmem>> -> memref<128xi32, #tpu.memory_space<vmem>>
      %dma_wait3A_37 = arith.constant 0 : i32
      %dma_wait3A_38 = arith.constant 0 : i32
      %dma_wait3A_39 = tpu.memref_slice %arg15[%dma_wait3A_37, %dma_wait3A_38] : memref<10112x64xf32, #tpu.memory_space<vmem_shared>> -> memref<10112x64xf32, #tpu.memory_space<vmem_shared>>
      tpu.wait_indirect_dma semaphore(%run_scoped3A_27 : memref<!tpu.dma_semaphore, #tpu.memory_space<semaphore_mem>>) src(%arg9 : memref<128x64xf32, #tpu.memory_space<vmem>>) dst(%dma_wait3A_39 : memref<10112x64xf32, #tpu.memory_space<vmem_shared>>)
      tpu.yield
    }) : () -> ()
    %barrier3A_22 = arith.constant 0 : index
    tpu.barrier barrier_id(%barrier3A_22)
    %mul3A_23 = arith.constant 632 : i32
    %mul3A_24 = arith.muli %arg1, %mul3A_23 : i32
    %mul3A_25 = arith.constant 632 : i32
    %mul3A_26 = arith.muli %arg1, %mul3A_25 : i32
    "tpu.region"() ({
      %run_scoped3A_27 = tpu.sem_alloc : memref<!tpu.dma_semaphore, #tpu.memory_space<semaphore_mem>>
      %dma_start3A_28 = arith.constant 0 : i32
      %dma_start3A_29 = tpu.memref_slice %arg6[%arg0, %mul3A_26, %dma_start3A_28] : memref<2x10112x64xf32, #tpu.memory_space<hbm>> -> memref<1x632x64xf32, #tpu.memory_space<hbm>>
      %dma_start3A_30 = tpu.memref_squeeze %dma_start3A_29 : memref<1x632x64xf32, #tpu.memory_space<hbm>> -> memref<632x64xf32, #tpu.memory_space<hbm>>
      %dma_start3A_31 = arith.constant 0 : i32
      %dma_start3A_32 = tpu.memref_slice %arg15[%mul3A_24, %dma_start3A_31] : memref<10112x64xf32, #tpu.memory_space<vmem_shared>> -> memref<632x64xf32, #tpu.memory_space<vmem_shared>>
      tpu.enqueue_dma source(%dma_start3A_32 : memref<632x64xf32, #tpu.memory_space<vmem_shared>>) target(%dma_start3A_30 : memref<632x64xf32, #tpu.memory_space<hbm>>) target_semaphore(%run_scoped3A_27 : memref<!tpu.dma_semaphore, #tpu.memory_space<semaphore_mem>>)
      %dma_wait3A_33 = arith.constant 0 : i32
      %dma_wait3A_34 = tpu.memref_slice %arg6[%arg0, %mul3A_26, %dma_wait3A_33] : memref<2x10112x64xf32, #tpu.memory_space<hbm>> -> memref<1x632x64xf32, #tpu.memory_space<hbm>>
      %dma_wait3A_35 = tpu.memref_squeeze %dma_wait3A_34 : memref<1x632x64xf32, #tpu.memory_space<hbm>> -> memref<632x64xf32, #tpu.memory_space<hbm>>
      %dma_wait3A_36 = arith.constant 0 : i32
      %dma_wait3A_37 = tpu.memref_slice %arg15[%mul3A_24, %dma_wait3A_36] : memref<10112x64xf32, #tpu.memory_space<vmem_shared>> -> memref<632x64xf32, #tpu.memory_space<vmem_shared>>
      tpu.wait_dma2 semaphore(%run_scoped3A_27 : memref<!tpu.dma_semaphore, #tpu.memory_space<semaphore_mem>>) src(%dma_wait3A_37 : memref<632x64xf32, #tpu.memory_space<vmem_shared>>) dst(%dma_wait3A_35 : memref<632x64xf32, #tpu.memory_space<hbm>>)
      tpu.yield
    }) : () -> ()
    return
  }
}

#map = affine_map<(d0, d1) -> (0, 0)>
#map1 = affine_map<(d0, d1) -> (0, 0, 0)>
module attributes {stable_mosaic.version = 14 : i64} {
  func.func @body(%arg0: i32, %arg1: i32, %arg2: memref<10112x64xf32, #tpu.memory_space<hbm>>, %arg3: memref<32x79x128xi32, #tpu.memory_space<hbm>>, %arg4: memref<32x79x128xi32, #tpu.memory_space<hbm>>, %arg5: memref<10112x64xf32, #tpu.memory_space<hbm>>, %arg6: memref<2x10112x64xf32, #tpu.memory_space<hbm>>, %arg7: memref<79x128xi32, #tpu.memory_space<vmem>>, %arg8: memref<79x128xi32, #tpu.memory_space<vmem>>, %arg9: memref<128x64xf32, #tpu.memory_space<vmem>>, %arg10: memref<128x64xf32, #tpu.memory_space<vmem>>, %arg11: memref<!tpu.dma_semaphore, #tpu.memory_space<semaphore_mem>>, %arg12: memref<!tpu.dma_semaphore, #tpu.memory_space<semaphore_mem>>, %arg13: memref<!tpu.dma_semaphore, #tpu.memory_space<semaphore_mem>>, %arg14: memref<!tpu.dma_semaphore, #tpu.memory_space<semaphore_mem>>, %arg15: memref<10112x64xf32, #tpu.memory_space<vmem_shared>>) attributes {dimension_semantics = [#tpu.dimension_semantics<core_parallel>, #tpu.dimension_semantics<subcore_parallel>], iteration_bounds = array<i64: 2, 16>, scalar_prefetch = 0 : i64, scratch_operands = 9 : i64, tpu.core_type = #tpu.core_type<sc_vector_subcore>, window_params = [{transform_indices = #map}, {transform_indices = #map1}, {transform_indices = #map1}, {transform_indices = #map}, {transform_indices = #map1}]} {
    %mul3A = arith.constant 16 : i32
    %mul3A_0 = arith.muli %arg0, %mul3A : i32
    %add3A = arith.addi %mul3A_0, %arg1 : i32
    "tpu.region"() ({
      %run_scoped3A_27 = tpu.sem_alloc : memref<!tpu.dma_semaphore, #tpu.memory_space<semaphore_mem>>
      %dma_start3A_28 = arith.constant 0 : i32
      %dma_start3A_29 = arith.constant 0 : i32
      %dma_start3A_30 = tpu.memref_slice %arg3[%add3A, %dma_start3A_28, %dma_start3A_29] : memref<32x79x128xi32, #tpu.memory_space<hbm>> -> memref<1x79x128xi32, #tpu.memory_space<hbm>>
      %dma_start3A_31 = tpu.memref_squeeze %dma_start3A_30 : memref<1x79x128xi32, #tpu.memory_space<hbm>> -> memref<79x128xi32, #tpu.memory_space<hbm>>
      %dma_start3A_32 = arith.constant 0 : i32
      %dma_start3A_33 = arith.constant 0 : i32
      %dma_start3A_34 = tpu.memref_slice %arg3[%add3A, %dma_start3A_32, %dma_start3A_33] : memref<32x79x128xi32, #tpu.memory_space<hbm>> -> memref<1x79x128xi32, #tpu.memory_space<hbm>>
      %dma_start3A_35 = tpu.memref_squeeze %dma_start3A_34 : memref<1x79x128xi32, #tpu.memory_space<hbm>> -> memref<79x128xi32, #tpu.memory_space<hbm>>
      tpu.enqueue_dma source(%dma_start3A_35 : memref<79x128xi32, #tpu.memory_space<hbm>>) target(%arg7 : memref<79x128xi32, #tpu.memory_space<vmem>>) target_semaphore(%run_scoped3A_27 : memref<!tpu.dma_semaphore, #tpu.memory_space<semaphore_mem>>)
      %dma_wait3A_36 = arith.constant 0 : i32
      %dma_wait3A_37 = arith.constant 0 : i32
      %dma_wait3A_38 = tpu.memref_slice %arg3[%add3A, %dma_wait3A_36, %dma_wait3A_37] : memref<32x79x128xi32, #tpu.memory_space<hbm>> -> memref<1x79x128xi32, #tpu.memory_space<hbm>>
      %dma_wait3A_39 = tpu.memref_squeeze %dma_wait3A_38 : memref<1x79x128xi32, #tpu.memory_space<hbm>> -> memref<79x128xi32, #tpu.memory_space<hbm>>
      %dma_wait3A_40 = arith.constant 0 : i32
      %dma_wait3A_41 = arith.constant 0 : i32
      %dma_wait3A_42 = tpu.memref_slice %arg3[%add3A, %dma_wait3A_40, %dma_wait3A_41] : memref<32x79x128xi32, #tpu.memory_space<hbm>> -> memref<1x79x128xi32, #tpu.memory_space<hbm>>
      %dma_wait3A_43 = tpu.memref_squeeze %dma_wait3A_42 : memref<1x79x128xi32, #tpu.memory_space<hbm>> -> memref<79x128xi32, #tpu.memory_space<hbm>>
      tpu.wait_dma2 semaphore(%run_scoped3A_27 : memref<!tpu.dma_semaphore, #tpu.memory_space<semaphore_mem>>) src(%dma_wait3A_43 : memref<79x128xi32, #tpu.memory_space<hbm>>) dst(%arg7 : memref<79x128xi32, #tpu.memory_space<vmem>>)
      tpu.yield
    }) : () -> ()
    "tpu.region"() ({
      %run_scoped3A_27 = tpu.sem_alloc : memref<!tpu.dma_semaphore, #tpu.memory_space<semaphore_mem>>
      %dma_start3A_28 = arith.constant 0 : i32
      %dma_start3A_29 = arith.constant 0 : i32
      %dma_start3A_30 = tpu.memref_slice %arg4[%add3A, %dma_start3A_28, %dma_start3A_29] : memref<32x79x128xi32, #tpu.memory_space<hbm>> -> memref<1x79x128xi32, #tpu.memory_space<hbm>>
      %dma_start3A_31 = tpu.memref_squeeze %dma_start3A_30 : memref<1x79x128xi32, #tpu.memory_space<hbm>> -> memref<79x128xi32, #tpu.memory_space<hbm>>
      %dma_start3A_32 = arith.constant 0 : i32
      %dma_start3A_33 = arith.constant 0 : i32
      %dma_start3A_34 = tpu.memref_slice %arg4[%add3A, %dma_start3A_32, %dma_start3A_33] : memref<32x79x128xi32, #tpu.memory_space<hbm>> -> memref<1x79x128xi32, #tpu.memory_space<hbm>>
      %dma_start3A_35 = tpu.memref_squeeze %dma_start3A_34 : memref<1x79x128xi32, #tpu.memory_space<hbm>> -> memref<79x128xi32, #tpu.memory_space<hbm>>
      tpu.enqueue_dma source(%dma_start3A_35 : memref<79x128xi32, #tpu.memory_space<hbm>>) target(%arg8 : memref<79x128xi32, #tpu.memory_space<vmem>>) target_semaphore(%run_scoped3A_27 : memref<!tpu.dma_semaphore, #tpu.memory_space<semaphore_mem>>)
      %dma_wait3A_36 = arith.constant 0 : i32
      %dma_wait3A_37 = arith.constant 0 : i32
      %dma_wait3A_38 = tpu.memref_slice %arg4[%add3A, %dma_wait3A_36, %dma_wait3A_37] : memref<32x79x128xi32, #tpu.memory_space<hbm>> -> memref<1x79x128xi32, #tpu.memory_space<hbm>>
      %dma_wait3A_39 = tpu.memref_squeeze %dma_wait3A_38 : memref<1x79x128xi32, #tpu.memory_space<hbm>> -> memref<79x128xi32, #tpu.memory_space<hbm>>
      %dma_wait3A_40 = arith.constant 0 : i32
      %dma_wait3A_41 = arith.constant 0 : i32
      %dma_wait3A_42 = tpu.memref_slice %arg4[%add3A, %dma_wait3A_40, %dma_wait3A_41] : memref<32x79x128xi32, #tpu.memory_space<hbm>> -> memref<1x79x128xi32, #tpu.memory_space<hbm>>
      %dma_wait3A_43 = tpu.memref_squeeze %dma_wait3A_42 : memref<1x79x128xi32, #tpu.memory_space<hbm>> -> memref<79x128xi32, #tpu.memory_space<hbm>>
      tpu.wait_dma2 semaphore(%run_scoped3A_27 : memref<!tpu.dma_semaphore, #tpu.memory_space<semaphore_mem>>) src(%dma_wait3A_43 : memref<79x128xi32, #tpu.memory_space<hbm>>) dst(%arg8 : memref<79x128xi32, #tpu.memory_space<vmem>>)
      tpu.yield
    }) : () -> ()
    %mul3A_1 = arith.constant 632 : i32
    %mul3A_2 = arith.muli %arg1, %mul3A_1 : i32
    %mul3A_3 = arith.constant 632 : i32
    %mul3A_4 = arith.muli %arg1, %mul3A_3 : i32
    "tpu.region"() ({
      %run_scoped3A_27 = tpu.sem_alloc : memref<!tpu.dma_semaphore, #tpu.memory_space<semaphore_mem>>
      %dma_start3A_28 = arith.constant 0 : i32
      %dma_start3A_29 = tpu.memref_slice %arg15[%mul3A_4, %dma_start3A_28] : memref<10112x64xf32, #tpu.memory_space<vmem_shared>> -> memref<632x64xf32, #tpu.memory_space<vmem_shared>>
      %dma_start3A_30 = arith.constant 0 : i32
      %dma_start3A_31 = tpu.memref_slice %arg5[%mul3A_2, %dma_start3A_30] : memref<10112x64xf32, #tpu.memory_space<hbm>> -> memref<632x64xf32, #tpu.memory_space<hbm>>
      tpu.enqueue_dma source(%dma_start3A_31 : memref<632x64xf32, #tpu.memory_space<hbm>>) target(%dma_start3A_29 : memref<632x64xf32, #tpu.memory_space<vmem_shared>>) target_semaphore(%run_scoped3A_27 : memref<!tpu.dma_semaphore, #tpu.memory_space<semaphore_mem>>)
      %dma_wait3A_32 = arith.constant 0 : i32
      %dma_wait3A_33 = tpu.memref_slice %arg15[%mul3A_4, %dma_wait3A_32] : memref<10112x64xf32, #tpu.memory_space<vmem_shared>> -> memref<632x64xf32, #tpu.memory_space<vmem_shared>>
      %dma_wait3A_34 = arith.constant 0 : i32
      %dma_wait3A_35 = tpu.memref_slice %arg5[%mul3A_2, %dma_wait3A_34] : memref<10112x64xf32, #tpu.memory_space<hbm>> -> memref<632x64xf32, #tpu.memory_space<hbm>>
      tpu.wait_dma2 semaphore(%run_scoped3A_27 : memref<!tpu.dma_semaphore, #tpu.memory_space<semaphore_mem>>) src(%dma_wait3A_35 : memref<632x64xf32, #tpu.memory_space<hbm>>) dst(%dma_wait3A_33 : memref<632x64xf32, #tpu.memory_space<vmem_shared>>)
      tpu.yield
    }) : () -> ()
    %barrier3A = arith.constant 0 : index
    tpu.barrier barrier_id(%barrier3A)
    %scan3A = arith.constant 0 : i32
    %scan3A_5 = arith.constant 0 : i32
    %scan3A_6 = arith.constant 39 : i32
    %scan3A_7 = arith.addi %scan3A_5, %scan3A_6 : i32
    %scan3A_8 = arith.constant 1 : i32
    scf.for %scan3A_27 = %scan3A_5 to %scan3A_7 step %scan3A_8  : i32 {
      %mul3A_28 = arith.constant 2 : i32
      %mul3A_29 = arith.muli %scan3A_27, %mul3A_28 : i32
      %dma_start3A_30 = arith.constant 0 : i32
      %dma_start3A_31 = tpu.memref_slice %arg7[%mul3A_29, %dma_start3A_30] : memref<79x128xi32, #tpu.memory_space<vmem>> -> memref<1x128xi32, #tpu.memory_space<vmem>>
      %dma_start3A_32 = tpu.memref_squeeze %dma_start3A_31 : memref<1x128xi32, #tpu.memory_space<vmem>> -> memref<128xi32, #tpu.memory_space<vmem>>
      %dma_start3A_33 = arith.constant 0 : i32
      %dma_start3A_34 = arith.constant 0 : i32
      %dma_start3A_35 = tpu.memref_slice %arg2[%dma_start3A_33, %dma_start3A_34] : memref<10112x64xf32, #tpu.memory_space<hbm>> -> memref<10112x64xf32, #tpu.memory_space<hbm>>
      tpu.enqueue_indirect_dma source(%dma_start3A_35 : memref<10112x64xf32, #tpu.memory_space<hbm>>) target(%arg9 : memref<128x64xf32, #tpu.memory_space<vmem>>) offsets(%dma_start3A_32 : memref<128xi32, #tpu.memory_space<vmem>>) semaphore(%arg11 : memref<!tpu.dma_semaphore, #tpu.memory_space<semaphore_mem>>)
      %add3A_36 = arith.constant 1 : i32
      %add3A_37 = arith.addi %mul3A_29, %add3A_36 : i32
      %dma_start3A_38 = arith.constant 0 : i32
      %dma_start3A_39 = tpu.memref_slice %arg7[%add3A_37, %dma_start3A_38] : memref<79x128xi32, #tpu.memory_space<vmem>> -> memref<1x128xi32, #tpu.memory_space<vmem>>
      %dma_start3A_40 = tpu.memref_squeeze %dma_start3A_39 : memref<1x128xi32, #tpu.memory_space<vmem>> -> memref<128xi32, #tpu.memory_space<vmem>>
      %dma_start3A_41 = arith.constant 0 : i32
      %dma_start3A_42 = arith.constant 0 : i32
      %dma_start3A_43 = tpu.memref_slice %arg2[%dma_start3A_41, %dma_start3A_42] : memref<10112x64xf32, #tpu.memory_space<hbm>> -> memref<10112x64xf32, #tpu.memory_space<hbm>>
      tpu.enqueue_indirect_dma source(%dma_start3A_43 : memref<10112x64xf32, #tpu.memory_space<hbm>>) target(%arg10 : memref<128x64xf32, #tpu.memory_space<vmem>>) offsets(%dma_start3A_40 : memref<128xi32, #tpu.memory_space<vmem>>) semaphore(%arg12 : memref<!tpu.dma_semaphore, #tpu.memory_space<semaphore_mem>>)
      %dma_wait3A_44 = arith.constant 0 : i32
      %dma_wait3A_45 = tpu.memref_slice %arg7[%mul3A_29, %dma_wait3A_44] : memref<79x128xi32, #tpu.memory_space<vmem>> -> memref<1x128xi32, #tpu.memory_space<vmem>>
      %dma_wait3A_46 = tpu.memref_squeeze %dma_wait3A_45 : memref<1x128xi32, #tpu.memory_space<vmem>> -> memref<128xi32, #tpu.memory_space<vmem>>
      %dma_wait3A_47 = arith.constant 0 : i32
      %dma_wait3A_48 = arith.constant 0 : i32
      %dma_wait3A_49 = tpu.memref_slice %arg2[%dma_wait3A_47, %dma_wait3A_48] : memref<10112x64xf32, #tpu.memory_space<hbm>> -> memref<10112x64xf32, #tpu.memory_space<hbm>>
      tpu.wait_indirect_dma semaphore(%arg11 : memref<!tpu.dma_semaphore, #tpu.memory_space<semaphore_mem>>) src(%dma_wait3A_49 : memref<10112x64xf32, #tpu.memory_space<hbm>>) dst(%arg9 : memref<128x64xf32, #tpu.memory_space<vmem>>)
      %dma_start3A_50 = arith.constant 0 : i32
      %dma_start3A_51 = tpu.memref_slice %arg8[%mul3A_29, %dma_start3A_50] : memref<79x128xi32, #tpu.memory_space<vmem>> -> memref<1x128xi32, #tpu.memory_space<vmem>>
      %dma_start3A_52 = tpu.memref_squeeze %dma_start3A_51 : memref<1x128xi32, #tpu.memory_space<vmem>> -> memref<128xi32, #tpu.memory_space<vmem>>
      %dma_start3A_53 = arith.constant 0 : i32
      %dma_start3A_54 = arith.constant 0 : i32
      %dma_start3A_55 = tpu.memref_slice %arg15[%dma_start3A_53, %dma_start3A_54] : memref<10112x64xf32, #tpu.memory_space<vmem_shared>> -> memref<10112x64xf32, #tpu.memory_space<vmem_shared>>
      tpu.enqueue_indirect_dma source(%arg9 : memref<128x64xf32, #tpu.memory_space<vmem>>) target(%dma_start3A_55 : memref<10112x64xf32, #tpu.memory_space<vmem_shared>>) offsets(%dma_start3A_52 : memref<128xi32, #tpu.memory_space<vmem>>) semaphore(%arg13 : memref<!tpu.dma_semaphore, #tpu.memory_space<semaphore_mem>>) {add = true}
      %dma_wait3A_56 = arith.constant 0 : i32
      %dma_wait3A_57 = tpu.memref_slice %arg7[%add3A_37, %dma_wait3A_56] : memref<79x128xi32, #tpu.memory_space<vmem>> -> memref<1x128xi32, #tpu.memory_space<vmem>>
      %dma_wait3A_58 = tpu.memref_squeeze %dma_wait3A_57 : memref<1x128xi32, #tpu.memory_space<vmem>> -> memref<128xi32, #tpu.memory_space<vmem>>
      %dma_wait3A_59 = arith.constant 0 : i32
      %dma_wait3A_60 = arith.constant 0 : i32
      %dma_wait3A_61 = tpu.memref_slice %arg2[%dma_wait3A_59, %dma_wait3A_60] : memref<10112x64xf32, #tpu.memory_space<hbm>> -> memref<10112x64xf32, #tpu.memory_space<hbm>>
      tpu.wait_indirect_dma semaphore(%arg12 : memref<!tpu.dma_semaphore, #tpu.memory_space<semaphore_mem>>) src(%dma_wait3A_61 : memref<10112x64xf32, #tpu.memory_space<hbm>>) dst(%arg10 : memref<128x64xf32, #tpu.memory_space<vmem>>)
      %add3A_62 = arith.constant 1 : i32
      %add3A_63 = arith.addi %mul3A_29, %add3A_62 : i32
      %dma_start3A_64 = arith.constant 0 : i32
      %dma_start3A_65 = tpu.memref_slice %arg8[%add3A_63, %dma_start3A_64] : memref<79x128xi32, #tpu.memory_space<vmem>> -> memref<1x128xi32, #tpu.memory_space<vmem>>
      %dma_start3A_66 = tpu.memref_squeeze %dma_start3A_65 : memref<1x128xi32, #tpu.memory_space<vmem>> -> memref<128xi32, #tpu.memory_space<vmem>>
      %dma_start3A_67 = arith.constant 0 : i32
      %dma_start3A_68 = arith.constant 0 : i32
      %dma_start3A_69 = tpu.memref_slice %arg15[%dma_start3A_67, %dma_start3A_68] : memref<10112x64xf32, #tpu.memory_space<vmem_shared>> -> memref<10112x64xf32, #tpu.memory_space<vmem_shared>>
      tpu.enqueue_indirect_dma source(%arg10 : memref<128x64xf32, #tpu.memory_space<vmem>>) target(%dma_start3A_69 : memref<10112x64xf32, #tpu.memory_space<vmem_shared>>) offsets(%dma_start3A_66 : memref<128xi32, #tpu.memory_space<vmem>>) semaphore(%arg14 : memref<!tpu.dma_semaphore, #tpu.memory_space<semaphore_mem>>) {add = true}
      %dma_wait3A_70 = arith.constant 0 : i32
      %dma_wait3A_71 = tpu.memref_slice %arg8[%mul3A_29, %dma_wait3A_70] : memref<79x128xi32, #tpu.memory_space<vmem>> -> memref<1x128xi32, #tpu.memory_space<vmem>>
      %dma_wait3A_72 = tpu.memref_squeeze %dma_wait3A_71 : memref<1x128xi32, #tpu.memory_space<vmem>> -> memref<128xi32, #tpu.memory_space<vmem>>
      %dma_wait3A_73 = arith.constant 0 : i32
      %dma_wait3A_74 = arith.constant 0 : i32
      %dma_wait3A_75 = tpu.memref_slice %arg15[%dma_wait3A_73, %dma_wait3A_74] : memref<10112x64xf32, #tpu.memory_space<vmem_shared>> -> memref<10112x64xf32, #tpu.memory_space<vmem_shared>>
      tpu.wait_indirect_dma semaphore(%arg13 : memref<!tpu.dma_semaphore, #tpu.memory_space<semaphore_mem>>) src(%arg9 : memref<128x64xf32, #tpu.memory_space<vmem>>) dst(%dma_wait3A_75 : memref<10112x64xf32, #tpu.memory_space<vmem_shared>>)
      %dma_wait3A_76 = arith.constant 0 : i32
      %dma_wait3A_77 = tpu.memref_slice %arg8[%add3A_63, %dma_wait3A_76] : memref<79x128xi32, #tpu.memory_space<vmem>> -> memref<1x128xi32, #tpu.memory_space<vmem>>
      %dma_wait3A_78 = tpu.memref_squeeze %dma_wait3A_77 : memref<1x128xi32, #tpu.memory_space<vmem>> -> memref<128xi32, #tpu.memory_space<vmem>>
      %dma_wait3A_79 = arith.constant 0 : i32
      %dma_wait3A_80 = arith.constant 0 : i32
      %dma_wait3A_81 = tpu.memref_slice %arg15[%dma_wait3A_79, %dma_wait3A_80] : memref<10112x64xf32, #tpu.memory_space<vmem_shared>> -> memref<10112x64xf32, #tpu.memory_space<vmem_shared>>
      tpu.wait_indirect_dma semaphore(%arg14 : memref<!tpu.dma_semaphore, #tpu.memory_space<semaphore_mem>>) src(%arg10 : memref<128x64xf32, #tpu.memory_space<vmem>>) dst(%dma_wait3A_81 : memref<10112x64xf32, #tpu.memory_space<vmem_shared>>)
    }
    %scan3A_9 = arith.constant 39 : i32
    %dma_start3A = arith.constant 78 : i32
    %dma_start3A_10 = arith.constant 0 : i32
    %dma_start3A_11 = tpu.memref_slice %arg7[%dma_start3A, %dma_start3A_10] : memref<79x128xi32, #tpu.memory_space<vmem>> -> memref<1x128xi32, #tpu.memory_space<vmem>>
    %dma_start3A_12 = tpu.memref_squeeze %dma_start3A_11 : memref<1x128xi32, #tpu.memory_space<vmem>> -> memref<128xi32, #tpu.memory_space<vmem>>
    %dma_start3A_13 = arith.constant 0 : i32
    %dma_start3A_14 = arith.constant 0 : i32
    %dma_start3A_15 = tpu.memref_slice %arg2[%dma_start3A_13, %dma_start3A_14] : memref<10112x64xf32, #tpu.memory_space<hbm>> -> memref<10112x64xf32, #tpu.memory_space<hbm>>
    tpu.enqueue_indirect_dma source(%dma_start3A_15 : memref<10112x64xf32, #tpu.memory_space<hbm>>) target(%arg9 : memref<128x64xf32, #tpu.memory_space<vmem>>) offsets(%dma_start3A_12 : memref<128xi32, #tpu.memory_space<vmem>>) semaphore(%arg11 : memref<!tpu.dma_semaphore, #tpu.memory_space<semaphore_mem>>)
    %dma_wait3A = arith.constant 78 : i32
    %dma_wait3A_16 = arith.constant 0 : i32
    %dma_wait3A_17 = tpu.memref_slice %arg7[%dma_wait3A, %dma_wait3A_16] : memref<79x128xi32, #tpu.memory_space<vmem>> -> memref<1x128xi32, #tpu.memory_space<vmem>>
    %dma_wait3A_18 = tpu.memref_squeeze %dma_wait3A_17 : memref<1x128xi32, #tpu.memory_space<vmem>> -> memref<128xi32, #tpu.memory_space<vmem>>
    %dma_wait3A_19 = arith.constant 0 : i32
    %dma_wait3A_20 = arith.constant 0 : i32
    %dma_wait3A_21 = tpu.memref_slice %arg2[%dma_wait3A_19, %dma_wait3A_20] : memref<10112x64xf32, #tpu.memory_space<hbm>> -> memref<10112x64xf32, #tpu.memory_space<hbm>>
    tpu.wait_indirect_dma semaphore(%arg11 : memref<!tpu.dma_semaphore, #tpu.memory_space<semaphore_mem>>) src(%dma_wait3A_21 : memref<10112x64xf32, #tpu.memory_space<hbm>>) dst(%arg9 : memref<128x64xf32, #tpu.memory_space<vmem>>)
    %run_scoped3A = arith.constant 78 : i32
    "tpu.region"() ({
      %run_scoped3A_27 = tpu.sem_alloc : memref<!tpu.dma_semaphore, #tpu.memory_space<semaphore_mem>>
      %dma_start3A_28 = arith.constant 0 : i32
      %dma_start3A_29 = tpu.memref_slice %arg8[%run_scoped3A, %dma_start3A_28] : memref<79x128xi32, #tpu.memory_space<vmem>> -> memref<1x128xi32, #tpu.memory_space<vmem>>
      %dma_start3A_30 = tpu.memref_squeeze %dma_start3A_29 : memref<1x128xi32, #tpu.memory_space<vmem>> -> memref<128xi32, #tpu.memory_space<vmem>>
      %dma_start3A_31 = arith.constant 0 : i32
      %dma_start3A_32 = arith.constant 0 : i32
      %dma_start3A_33 = tpu.memref_slice %arg15[%dma_start3A_31, %dma_start3A_32] : memref<10112x64xf32, #tpu.memory_space<vmem_shared>> -> memref<10112x64xf32, #tpu.memory_space<vmem_shared>>
      tpu.enqueue_indirect_dma source(%arg9 : memref<128x64xf32, #tpu.memory_space<vmem>>) target(%dma_start3A_33 : memref<10112x64xf32, #tpu.memory_space<vmem_shared>>) offsets(%dma_start3A_30 : memref<128xi32, #tpu.memory_space<vmem>>) semaphore(%run_scoped3A_27 : memref<!tpu.dma_semaphore, #tpu.memory_space<semaphore_mem>>) {add = true}
      %dma_wait3A_34 = arith.constant 0 : i32
      %dma_wait3A_35 = tpu.memref_slice %arg8[%run_scoped3A, %dma_wait3A_34] : memref<79x128xi32, #tpu.memory_space<vmem>> -> memref<1x128xi32, #tpu.memory_space<vmem>>
      %dma_wait3A_36 = tpu.memref_squeeze %dma_wait3A_35 : memref<1x128xi32, #tpu.memory_space<vmem>> -> memref<128xi32, #tpu.memory_space<vmem>>
      %dma_wait3A_37 = arith.constant 0 : i32
      %dma_wait3A_38 = arith.constant 0 : i32
      %dma_wait3A_39 = tpu.memref_slice %arg15[%dma_wait3A_37, %dma_wait3A_38] : memref<10112x64xf32, #tpu.memory_space<vmem_shared>> -> memref<10112x64xf32, #tpu.memory_space<vmem_shared>>
      tpu.wait_indirect_dma semaphore(%run_scoped3A_27 : memref<!tpu.dma_semaphore, #tpu.memory_space<semaphore_mem>>) src(%arg9 : memref<128x64xf32, #tpu.memory_space<vmem>>) dst(%dma_wait3A_39 : memref<10112x64xf32, #tpu.memory_space<vmem_shared>>)
      tpu.yield
    }) : () -> ()
    %barrier3A_22 = arith.constant 0 : index
    tpu.barrier barrier_id(%barrier3A_22)
    %mul3A_23 = arith.constant 632 : i32
    %mul3A_24 = arith.muli %arg1, %mul3A_23 : i32
    %mul3A_25 = arith.constant 632 : i32
    %mul3A_26 = arith.muli %arg1, %mul3A_25 : i32
    "tpu.region"() ({
      %run_scoped3A_27 = tpu.sem_alloc : memref<!tpu.dma_semaphore, #tpu.memory_space<semaphore_mem>>
      %dma_start3A_28 = arith.constant 0 : i32
      %dma_start3A_29 = tpu.memref_slice %arg6[%arg0, %mul3A_26, %dma_start3A_28] : memref<2x10112x64xf32, #tpu.memory_space<hbm>> -> memref<1x632x64xf32, #tpu.memory_space<hbm>>
      %dma_start3A_30 = tpu.memref_squeeze %dma_start3A_29 : memref<1x632x64xf32, #tpu.memory_space<hbm>> -> memref<632x64xf32, #tpu.memory_space<hbm>>
      %dma_start3A_31 = arith.constant 0 : i32
      %dma_start3A_32 = tpu.memref_slice %arg15[%mul3A_24, %dma_start3A_31] : memref<10112x64xf32, #tpu.memory_space<vmem_shared>> -> memref<632x64xf32, #tpu.memory_space<vmem_shared>>
      tpu.enqueue_dma source(%dma_start3A_32 : memref<632x64xf32, #tpu.memory_space<vmem_shared>>) target(%dma_start3A_30 : memref<632x64xf32, #tpu.memory_space<hbm>>) target_semaphore(%run_scoped3A_27 : memref<!tpu.dma_semaphore, #tpu.memory_space<semaphore_mem>>)
      %dma_wait3A_33 = arith.constant 0 : i32
      %dma_wait3A_34 = tpu.memref_slice %arg6[%arg0, %mul3A_26, %dma_wait3A_33] : memref<2x10112x64xf32, #tpu.memory_space<hbm>> -> memref<1x632x64xf32, #tpu.memory_space<hbm>>
      %dma_wait3A_35 = tpu.memref_squeeze %dma_wait3A_34 : memref<1x632x64xf32, #tpu.memory_space<hbm>> -> memref<632x64xf32, #tpu.memory_space<hbm>>
      %dma_wait3A_36 = arith.constant 0 : i32
      %dma_wait3A_37 = tpu.memref_slice %arg15[%mul3A_24, %dma_wait3A_36] : memref<10112x64xf32, #tpu.memory_space<vmem_shared>> -> memref<632x64xf32, #tpu.memory_space<vmem_shared>>
      tpu.wait_dma2 semaphore(%run_scoped3A_27 : memref<!tpu.dma_semaphore, #tpu.memory_space<semaphore_mem>>) src(%dma_wait3A_37 : memref<632x64xf32, #tpu.memory_space<vmem_shared>>) dst(%dma_wait3A_35 : memref<632x64xf32, #tpu.memory_space<hbm>>)
      tpu.yield
    }) : () -> ()
    return
  }
}

module attributes {stable_mosaic.version = 14 : i64} {
  func.func @_gin0_body(%arg0: memref<10112x64xf32, #tpu.memory_space<vmem>>, %arg1: memref<10112x64xf32, #tpu.memory_space<vmem>>, %arg2: memref<10112x64xf32, #tpu.memory_space<vmem>>, %arg3: memref<10112x64xf32, #tpu.memory_space<vmem>>, %arg4: memref<10112x128xf32, #tpu.memory_space<vmem>>, %arg5: memref<128x32xf32, #tpu.memory_space<vmem>>, %arg6: memref<1x32xf32, #tpu.memory_space<vmem>>, %arg7: memref<32x32xf32, #tpu.memory_space<vmem>>, %arg8: memref<1x32xf32, #tpu.memory_space<vmem>>, %arg9: memref<10112x32xf32, #tpu.memory_space<vmem>>) attributes {dimension_semantics = [], scalar_prefetch = 0 : i64, scratch_operands = 0 : i64, tpu.core_type = #tpu.core_type<tc>} {
    %get3A = arith.constant 0 : index
    %get3A_0 = arith.constant 0 : index
    %get3A_1 = vector.load %arg0[%get3A, %get3A_0] : memref<10112x64xf32, #tpu.memory_space<vmem>>, vector<10112x64xf32>
    %get3A_2 = arith.constant 0 : index
    %get3A_3 = arith.constant 0 : index
    %get3A_4 = vector.load %arg1[%get3A_2, %get3A_3] : memref<10112x64xf32, #tpu.memory_space<vmem>>, vector<10112x64xf32>
    %add3A = arith.addf %get3A_1, %get3A_4 : vector<10112x64xf32>
    %get3A_5 = arith.constant 0 : index
    %get3A_6 = arith.constant 0 : index
    %get3A_7 = vector.load %arg2[%get3A_5, %get3A_6] : memref<10112x64xf32, #tpu.memory_space<vmem>>, vector<10112x64xf32>
    %get3A_8 = arith.constant 0 : index
    %get3A_9 = arith.constant 0 : index
    %get3A_10 = vector.load %arg3[%get3A_8, %get3A_9] : memref<10112x64xf32, #tpu.memory_space<vmem>>, vector<10112x64xf32>
    %add3A_11 = arith.addf %get3A_7, %get3A_10 : vector<10112x64xf32>
    %concatenate3A = tpu.concatenate %add3A, %add3A_11 in 1 : vector<10112x64xf32>, vector<10112x64xf32> -> vector<10112x128xf32>
    %get3A_12 = arith.constant 0 : index
    %get3A_13 = arith.constant 0 : index
    %get3A_14 = vector.load %arg4[%get3A_12, %get3A_13] : memref<10112x128xf32, #tpu.memory_space<vmem>>, vector<10112x128xf32>
    %add3A_15 = arith.addf %concatenate3A, %get3A_14 : vector<10112x128xf32>
    %get3A_16 = arith.constant 0 : index
    %get3A_17 = arith.constant 0 : index
    %get3A_18 = vector.load %arg5[%get3A_16, %get3A_17] : memref<128x32xf32, #tpu.memory_space<vmem>>, vector<128x32xf32>
    %dot_general3A = arith.constant dense<0.000000e+00> : vector<10112x32xf32>
    %dot_general3A_19 = tpu.matmul %add3A_15, %get3A_18, %dot_general3A {dimension_numbers = #tpu.dot_dimension_numbers<[1], [0], [0], [1], [0, 0, 1, 1], [], []>, transpose_lhs_hint = false} : vector<10112x128xf32>, vector<128x32xf32>, vector<10112x32xf32> -> vector<10112x32xf32>
    %get3A_20 = arith.constant 0 : index
    %get3A_21 = arith.constant 0 : index
    %get3A_22 = vector.load %arg6[%get3A_20, %get3A_21] : memref<1x32xf32, #tpu.memory_space<vmem>>, vector<1x32xf32>
    %add3A_23 = vector.broadcast %get3A_22 : vector<1x32xf32> to vector<10112x32xf32>
    %add3A_24 = arith.addf %dot_general3A_19, %add3A_23 : vector<10112x32xf32>
    %max3A = arith.constant 0.000000e+00 : f32
    %max3A_25 = vector.broadcast %max3A : f32 to vector<10112x32xf32>
    %max3A_26 = arith.maximumf %add3A_24, %max3A_25 : vector<10112x32xf32>
    %get3A_27 = arith.constant 0 : index
    %get3A_28 = arith.constant 0 : index
    %get3A_29 = vector.load %arg7[%get3A_27, %get3A_28] : memref<32x32xf32, #tpu.memory_space<vmem>>, vector<32x32xf32>
    %dot_general3A_30 = arith.constant dense<0.000000e+00> : vector<10112x32xf32>
    %dot_general3A_31 = tpu.matmul %max3A_26, %get3A_29, %dot_general3A_30 {dimension_numbers = #tpu.dot_dimension_numbers<[1], [0], [0], [1], [0, 0, 1, 1], [], []>, transpose_lhs_hint = false} : vector<10112x32xf32>, vector<32x32xf32>, vector<10112x32xf32> -> vector<10112x32xf32>
    %get3A_32 = arith.constant 0 : index
    %get3A_33 = arith.constant 0 : index
    %get3A_34 = vector.load %arg8[%get3A_32, %get3A_33] : memref<1x32xf32, #tpu.memory_space<vmem>>, vector<1x32xf32>
    %add3A_35 = vector.broadcast %get3A_34 : vector<1x32xf32> to vector<10112x32xf32>
    %add3A_36 = arith.addf %dot_general3A_31, %add3A_35 : vector<10112x32xf32>
    %max3A_37 = arith.constant 0.000000e+00 : f32
    %max3A_38 = vector.broadcast %max3A_37 : f32 to vector<10112x32xf32>
    %max3A_39 = arith.maximumf %add3A_36, %max3A_38 : vector<10112x32xf32>
    %swap3A = arith.constant 0 : index
    %swap3A_40 = arith.constant 0 : index
    %swap3A_41 = vector.load %arg9[%swap3A, %swap3A_40] : memref<10112x32xf32, #tpu.memory_space<vmem>>, vector<10112x32xf32>
    tpu.vector_store %arg9[%swap3A, %swap3A_40], %max3A_39 {strides = array<i32>} : memref<10112x32xf32, #tpu.memory_space<vmem>>, vector<10112x32xf32>,
    return
  }
}

module attributes {stable_mosaic.version = 14 : i64} {
  func.func @_gin_body(%arg0: memref<10112x32xf32, #tpu.memory_space<vmem>>, %arg1: memref<10112x32xf32, #tpu.memory_space<vmem>>, %arg2: memref<10112x32xf32, #tpu.memory_space<vmem>>, %arg3: memref<32x32xf32, #tpu.memory_space<vmem>>, %arg4: memref<1x32xf32, #tpu.memory_space<vmem>>, %arg5: memref<32x32xf32, #tpu.memory_space<vmem>>, %arg6: memref<1x32xf32, #tpu.memory_space<vmem>>, %arg7: memref<10112x32xf32, #tpu.memory_space<vmem>>) attributes {dimension_semantics = [], scalar_prefetch = 0 : i64, scratch_operands = 0 : i64, tpu.core_type = #tpu.core_type<tc>} {
    %get3A = arith.constant 0 : index
    %get3A_0 = arith.constant 0 : index
    %get3A_1 = vector.load %arg0[%get3A, %get3A_0] : memref<10112x32xf32, #tpu.memory_space<vmem>>, vector<10112x32xf32>
    %get3A_2 = arith.constant 0 : index
    %get3A_3 = arith.constant 0 : index
    %get3A_4 = vector.load %arg1[%get3A_2, %get3A_3] : memref<10112x32xf32, #tpu.memory_space<vmem>>, vector<10112x32xf32>
    %add3A = arith.addf %get3A_1, %get3A_4 : vector<10112x32xf32>
    %get3A_5 = arith.constant 0 : index
    %get3A_6 = arith.constant 0 : index
    %get3A_7 = vector.load %arg2[%get3A_5, %get3A_6] : memref<10112x32xf32, #tpu.memory_space<vmem>>, vector<10112x32xf32>
    %add3A_8 = arith.addf %add3A, %get3A_7 : vector<10112x32xf32>
    %get3A_9 = arith.constant 0 : index
    %get3A_10 = arith.constant 0 : index
    %get3A_11 = vector.load %arg3[%get3A_9, %get3A_10] : memref<32x32xf32, #tpu.memory_space<vmem>>, vector<32x32xf32>
    %dot_general3A = arith.constant dense<0.000000e+00> : vector<10112x32xf32>
    %dot_general3A_12 = tpu.matmul %add3A_8, %get3A_11, %dot_general3A {dimension_numbers = #tpu.dot_dimension_numbers<[1], [0], [0], [1], [0, 0, 1, 1], [], []>, transpose_lhs_hint = false} : vector<10112x32xf32>, vector<32x32xf32>, vector<10112x32xf32> -> vector<10112x32xf32>
    %get3A_13 = arith.constant 0 : index
    %get3A_14 = arith.constant 0 : index
    %get3A_15 = vector.load %arg4[%get3A_13, %get3A_14] : memref<1x32xf32, #tpu.memory_space<vmem>>, vector<1x32xf32>
    %add3A_16 = vector.broadcast %get3A_15 : vector<1x32xf32> to vector<10112x32xf32>
    %add3A_17 = arith.addf %dot_general3A_12, %add3A_16 : vector<10112x32xf32>
    %max3A = arith.constant 0.000000e+00 : f32
    %max3A_18 = vector.broadcast %max3A : f32 to vector<10112x32xf32>
    %max3A_19 = arith.maximumf %add3A_17, %max3A_18 : vector<10112x32xf32>
    %get3A_20 = arith.constant 0 : index
    %get3A_21 = arith.constant 0 : index
    %get3A_22 = vector.load %arg5[%get3A_20, %get3A_21] : memref<32x32xf32, #tpu.memory_space<vmem>>, vector<32x32xf32>
    %dot_general3A_23 = arith.constant dense<0.000000e+00> : vector<10112x32xf32>
    %dot_general3A_24 = tpu.matmul %max3A_19, %get3A_22, %dot_general3A_23 {dimension_numbers = #tpu.dot_dimension_numbers<[1], [0], [0], [1], [0, 0, 1, 1], [], []>, transpose_lhs_hint = false} : vector<10112x32xf32>, vector<32x32xf32>, vector<10112x32xf32> -> vector<10112x32xf32>
    %get3A_25 = arith.constant 0 : index
    %get3A_26 = arith.constant 0 : index
    %get3A_27 = vector.load %arg6[%get3A_25, %get3A_26] : memref<1x32xf32, #tpu.memory_space<vmem>>, vector<1x32xf32>
    %add3A_28 = vector.broadcast %get3A_27 : vector<1x32xf32> to vector<10112x32xf32>
    %add3A_29 = arith.addf %dot_general3A_24, %add3A_28 : vector<10112x32xf32>
    %max3A_30 = arith.constant 0.000000e+00 : f32
    %max3A_31 = vector.broadcast %max3A_30 : f32 to vector<10112x32xf32>
    %max3A_32 = arith.maximumf %add3A_29, %max3A_31 : vector<10112x32xf32>
    %swap3A = arith.constant 0 : index
    %swap3A_33 = arith.constant 0 : index
    %swap3A_34 = vector.load %arg7[%swap3A, %swap3A_33] : memref<10112x32xf32, #tpu.memory_space<vmem>>, vector<10112x32xf32>
    tpu.vector_store %arg7[%swap3A, %swap3A_33], %max3A_32 {strides = array<i32>} : memref<10112x32xf32, #tpu.memory_space<vmem>>, vector<10112x32xf32>,
    return
  }
}

module attributes {stable_mosaic.version = 14 : i64} {
  func.func @_pre_body(%arg0: memref<10112x128xf32, #tpu.memory_space<vmem>>, %arg1: memref<128x64xf32, #tpu.memory_space<vmem>>, %arg2: memref<10112x64xf32, #tpu.memory_space<vmem>>) attributes {dimension_semantics = [], scalar_prefetch = 0 : i64, scratch_operands = 0 : i64, tpu.core_type = #tpu.core_type<tc>} {
    %get3A = arith.constant 0 : index
    %get3A_0 = arith.constant 0 : index
    %get3A_1 = vector.load %arg0[%get3A, %get3A_0] : memref<10112x128xf32, #tpu.memory_space<vmem>>, vector<10112x128xf32>
    %get3A_2 = arith.constant 0 : index
    %get3A_3 = arith.constant 0 : index
    %get3A_4 = vector.load %arg1[%get3A_2, %get3A_3] : memref<128x64xf32, #tpu.memory_space<vmem>>, vector<128x64xf32>
    %dot_general3A = arith.constant dense<0.000000e+00> : vector<10112x64xf32>
    %dot_general3A_5 = tpu.matmul %get3A_1, %get3A_4, %dot_general3A {dimension_numbers = #tpu.dot_dimension_numbers<[1], [0], [0], [1], [0, 0, 1, 1], [], []>, transpose_lhs_hint = false} : vector<10112x128xf32>, vector<128x64xf32>, vector<10112x64xf32> -> vector<10112x64xf32>
    %swap3A = arith.constant 0 : index
    %swap3A_6 = arith.constant 0 : index
    %swap3A_7 = vector.load %arg2[%swap3A, %swap3A_6] : memref<10112x64xf32, #tpu.memory_space<vmem>>, vector<10112x64xf32>
    tpu.vector_store %arg2[%swap3A, %swap3A_6], %dot_general3A_5 {strides = array<i32>} : memref<10112x64xf32, #tpu.memory_space<vmem>>, vector<10112x64xf32>,
    return
  }
}

module attributes {stable_mosaic.version = 14 : i64} {
  func.func @_big_body(%arg0: memref<10112x32xf32, #tpu.memory_space<vmem>>, %arg1: memref<10112x32xf32, #tpu.memory_space<vmem>>, %arg2: memref<10112x32xf32, #tpu.memory_space<vmem>>, %arg3: memref<10112x64xf32, #tpu.memory_space<vmem>>, %arg4: memref<32x32xf32, #tpu.memory_space<vmem>>, %arg5: memref<1x32xf32, #tpu.memory_space<vmem>>, %arg6: memref<32x32xf32, #tpu.memory_space<vmem>>, %arg7: memref<1x32xf32, #tpu.memory_space<vmem>>, %arg8: memref<32x64xf32, #tpu.memory_space<vmem>>, %arg9: memref<1x64xf32, #tpu.memory_space<vmem>>, %arg10: memref<64x32xf32, #tpu.memory_space<vmem>>, %arg11: memref<1x32xf32, #tpu.memory_space<vmem>>, %arg12: memref<32x2xf32, #tpu.memory_space<vmem>>, %arg13: memref<1x2xf32, #tpu.memory_space<vmem>>, %arg14: memref<10112x32xf32, #tpu.memory_space<vmem>>, %arg15: memref<10112x2xf32, #tpu.memory_space<vmem>>, %arg16: memref<10112x64xf32, #tpu.memory_space<vmem>>) attributes {dimension_semantics = [], scalar_prefetch = 0 : i64, scratch_operands = 0 : i64, tpu.core_type = #tpu.core_type<tc>} {
    %get3A = arith.constant 0 : index
    %get3A_0 = arith.constant 0 : index
    %get3A_1 = vector.load %arg0[%get3A, %get3A_0] : memref<10112x32xf32, #tpu.memory_space<vmem>>, vector<10112x32xf32>
    %get3A_2 = arith.constant 0 : index
    %get3A_3 = arith.constant 0 : index
    %get3A_4 = vector.load %arg1[%get3A_2, %get3A_3] : memref<10112x32xf32, #tpu.memory_space<vmem>>, vector<10112x32xf32>
    %add3A = arith.addf %get3A_1, %get3A_4 : vector<10112x32xf32>
    %get3A_5 = arith.constant 0 : index
    %get3A_6 = arith.constant 0 : index
    %get3A_7 = vector.load %arg2[%get3A_5, %get3A_6] : memref<10112x32xf32, #tpu.memory_space<vmem>>, vector<10112x32xf32>
    %add3A_8 = arith.addf %add3A, %get3A_7 : vector<10112x32xf32>
    %get3A_9 = arith.constant 0 : index
    %get3A_10 = arith.constant 0 : index
    %get3A_11 = vector.load %arg4[%get3A_9, %get3A_10] : memref<32x32xf32, #tpu.memory_space<vmem>>, vector<32x32xf32>
    %dot_general3A = arith.constant dense<0.000000e+00> : vector<10112x32xf32>
    %dot_general3A_12 = tpu.matmul %add3A_8, %get3A_11, %dot_general3A {dimension_numbers = #tpu.dot_dimension_numbers<[1], [0], [0], [1], [0, 0, 1, 1], [], []>, transpose_lhs_hint = false} : vector<10112x32xf32>, vector<32x32xf32>, vector<10112x32xf32> -> vector<10112x32xf32>
    %get3A_13 = arith.constant 0 : index
    %get3A_14 = arith.constant 0 : index
    %get3A_15 = vector.load %arg5[%get3A_13, %get3A_14] : memref<1x32xf32, #tpu.memory_space<vmem>>, vector<1x32xf32>
    %add3A_16 = vector.broadcast %get3A_15 : vector<1x32xf32> to vector<10112x32xf32>
    %add3A_17 = arith.addf %dot_general3A_12, %add3A_16 : vector<10112x32xf32>
    %max3A = arith.constant 0.000000e+00 : f32
    %max3A_18 = vector.broadcast %max3A : f32 to vector<10112x32xf32>
    %max3A_19 = arith.maximumf %add3A_17, %max3A_18 : vector<10112x32xf32>
    %get3A_20 = arith.constant 0 : index
    %get3A_21 = arith.constant 0 : index
    %get3A_22 = vector.load %arg6[%get3A_20, %get3A_21] : memref<32x32xf32, #tpu.memory_space<vmem>>, vector<32x32xf32>
    %dot_general3A_23 = arith.constant dense<0.000000e+00> : vector<10112x32xf32>
    %dot_general3A_24 = tpu.matmul %max3A_19, %get3A_22, %dot_general3A_23 {dimension_numbers = #tpu.dot_dimension_numbers<[1], [0], [0], [1], [0, 0, 1, 1], [], []>, transpose_lhs_hint = false} : vector<10112x32xf32>, vector<32x32xf32>, vector<10112x32xf32> -> vector<10112x32xf32>
    %get3A_25 = arith.constant 0 : index
    %get3A_26 = arith.constant 0 : index
    %get3A_27 = vector.load %arg7[%get3A_25, %get3A_26] : memref<1x32xf32, #tpu.memory_space<vmem>>, vector<1x32xf32>
    %add3A_28 = vector.broadcast %get3A_27 : vector<1x32xf32> to vector<10112x32xf32>
    %add3A_29 = arith.addf %dot_general3A_24, %add3A_28 : vector<10112x32xf32>
    %max3A_30 = arith.constant 0.000000e+00 : f32
    %max3A_31 = vector.broadcast %max3A_30 : f32 to vector<10112x32xf32>
    %max3A_32 = arith.maximumf %add3A_29, %max3A_31 : vector<10112x32xf32>
    %swap3A = arith.constant 0 : index
    %swap3A_33 = arith.constant 0 : index
    %swap3A_34 = vector.load %arg14[%swap3A, %swap3A_33] : memref<10112x32xf32, #tpu.memory_space<vmem>>, vector<10112x32xf32>
    tpu.vector_store %arg14[%swap3A, %swap3A_33], %max3A_32 {strides = array<i32>} : memref<10112x32xf32, #tpu.memory_space<vmem>>, vector<10112x32xf32>,
    %iota3A = tpu.iota {dimensions = array<i32: 0>} : vector<10112x1xi32>
    %lt3A = arith.constant 10000 : i32
    %lt3A_35 = vector.broadcast %lt3A : i32 to vector<10112x1xi32>
    %lt3A_36 = arith.cmpi slt, %iota3A, %lt3A_35 : vector<10112x1xi32>
    %get3A_37 = arith.constant 0 : index
    %get3A_38 = arith.constant 0 : index
    %get3A_39 = vector.load %arg8[%get3A_37, %get3A_38] : memref<32x64xf32, #tpu.memory_space<vmem>>, vector<32x64xf32>
    %dot_general3A_40 = arith.constant dense<0.000000e+00> : vector<10112x64xf32>
    %dot_general3A_41 = tpu.matmul %max3A_32, %get3A_39, %dot_general3A_40 {dimension_numbers = #tpu.dot_dimension_numbers<[1], [0], [0], [1], [0, 0, 1, 1], [], []>, transpose_lhs_hint = false} : vector<10112x32xf32>, vector<32x64xf32>, vector<10112x64xf32> -> vector<10112x64xf32>
    %get3A_42 = arith.constant 0 : index
    %get3A_43 = arith.constant 0 : index
    %get3A_44 = vector.load %arg9[%get3A_42, %get3A_43] : memref<1x64xf32, #tpu.memory_space<vmem>>, vector<1x64xf32>
    %add3A_45 = vector.broadcast %get3A_44 : vector<1x64xf32> to vector<10112x64xf32>
    %add3A_46 = arith.addf %dot_general3A_41, %add3A_45 : vector<10112x64xf32>
    %jit3A = arith.constant 0.000000e+00 : f32
    %broadcast_in_dim3A = vector.shape_cast %lt3A_36 : vector<10112x1xi1> to vector<10112x1xi1>
    %broadcast_in_dim3A_47 = vector.broadcast %broadcast_in_dim3A : vector<10112x1xi1> to vector<10112x64xi1>
    %broadcast_in_dim3A_48 = vector.broadcast %jit3A : f32 to vector<10112x64xf32>
    %select_n3A = arith.select %broadcast_in_dim3A_47, %add3A_46, %broadcast_in_dim3A_48 : vector<10112x64xi1>, vector<10112x64xf32>
    %reduce_sum3A = arith.constant dense<0.000000e+00> : vector<64xf32>
    %reduce_sum3A_49 = vector.multi_reduction <add>, %select_n3A, %reduce_sum3A [0] : vector<10112x64xf32> to vector<64xf32>
    %broadcast_in_dim3A_50 = vector.shape_cast %reduce_sum3A_49 : vector<64xf32> to vector<1x64xf32>
    %div3A = arith.constant 1.000000e+04 : f32
    %div3A_51 = vector.broadcast %div3A : f32 to vector<1x64xf32>
    %div3A_52 = arith.divf %broadcast_in_dim3A_50, %div3A_51 : vector<1x64xf32>
    %sub3A = vector.broadcast %div3A_52 : vector<1x64xf32> to vector<10112x64xf32>
    %sub3A_53 = arith.subf %add3A_46, %sub3A : vector<10112x64xf32>
    %mul3A = arith.mulf %sub3A_53, %sub3A_53 : vector<10112x64xf32>
    %jit3A_54 = arith.constant 0.000000e+00 : f32
    %broadcast_in_dim3A_55 = vector.shape_cast %lt3A_36 : vector<10112x1xi1> to vector<10112x1xi1>
    %broadcast_in_dim3A_56 = vector.broadcast %broadcast_in_dim3A_55 : vector<10112x1xi1> to vector<10112x64xi1>
    %broadcast_in_dim3A_57 = vector.broadcast %jit3A_54 : f32 to vector<10112x64xf32>
    %select_n3A_58 = arith.select %broadcast_in_dim3A_56, %mul3A, %broadcast_in_dim3A_57 : vector<10112x64xi1>, vector<10112x64xf32>
    %reduce_sum3A_59 = arith.constant dense<0.000000e+00> : vector<64xf32>
    %reduce_sum3A_60 = vector.multi_reduction <add>, %select_n3A_58, %reduce_sum3A_59 [0] : vector<10112x64xf32> to vector<64xf32>
    %broadcast_in_dim3A_61 = vector.shape_cast %reduce_sum3A_60 : vector<64xf32> to vector<1x64xf32>
    %div3A_62 = arith.constant 1.000000e+04 : f32
    %div3A_63 = vector.broadcast %div3A_62 : f32 to vector<1x64xf32>
    %div3A_64 = arith.divf %broadcast_in_dim3A_61, %div3A_63 : vector<1x64xf32>
    %add3A_65 = arith.constant 9.99999974E-6 : f32
    %add3A_66 = vector.broadcast %add3A_65 : f32 to vector<1x64xf32>
    %add3A_67 = arith.addf %div3A_64, %add3A_66 : vector<1x64xf32>
    %sqrt3A = math.sqrt %add3A_67 : vector<1x64xf32>
    %div3A_68 = vector.broadcast %sqrt3A : vector<1x64xf32> to vector<10112x64xf32>
    %div3A_69 = arith.divf %sub3A_53, %div3A_68 : vector<10112x64xf32>
    %max3A_70 = arith.constant 0.000000e+00 : f32
    %max3A_71 = vector.broadcast %max3A_70 : f32 to vector<10112x64xf32>
    %max3A_72 = arith.maximumf %div3A_69, %max3A_71 : vector<10112x64xf32>
    %get3A_73 = arith.constant 0 : index
    %get3A_74 = arith.constant 0 : index
    %get3A_75 = vector.load %arg10[%get3A_73, %get3A_74] : memref<64x32xf32, #tpu.memory_space<vmem>>, vector<64x32xf32>
    %dot_general3A_76 = arith.constant dense<0.000000e+00> : vector<10112x32xf32>
    %dot_general3A_77 = tpu.matmul %max3A_72, %get3A_75, %dot_general3A_76 {dimension_numbers = #tpu.dot_dimension_numbers<[1], [0], [0], [1], [0, 0, 1, 1], [], []>, transpose_lhs_hint = false} : vector<10112x64xf32>, vector<64x32xf32>, vector<10112x32xf32> -> vector<10112x32xf32>
    %get3A_78 = arith.constant 0 : index
    %get3A_79 = arith.constant 0 : index
    %get3A_80 = vector.load %arg11[%get3A_78, %get3A_79] : memref<1x32xf32, #tpu.memory_space<vmem>>, vector<1x32xf32>
    %add3A_81 = vector.broadcast %get3A_80 : vector<1x32xf32> to vector<10112x32xf32>
    %add3A_82 = arith.addf %dot_general3A_77, %add3A_81 : vector<10112x32xf32>
    %jit3A_83 = arith.constant 0.000000e+00 : f32
    %broadcast_in_dim3A_84 = vector.shape_cast %lt3A_36 : vector<10112x1xi1> to vector<10112x1xi1>
    %broadcast_in_dim3A_85 = vector.broadcast %broadcast_in_dim3A_84 : vector<10112x1xi1> to vector<10112x32xi1>
    %broadcast_in_dim3A_86 = vector.broadcast %jit3A_83 : f32 to vector<10112x32xf32>
    %select_n3A_87 = arith.select %broadcast_in_dim3A_85, %add3A_82, %broadcast_in_dim3A_86 : vector<10112x32xi1>, vector<10112x32xf32>
    %reduce_sum3A_88 = arith.constant dense<0.000000e+00> : vector<32xf32>
    %reduce_sum3A_89 = vector.multi_reduction <add>, %select_n3A_87, %reduce_sum3A_88 [0] : vector<10112x32xf32> to vector<32xf32>
    %broadcast_in_dim3A_90 = vector.shape_cast %reduce_sum3A_89 : vector<32xf32> to vector<1x32xf32>
    %div3A_91 = arith.constant 1.000000e+04 : f32
    %div3A_92 = vector.broadcast %div3A_91 : f32 to vector<1x32xf32>
    %div3A_93 = arith.divf %broadcast_in_dim3A_90, %div3A_92 : vector<1x32xf32>
    %sub3A_94 = vector.broadcast %div3A_93 : vector<1x32xf32> to vector<10112x32xf32>
    %sub3A_95 = arith.subf %add3A_82, %sub3A_94 : vector<10112x32xf32>
    %mul3A_96 = arith.mulf %sub3A_95, %sub3A_95 : vector<10112x32xf32>
    %jit3A_97 = arith.constant 0.000000e+00 : f32
    %broadcast_in_dim3A_98 = vector.shape_cast %lt3A_36 : vector<10112x1xi1> to vector<10112x1xi1>
    %broadcast_in_dim3A_99 = vector.broadcast %broadcast_in_dim3A_98 : vector<10112x1xi1> to vector<10112x32xi1>
    %broadcast_in_dim3A_100 = vector.broadcast %jit3A_97 : f32 to vector<10112x32xf32>
    %select_n3A_101 = arith.select %broadcast_in_dim3A_99, %mul3A_96, %broadcast_in_dim3A_100 : vector<10112x32xi1>, vector<10112x32xf32>
    %reduce_sum3A_102 = arith.constant dense<0.000000e+00> : vector<32xf32>
    %reduce_sum3A_103 = vector.multi_reduction <add>, %select_n3A_101, %reduce_sum3A_102 [0] : vector<10112x32xf32> to vector<32xf32>
    %broadcast_in_dim3A_104 = vector.shape_cast %reduce_sum3A_103 : vector<32xf32> to vector<1x32xf32>
    %div3A_105 = arith.constant 1.000000e+04 : f32
    %div3A_106 = vector.broadcast %div3A_105 : f32 to vector<1x32xf32>
    %div3A_107 = arith.divf %broadcast_in_dim3A_104, %div3A_106 : vector<1x32xf32>
    %add3A_108 = arith.constant 9.99999974E-6 : f32
    %add3A_109 = vector.broadcast %add3A_108 : f32 to vector<1x32xf32>
    %add3A_110 = arith.addf %div3A_107, %add3A_109 : vector<1x32xf32>
    %sqrt3A_111 = math.sqrt %add3A_110 : vector<1x32xf32>
    %div3A_112 = vector.broadcast %sqrt3A_111 : vector<1x32xf32> to vector<10112x32xf32>
    %div3A_113 = arith.divf %sub3A_95, %div3A_112 : vector<10112x32xf32>
    %max3A_114 = arith.constant 0.000000e+00 : f32
    %max3A_115 = vector.broadcast %max3A_114 : f32 to vector<10112x32xf32>
    %max3A_116 = arith.maximumf %div3A_113, %max3A_115 : vector<10112x32xf32>
    %get3A_117 = arith.constant 0 : index
    %get3A_118 = arith.constant 0 : index
    %get3A_119 = vector.load %arg12[%get3A_117, %get3A_118] : memref<32x2xf32, #tpu.memory_space<vmem>>, vector<32x2xf32>
    %dot_general3A_120 = arith.constant dense<0.000000e+00> : vector<10112x2xf32>
    %dot_general3A_121 = tpu.matmul %max3A_116, %get3A_119, %dot_general3A_120 {dimension_numbers = #tpu.dot_dimension_numbers<[1], [0], [0], [1], [0, 0, 1, 1], [], []>, transpose_lhs_hint = false} : vector<10112x32xf32>, vector<32x2xf32>, vector<10112x2xf32> -> vector<10112x2xf32>
    %get3A_122 = arith.constant 0 : index
    %get3A_123 = arith.constant 0 : index
    %get3A_124 = vector.load %arg13[%get3A_122, %get3A_123] : memref<1x2xf32, #tpu.memory_space<vmem>>, vector<1x2xf32>
    %add3A_125 = vector.broadcast %get3A_124 : vector<1x2xf32> to vector<10112x2xf32>
    %add3A_126 = arith.addf %dot_general3A_121, %add3A_125 : vector<10112x2xf32>
    %reduce_max3A = arith.constant dense<0xFF800000> : vector<10112xf32>
    %reduce_max3A_127 = vector.multi_reduction <maximumf>, %add3A_126, %reduce_max3A [1] : vector<10112x2xf32> to vector<10112xf32>
    %broadcast_in_dim3A_128 = vector.shape_cast %reduce_max3A_127 : vector<10112xf32> to vector<10112x1xf32>
    %sub3A_129 = vector.broadcast %broadcast_in_dim3A_128 : vector<10112x1xf32> to vector<10112x2xf32>
    %sub3A_130 = arith.subf %add3A_126, %sub3A_129 : vector<10112x2xf32>
    %exp3A = math.exp %sub3A_130 : vector<10112x2xf32>
    %reduce_sum3A_131 = arith.constant dense<0.000000e+00> : vector<10112xf32>
    %reduce_sum3A_132 = vector.multi_reduction <add>, %exp3A, %reduce_sum3A_131 [1] : vector<10112x2xf32> to vector<10112xf32>
    %broadcast_in_dim3A_133 = vector.shape_cast %reduce_sum3A_132 : vector<10112xf32> to vector<10112x1xf32>
    %div3A_134 = vector.broadcast %broadcast_in_dim3A_133 : vector<10112x1xf32> to vector<10112x2xf32>
    %div3A_135 = arith.divf %exp3A, %div3A_134 : vector<10112x2xf32>
    %swap3A_136 = arith.constant 0 : index
    %swap3A_137 = arith.constant 0 : index
    %swap3A_138 = vector.load %arg15[%swap3A_136, %swap3A_137] : memref<10112x2xf32, #tpu.memory_space<vmem>>, vector<10112x2xf32>
    tpu.vector_store %arg15[%swap3A_136, %swap3A_137], %div3A_135 {strides = array<i32>} : memref<10112x2xf32, #tpu.memory_space<vmem>>, vector<10112x2xf32>,
    %get3A_139 = arith.constant 0 : index
    %get3A_140 = arith.constant 0 : index
    %get3A_141 = vector.load %arg3[%get3A_139, %get3A_140] : memref<10112x64xf32, #tpu.memory_space<vmem>>, vector<10112x64xf32>
    %slice3A = vector.extract_strided_slice %get3A_141 {offsets = [0, 0], sizes = [10112, 32], strides = [1, 1]} : vector<10112x64xf32> to vector<10112x32xf32>
    %slice3A_142 = vector.extract_strided_slice %div3A_135 {offsets = [0, 0], sizes = [10112, 1], strides = [1, 1]} : vector<10112x2xf32> to vector<10112x1xf32>
    %mul3A_143 = vector.broadcast %slice3A_142 : vector<10112x1xf32> to vector<10112x32xf32>
    %mul3A_144 = arith.mulf %slice3A, %mul3A_143 : vector<10112x32xf32>
    %slice3A_145 = vector.extract_strided_slice %get3A_141 {offsets = [0, 32], sizes = [10112, 32], strides = [1, 1]} : vector<10112x64xf32> to vector<10112x32xf32>
    %slice3A_146 = vector.extract_strided_slice %div3A_135 {offsets = [0, 1], sizes = [10112, 1], strides = [1, 1]} : vector<10112x2xf32> to vector<10112x1xf32>
    %mul3A_147 = vector.broadcast %slice3A_146 : vector<10112x1xf32> to vector<10112x32xf32>
    %mul3A_148 = arith.mulf %slice3A_145, %mul3A_147 : vector<10112x32xf32>
    %concatenate3A = tpu.concatenate %mul3A_144, %mul3A_148 in 1 : vector<10112x32xf32>, vector<10112x32xf32> -> vector<10112x64xf32>
    %swap3A_149 = arith.constant 0 : index
    %swap3A_150 = arith.constant 0 : index
    %swap3A_151 = vector.load %arg16[%swap3A_149, %swap3A_150] : memref<10112x64xf32, #tpu.memory_space<vmem>>, vector<10112x64xf32>
    tpu.vector_store %arg16[%swap3A_149, %swap3A_150], %concatenate3A {strides = array<i32>} : memref<10112x64xf32, #tpu.memory_space<vmem>>, vector<10112x64xf32>,
    return
  }
}

module attributes {stable_mosaic.version = 14 : i64} {
  func.func @_mid2_body(%arg0: memref<10112x64xf32, #tpu.memory_space<vmem>>, %arg1: memref<10112x64xf32, #tpu.memory_space<vmem>>, %arg2: memref<10112x64xf32, #tpu.memory_space<vmem>>, %arg3: memref<10112x2xf32, #tpu.memory_space<vmem>>, %arg4: memref<1x32xf32, #tpu.memory_space<vmem>>, %arg5: memref<1x32xf32, #tpu.memory_space<vmem>>, %arg6: memref<32x32xf32, #tpu.memory_space<vmem>>, %arg7: memref<1x32xf32, #tpu.memory_space<vmem>>, %arg8: memref<32x32xf32, #tpu.memory_space<vmem>>, %arg9: memref<1x32xf32, #tpu.memory_space<vmem>>, %arg10: memref<32x32xf32, #tpu.memory_space<vmem>>, %arg11: memref<32x32xf32, #tpu.memory_space<vmem>>, %arg12: memref<10112x64xf32, #tpu.memory_space<vmem>>, %arg13: memref<10112x64xf32, #tpu.memory_space<vmem>>) attributes {dimension_semantics = [], scalar_prefetch = 0 : i64, scratch_operands = 0 : i64, tpu.core_type = #tpu.core_type<tc>} {
    %get3A = arith.constant 0 : index
    %get3A_0 = arith.constant 0 : index
    %get3A_1 = vector.load %arg3[%get3A, %get3A_0] : memref<10112x2xf32, #tpu.memory_space<vmem>>, vector<10112x1xf32>
    %get3A_2 = arith.constant 0 : index
    %get3A_3 = arith.constant 1 : index
    %get3A_4 = vector.load %arg3[%get3A_2, %get3A_3] : memref<10112x2xf32, #tpu.memory_space<vmem>>, vector<10112x1xf32>
    %get3A_5 = arith.constant 0 : index
    %get3A_6 = arith.constant 0 : index
    %get3A_7 = vector.load %arg0[%get3A_5, %get3A_6] : memref<10112x64xf32, #tpu.memory_space<vmem>>, vector<10112x64xf32>
    %get3A_8 = arith.constant 0 : index
    %get3A_9 = arith.constant 0 : index
    %get3A_10 = vector.load %arg1[%get3A_8, %get3A_9] : memref<10112x64xf32, #tpu.memory_space<vmem>>, vector<10112x64xf32>
    %add3A = arith.addf %get3A_7, %get3A_10 : vector<10112x64xf32>
    %slice3A = vector.extract_strided_slice %add3A {offsets = [0, 0], sizes = [10112, 32], strides = [1, 1]} : vector<10112x64xf32> to vector<10112x32xf32>
    %mul3A = vector.broadcast %get3A_1 : vector<10112x1xf32> to vector<10112x32xf32>
    %mul3A_11 = arith.mulf %slice3A, %mul3A : vector<10112x32xf32>
    %get3A_12 = arith.constant 0 : index
    %get3A_13 = arith.constant 0 : index
    %get3A_14 = vector.load %arg2[%get3A_12, %get3A_13] : memref<10112x64xf32, #tpu.memory_space<vmem>>, vector<10112x32xf32>
    %add3A_15 = arith.addf %mul3A_11, %get3A_14 : vector<10112x32xf32>
    %get3A_16 = arith.constant 0 : index
    %get3A_17 = arith.constant 0 : index
    %get3A_18 = vector.load %arg4[%get3A_16, %get3A_17] : memref<1x32xf32, #tpu.memory_space<vmem>>, vector<1x32xf32>
    %add3A_19 = vector.broadcast %get3A_18 : vector<1x32xf32> to vector<10112x32xf32>
    %add3A_20 = arith.addf %add3A_15, %add3A_19 : vector<10112x32xf32>
    %max3A = arith.constant 0.000000e+00 : f32
    %max3A_21 = vector.broadcast %max3A : f32 to vector<10112x32xf32>
    %max3A_22 = arith.maximumf %add3A_20, %max3A_21 : vector<10112x32xf32>
    %slice3A_23 = vector.extract_strided_slice %add3A {offsets = [0, 32], sizes = [10112, 32], strides = [1, 1]} : vector<10112x64xf32> to vector<10112x32xf32>
    %mul3A_24 = vector.broadcast %get3A_4 : vector<10112x1xf32> to vector<10112x32xf32>
    %mul3A_25 = arith.mulf %slice3A_23, %mul3A_24 : vector<10112x32xf32>
    %get3A_26 = arith.constant 0 : index
    %get3A_27 = arith.constant 32 : index
    %get3A_28 = vector.load %arg2[%get3A_26, %get3A_27] : memref<10112x64xf32, #tpu.memory_space<vmem>>, vector<10112x32xf32>
    %add3A_29 = arith.addf %mul3A_25, %get3A_28 : vector<10112x32xf32>
    %get3A_30 = arith.constant 0 : index
    %get3A_31 = arith.constant 0 : index
    %get3A_32 = vector.load %arg5[%get3A_30, %get3A_31] : memref<1x32xf32, #tpu.memory_space<vmem>>, vector<1x32xf32>
    %add3A_33 = vector.broadcast %get3A_32 : vector<1x32xf32> to vector<10112x32xf32>
    %add3A_34 = arith.addf %add3A_29, %add3A_33 : vector<10112x32xf32>
    %max3A_35 = arith.constant 0.000000e+00 : f32
    %max3A_36 = vector.broadcast %max3A_35 : f32 to vector<10112x32xf32>
    %max3A_37 = arith.maximumf %add3A_34, %max3A_36 : vector<10112x32xf32>
    %get3A_38 = arith.constant 0 : index
    %get3A_39 = arith.constant 0 : index
    %get3A_40 = vector.load %arg6[%get3A_38, %get3A_39] : memref<32x32xf32, #tpu.memory_space<vmem>>, vector<32x32xf32>
    %dot_general3A = arith.constant dense<0.000000e+00> : vector<10112x32xf32>
    %dot_general3A_41 = tpu.matmul %max3A_22, %get3A_40, %dot_general3A {dimension_numbers = #tpu.dot_dimension_numbers<[1], [0], [0], [1], [0, 0, 1, 1], [], []>, transpose_lhs_hint = false} : vector<10112x32xf32>, vector<32x32xf32>, vector<10112x32xf32> -> vector<10112x32xf32>
    %get3A_42 = arith.constant 0 : index
    %get3A_43 = arith.constant 0 : index
    %get3A_44 = vector.load %arg7[%get3A_42, %get3A_43] : memref<1x32xf32, #tpu.memory_space<vmem>>, vector<1x32xf32>
    %add3A_45 = vector.broadcast %get3A_44 : vector<1x32xf32> to vector<10112x32xf32>
    %add3A_46 = arith.addf %dot_general3A_41, %add3A_45 : vector<10112x32xf32>
    %max3A_47 = arith.constant 0.000000e+00 : f32
    %max3A_48 = vector.broadcast %max3A_47 : f32 to vector<10112x32xf32>
    %max3A_49 = arith.maximumf %add3A_46, %max3A_48 : vector<10112x32xf32>
    %get3A_50 = arith.constant 0 : index
    %get3A_51 = arith.constant 0 : index
    %get3A_52 = vector.load %arg8[%get3A_50, %get3A_51] : memref<32x32xf32, #tpu.memory_space<vmem>>, vector<32x32xf32>
    %dot_general3A_53 = arith.constant dense<0.000000e+00> : vector<10112x32xf32>
    %dot_general3A_54 = tpu.matmul %max3A_37, %get3A_52, %dot_general3A_53 {dimension_numbers = #tpu.dot_dimension_numbers<[1], [0], [0], [1], [0, 0, 1, 1], [], []>, transpose_lhs_hint = false} : vector<10112x32xf32>, vector<32x32xf32>, vector<10112x32xf32> -> vector<10112x32xf32>
    %get3A_55 = arith.constant 0 : index
    %get3A_56 = arith.constant 0 : index
    %get3A_57 = vector.load %arg9[%get3A_55, %get3A_56] : memref<1x32xf32, #tpu.memory_space<vmem>>, vector<1x32xf32>
    %add3A_58 = vector.broadcast %get3A_57 : vector<1x32xf32> to vector<10112x32xf32>
    %add3A_59 = arith.addf %dot_general3A_54, %add3A_58 : vector<10112x32xf32>
    %max3A_60 = arith.constant 0.000000e+00 : f32
    %max3A_61 = vector.broadcast %max3A_60 : f32 to vector<10112x32xf32>
    %max3A_62 = arith.maximumf %add3A_59, %max3A_61 : vector<10112x32xf32>
    %get3A_63 = arith.constant 0 : index
    %get3A_64 = arith.constant 0 : index
    %get3A_65 = vector.load %arg10[%get3A_63, %get3A_64] : memref<32x32xf32, #tpu.memory_space<vmem>>, vector<32x32xf32>
    %dot_general3A_66 = arith.constant dense<0.000000e+00> : vector<10112x32xf32>
    %dot_general3A_67 = tpu.matmul %max3A_49, %get3A_65, %dot_general3A_66 {dimension_numbers = #tpu.dot_dimension_numbers<[1], [0], [0], [1], [0, 0, 1, 1], [], []>, transpose_lhs_hint = false} : vector<10112x32xf32>, vector<32x32xf32>, vector<10112x32xf32> -> vector<10112x32xf32>
    %get3A_68 = arith.constant 0 : index
    %get3A_69 = arith.constant 0 : index
    %get3A_70 = vector.load %arg11[%get3A_68, %get3A_69] : memref<32x32xf32, #tpu.memory_space<vmem>>, vector<32x32xf32>
    %dot_general3A_71 = arith.constant dense<0.000000e+00> : vector<10112x32xf32>
    %dot_general3A_72 = tpu.matmul %max3A_62, %get3A_70, %dot_general3A_71 {dimension_numbers = #tpu.dot_dimension_numbers<[1], [0], [0], [1], [0, 0, 1, 1], [], []>, transpose_lhs_hint = false} : vector<10112x32xf32>, vector<32x32xf32>, vector<10112x32xf32> -> vector<10112x32xf32>
    %concatenate3A = tpu.concatenate %dot_general3A_67, %dot_general3A_72 in 1 : vector<10112x32xf32>, vector<10112x32xf32> -> vector<10112x64xf32>
    %swap3A = arith.constant 0 : index
    %swap3A_73 = arith.constant 0 : index
    %swap3A_74 = vector.load %arg12[%swap3A, %swap3A_73] : memref<10112x64xf32, #tpu.memory_space<vmem>>, vector<10112x64xf32>
    tpu.vector_store %arg12[%swap3A, %swap3A_73], %concatenate3A {strides = array<i32>} : memref<10112x64xf32, #tpu.memory_space<vmem>>, vector<10112x64xf32>,
    %mul3A_75 = vector.broadcast %get3A_1 : vector<10112x1xf32> to vector<10112x32xf32>
    %mul3A_76 = arith.mulf %dot_general3A_67, %mul3A_75 : vector<10112x32xf32>
    %mul3A_77 = vector.broadcast %get3A_4 : vector<10112x1xf32> to vector<10112x32xf32>
    %mul3A_78 = arith.mulf %dot_general3A_72, %mul3A_77 : vector<10112x32xf32>
    %concatenate3A_79 = tpu.concatenate %mul3A_76, %mul3A_78 in 1 : vector<10112x32xf32>, vector<10112x32xf32> -> vector<10112x64xf32>
    %swap3A_80 = arith.constant 0 : index
    %swap3A_81 = arith.constant 0 : index
    %swap3A_82 = vector.load %arg13[%swap3A_80, %swap3A_81] : memref<10112x64xf32, #tpu.memory_space<vmem>>, vector<10112x64xf32>
    tpu.vector_store %arg13[%swap3A_80, %swap3A_81], %concatenate3A_79 {strides = array<i32>} : memref<10112x64xf32, #tpu.memory_space<vmem>>, vector<10112x64xf32>,
    return
  }
}

module attributes {stable_mosaic.version = 14 : i64} {
  func.func @_fin_body(%arg0: memref<10112x64xf32, #tpu.memory_space<vmem>>, %arg1: memref<10112x64xf32, #tpu.memory_space<vmem>>, %arg2: memref<10112x64xf32, #tpu.memory_space<vmem>>, %arg3: memref<10112x2xf32, #tpu.memory_space<vmem>>, %arg4: memref<1x32xf32, #tpu.memory_space<vmem>>, %arg5: memref<1x32xf32, #tpu.memory_space<vmem>>, %arg6: memref<32x32xf32, #tpu.memory_space<vmem>>, %arg7: memref<1x32xf32, #tpu.memory_space<vmem>>, %arg8: memref<32x32xf32, #tpu.memory_space<vmem>>, %arg9: memref<1x32xf32, #tpu.memory_space<vmem>>, %arg10: memref<10112x32xf32, #tpu.memory_space<vmem>>, %arg11: memref<1x10112xi32, #tpu.memory_space<vmem>>, %arg12: memref<128x128xf32, #tpu.memory_space<vmem>>, %arg13: memref<32x32xf32, #tpu.memory_space<vmem>>, %arg14: memref<1x32xf32, #tpu.memory_space<vmem>>, %arg15: memref<32x10xf32, #tpu.memory_space<vmem>>, %arg16: memref<1x10xf32, #tpu.memory_space<vmem>>, %arg17: memref<32x32xf32, #tpu.memory_space<vmem>>, %arg18: memref<1x32xf32, #tpu.memory_space<vmem>>, %arg19: memref<32x10xf32, #tpu.memory_space<vmem>>, %arg20: memref<1x10xf32, #tpu.memory_space<vmem>>, %arg21: memref<32x32xf32, #tpu.memory_space<vmem>>, %arg22: memref<1x32xf32, #tpu.memory_space<vmem>>, %arg23: memref<32x10xf32, #tpu.memory_space<vmem>>, %arg24: memref<1x10xf32, #tpu.memory_space<vmem>>, %arg25: memref<64x32xf32, #tpu.memory_space<vmem>>, %arg26: memref<1x32xf32, #tpu.memory_space<vmem>>, %arg27: memref<32x10xf32, #tpu.memory_space<vmem>>, %arg28: memref<1x10xf32, #tpu.memory_space<vmem>>, %arg29: memref<64x32xf32, #tpu.memory_space<vmem>>, %arg30: memref<1x32xf32, #tpu.memory_space<vmem>>, %arg31: memref<32x10xf32, #tpu.memory_space<vmem>>, %arg32: memref<1x10xf32, #tpu.memory_space<vmem>>, %arg33: memref<128x10xf32, #tpu.memory_space<vmem>>, %arg34: memref<128x32xf32, #tpu.memory_space<vmem>>, %arg35: memref<128x10xf32, #tpu.memory_space<vmem>>, %arg36: memref<128x32xf32, #tpu.memory_space<vmem>>, %arg37: memref<128x10xf32, #tpu.memory_space<vmem>>, %arg38: memref<128x10xf32, #tpu.memory_space<vmem>>, %arg39: memref<128x10xf32, #tpu.memory_space<vmem>>) attributes {dimension_semantics = [], scalar_prefetch = 0 : i64, scratch_operands = 0 : i64, tpu.core_type = #tpu.core_type<tc>} {
    %get3A = arith.constant 0 : index
    %get3A_0 = arith.constant 0 : index
    %get3A_1 = vector.load %arg3[%get3A, %get3A_0] : memref<10112x2xf32, #tpu.memory_space<vmem>>, vector<10112x1xf32>
    %get3A_2 = arith.constant 0 : index
    %get3A_3 = arith.constant 1 : index
    %get3A_4 = vector.load %arg3[%get3A_2, %get3A_3] : memref<10112x2xf32, #tpu.memory_space<vmem>>, vector<10112x1xf32>
    %get3A_5 = arith.constant 0 : index
    %get3A_6 = arith.constant 0 : index
    %get3A_7 = vector.load %arg0[%get3A_5, %get3A_6] : memref<10112x64xf32, #tpu.memory_space<vmem>>, vector<10112x64xf32>
    %get3A_8 = arith.constant 0 : index
    %get3A_9 = arith.constant 0 : index
    %get3A_10 = vector.load %arg1[%get3A_8, %get3A_9] : memref<10112x64xf32, #tpu.memory_space<vmem>>, vector<10112x64xf32>
    %add3A = arith.addf %get3A_7, %get3A_10 : vector<10112x64xf32>
    %slice3A = vector.extract_strided_slice %add3A {offsets = [0, 0], sizes = [10112, 32], strides = [1, 1]} : vector<10112x64xf32> to vector<10112x32xf32>
    %mul3A = vector.broadcast %get3A_1 : vector<10112x1xf32> to vector<10112x32xf32>
    %mul3A_11 = arith.mulf %slice3A, %mul3A : vector<10112x32xf32>
    %get3A_12 = arith.constant 0 : index
    %get3A_13 = arith.constant 0 : index
    %get3A_14 = vector.load %arg2[%get3A_12, %get3A_13] : memref<10112x64xf32, #tpu.memory_space<vmem>>, vector<10112x32xf32>
    %add3A_15 = arith.addf %mul3A_11, %get3A_14 : vector<10112x32xf32>
    %get3A_16 = arith.constant 0 : index
    %get3A_17 = arith.constant 0 : index
    %get3A_18 = vector.load %arg4[%get3A_16, %get3A_17] : memref<1x32xf32, #tpu.memory_space<vmem>>, vector<1x32xf32>
    %add3A_19 = vector.broadcast %get3A_18 : vector<1x32xf32> to vector<10112x32xf32>
    %add3A_20 = arith.addf %add3A_15, %add3A_19 : vector<10112x32xf32>
    %max3A = arith.constant 0.000000e+00 : f32
    %max3A_21 = vector.broadcast %max3A : f32 to vector<10112x32xf32>
    %max3A_22 = arith.maximumf %add3A_20, %max3A_21 : vector<10112x32xf32>
    %slice3A_23 = vector.extract_strided_slice %add3A {offsets = [0, 32], sizes = [10112, 32], strides = [1, 1]} : vector<10112x64xf32> to vector<10112x32xf32>
    %mul3A_24 = vector.broadcast %get3A_4 : vector<10112x1xf32> to vector<10112x32xf32>
    %mul3A_25 = arith.mulf %slice3A_23, %mul3A_24 : vector<10112x32xf32>
    %get3A_26 = arith.constant 0 : index
    %get3A_27 = arith.constant 32 : index
    %get3A_28 = vector.load %arg2[%get3A_26, %get3A_27] : memref<10112x64xf32, #tpu.memory_space<vmem>>, vector<10112x32xf32>
    %add3A_29 = arith.addf %mul3A_25, %get3A_28 : vector<10112x32xf32>
    %get3A_30 = arith.constant 0 : index
    %get3A_31 = arith.constant 0 : index
    %get3A_32 = vector.load %arg5[%get3A_30, %get3A_31] : memref<1x32xf32, #tpu.memory_space<vmem>>, vector<1x32xf32>
    %add3A_33 = vector.broadcast %get3A_32 : vector<1x32xf32> to vector<10112x32xf32>
    %add3A_34 = arith.addf %add3A_29, %add3A_33 : vector<10112x32xf32>
    %max3A_35 = arith.constant 0.000000e+00 : f32
    %max3A_36 = vector.broadcast %max3A_35 : f32 to vector<10112x32xf32>
    %max3A_37 = arith.maximumf %add3A_34, %max3A_36 : vector<10112x32xf32>
    %get3A_38 = arith.constant 0 : index
    %get3A_39 = arith.constant 0 : index
    %get3A_40 = vector.load %arg6[%get3A_38, %get3A_39] : memref<32x32xf32, #tpu.memory_space<vmem>>, vector<32x32xf32>
    %dot_general3A = arith.constant dense<0.000000e+00> : vector<10112x32xf32>
    %dot_general3A_41 = tpu.matmul %max3A_22, %get3A_40, %dot_general3A {dimension_numbers = #tpu.dot_dimension_numbers<[1], [0], [0], [1], [0, 0, 1, 1], [], []>, transpose_lhs_hint = false} : vector<10112x32xf32>, vector<32x32xf32>, vector<10112x32xf32> -> vector<10112x32xf32>
    %get3A_42 = arith.constant 0 : index
    %get3A_43 = arith.constant 0 : index
    %get3A_44 = vector.load %arg7[%get3A_42, %get3A_43] : memref<1x32xf32, #tpu.memory_space<vmem>>, vector<1x32xf32>
    %add3A_45 = vector.broadcast %get3A_44 : vector<1x32xf32> to vector<10112x32xf32>
    %add3A_46 = arith.addf %dot_general3A_41, %add3A_45 : vector<10112x32xf32>
    %max3A_47 = arith.constant 0.000000e+00 : f32
    %max3A_48 = vector.broadcast %max3A_47 : f32 to vector<10112x32xf32>
    %max3A_49 = arith.maximumf %add3A_46, %max3A_48 : vector<10112x32xf32>
    %get3A_50 = arith.constant 0 : index
    %get3A_51 = arith.constant 0 : index
    %get3A_52 = vector.load %arg8[%get3A_50, %get3A_51] : memref<32x32xf32, #tpu.memory_space<vmem>>, vector<32x32xf32>
    %dot_general3A_53 = arith.constant dense<0.000000e+00> : vector<10112x32xf32>
    %dot_general3A_54 = tpu.matmul %max3A_37, %get3A_52, %dot_general3A_53 {dimension_numbers = #tpu.dot_dimension_numbers<[1], [0], [0], [1], [0, 0, 1, 1], [], []>, transpose_lhs_hint = false} : vector<10112x32xf32>, vector<32x32xf32>, vector<10112x32xf32> -> vector<10112x32xf32>
    %get3A_55 = arith.constant 0 : index
    %get3A_56 = arith.constant 0 : index
    %get3A_57 = vector.load %arg9[%get3A_55, %get3A_56] : memref<1x32xf32, #tpu.memory_space<vmem>>, vector<1x32xf32>
    %add3A_58 = vector.broadcast %get3A_57 : vector<1x32xf32> to vector<10112x32xf32>
    %add3A_59 = arith.addf %dot_general3A_54, %add3A_58 : vector<10112x32xf32>
    %max3A_60 = arith.constant 0.000000e+00 : f32
    %max3A_61 = vector.broadcast %max3A_60 : f32 to vector<10112x32xf32>
    %max3A_62 = arith.maximumf %add3A_59, %max3A_61 : vector<10112x32xf32>
    %get3A_63 = arith.constant 0 : index
    %get3A_64 = arith.constant 0 : index
    %get3A_65 = vector.load %arg11[%get3A_63, %get3A_64] : memref<1x10112xi32, #tpu.memory_space<vmem>>, vector<1x10112xi32>
    %iota3A = tpu.iota {dimensions = array<i32: 0>} : vector<128x1xi32>
    %eq3A = vector.broadcast %get3A_65 : vector<1x10112xi32> to vector<128x10112xi32>
    %eq3A_66 = vector.broadcast %iota3A : vector<128x1xi32> to vector<128x10112xi32>
    %eq3A_67 = arith.cmpi eq, %eq3A, %eq3A_66 : vector<128x10112xi32>
    %convert_element_type3A = arith.extui %eq3A_67 : vector<128x10112xi1> to vector<128x10112xi32>
    %convert_element_type3A_68 = arith.sitofp %convert_element_type3A : vector<128x10112xi32> to vector<128x10112xf32>
    %get3A_69 = arith.constant 0 : index
    %get3A_70 = arith.constant 0 : index
    %get3A_71 = vector.load %arg10[%get3A_69, %get3A_70] : memref<10112x32xf32, #tpu.memory_space<vmem>>, vector<10112x32xf32>
    %dot_general3A_72 = arith.constant dense<0.000000e+00> : vector<128x32xf32>
    %dot_general3A_73 = tpu.matmul %convert_element_type3A_68, %get3A_71, %dot_general3A_72 {dimension_numbers = #tpu.dot_dimension_numbers<[1], [0], [0], [1], [0, 0, 1, 1], [], []>, transpose_lhs_hint = false} : vector<128x10112xf32>, vector<10112x32xf32>, vector<128x32xf32> -> vector<128x32xf32>
    %dot_general3A_74 = arith.constant dense<0.000000e+00> : vector<128x32xf32>
    %dot_general3A_75 = tpu.matmul %convert_element_type3A_68, %max3A_49, %dot_general3A_74 {dimension_numbers = #tpu.dot_dimension_numbers<[1], [0], [0], [1], [0, 0, 1, 1], [], []>, transpose_lhs_hint = false} : vector<128x10112xf32>, vector<10112x32xf32>, vector<128x32xf32> -> vector<128x32xf32>
    %dot_general3A_76 = arith.constant dense<0.000000e+00> : vector<128x32xf32>
    %dot_general3A_77 = tpu.matmul %convert_element_type3A_68, %max3A_62, %dot_general3A_76 {dimension_numbers = #tpu.dot_dimension_numbers<[1], [0], [0], [1], [0, 0, 1, 1], [], []>, transpose_lhs_hint = false} : vector<128x10112xf32>, vector<10112x32xf32>, vector<128x32xf32> -> vector<128x32xf32>
    %swap3A = arith.constant 0 : index
    %swap3A_78 = arith.constant 0 : index
    %swap3A_79 = vector.load %arg34[%swap3A, %swap3A_78] : memref<128x32xf32, #tpu.memory_space<vmem>>, vector<128x32xf32>
    tpu.vector_store %arg34[%swap3A, %swap3A_78], %dot_general3A_73 {strides = array<i32>} : memref<128x32xf32, #tpu.memory_space<vmem>>, vector<128x32xf32>,
    %swap3A_80 = arith.constant 0 : index
    %swap3A_81 = arith.constant 0 : index
    %swap3A_82 = vector.load %arg36[%swap3A_80, %swap3A_81] : memref<128x32xf32, #tpu.memory_space<vmem>>, vector<128x32xf32>
    tpu.vector_store %arg36[%swap3A_80, %swap3A_81], %dot_general3A_75 {strides = array<i32>} : memref<128x32xf32, #tpu.memory_space<vmem>>, vector<128x32xf32>,
    %get3A_83 = arith.constant 0 : index
    %get3A_84 = arith.constant 0 : index
    %get3A_85 = vector.load %arg12[%get3A_83, %get3A_84] : memref<128x128xf32, #tpu.memory_space<vmem>>, vector<128x128xf32>
    %dot_general3A_86 = arith.constant dense<0.000000e+00> : vector<128x32xf32>
    %dot_general3A_87 = tpu.matmul %get3A_85, %dot_general3A_77, %dot_general3A_86 {dimension_numbers = #tpu.dot_dimension_numbers<[1], [0], [0], [1], [0, 0, 1, 1], [], []>, transpose_lhs_hint = false} : vector<128x128xf32>, vector<128x32xf32>, vector<128x32xf32> -> vector<128x32xf32>
    %get3A_88 = arith.constant 0 : index
    %get3A_89 = arith.constant 0 : index
    %get3A_90 = vector.load %arg12[%get3A_88, %get3A_89] : memref<128x128xf32, #tpu.memory_space<vmem>>, vector<128x128xf32>
    %dot_general3A_91 = arith.constant dense<0.000000e+00> : vector<128x32xf32>
    %dot_general3A_92 = tpu.matmul %get3A_90, %dot_general3A_75, %dot_general3A_91 {dimension_numbers = #tpu.dot_dimension_numbers<[1], [0], [0], [1], [0, 0, 1, 1], [], []>, transpose_lhs_hint = false} : vector<128x128xf32>, vector<128x32xf32>, vector<128x32xf32> -> vector<128x32xf32>
    %get3A_93 = arith.constant 0 : index
    %get3A_94 = arith.constant 0 : index
    %get3A_95 = vector.load %arg13[%get3A_93, %get3A_94] : memref<32x32xf32, #tpu.memory_space<vmem>>, vector<32x32xf32>
    %dot_general3A_96 = arith.constant dense<0.000000e+00> : vector<128x32xf32>
    %dot_general3A_97 = tpu.matmul %dot_general3A_73, %get3A_95, %dot_general3A_96 {dimension_numbers = #tpu.dot_dimension_numbers<[1], [0], [0], [1], [0, 0, 1, 1], [], []>, transpose_lhs_hint = false} : vector<128x32xf32>, vector<32x32xf32>, vector<128x32xf32> -> vector<128x32xf32>
    %get3A_98 = arith.constant 0 : index
    %get3A_99 = arith.constant 0 : index
    %get3A_100 = vector.load %arg14[%get3A_98, %get3A_99] : memref<1x32xf32, #tpu.memory_space<vmem>>, vector<1x32xf32>
    %add3A_101 = vector.broadcast %get3A_100 : vector<1x32xf32> to vector<128x32xf32>
    %add3A_102 = arith.addf %dot_general3A_97, %add3A_101 : vector<128x32xf32>
    %max3A_103 = arith.constant 0.000000e+00 : f32
    %max3A_104 = vector.broadcast %max3A_103 : f32 to vector<128x32xf32>
    %max3A_105 = arith.maximumf %add3A_102, %max3A_104 : vector<128x32xf32>
    %get3A_106 = arith.constant 0 : index
    %get3A_107 = arith.constant 0 : index
    %get3A_108 = vector.load %arg15[%get3A_106, %get3A_107] : memref<32x10xf32, #tpu.memory_space<vmem>>, vector<32x10xf32>
    %dot_general3A_109 = arith.constant dense<0.000000e+00> : vector<128x10xf32>
    %dot_general3A_110 = tpu.matmul %max3A_105, %get3A_108, %dot_general3A_109 {dimension_numbers = #tpu.dot_dimension_numbers<[1], [0], [0], [1], [0, 0, 1, 1], [], []>, transpose_lhs_hint = false} : vector<128x32xf32>, vector<32x10xf32>, vector<128x10xf32> -> vector<128x10xf32>
    %get3A_111 = arith.constant 0 : index
    %get3A_112 = arith.constant 0 : index
    %get3A_113 = vector.load %arg16[%get3A_111, %get3A_112] : memref<1x10xf32, #tpu.memory_space<vmem>>, vector<1x10xf32>
    %add3A_114 = vector.broadcast %get3A_113 : vector<1x10xf32> to vector<128x10xf32>
    %add3A_115 = arith.addf %dot_general3A_110, %add3A_114 : vector<128x10xf32>
    %swap3A_116 = arith.constant 0 : index
    %swap3A_117 = arith.constant 0 : index
    %swap3A_118 = vector.load %arg33[%swap3A_116, %swap3A_117] : memref<128x10xf32, #tpu.memory_space<vmem>>, vector<128x10xf32>
    tpu.vector_store %arg33[%swap3A_116, %swap3A_117], %add3A_115 {strides = array<i32>} : memref<128x10xf32, #tpu.memory_space<vmem>>, vector<128x10xf32>,
    %get3A_119 = arith.constant 0 : index
    %get3A_120 = arith.constant 0 : index
    %get3A_121 = vector.load %arg17[%get3A_119, %get3A_120] : memref<32x32xf32, #tpu.memory_space<vmem>>, vector<32x32xf32>
    %dot_general3A_122 = arith.constant dense<0.000000e+00> : vector<128x32xf32>
    %dot_general3A_123 = tpu.matmul %dot_general3A_75, %get3A_121, %dot_general3A_122 {dimension_numbers = #tpu.dot_dimension_numbers<[1], [0], [0], [1], [0, 0, 1, 1], [], []>, transpose_lhs_hint = false} : vector<128x32xf32>, vector<32x32xf32>, vector<128x32xf32> -> vector<128x32xf32>
    %get3A_124 = arith.constant 0 : index
    %get3A_125 = arith.constant 0 : index
    %get3A_126 = vector.load %arg18[%get3A_124, %get3A_125] : memref<1x32xf32, #tpu.memory_space<vmem>>, vector<1x32xf32>
    %add3A_127 = vector.broadcast %get3A_126 : vector<1x32xf32> to vector<128x32xf32>
    %add3A_128 = arith.addf %dot_general3A_123, %add3A_127 : vector<128x32xf32>
    %max3A_129 = arith.constant 0.000000e+00 : f32
    %max3A_130 = vector.broadcast %max3A_129 : f32 to vector<128x32xf32>
    %max3A_131 = arith.maximumf %add3A_128, %max3A_130 : vector<128x32xf32>
    %get3A_132 = arith.constant 0 : index
    %get3A_133 = arith.constant 0 : index
    %get3A_134 = vector.load %arg19[%get3A_132, %get3A_133] : memref<32x10xf32, #tpu.memory_space<vmem>>, vector<32x10xf32>
    %dot_general3A_135 = arith.constant dense<0.000000e+00> : vector<128x10xf32>
    %dot_general3A_136 = tpu.matmul %max3A_131, %get3A_134, %dot_general3A_135 {dimension_numbers = #tpu.dot_dimension_numbers<[1], [0], [0], [1], [0, 0, 1, 1], [], []>, transpose_lhs_hint = false} : vector<128x32xf32>, vector<32x10xf32>, vector<128x10xf32> -> vector<128x10xf32>
    %get3A_137 = arith.constant 0 : index
    %get3A_138 = arith.constant 0 : index
    %get3A_139 = vector.load %arg20[%get3A_137, %get3A_138] : memref<1x10xf32, #tpu.memory_space<vmem>>, vector<1x10xf32>
    %add3A_140 = vector.broadcast %get3A_139 : vector<1x10xf32> to vector<128x10xf32>
    %add3A_141 = arith.addf %dot_general3A_136, %add3A_140 : vector<128x10xf32>
    %swap3A_142 = arith.constant 0 : index
    %swap3A_143 = arith.constant 0 : index
    %swap3A_144 = vector.load %arg35[%swap3A_142, %swap3A_143] : memref<128x10xf32, #tpu.memory_space<vmem>>, vector<128x10xf32>
    tpu.vector_store %arg35[%swap3A_142, %swap3A_143], %add3A_141 {strides = array<i32>} : memref<128x10xf32, #tpu.memory_space<vmem>>, vector<128x10xf32>,
    %concatenate3A = tpu.concatenate %dot_general3A_87, %dot_general3A_75 in 1 : vector<128x32xf32>, vector<128x32xf32> -> vector<128x64xf32>
    %get3A_145 = arith.constant 0 : index
    %get3A_146 = arith.constant 0 : index
    %get3A_147 = vector.load %arg25[%get3A_145, %get3A_146] : memref<64x32xf32, #tpu.memory_space<vmem>>, vector<64x32xf32>
    %dot_general3A_148 = arith.constant dense<0.000000e+00> : vector<128x32xf32>
    %dot_general3A_149 = tpu.matmul %concatenate3A, %get3A_147, %dot_general3A_148 {dimension_numbers = #tpu.dot_dimension_numbers<[1], [0], [0], [1], [0, 0, 1, 1], [], []>, transpose_lhs_hint = false} : vector<128x64xf32>, vector<64x32xf32>, vector<128x32xf32> -> vector<128x32xf32>
    %get3A_150 = arith.constant 0 : index
    %get3A_151 = arith.constant 0 : index
    %get3A_152 = vector.load %arg26[%get3A_150, %get3A_151] : memref<1x32xf32, #tpu.memory_space<vmem>>, vector<1x32xf32>
    %add3A_153 = vector.broadcast %get3A_152 : vector<1x32xf32> to vector<128x32xf32>
    %add3A_154 = arith.addf %dot_general3A_149, %add3A_153 : vector<128x32xf32>
    %max3A_155 = arith.constant 0.000000e+00 : f32
    %max3A_156 = vector.broadcast %max3A_155 : f32 to vector<128x32xf32>
    %max3A_157 = arith.maximumf %add3A_154, %max3A_156 : vector<128x32xf32>
    %get3A_158 = arith.constant 0 : index
    %get3A_159 = arith.constant 0 : index
    %get3A_160 = vector.load %arg27[%get3A_158, %get3A_159] : memref<32x10xf32, #tpu.memory_space<vmem>>, vector<32x10xf32>
    %dot_general3A_161 = arith.constant dense<0.000000e+00> : vector<128x10xf32>
    %dot_general3A_162 = tpu.matmul %max3A_157, %get3A_160, %dot_general3A_161 {dimension_numbers = #tpu.dot_dimension_numbers<[1], [0], [0], [1], [0, 0, 1, 1], [], []>, transpose_lhs_hint = false} : vector<128x32xf32>, vector<32x10xf32>, vector<128x10xf32> -> vector<128x10xf32>
    %get3A_163 = arith.constant 0 : index
    %get3A_164 = arith.constant 0 : index
    %get3A_165 = vector.load %arg28[%get3A_163, %get3A_164] : memref<1x10xf32, #tpu.memory_space<vmem>>, vector<1x10xf32>
    %add3A_166 = vector.broadcast %get3A_165 : vector<1x10xf32> to vector<128x10xf32>
    %add3A_167 = arith.addf %dot_general3A_162, %add3A_166 : vector<128x10xf32>
    %swap3A_168 = arith.constant 0 : index
    %swap3A_169 = arith.constant 0 : index
    %swap3A_170 = vector.load %arg37[%swap3A_168, %swap3A_169] : memref<128x10xf32, #tpu.memory_space<vmem>>, vector<128x10xf32>
    tpu.vector_store %arg37[%swap3A_168, %swap3A_169], %add3A_167 {strides = array<i32>} : memref<128x10xf32, #tpu.memory_space<vmem>>, vector<128x10xf32>,
    %get3A_171 = arith.constant 0 : index
    %get3A_172 = arith.constant 0 : index
    %get3A_173 = vector.load %arg21[%get3A_171, %get3A_172] : memref<32x32xf32, #tpu.memory_space<vmem>>, vector<32x32xf32>
    %dot_general3A_174 = arith.constant dense<0.000000e+00> : vector<128x32xf32>
    %dot_general3A_175 = tpu.matmul %dot_general3A_77, %get3A_173, %dot_general3A_174 {dimension_numbers = #tpu.dot_dimension_numbers<[1], [0], [0], [1], [0, 0, 1, 1], [], []>, transpose_lhs_hint = false} : vector<128x32xf32>, vector<32x32xf32>, vector<128x32xf32> -> vector<128x32xf32>
    %get3A_176 = arith.constant 0 : index
    %get3A_177 = arith.constant 0 : index
    %get3A_178 = vector.load %arg22[%get3A_176, %get3A_177] : memref<1x32xf32, #tpu.memory_space<vmem>>, vector<1x32xf32>
    %add3A_179 = vector.broadcast %get3A_178 : vector<1x32xf32> to vector<128x32xf32>
    %add3A_180 = arith.addf %dot_general3A_175, %add3A_179 : vector<128x32xf32>
    %max3A_181 = arith.constant 0.000000e+00 : f32
    %max3A_182 = vector.broadcast %max3A_181 : f32 to vector<128x32xf32>
    %max3A_183 = arith.maximumf %add3A_180, %max3A_182 : vector<128x32xf32>
    %get3A_184 = arith.constant 0 : index
    %get3A_185 = arith.constant 0 : index
    %get3A_186 = vector.load %arg23[%get3A_184, %get3A_185] : memref<32x10xf32, #tpu.memory_space<vmem>>, vector<32x10xf32>
    %dot_general3A_187 = arith.constant dense<0.000000e+00> : vector<128x10xf32>
    %dot_general3A_188 = tpu.matmul %max3A_183, %get3A_186, %dot_general3A_187 {dimension_numbers = #tpu.dot_dimension_numbers<[1], [0], [0], [1], [0, 0, 1, 1], [], []>, transpose_lhs_hint = false} : vector<128x32xf32>, vector<32x10xf32>, vector<128x10xf32> -> vector<128x10xf32>
    %get3A_189 = arith.constant 0 : index
    %get3A_190 = arith.constant 0 : index
    %get3A_191 = vector.load %arg24[%get3A_189, %get3A_190] : memref<1x10xf32, #tpu.memory_space<vmem>>, vector<1x10xf32>
    %add3A_192 = vector.broadcast %get3A_191 : vector<1x10xf32> to vector<128x10xf32>
    %add3A_193 = arith.addf %dot_general3A_188, %add3A_192 : vector<128x10xf32>
    %swap3A_194 = arith.constant 0 : index
    %swap3A_195 = arith.constant 0 : index
    %swap3A_196 = vector.load %arg38[%swap3A_194, %swap3A_195] : memref<128x10xf32, #tpu.memory_space<vmem>>, vector<128x10xf32>
    tpu.vector_store %arg38[%swap3A_194, %swap3A_195], %add3A_193 {strides = array<i32>} : memref<128x10xf32, #tpu.memory_space<vmem>>, vector<128x10xf32>,
    %concatenate3A_197 = tpu.concatenate %dot_general3A_77, %dot_general3A_92 in 1 : vector<128x32xf32>, vector<128x32xf32> -> vector<128x64xf32>
    %get3A_198 = arith.constant 0 : index
    %get3A_199 = arith.constant 0 : index
    %get3A_200 = vector.load %arg29[%get3A_198, %get3A_199] : memref<64x32xf32, #tpu.memory_space<vmem>>, vector<64x32xf32>
    %dot_general3A_201 = arith.constant dense<0.000000e+00> : vector<128x32xf32>
    %dot_general3A_202 = tpu.matmul %concatenate3A_197, %get3A_200, %dot_general3A_201 {dimension_numbers = #tpu.dot_dimension_numbers<[1], [0], [0], [1], [0, 0, 1, 1], [], []>, transpose_lhs_hint = false} : vector<128x64xf32>, vector<64x32xf32>, vector<128x32xf32> -> vector<128x32xf32>
    %get3A_203 = arith.constant 0 : index
    %get3A_204 = arith.constant 0 : index
    %get3A_205 = vector.load %arg30[%get3A_203, %get3A_204] : memref<1x32xf32, #tpu.memory_space<vmem>>, vector<1x32xf32>
    %add3A_206 = vector.broadcast %get3A_205 : vector<1x32xf32> to vector<128x32xf32>
    %add3A_207 = arith.addf %dot_general3A_202, %add3A_206 : vector<128x32xf32>
    %max3A_208 = arith.constant 0.000000e+00 : f32
    %max3A_209 = vector.broadcast %max3A_208 : f32 to vector<128x32xf32>
    %max3A_210 = arith.maximumf %add3A_207, %max3A_209 : vector<128x32xf32>
    %get3A_211 = arith.constant 0 : index
    %get3A_212 = arith.constant 0 : index
    %get3A_213 = vector.load %arg31[%get3A_211, %get3A_212] : memref<32x10xf32, #tpu.memory_space<vmem>>, vector<32x10xf32>
    %dot_general3A_214 = arith.constant dense<0.000000e+00> : vector<128x10xf32>
    %dot_general3A_215 = tpu.matmul %max3A_210, %get3A_213, %dot_general3A_214 {dimension_numbers = #tpu.dot_dimension_numbers<[1], [0], [0], [1], [0, 0, 1, 1], [], []>, transpose_lhs_hint = false} : vector<128x32xf32>, vector<32x10xf32>, vector<128x10xf32> -> vector<128x10xf32>
    %get3A_216 = arith.constant 0 : index
    %get3A_217 = arith.constant 0 : index
    %get3A_218 = vector.load %arg32[%get3A_216, %get3A_217] : memref<1x10xf32, #tpu.memory_space<vmem>>, vector<1x10xf32>
    %add3A_219 = vector.broadcast %get3A_218 : vector<1x10xf32> to vector<128x10xf32>
    %add3A_220 = arith.addf %dot_general3A_215, %add3A_219 : vector<128x10xf32>
    %swap3A_221 = arith.constant 0 : index
    %swap3A_222 = arith.constant 0 : index
    %swap3A_223 = vector.load %arg39[%swap3A_221, %swap3A_222] : memref<128x10xf32, #tpu.memory_space<vmem>>, vector<128x10xf32>
    tpu.vector_store %arg39[%swap3A_221, %swap3A_222], %add3A_220 {strides = array<i32>} : memref<128x10xf32, #tpu.memory_space<vmem>>, vector<128x10xf32>,
    return
  }
}

</mosaic_0001>

<sc_bundles>
// kernel: kernel.16.cloned.1.call-start
scs
__scs_entry_jumppad:
0x0: {  	(pc) =	sbr.rel $0x88, $3  }
0x1: {  	(tag) =	ssettag $0x0;
	lr =	simm.s32 $0x1  }
0x2: {  	[smem:$0x3F5F] =	sst lr;
	_ =	strace $0xD0000000  }
0x3: {  	_ = 	snop  }
0x4: {  	_ = 	snop  }
0x5: {  	_ = 	snop  }
0x6: {  	_ = 	snop  }
0x7: {  	_ = 	snop  }
__scs_overlays_trampoline_lowered:
0x8: {  	[smem:$0x3F6E] =	sst s0  }
0x9: {  	[smem:$0x3F6F] =	sst s1  }
0xa: {  	[smem:$0x3F70] =	sst s2  }
0xb: {  	[smem:$0x3F71] =	sst s3  }
0xc: {  	[smem:$0x3F72] =	sst s4  }
0xd: {  	[smem:$0x3F73] =	sst s5  }
0xe: {  	[smem:$0x3F74] =	sst s6  }
0xf: {  	[smem:$0x3F75] =	sst s7  }
0x10: {  	[smem:$0x3F76] =	sst s8  }
0x11: {  	[smem:$0x3F77] =	sst s9;
	s0 =	simm.s32 @!p0 $0x0  }
0x12: {  	s1 =	sld [smem:$0x3F5D];
	s0 =	simm.s32 @p0 $0x1  }
0x13: {  	[smem:$0x3F78] =	sst s0;
	s0 =	simm.s32 @!p1 $0x0  }
0x14: {  	s2 =	sld [smem:$0x3F5C];
	s0 =	simm.s32 @p1 $0x1  }
0x15: {  	[smem:$0x3F79] =	sst s0;
	s0 =	simm.s32 @!p2 $0x0  }
0x16: {  	s3 =	sld [smem:$0x3FDB];
	s0 =	simm.s32 @p2 $0x1  }
0x17: {  	s4 =	simm.s32 $0x1BF5;
	[smem:$0x3F7B] =	sst s0  }
0x18: {  	s0 =	sld [smem:$0x3F5E];
	_ =	swait.ge [sflag:s4], $0x0  }
0x19: {  	s7 =	sld [smem:$0x3F5F]  }
0x1a: {  	s8 =	sadd.s32 $0xFFFFE003, lr  }
0x1b: {  	s9 =	sadd.s32 $0xFFFFFEF7, lr;
	s5 =	simm.s32 $0xFFFFFFFF;
	p2 =	slt.u32 s8, $0xFFFFF086  }
0x1c: {  	p1 =	slt.u32 s9, $0xF7A;
	s5 =	simm.s32 @!p2 $0x0  }
0x1d: {  	s5 =	simm.s32 @p1 $0x1;
	p0 =	seq.s32 s7, s2  }
0x1e: {  	s7 =	smul.u32 @!p0 $0xF7A, s2;
	p2 =	seq.s32 @!p0 s5, $0x0  }
0x1f: {  	s9 =	smul.u32 $0xF7A, s1;
	s8 =	simm.s32 @!p0 $0x1BF5;
	p2 =	por !p2, p0  }
0x20: {  	[sflag:s8] =	ssyncset.s32 @!p0 $0xFFFFF086;
	s6 =	sadd.s32 @!p0 s3, s7;
	s7 =	simm.s32 @!p0 $0x108  }
0x21: {  	s3 =	sadd.s32 s3, s9;
	s6 =	sadd.s32 @!p0 $0x88, s6;
	s7 =	simm.s32 @p2 $0x1082  }
0x22: {  	[simem:s7], [sflag:s8] =	dma.local @!p0 [hbm:s6], $0xF7A  }
0x23: {  	s9 =	sor.u32 $0xD0000000, s2;
	s6 =	simm.s32 $0x108;
	_ =	swait.ge @!p0 [sflag:s8], $0x0  }
0x24: {  	s3 =	sadd.s32 $0x88, s3;
	s6 =	simm.s32 @!p1 $0x1082;
	[sflag:s4] =	ssyncset.s32 $0xFFFFF086  }
0x25: {  	[simem:s6], [sflag:s4] =	dma.local [hbm:s3], $0xF7A  }
0x26: {  	[smem:$0x3F5F] =	sst s1;
	(tag) =	ssettag s2;
	_ =	strace s9  }
0x27: {  	s1 =	sld [smem:$0x3F6F]  }
0x28: {  	s2 =	sld [smem:$0x3F70]  }
0x29: {  	s4 =	sld [smem:$0x3F72]  }
0x2a: {  	p0 =	seq.s32 s5, $0x0;
	s5 =	sld [smem:$0x3F73]  }
0x2b: {  	s6 =	sld [smem:$0x3F74]  }
0x2c: {  	s7 =	sld [smem:$0x3F75]  }
0x2d: {  	s3 =	simm.s32 $0x108;
	s8 =	sld [smem:$0x3F76]  }
0x2e: {  	s3 =	simm.s32 @!p0 $0x1082;
	s9 =	sld [smem:$0x3F77]  }
0x2f: {  	lr =	sadd.s32 s0, s3;
	s0 =	sld [smem:$0x3F6E]  }
0x30: {  	s3 =	sld [smem:$0x3F71]  }
0x31: {  	[smem:$0x3F7A] =	sst s10  }
0x32: {  	s10 =	sld [smem:$0x3F78];
	_ =	sdelay $0x3  }
0x33: {  	p0 =	seq.s32 s10, $0x1;
	s10 =	sld [smem:$0x3F7A];
	_ =	sdelay $0x3  }
0x34: {  	[smem:$0x3F7A] =	sst s10  }
0x35: {  	s10 =	sld [smem:$0x3F79];
	_ =	sdelay $0x3  }
0x36: {  	p1 =	seq.s32 s10, $0x1;
	s10 =	sld [smem:$0x3F7A];
	_ =	sdelay $0x3  }
0x37: {  	[smem:$0x3F7A] =	sst s10  }
0x38: {  	s10 =	sld [smem:$0x3F7B]  }
0x39: {  	_ = 	snop;
	(pc) =	sbr.ind lr, $3  }
0x3a: {  	_ = 	snop  }
0x3b: {  	_ = 	snop  }
0x3c: {  	p2 =	seq.s32 s10, $0x1;
	s10 =	sld [smem:$0x3F7A]  }
0x3d: {  	_ =	shalt  }
0x3e: {  	_ =	shalt  }
0x3f: {  	_ =	shalt  }
0x40: {  	_ =	shalt  }
0x41: {  	_ =	shalt  }
0x42: {  	_ =	shalt  }
0x43: {  	_ =	shalt  }
0x44: {  	_ =	shalt  }
0x45: {  	_ =	shalt  }
0x46: {  	_ =	shalt  }
0x47: {  	_ =	shalt  }
0x48: {  	_ =	shalt  }
0x49: {  	_ =	shalt  }
0x4a: {  	_ =	shalt  }
0x4b: {  	_ =	shalt  }
0x4c: {  	_ =	shalt  }
0x4d: {  	_ =	shalt  }
0x4e: {  	_ =	shalt  }
0x4f: {  	_ =	shalt  }
0x50: {  	_ =	shalt  }
0x51: {  	_ =	shalt  }
0x52: {  	_ =	shalt  }
0x53: {  	_ =	shalt  }
0x54: {  	_ =	shalt  }
0x55: {  	_ =	shalt  }
0x56: {  	_ =	shalt  }
0x57: {  	_ =	shalt  }
0x58: {  	_ =	shalt  }
0x59: {  	_ =	shalt  }
0x5a: {  	_ =	shalt  }
0x5b: {  	_ =	shalt  }
0x5c: {  	_ =	shalt  }
0x5d: {  	_ =	shalt  }
0x5e: {  	_ =	shalt  }
0x5f: {  	_ =	shalt  }
0x60: {  	_ =	shalt  }
0x61: {  	_ =	shalt  }
0x62: {  	_ =	shalt  }
0x63: {  	_ =	shalt  }
0x64: {  	_ =	shalt  }
0x65: {  	_ =	shalt  }
0x66: {  	_ =	shalt  }
0x67: {  	_ =	shalt  }
0x68: {  	_ =	shalt  }
0x69: {  	_ =	shalt  }
0x6a: {  	_ =	shalt  }
0x6b: {  	_ =	shalt  }
0x6c: {  	_ =	shalt  }
0x6d: {  	_ =	shalt  }
0x6e: {  	_ =	shalt  }
0x6f: {  	_ =	shalt  }
0x70: {  	_ =	shalt  }
0x71: {  	_ =	shalt  }
0x72: {  	_ =	shalt  }
0x73: {  	_ =	shalt  }
0x74: {  	_ =	shalt  }
0x75: {  	_ =	shalt  }
0x76: {  	_ =	shalt  }
0x77: {  	_ =	shalt  }
0x78: {  	_ =	shalt  }
0x79: {  	_ =	shalt  }
0x7a: {  	_ =	shalt  }
0x7b: {  	_ =	shalt  }
0x7c: {  	_ =	shalt  }
0x7d: {  	_ =	shalt  }
0x7e: {  	_ =	shalt  }
0x7f: {  	_ =	shalt  }
0x80: {  	_ =	shalt  }
0x81: {  	_ =	shalt  }
0x82: {  	_ =	shalt  }
0x83: {  	_ =	shalt  }
0x84: {  	_ =	shalt  }
0x85: {  	_ =	shalt  }
0x86: {  	_ =	shalt  }
0x87: {  	_ =	shalt  }
.Lfunc_end0:
.L_simem_size_0:
called_computation_lowered:
.L_overlay_start_0:
0x88: {  	s2 =	sld [smem:$0x3FD9]  }
0x89: {  	s3 =	sld [smem:$0x3FFE];
	_ =	sdelay $0x1  }
0x8a: {  	s1 =	srdreg.scid  }
0x8b: {  	s0 =	sand.u32 $0x1, s1  }
0x8c: {  	s16 =	sshll.u32 s0, $0xA;
	s2 =	sadd.s32 s3, s2  }
0x8d: {  	s2 =	sadd.s32 s2, s16  }
0x8e: {  	[smem:$0x3F86] =	sst s2  }
0x8f: {  	_ = 	snop  }
0x90: {  	(tm) =	ssettm $0x1  }
0x91: {  	s17 =	sld [smem:$0x3FFB];
	_ =	sdelay $0x3  }
0x92: {  	_ =	strace s17  }
0x93: {  	s2 =	sld [smem:$0x3FFC];
	_ =	sdelay $0x3  }
0x94: {  	_ =	strace s2  }
0x95: {  	s2 =	sld [smem:$0x3FFD];
	_ =	sdelay $0x3  }
0x96: {  	_ =	strace s2  }
0x97: {  	_ =	strace $0x8FFFFFFF  }
0x98: {  	s18 =	sld [smem:$0x3FDB];
	_ =	sdelay $0x1  }
0x99: {  	s19 =	simm.s32 $_scs_section_size  }
0x9a: {  	s4 =	simm.s32 $_size__tile_overlayer_lowered;
	s5 =	simm.s32 $_tile_overlayer_lowered  }
0x9b: {  	s22 =	simm.s32 $0x1BFF;
	s21 =	sshll.u32 s5, $0x1;
	s2 =	sadd.s32 s19, s18  }
0x9c: {  	s6 =	simm.s32 $0x0;
	s20 =	sshll.u32 s4, $0x1;
	s4 =	sadd.s32 s21, s2  }
0x9d: {  	[timem:s6], [sflag:s22] =	dma.local [hbm:s4], s20  }
0x9e: {  	_ =	swait.ge [sflag:s22], s20  }
0x9f: {  	s3 =	ssub.s32 $0x0, s20;
	[sflag:s22] =	ssyncset.done $0x0  }
0xa0: {  	[sflag:s22] =	ssyncadd.s32 s3;
	_ =	sdelay $0x1  }
0xa1: {  	s23 =	simm.s32 $0x1B8B  }
0xa2: {  	_ =	swait.ge [sflag:s23], $0x1  }
0xa3: {  	[sflag:s23] =	ssyncset.done $0x0  }
0xa4: {  	s25 =	simm.s32 $0x1B8E;
	s24 =	sld [smem:$0x3FFE];
	[sflag:s23] =	ssyncadd.s32 $0xFFFFFFFF  }
0xa5: {  	s26 =	simm.s32 $execute0_lowered;
	[smem:$0x3FD2] =	sst s25  }
0xa6: {  	s4 =	sshll.u32 s26, $0x1;
	_ =	strace $0x80000046;
	[dreg:$0x1] =	wrdreg $0xFFFFFFFF  }
0xa7: {  	s28 =	simm.s32 $_size_execute0_lowered;
	s2 =	sadd.s32 s2, s4;
	[dreg:$0x0] =	wrdreg $0x0  }
0xa8: {  	s4 =	sshll.u32 s28, $0x1;
	[dreg:$0x2] =	wrdreg s2  }
0xa9: {  	[dreg:$0x3] =	wrdreg s4  }
0xaa: {  	[dreg:$0x4] =	wrdreg $0xC0  }
0xab: {  	_ =	task [dreg:s6], $0x5FFFF  }
0xac: {  	[dreg:$0x1] =	wrdreg $0xFFFFFFFF  }
0xad: {  	[dreg:$0x0] =	wrdreg $0x60  }
0xae: {  	[dreg:$0x2] =	wrdreg s24  }
0xaf: {  	[dreg:$0x3] =	wrdreg $0x8F000  }
0xb0: {  	[dreg:$0x4] =	wrdreg $0x9  }
0xb1: {  	_ =	task.clear_ibuf [dreg:s6], $0x5FFFF;
	_ =	strace $0x90000046  }
0xb2: {  	s29 =	simm.s32 $0x9;
	_ =	strace $0x80000048  }
0xb3: {  	_ =	swait.ge [sflag:s29], $0x1  }
0xb4: {  	[sflag:s29] =	ssyncadd.s32 $0xFFFFFFFF  }
0xb5: {  	_ =	strace $0x90000048  }
0xb6: {  	_ =	sfence  }
0xb7: {  	s30 =	sld [smem:$0x0];
	_ =	sdelay $0x2  }
0xb8: {  	s31 =	sshll.u32 s1, $0xD;
	s1 =	sshrl.u32 s1, $0x2  }
0xb9: {  	s3 =	sand.u32 $0x4000, s31;
	s1 =	sadd.s32 s1, s30  }
0xba: {  	s0 =	sor.u32 s3, s0;
	s1 =	sshll.u32 s1, $0x11  }
0xbb: {  	s0 =	sor.u32 s1, s0  }
0xbc: {  	s0 =	sadd.s32 $0x8F2B, s0  }
0xbd: {  	[sflag:s0] =	ssyncadd.remote.s32 $0x1  }
0xbe: {  	_ =	sfence.sel $0xFFFF  }
0xbf: {  	[dreg:$0x0] =	wrdreg $0xFFFFFFFF;
	(pc) =	sbr.abs _section_cstart, $3  }
0xc0: {  	[dreg:$0x1] =	wrdreg $0xFFFFFFFF  }
0xc1: {  	_ =	task.clear_ibuf [dreg:s6], $0x2FFFF;
	_ =	strace $0x9FFFFFFF  }
0xc2: {  	(tm) =	ssettm $0x7FFFFFFF  }
0xc3: {  	_ =	shalt  }
tec
execute0_lowered:
.L_overlay_start_1:
0x0: {  	(tag) =	ssettag $0x1  }
0x1: {  	s6 =	rddreg [dreg:$0x0]  }
0x2: {  	s0 =	srdreg.scid;
	s2 =	rddreg [dreg:$0x1]  }
0x3: {  	s3 =	simm.s32 $0x0;
	s14 =	simm.s32 $0x80;
	s15 =	simm.s32 $0x4F00  }
0x4: {  	s16 =	simm.s32 $0x6F00;
	s17 =	simm.s32 $0x1;
	s18 =	simm.s32 $0x2  }
0x5: {  	s19 =	simm.s32 $0x3;
	s20 =	simm.s32 $0x4;
	s21 =	simm.s32 $0x2700  }
0x6: {  	s22 =	simm.s32 $0x4E80;
	s5 =	sand.u32 $0x1, s0;
	s0 =	stileid.u32  }
0x7: {  	s23 =	simm.s32 $0x0;
	[smem:$0x7FF] =	sst s3;
	s8 =	smul.u32 $0x9E00, s0  }
0x8: {  	s4 =	sadd.s32 $0x1F200, s6;
	s1 =	sshll.u32 s5, $0x4;
	s9 =	smul.u32 $0x9E000, s5  }
0x9: {  	s5 =	ssub.s32 $0x2, s5;
	s12 =	sshll.u32 s0, $0x6;
	s1 =	sor.u32 s0, s1  }
0xa: {  	s11 =	sshrl.u32 s5, $0x1;
	s12 =	sor.u32 $0x1C05, s12;
	s7 =	smul.u32 $0x4F0, s1  }
0xb: {  	s1 =	rddreg [dreg:$0x2];
	_ =	strace $0x80000047;
	s9 =	sadd.s32 s8, s9  }
0xc: {  	s10 =	sshrl.u32 s8, $0x3;
	s11 =	ssub.s32 s5, s11;
	s13 =	sadd.s32 s8, s2  }
0xd: {  	s9 =	sshrl.u32 s9, $0x3;
	s10 =	sadd.s32 s10, s6;
	s7 =	sadd.s32 s7, s6  }
0xe: {  	s13 =	sshrl.u32 s13, $0x3;
	s9 =	sadd.s32 s9, s6;
	s5 =	sadd.s32 $0x15400, s7  }
0xf: {  	s6 =	sadd.s32 $0xB600, s7;
	s7 =	sadd.s32 $0x32E00, s10;
	s8 =	sadd.s32 $0x46A00, s9  }
0x10: {  	s9 =	smax.u32 s11, $0x1;
	s10 =	simm.s32 $0x5;
	s11 =	simm.s32 $0x2780  }
.LBB2_1:
0x11: {  	[tilespmem:s3], [sflag:$0x5] =	stream.linear.gather [hbm4b:s5+s3], $0x2780, $0x38;
	[tilespmem:$0x12D00] =	vst v63  }
0x12: {  	_ =	swait.ge [sflag:s10], $0x2780  }
0x13: {  	[sflag:s10] =	ssyncset.done $0x0  }
0x14: {  	[sflag:s10] =	ssyncadd.s32 $0xFFFFD880  }
0x15: {  	[tilespmem:s11], [sflag:$0x5] =	stream.linear.gather [hbm4b:s6+s3], $0x2780, $0x38;
	[tilespmem:$0x12D00] =	vst v63  }
0x16: {  	_ =	swait.ge [sflag:s10], $0x2780  }
0x17: {  	[sflag:s10] =	ssyncset.done $0x0  }
0x18: {  	[sflag:s10] =	ssyncadd.s32 $0xFFFFD880  }
0x19: {  	[spmem:s13], [sflag:s12] =	dma.local [hbm:s7], $0x13C0  }
0x1a: {  	_ =	swait.ge [sflag:s10], $0x13C0  }
0x1b: {  	[sflag:s10] =	ssyncset.done $0x0  }
0x1c: {  	[sflag:s10] =	ssyncadd.s32 $0xFFFFEC40  }
0x1d: {  	s24 =	simm.s32 $0x0;
	[bflag:$0x0] =	sbarrier.arrive $0xFFFF  }
0x1e: {  	[tilespmem:s15], [sflag:$0x1] =	stream.indirect.gather [hbm4b:s4+s14], $0x40, s24, s14, $0xb8;
	[tilespmem:$0x12D00] =	vst v63  }
0x1f: {  	s29 =	simm.s32 $0x80  }
0x20: {  	[tilespmem:s16], [sflag:$0x2] =	stream.indirect.gather [hbm4b:s4+s14], $0x40, s29, s14, $0xb8;
	[tilespmem:$0x12D00] =	vst v63  }
0x21: {  	_ =	swait.ge [sflag:s17], $0x2000  }
0x22: {  	[sflag:s17] =	ssyncset.done $0x0  }
0x23: {  	s30 =	simm.s32 $0x2780;
	[sflag:s17] =	ssyncadd.s32 $0xFFFFE000  }
0x24: {  	[spmem:s2] =	stream.indirect.scatter.add.f32 [tilespmem:s15], [sflag:$0x3], $0x40, s30, s14, $0xb8;
	[tilespmem:$0x12D00] =	vst v63  }
0x25: {  	_ =	swait.ge [sflag:s18], $0x2000  }
0x26: {  	[sflag:s18] =	ssyncset.done $0x0  }
0x27: {  	s31 =	simm.s32 $0x2800;
	[sflag:s18] =	ssyncadd.s32 $0xFFFFE000  }
0x28: {  	[spmem:s2] =	stream.indirect.scatter.add.f32 [tilespmem:s16], [sflag:$0x4], $0x40, s31, s14, $0xb8;
	[tilespmem:$0x12D00] =	vst v63  }
0x29: {  	_ =	swait.ge [sflag:s19], $0x2000  }
0x2a: {  	[sflag:s19] =	ssyncset.done $0x0  }
0x2b: {  	[sflag:s19] =	ssyncadd.s32 $0xFFFFE000  }
0x2c: {  	_ =	swait.ge [sflag:s20], $0x2000  }
0x2d: {  	s25 =	simm.s32 $0x800;
	s24 =	simm.s32 $0x400;
	[sflag:s20] =	ssyncset.done $0x0  }
.LBB2_2:
0x2e: {  	s26 =	sshra.s32 s24, $0x2  }
0x2f: {  	[sflag:s20] =	ssyncadd.s32 $0xFFFFE000;
	s24 =	smov.u32 s25;
	s28 =	sadd.s32 $0x400, s25  }
0x30: {  	[tilespmem:s15], [sflag:$0x1] =	stream.indirect.gather [hbm4b:s4+s14], $0x40, s26, s14, $0xb8;
	[tilespmem:$0x12D00] =	vst v63  }
0x31: {  	p0 =	sne.s32 s25, $0x9800;
	s25 =	sadd.s32 $0x80, s26  }
0x32: {  	[tilespmem:s16], [sflag:$0x2] =	stream.indirect.gather [hbm4b:s4+s14], $0x40, s25, s14, $0xb8;
	[tilespmem:$0x12D00] =	vst v63  }
0x33: {  	_ =	swait.ge [sflag:s17], $0x2000  }
0x34: {  	[sflag:s17] =	ssyncset.done $0x0  }
0x35: {  	s25 =	sadd.s32 $0x2780, s26;
	[sflag:s17] =	ssyncadd.s32 $0xFFFFE000  }
0x36: {  	[spmem:s2] =	stream.indirect.scatter.add.f32 [tilespmem:s15], [sflag:$0x3], $0x40, s25, s14, $0xb8;
	[tilespmem:$0x12D00] =	vst v63  }
0x37: {  	_ =	swait.ge [sflag:s18], $0x2000  }
0x38: {  	[sflag:s18] =	ssyncset.done $0x0  }
0x39: {  	s25 =	sadd.s32 $0x2800, s26;
	[sflag:s18] =	ssyncadd.s32 $0xFFFFE000  }
0x3a: {  	[spmem:s2] =	stream.indirect.scatter.add.f32 [tilespmem:s16], [sflag:$0x4], $0x40, s25, s14, $0xb8;
	[tilespmem:$0x12D00] =	vst v63  }
.Ltmp0:
0x3b: {  	_ =	swait.ge [sflag:s19], $0x2000;
	(pc) =	sbr.rel @p0 .LBB2_2-.Ltmp0, $4  }
0x3c: {  	[sflag:s19] =	ssyncset.done $0x0  }
0x3d: {  	[sflag:s19] =	ssyncadd.s32 $0xFFFFE000  }
0x3e: {  	_ =	swait.ge [sflag:s20], $0x2000  }
0x3f: {  	s25 =	smov.u32 s28;
	[sflag:s20] =	ssyncset.done $0x0  }
0x40: {  	s24 =	sshra.s32 s24, $0x2;
	[sflag:s20] =	ssyncadd.s32 $0xFFFFE000  }
0x41: {  	[tilespmem:s15], [sflag:$0x1] =	stream.indirect.gather [hbm4b:s4+s14], $0x40, s24, s14, $0xb8;
	[tilespmem:$0x12D00] =	vst v63  }
0x42: {  	s25 =	sadd.s32 $0x80, s24  }
0x43: {  	[tilespmem:s16], [sflag:$0x2] =	stream.indirect.gather [hbm4b:s4+s14], $0x40, s25, s14, $0xb8;
	[tilespmem:$0x12D00] =	vst v63  }
0x44: {  	_ =	swait.ge [sflag:s17], $0x2000  }
0x45: {  	[sflag:s17] =	ssyncset.done $0x0  }
0x46: {  	s31 =	sadd.s32 $0x2780, s24;
	[sflag:s17] =	ssyncadd.s32 $0xFFFFE000  }
0x47: {  	[spmem:s2] =	stream.indirect.scatter.add.f32 [tilespmem:s15], [sflag:$0x3], $0x40, s31, s14, $0xb8;
	[tilespmem:$0x12D00] =	vst v63  }
0x48: {  	_ =	swait.ge [sflag:s18], $0x2000  }
0x49: {  	[sflag:s18] =	ssyncset.done $0x0  }
0x4a: {  	s24 =	sadd.s32 $0x2800, s24;
	[sflag:s18] =	ssyncadd.s32 $0xFFFFE000  }
0x4b: {  	[spmem:s2] =	stream.indirect.scatter.add.f32 [tilespmem:s16], [sflag:$0x4], $0x40, s24, s14, $0xb8;
	[tilespmem:$0x12D00] =	vst v63  }
0x4c: {  	_ =	swait.ge [sflag:s19], $0x2000  }
0x4d: {  	[sflag:s19] =	ssyncset.done $0x0  }
0x4e: {  	[sflag:s19] =	ssyncadd.s32 $0xFFFFE000  }
0x4f: {  	_ =	swait.ge [sflag:s20], $0x2000  }
0x50: {  	[sflag:s20] =	ssyncset.done $0x0  }
0x51: {  	[sflag:s20] =	ssyncadd.s32 $0xFFFFE000  }
0x52: {  	[tilespmem:s15], [sflag:$0x1] =	stream.indirect.gather [hbm4b:s4+s14], $0x40, s21, s14, $0xb8;
	[tilespmem:$0x12D00] =	vst v63  }
0x53: {  	_ =	swait.ge [sflag:s17], $0x2000  }
0x54: {  	[sflag:s17] =	ssyncset.done $0x0  }
0x55: {  	[sflag:s17] =	ssyncadd.s32 $0xFFFFE000  }
0x56: {  	[spmem:s2] =	stream.indirect.scatter.add.f32 [tilespmem:s15], [sflag:$0x5], $0x40, s22, s14, $0xb8;
	[tilespmem:$0x12D00] =	vst v63  }
0x57: {  	_ =	swait.ge [sflag:s10], $0x2000  }
0x58: {  	s23 =	sadd.s32 $0x1, s23;
	[sflag:s10] =	ssyncset.done $0x0  }
0x59: {  	p0 =	sne.s32 s23, s9;
	[sflag:s10] =	ssyncadd.s32 $0xFFFFE000  }
.Ltmp1:
0x5a: {  	[bflag:$0x0] =	sbarrier.arrive $0xFFFF;
	(pc) =	sbr.rel @p0 .LBB2_1-.Ltmp1, $4  }
0x5b: {  	[hbm:s8], [sflag:s12] =	dma.local [spmem:s13], $0x13C0  }
0x5c: {  	_ =	swait.ge [sflag:s10], $0x13C0  }
0x5d: {  	[sflag:s10] =	ssyncset.done $0x0  }
0x5e: {  	[sflag:s10] =	ssyncadd.s32 $0xFFFFEC40  }
0x5f: {  	_ =	sfence.sel $0x180000  }
0x60: {  	[bflag:$0x0] =	sbarrier.arrive $0xFFFF  }
0x61: {  	p0 =	sne.s32 s0, $0x0;
	_ =	strace $0x90000047  }
0x62: {  	s0 =	sadd.s32 @!p0 $0x100000, s1;
	[bflag:$0x2] =	sbarrier.arrive $0xFFFF  }
0x63: {  	[sflag:s0] =	ssyncadd.tile.s32 @!p0 $0x1;
	_ =	shalt  }
.Lfunc_end2:
_tile_overlayer_lowered:
.L_overlay_start_2:
0x64: {  	(tag) =	ssettag $0x2  }
0x65: {  	s0 =	rddreg [dreg:$0x0];
	s2 =	stileid.u32  }
0x66: {  	s1 =	rddreg [dreg:$0x1];
	p0 =	sne.s32 s2, $0x0  }
0x67: {  	s3 =	rddreg [dreg:$0x2];
	[bflag:$0x3] =	sbarrier.arrive $0xFFFF;
	s2 =	simm.s32 @!p0 $0x1C05  }
0x68: {  	[timem:s3], [sflag:s2] =	dma.local @!p0 [hbm:s0], s1  }
0x69: {  	s0 =	simm.s32 @!p0 $0x5  }
0x6a: {  	_ =	swait.ge @!p0 [sflag:s0], s1  }
0x6b: {  	s1 =	ssub.s32 @!p0 $0x0, s1;
	[sflag:s0] =	ssyncset.done @!p0 $0x0  }
0x6c: {  	[sflag:s0] =	ssyncadd.s32 @!p0 s1  }
0x6d: {  	[bflag:$0x3] =	sbarrier.arrive $0xFFFF  }
0x6e: {  	_ =	shalt  }

// kernel: kernel.19.cloned.1.call-start
scs
__scs_entry_jumppad:
0x0: {  	(pc) =	sbr.rel $0x88, $3  }
0x1: {  	(tag) =	ssettag $0x0;
	lr =	simm.s32 $0x1  }
0x2: {  	[smem:$0x3F5F] =	sst lr;
	_ =	strace $0xD0000000  }
0x3: {  	_ = 	snop  }
0x4: {  	_ = 	snop  }
0x5: {  	_ = 	snop  }
0x6: {  	_ = 	snop  }
0x7: {  	_ = 	snop  }
__scs_overlays_trampoline_lowered:
0x8: {  	[smem:$0x3F6E] =	sst s0  }
0x9: {  	[smem:$0x3F6F] =	sst s1  }
0xa: {  	[smem:$0x3F70] =	sst s2  }
0xb: {  	[smem:$0x3F71] =	sst s3  }
0xc: {  	[smem:$0x3F72] =	sst s4  }
0xd: {  	[smem:$0x3F73] =	sst s5  }
0xe: {  	[smem:$0x3F74] =	sst s6  }
0xf: {  	[smem:$0x3F75] =	sst s7  }
0x10: {  	[smem:$0x3F76] =	sst s8  }
0x11: {  	[smem:$0x3F77] =	sst s9;
	s0 =	simm.s32 @!p0 $0x0  }
0x12: {  	s1 =	sld [smem:$0x3F5D];
	s0 =	simm.s32 @p0 $0x1  }
0x13: {  	[smem:$0x3F78] =	sst s0;
	s0 =	simm.s32 @!p1 $0x0  }
0x14: {  	s2 =	sld [smem:$0x3F5C];
	s0 =	simm.s32 @p1 $0x1  }
0x15: {  	[smem:$0x3F79] =	sst s0;
	s0 =	simm.s32 @!p2 $0x0  }
0x16: {  	s3 =	sld [smem:$0x3FDB];
	s0 =	simm.s32 @p2 $0x1  }
0x17: {  	s4 =	simm.s32 $0x1BF5;
	[smem:$0x3F7B] =	sst s0  }
0x18: {  	s0 =	sld [smem:$0x3F5E];
	_ =	swait.ge [sflag:s4], $0x0  }
0x19: {  	s7 =	sld [smem:$0x3F5F]  }
0x1a: {  	s8 =	sadd.s32 $0xFFFFE003, lr  }
0x1b: {  	s9 =	sadd.s32 $0xFFFFFEF7, lr;
	s5 =	simm.s32 $0xFFFFFFFF;
	p2 =	slt.u32 s8, $0xFFFFF086  }
0x1c: {  	p1 =	slt.u32 s9, $0xF7A;
	s5 =	simm.s32 @!p2 $0x0  }
0x1d: {  	s5 =	simm.s32 @p1 $0x1;
	p0 =	seq.s32 s7, s2  }
0x1e: {  	s7 =	smul.u32 @!p0 $0xF7A, s2;
	p2 =	seq.s32 @!p0 s5, $0x0  }
0x1f: {  	s9 =	smul.u32 $0xF7A, s1;
	s8 =	simm.s32 @!p0 $0x1BF5;
	p2 =	por !p2, p0  }
0x20: {  	[sflag:s8] =	ssyncset.s32 @!p0 $0xFFFFF086;
	s6 =	sadd.s32 @!p0 s3, s7;
	s7 =	simm.s32 @!p0 $0x108  }
0x21: {  	s3 =	sadd.s32 s3, s9;
	s6 =	sadd.s32 @!p0 $0x88, s6;
	s7 =	simm.s32 @p2 $0x1082  }
0x22: {  	[simem:s7], [sflag:s8] =	dma.local @!p0 [hbm:s6], $0xF7A  }
0x23: {  	s9 =	sor.u32 $0xD0000000, s2;
	s6 =	simm.s32 $0x108;
	_ =	swait.ge @!p0 [sflag:s8], $0x0  }
0x24: {  	s3 =	sadd.s32 $0x88, s3;
	s6 =	simm.s32 @!p1 $0x1082;
	[sflag:s4] =	ssyncset.s32 $0xFFFFF086  }
0x25: {  	[simem:s6], [sflag:s4] =	dma.local [hbm:s3], $0xF7A  }
0x26: {  	[smem:$0x3F5F] =	sst s1;
	(tag) =	ssettag s2;
	_ =	strace s9  }
0x27: {  	s1 =	sld [smem:$0x3F6F]  }
0x28: {  	s2 =	sld [smem:$0x3F70]  }
0x29: {  	s4 =	sld [smem:$0x3F72]  }
0x2a: {  	p0 =	seq.s32 s5, $0x0;
	s5 =	sld [smem:$0x3F73]  }
0x2b: {  	s6 =	sld [smem:$0x3F74]  }
0x2c: {  	s7 =	sld [smem:$0x3F75]  }
0x2d: {  	s3 =	simm.s32 $0x108;
	s8 =	sld [smem:$0x3F76]  }
0x2e: {  	s3 =	simm.s32 @!p0 $0x1082;
	s9 =	sld [smem:$0x3F77]  }
0x2f: {  	lr =	sadd.s32 s0, s3;
	s0 =	sld [smem:$0x3F6E]  }
0x30: {  	s3 =	sld [smem:$0x3F71]  }
0x31: {  	[smem:$0x3F7A] =	sst s10  }
0x32: {  	s10 =	sld [smem:$0x3F78];
	_ =	sdelay $0x3  }
0x33: {  	p0 =	seq.s32 s10, $0x1;
	s10 =	sld [smem:$0x3F7A];
	_ =	sdelay $0x3  }
0x34: {  	[smem:$0x3F7A] =	sst s10  }
0x35: {  	s10 =	sld [smem:$0x3F79];
	_ =	sdelay $0x3  }
0x36: {  	p1 =	seq.s32 s10, $0x1;
	s10 =	sld [smem:$0x3F7A];
	_ =	sdelay $0x3  }
0x37: {  	[smem:$0x3F7A] =	sst s10  }
0x38: {  	s10 =	sld [smem:$0x3F7B]  }
0x39: {  	_ = 	snop;
	(pc) =	sbr.ind lr, $3  }
0x3a: {  	_ = 	snop  }
0x3b: {  	_ = 	snop  }
0x3c: {  	p2 =	seq.s32 s10, $0x1;
	s10 =	sld [smem:$0x3F7A]  }
0x3d: {  	_ =	shalt  }
0x3e: {  	_ =	shalt  }
0x3f: {  	_ =	shalt  }
0x40: {  	_ =	shalt  }
0x41: {  	_ =	shalt  }
0x42: {  	_ =	shalt  }
0x43: {  	_ =	shalt  }
0x44: {  	_ =	shalt  }
0x45: {  	_ =	shalt  }
0x46: {  	_ =	shalt  }
0x47: {  	_ =	shalt  }
0x48: {  	_ =	shalt  }
0x49: {  	_ =	shalt  }
0x4a: {  	_ =	shalt  }
0x4b: {  	_ =	shalt  }
0x4c: {  	_ =	shalt  }
0x4d: {  	_ =	shalt  }
0x4e: {  	_ =	shalt  }
0x4f: {  	_ =	shalt  }
0x50: {  	_ =	shalt  }
0x51: {  	_ =	shalt  }
0x52: {  	_ =	shalt  }
0x53: {  	_ =	shalt  }
0x54: {  	_ =	shalt  }
0x55: {  	_ =	shalt  }
0x56: {  	_ =	shalt  }
0x57: {  	_ =	shalt  }
0x58: {  	_ =	shalt  }
0x59: {  	_ =	shalt  }
0x5a: {  	_ =	shalt  }
0x5b: {  	_ =	shalt  }
0x5c: {  	_ =	shalt  }
0x5d: {  	_ =	shalt  }
0x5e: {  	_ =	shalt  }
0x5f: {  	_ =	shalt  }
0x60: {  	_ =	shalt  }
0x61: {  	_ =	shalt  }
0x62: {  	_ =	shalt  }
0x63: {  	_ =	shalt  }
0x64: {  	_ =	shalt  }
0x65: {  	_ =	shalt  }
0x66: {  	_ =	shalt  }
0x67: {  	_ =	shalt  }
0x68: {  	_ =	shalt  }
0x69: {  	_ =	shalt  }
0x6a: {  	_ =	shalt  }
0x6b: {  	_ =	shalt  }
0x6c: {  	_ =	shalt  }
0x6d: {  	_ =	shalt  }
0x6e: {  	_ =	shalt  }
0x6f: {  	_ =	shalt  }
0x70: {  	_ =	shalt  }
0x71: {  	_ =	shalt  }
0x72: {  	_ =	shalt  }
0x73: {  	_ =	shalt  }
0x74: {  	_ =	shalt  }
0x75: {  	_ =	shalt  }
0x76: {  	_ =	shalt  }
0x77: {  	_ =	shalt  }
0x78: {  	_ =	shalt  }
0x79: {  	_ =	shalt  }
0x7a: {  	_ =	shalt  }
0x7b: {  	_ =	shalt  }
0x7c: {  	_ =	shalt  }
0x7d: {  	_ =	shalt  }
0x7e: {  	_ =	shalt  }
0x7f: {  	_ =	shalt  }
0x80: {  	_ =	shalt  }
0x81: {  	_ =	shalt  }
0x82: {  	_ =	shalt  }
0x83: {  	_ =	shalt  }
0x84: {  	_ =	shalt  }
0x85: {  	_ =	shalt  }
0x86: {  	_ =	shalt  }
0x87: {  	_ =	shalt  }
.Lfunc_end0:
.L_simem_size_0:
called_computation.1_lowered:
.L_overlay_start_0:
0x88: {  	s2 =	sld [smem:$0x3FD9]  }
0x89: {  	s3 =	sld [smem:$0x3FFE];
	_ =	sdelay $0x1  }
0x8a: {  	s1 =	srdreg.scid  }
0x8b: {  	s0 =	sand.u32 $0x1, s1  }
0x8c: {  	s17 =	sshll.u32 s0, $0xA;
	s2 =	sadd.s32 s3, s2  }
0x8d: {  	s2 =	sadd.s32 s2, s17  }
0x8e: {  	[smem:$0x3F86] =	sst s2  }
0x8f: {  	_ = 	snop  }
0x90: {  	(tm) =	ssettm $0x1  }
0x91: {  	s18 =	sld [smem:$0x3FFB];
	_ =	sdelay $0x3  }
0x92: {  	_ =	strace s18  }
0x93: {  	s2 =	sld [smem:$0x3FFC];
	_ =	sdelay $0x3  }
0x94: {  	_ =	strace s2  }
0x95: {  	s2 =	sld [smem:$0x3FFD];
	_ =	sdelay $0x3  }
0x96: {  	_ =	strace s2  }
0x97: {  	_ =	strace $0x8FFFFFFF  }
0x98: {  	s19 =	sld [smem:$0x3FDB];
	_ =	sdelay $0x1  }
0x99: {  	s20 =	simm.s32 $_scs_section_size  }
0x9a: {  	s4 =	simm.s32 $_size__tile_overlayer_lowered;
	s5 =	simm.s32 $_tile_overlayer_lowered  }
0x9b: {  	s6 =	simm.s32 $0x1BFF;
	s21 =	sshll.u32 s5, $0x1;
	s3 =	sadd.s32 s20, s19  }
0x9c: {  	s22 =	simm.s32 $0x0;
	s4 =	sshll.u32 s4, $0x1;
	s5 =	sadd.s32 s21, s3  }
0x9d: {  	[timem:s22], [sflag:s6] =	dma.local [hbm:s5], s4  }
0x9e: {  	_ =	swait.ge [sflag:s6], s4  }
0x9f: {  	s4 =	ssub.s32 $0x0, s4;
	[sflag:s6] =	ssyncset.done $0x0  }
0xa0: {  	[sflag:s6] =	ssyncadd.s32 s4;
	_ =	sdelay $0x1  }
0xa1: {  	s23 =	simm.s32 $0x1B8B  }
0xa2: {  	_ =	swait.ge [sflag:s23], $0x1  }
0xa3: {  	[sflag:s23] =	ssyncset.done $0x0  }
0xa4: {  	[sflag:s23] =	ssyncadd.s32 $0xFFFFFFFF  }
0xa5: {  	s4 =	sld [smem:$0x0]  }
0xa6: {  	s5 =	sand.u32 $0xFFFFFFFE, s1  }
0xa7: {  	p0 =	sne.s32 s1, s5  }
0xa8: {  	s5 =	sshll.u32 @p0 s5, $0xE  }
0xa9: {  	s5 =	sadd.s32 @p0 $0x11B8D, s5;
	s6 =	sshll.u32 @p0 s4, $0x11  }
0xaa: {  	s5 =	sor.u32 @p0 s6, s5  }
0xab: {  	[sflag:s5] =	ssyncadd.remote.s32 @p0 $0x1;
	_ =	sdelay $0x1  }
0xac: {  	s5 =	simm.s32 @p0 $0x1B8D  }
0xad: {  	_ =	swait.eq @p0 [sflag:s5], $0x1  }
0xae: {  	[sflag:s5] =	ssyncadd.s32 @p0 $0xFFFFFFFF  }
0xaf: {  	s6 =	sshll.u32 @!p0 s1, $0xE  }
0xb0: {  	s6 =	sor.u32 @!p0 $0x4000, s6;
	s5 =	simm.s32 @!p0 $0x1B8D  }
0xb1: {  	s4 =	sshll.u32 @!p0 s4, $0x11;
	s6 =	sadd.s32 @!p0 $0x11B8D, s6;
	_ =	swait.eq @!p0 [sflag:s5], $0x1  }
0xb2: {  	s4 =	sor.u32 @!p0 s4, s6;
	[sflag:s5] =	ssyncadd.s32 @!p0 $0xFFFFFFFF  }
0xb3: {  	s25 =	simm.s32 $0x1B8E;
	s24 =	sld [smem:$0x3FFE];
	[sflag:s4] =	ssyncadd.remote.s32 @!p0 $0x1  }
0xb4: {  	s26 =	simm.s32 $execute0_lowered;
	[smem:$0x3FD2] =	sst s25  }
0xb5: {  	s5 =	sshll.u32 s26, $0x1;
	_ =	strace $0x80000049;
	[dreg:$0x1] =	wrdreg $0xFFFFFFFF  }
0xb6: {  	s28 =	simm.s32 $_size_execute0_lowered;
	s3 =	sadd.s32 s3, s5;
	[dreg:$0x0] =	wrdreg $0x0  }
0xb7: {  	s5 =	sshll.u32 s28, $0x1;
	[dreg:$0x2] =	wrdreg s3  }
0xb8: {  	[dreg:$0x3] =	wrdreg s5  }
0xb9: {  	[dreg:$0x4] =	wrdreg $0xC0  }
0xba: {  	_ =	task [dreg:s22], $0x5FFFF  }
0xbb: {  	[dreg:$0x1] =	wrdreg $0xFFFFFFFF  }
0xbc: {  	[dreg:$0x0] =	wrdreg $0x60  }
0xbd: {  	[dreg:$0x2] =	wrdreg s24  }
0xbe: {  	[dreg:$0x3] =	wrdreg $0x8F000  }
0xbf: {  	[dreg:$0x4] =	wrdreg $0xA  }
0xc0: {  	_ =	task.clear_ibuf [dreg:s22], $0x5FFFF;
	_ =	strace $0x90000049  }
0xc1: {  	s29 =	simm.s32 $0xA;
	_ =	strace $0x8000004B  }
0xc2: {  	_ =	swait.ge [sflag:s29], $0x1  }
0xc3: {  	[sflag:s29] =	ssyncadd.s32 $0xFFFFFFFF  }
0xc4: {  	_ =	strace $0x9000004B  }
0xc5: {  	_ =	sfence  }
0xc6: {  	s30 =	sld [smem:$0x0];
	_ =	sdelay $0x2  }
0xc7: {  	s31 =	sshll.u32 s1, $0xD;
	s1 =	sshrl.u32 s1, $0x2  }
0xc8: {  	s4 =	sand.u32 $0x4000, s31;
	s1 =	sadd.s32 s1, s30  }
0xc9: {  	s0 =	sor.u32 s4, s0;
	s1 =	sshll.u32 s1, $0x11  }
0xca: {  	s0 =	sor.u32 s1, s0  }
0xcb: {  	s0 =	sadd.s32 $0x8F2B, s0  }
0xcc: {  	[sflag:s0] =	ssyncadd.remote.s32 $0x1  }
0xcd: {  	_ =	sfence.sel $0xFFFF  }
0xce: {  	[dreg:$0x0] =	wrdreg $0xFFFFFFFF;
	(pc) =	sbr.abs _section_cstart, $3  }
0xcf: {  	[dreg:$0x1] =	wrdreg $0xFFFFFFFF  }
0xd0: {  	_ =	task.clear_ibuf [dreg:s22], $0x2FFFF;
	_ =	strace $0x9FFFFFFF  }
0xd1: {  	(tm) =	ssettm $0x7FFFFFFF  }
tec
execute0_lowered:
.L_overlay_start_1:
0x0: {  	(tag) =	ssettag $0x1  }
0x1: {  	s6 =	rddreg [dreg:$0x0]  }
0x2: {  	s0 =	srdreg.scid;
	s2 =	rddreg [dreg:$0x1]  }
0x3: {  	s3 =	simm.s32 $0x0;
	s14 =	simm.s32 $0x80;
	s15 =	simm.s32 $0x4F00  }
0x4: {  	s16 =	simm.s32 $0x6F00;
	s17 =	simm.s32 $0x1;
	s18 =	simm.s32 $0x2  }
0x5: {  	s19 =	simm.s32 $0x3;
	s20 =	simm.s32 $0x4;
	s21 =	simm.s32 $0x2700  }
0x6: {  	s22 =	simm.s32 $0x4E80;
	s5 =	sand.u32 $0x1, s0;
	s0 =	stileid.u32  }
0x7: {  	s23 =	simm.s32 $0x0;
	[smem:$0x7FF] =	sst s3;
	s8 =	smul.u32 $0x9E00, s0  }
0x8: {  	s4 =	sadd.s32 $0x6E200, s6;
	s1 =	sshll.u32 s5, $0x4;
	s9 =	smul.u32 $0x9E000, s5  }
0x9: {  	s5 =	ssub.s32 $0x2, s5;
	s12 =	sshll.u32 s0, $0x6;
	s1 =	sor.u32 s0, s1  }
0xa: {  	s11 =	sshrl.u32 s5, $0x1;
	s12 =	sor.u32 $0x1C05, s12;
	s7 =	smul.u32 $0x4F0, s1  }
0xb: {  	s1 =	rddreg [dreg:$0x2];
	_ =	strace $0x8000004A;
	s9 =	sadd.s32 s8, s9  }
0xc: {  	s10 =	sshrl.u32 s8, $0x3;
	s11 =	ssub.s32 s5, s11;
	s13 =	sadd.s32 s8, s2  }
0xd: {  	s9 =	sshrl.u32 s9, $0x3;
	s10 =	sadd.s32 s10, s6;
	s7 =	sadd.s32 s7, s6  }
0xe: {  	s13 =	sshrl.u32 s13, $0x3;
	s9 =	sadd.s32 s9, s6;
	s5 =	sadd.s32 $0x15400, s7  }
0xf: {  	s6 =	sadd.s32 $0xB600, s7;
	s7 =	sadd.s32 $0x32E00, s10;
	s8 =	sadd.s32 $0x81E00, s9  }
0x10: {  	s9 =	smax.u32 s11, $0x1;
	s10 =	simm.s32 $0x5;
	s11 =	simm.s32 $0x2780  }
.LBB2_1:
0x11: {  	[tilespmem:s3], [sflag:$0x5] =	stream.linear.gather [hbm4b:s5+s3], $0x2780, $0x38;
	[tilespmem:$0x12D00] =	vst v63  }
0x12: {  	_ =	swait.ge [sflag:s10], $0x2780  }
0x13: {  	[sflag:s10] =	ssyncset.done $0x0  }
0x14: {  	[sflag:s10] =	ssyncadd.s32 $0xFFFFD880  }
0x15: {  	[tilespmem:s11], [sflag:$0x5] =	stream.linear.gather [hbm4b:s6+s3], $0x2780, $0x38;
	[tilespmem:$0x12D00] =	vst v63  }
0x16: {  	_ =	swait.ge [sflag:s10], $0x2780  }
0x17: {  	[sflag:s10] =	ssyncset.done $0x0  }
0x18: {  	[sflag:s10] =	ssyncadd.s32 $0xFFFFD880  }
0x19: {  	[spmem:s13], [sflag:s12] =	dma.local [hbm:s7], $0x13C0  }
0x1a: {  	_ =	swait.ge [sflag:s10], $0x13C0  }
0x1b: {  	[sflag:s10] =	ssyncset.done $0x0  }
0x1c: {  	[sflag:s10] =	ssyncadd.s32 $0xFFFFEC40  }
0x1d: {  	s24 =	simm.s32 $0x0;
	[bflag:$0x0] =	sbarrier.arrive $0xFFFF  }
0x1e: {  	[tilespmem:s15], [sflag:$0x1] =	stream.indirect.gather [hbm4b:s4+s14], $0x40, s24, s14, $0xb8;
	[tilespmem:$0x12D00] =	vst v63  }
0x1f: {  	s29 =	simm.s32 $0x80  }
0x20: {  	[tilespmem:s16], [sflag:$0x2] =	stream.indirect.gather [hbm4b:s4+s14], $0x40, s29, s14, $0xb8;
	[tilespmem:$0x12D00] =	vst v63  }
0x21: {  	_ =	swait.ge [sflag:s17], $0x2000  }
0x22: {  	[sflag:s17] =	ssyncset.done $0x0  }
0x23: {  	s30 =	simm.s32 $0x2780;
	[sflag:s17] =	ssyncadd.s32 $0xFFFFE000  }
0x24: {  	[spmem:s2] =	stream.indirect.scatter.add.f32 [tilespmem:s15], [sflag:$0x3], $0x40, s30, s14, $0xb8;
	[tilespmem:$0x12D00] =	vst v63  }
0x25: {  	_ =	swait.ge [sflag:s18], $0x2000  }
0x26: {  	[sflag:s18] =	ssyncset.done $0x0  }
0x27: {  	s31 =	simm.s32 $0x2800;
	[sflag:s18] =	ssyncadd.s32 $0xFFFFE000  }
0x28: {  	[spmem:s2] =	stream.indirect.scatter.add.f32 [tilespmem:s16], [sflag:$0x4], $0x40, s31, s14, $0xb8;
	[tilespmem:$0x12D00] =	vst v63  }
0x29: {  	_ =	swait.ge [sflag:s19], $0x2000  }
0x2a: {  	[sflag:s19] =	ssyncset.done $0x0  }
0x2b: {  	[sflag:s19] =	ssyncadd.s32 $0xFFFFE000  }
0x2c: {  	_ =	swait.ge [sflag:s20], $0x2000  }
0x2d: {  	s25 =	simm.s32 $0x800;
	s24 =	simm.s32 $0x400;
	[sflag:s20] =	ssyncset.done $0x0  }
.LBB2_2:
0x2e: {  	s26 =	sshra.s32 s24, $0x2  }
0x2f: {  	[sflag:s20] =	ssyncadd.s32 $0xFFFFE000;
	s24 =	smov.u32 s25;
	s28 =	sadd.s32 $0x400, s25  }
0x30: {  	[tilespmem:s15], [sflag:$0x1] =	stream.indirect.gather [hbm4b:s4+s14], $0x40, s26, s14, $0xb8;
	[tilespmem:$0x12D00] =	vst v63  }
0x31: {  	p0 =	sne.s32 s25, $0x9800;
	s25 =	sadd.s32 $0x80, s26  }
0x32: {  	[tilespmem:s16], [sflag:$0x2] =	stream.indirect.gather [hbm4b:s4+s14], $0x40, s25, s14, $0xb8;
	[tilespmem:$0x12D00] =	vst v63  }
0x33: {  	_ =	swait.ge [sflag:s17], $0x2000  }
0x34: {  	[sflag:s17] =	ssyncset.done $0x0  }
0x35: {  	s25 =	sadd.s32 $0x2780, s26;
	[sflag:s17] =	ssyncadd.s32 $0xFFFFE000  }
0x36: {  	[spmem:s2] =	stream.indirect.scatter.add.f32 [tilespmem:s15], [sflag:$0x3], $0x40, s25, s14, $0xb8;
	[tilespmem:$0x12D00] =	vst v63  }
0x37: {  	_ =	swait.ge [sflag:s18], $0x2000  }
0x38: {  	[sflag:s18] =	ssyncset.done $0x0  }
0x39: {  	s25 =	sadd.s32 $0x2800, s26;
	[sflag:s18] =	ssyncadd.s32 $0xFFFFE000  }
0x3a: {  	[spmem:s2] =	stream.indirect.scatter.add.f32 [tilespmem:s16], [sflag:$0x4], $0x40, s25, s14, $0xb8;
	[tilespmem:$0x12D00] =	vst v63  }
.Ltmp0:
0x3b: {  	_ =	swait.ge [sflag:s19], $0x2000;
	(pc) =	sbr.rel @p0 .LBB2_2-.Ltmp0, $4  }
0x3c: {  	[sflag:s19] =	ssyncset.done $0x0  }
0x3d: {  	[sflag:s19] =	ssyncadd.s32 $0xFFFFE000  }
0x3e: {  	_ =	swait.ge [sflag:s20], $0x2000  }
0x3f: {  	s25 =	smov.u32 s28;
	[sflag:s20] =	ssyncset.done $0x0  }
0x40: {  	s24 =	sshra.s32 s24, $0x2;
	[sflag:s20] =	ssyncadd.s32 $0xFFFFE000  }
0x41: {  	[tilespmem:s15], [sflag:$0x1] =	stream.indirect.gather [hbm4b:s4+s14], $0x40, s24, s14, $0xb8;
	[tilespmem:$0x12D00] =	vst v63  }
0x42: {  	s25 =	sadd.s32 $0x80, s24  }
0x43: {  	[tilespmem:s16], [sflag:$0x2] =	stream.indirect.gather [hbm4b:s4+s14], $0x40, s25, s14, $0xb8;
	[tilespmem:$0x12D00] =	vst v63  }
0x44: {  	_ =	swait.ge [sflag:s17], $0x2000  }
0x45: {  	[sflag:s17] =	ssyncset.done $0x0  }
0x46: {  	s31 =	sadd.s32 $0x2780, s24;
	[sflag:s17] =	ssyncadd.s32 $0xFFFFE000  }
0x47: {  	[spmem:s2] =	stream.indirect.scatter.add.f32 [tilespmem:s15], [sflag:$0x3], $0x40, s31, s14, $0xb8;
	[tilespmem:$0x12D00] =	vst v63  }
0x48: {  	_ =	swait.ge [sflag:s18], $0x2000  }
0x49: {  	[sflag:s18] =	ssyncset.done $0x0  }
0x4a: {  	s24 =	sadd.s32 $0x2800, s24;
	[sflag:s18] =	ssyncadd.s32 $0xFFFFE000  }
0x4b: {  	[spmem:s2] =	stream.indirect.scatter.add.f32 [tilespmem:s16], [sflag:$0x4], $0x40, s24, s14, $0xb8;
	[tilespmem:$0x12D00] =	vst v63  }
0x4c: {  	_ =	swait.ge [sflag:s19], $0x2000  }
0x4d: {  	[sflag:s19] =	ssyncset.done $0x0  }
0x4e: {  	[sflag:s19] =	ssyncadd.s32 $0xFFFFE000  }
0x4f: {  	_ =	swait.ge [sflag:s20], $0x2000  }
0x50: {  	[sflag:s20] =	ssyncset.done $0x0  }
0x51: {  	[sflag:s20] =	ssyncadd.s32 $0xFFFFE000  }
0x52: {  	[tilespmem:s15], [sflag:$0x1] =	stream.indirect.gather [hbm4b:s4+s14], $0x40, s21, s14, $0xb8;
	[tilespmem:$0x12D00] =	vst v63  }
0x53: {  	_ =	swait.ge [sflag:s17], $0x2000  }
0x54: {  	[sflag:s17] =	ssyncset.done $0x0  }
0x55: {  	[sflag:s17] =	ssyncadd.s32 $0xFFFFE000  }
0x56: {  	[spmem:s2] =	stream.indirect.scatter.add.f32 [tilespmem:s15], [sflag:$0x5], $0x40, s22, s14, $0xb8;
	[tilespmem:$0x12D00] =	vst v63  }
0x57: {  	_ =	swait.ge [sflag:s10], $0x2000  }
0x58: {  	s23 =	sadd.s32 $0x1, s23;
	[sflag:s10] =	ssyncset.done $0x0  }
0x59: {  	p0 =	sne.s32 s23, s9;
	[sflag:s10] =	ssyncadd.s32 $0xFFFFE000  }
.Ltmp1:
0x5a: {  	[bflag:$0x0] =	sbarrier.arrive $0xFFFF;
	(pc) =	sbr.rel @p0 .LBB2_1-.Ltmp1, $4  }
0x5b: {  	[hbm:s8], [sflag:s12] =	dma.local [spmem:s13], $0x13C0  }
0x5c: {  	_ =	swait.ge [sflag:s10], $0x13C0  }
0x5d: {  	[sflag:s10] =	ssyncset.done $0x0  }
0x5e: {  	[sflag:s10] =	ssyncadd.s32 $0xFFFFEC40  }
0x5f: {  	_ =	sfence.sel $0x180000  }
0x60: {  	[bflag:$0x0] =	sbarrier.arrive $0xFFFF  }
0x61: {  	p0 =	sne.s32 s0, $0x0;
	_ =	strace $0x9000004A  }
0x62: {  	s0 =	sadd.s32 @!p0 $0x100000, s1;
	[bflag:$0x2] =	sbarrier.arrive $0xFFFF  }
0x63: {  	[sflag:s0] =	ssyncadd.tile.s32 @!p0 $0x1;
	_ =	shalt  }
.Lfunc_end2:
_tile_overlayer_lowered:
.L_overlay_start_2:
0x64: {  	(tag) =	ssettag $0x2  }
0x65: {  	s0 =	rddreg [dreg:$0x0];
	s2 =	stileid.u32  }
0x66: {  	s1 =	rddreg [dreg:$0x1];
	p0 =	sne.s32 s2, $0x0  }
0x67: {  	s3 =	rddreg [dreg:$0x2];
	[bflag:$0x3] =	sbarrier.arrive $0xFFFF;
	s2 =	simm.s32 @!p0 $0x1C05  }
0x68: {  	[timem:s3], [sflag:s2] =	dma.local @!p0 [hbm:s0], s1  }
0x69: {  	s0 =	simm.s32 @!p0 $0x5  }
0x6a: {  	_ =	swait.ge @!p0 [sflag:s0], s1  }
0x6b: {  	s1 =	ssub.s32 @!p0 $0x0, s1;
	[sflag:s0] =	ssyncset.done @!p0 $0x0  }
0x6c: {  	[sflag:s0] =	ssyncadd.s32 @!p0 s1  }
0x6d: {  	[bflag:$0x3] =	sbarrier.arrive $0xFFFF  }
0x6e: {  	_ =	shalt  }

// kernel: kernel.22.cloned.1.call-start
scs
__scs_entry_jumppad:
0x0: {  	(pc) =	sbr.rel $0x88, $3  }
0x1: {  	(tag) =	ssettag $0x0;
	lr =	simm.s32 $0x1  }
0x2: {  	[smem:$0x3F5F] =	sst lr;
	_ =	strace $0xD0000000  }
0x3: {  	_ = 	snop  }
0x4: {  	_ = 	snop  }
0x5: {  	_ = 	snop  }
0x6: {  	_ = 	snop  }
0x7: {  	_ = 	snop  }
__scs_overlays_trampoline_lowered:
0x8: {  	[smem:$0x3F6E] =	sst s0  }
0x9: {  	[smem:$0x3F6F] =	sst s1  }
0xa: {  	[smem:$0x3F70] =	sst s2  }
0xb: {  	[smem:$0x3F71] =	sst s3  }
0xc: {  	[smem:$0x3F72] =	sst s4  }
0xd: {  	[smem:$0x3F73] =	sst s5  }
0xe: {  	[smem:$0x3F74] =	sst s6  }
0xf: {  	[smem:$0x3F75] =	sst s7  }
0x10: {  	[smem:$0x3F76] =	sst s8  }
0x11: {  	[smem:$0x3F77] =	sst s9;
	s0 =	simm.s32 @!p0 $0x0  }
0x12: {  	s1 =	sld [smem:$0x3F5D];
	s0 =	simm.s32 @p0 $0x1  }
0x13: {  	[smem:$0x3F78] =	sst s0;
	s0 =	simm.s32 @!p1 $0x0  }
0x14: {  	s2 =	sld [smem:$0x3F5C];
	s0 =	simm.s32 @p1 $0x1  }
0x15: {  	[smem:$0x3F79] =	sst s0;
	s0 =	simm.s32 @!p2 $0x0  }
0x16: {  	s3 =	sld [smem:$0x3FDB];
	s0 =	simm.s32 @p2 $0x1  }
0x17: {  	s4 =	simm.s32 $0x1BF5;
	[smem:$0x3F7B] =	sst s0  }
0x18: {  	s0 =	sld [smem:$0x3F5E];
	_ =	swait.ge [sflag:s4], $0x0  }
0x19: {  	s7 =	sld [smem:$0x3F5F]  }
0x1a: {  	s8 =	sadd.s32 $0xFFFFE003, lr  }
0x1b: {  	s9 =	sadd.s32 $0xFFFFFEF7, lr;
	s5 =	simm.s32 $0xFFFFFFFF;
	p2 =	slt.u32 s8, $0xFFFFF086  }
0x1c: {  	p1 =	slt.u32 s9, $0xF7A;
	s5 =	simm.s32 @!p2 $0x0  }
0x1d: {  	s5 =	simm.s32 @p1 $0x1;
	p0 =	seq.s32 s7, s2  }
0x1e: {  	s7 =	smul.u32 @!p0 $0xF7A, s2;
	p2 =	seq.s32 @!p0 s5, $0x0  }
0x1f: {  	s9 =	smul.u32 $0xF7A, s1;
	s8 =	simm.s32 @!p0 $0x1BF5;
	p2 =	por !p2, p0  }
0x20: {  	[sflag:s8] =	ssyncset.s32 @!p0 $0xFFFFF086;
	s6 =	sadd.s32 @!p0 s3, s7;
	s7 =	simm.s32 @!p0 $0x108  }
0x21: {  	s3 =	sadd.s32 s3, s9;
	s6 =	sadd.s32 @!p0 $0x88, s6;
	s7 =	simm.s32 @p2 $0x1082  }
0x22: {  	[simem:s7], [sflag:s8] =	dma.local @!p0 [hbm:s6], $0xF7A  }
0x23: {  	s9 =	sor.u32 $0xD0000000, s2;
	s6 =	simm.s32 $0x108;
	_ =	swait.ge @!p0 [sflag:s8], $0x0  }
0x24: {  	s3 =	sadd.s32 $0x88, s3;
	s6 =	simm.s32 @!p1 $0x1082;
	[sflag:s4] =	ssyncset.s32 $0xFFFFF086  }
0x25: {  	[simem:s6], [sflag:s4] =	dma.local [hbm:s3], $0xF7A  }
0x26: {  	[smem:$0x3F5F] =	sst s1;
	(tag) =	ssettag s2;
	_ =	strace s9  }
0x27: {  	s1 =	sld [smem:$0x3F6F]  }
0x28: {  	s2 =	sld [smem:$0x3F70]  }
0x29: {  	s4 =	sld [smem:$0x3F72]  }
0x2a: {  	p0 =	seq.s32 s5, $0x0;
	s5 =	sld [smem:$0x3F73]  }
0x2b: {  	s6 =	sld [smem:$0x3F74]  }
0x2c: {  	s7 =	sld [smem:$0x3F75]  }
0x2d: {  	s3 =	simm.s32 $0x108;
	s8 =	sld [smem:$0x3F76]  }
0x2e: {  	s3 =	simm.s32 @!p0 $0x1082;
	s9 =	sld [smem:$0x3F77]  }
0x2f: {  	lr =	sadd.s32 s0, s3;
	s0 =	sld [smem:$0x3F6E]  }
0x30: {  	s3 =	sld [smem:$0x3F71]  }
0x31: {  	[smem:$0x3F7A] =	sst s10  }
0x32: {  	s10 =	sld [smem:$0x3F78];
	_ =	sdelay $0x3  }
0x33: {  	p0 =	seq.s32 s10, $0x1;
	s10 =	sld [smem:$0x3F7A];
	_ =	sdelay $0x3  }
0x34: {  	[smem:$0x3F7A] =	sst s10  }
0x35: {  	s10 =	sld [smem:$0x3F79];
	_ =	sdelay $0x3  }
0x36: {  	p1 =	seq.s32 s10, $0x1;
	s10 =	sld [smem:$0x3F7A];
	_ =	sdelay $0x3  }
0x37: {  	[smem:$0x3F7A] =	sst s10  }
0x38: {  	s10 =	sld [smem:$0x3F7B]  }
0x39: {  	_ = 	snop;
	(pc) =	sbr.ind lr, $3  }
0x3a: {  	_ = 	snop  }
0x3b: {  	_ = 	snop  }
0x3c: {  	p2 =	seq.s32 s10, $0x1;
	s10 =	sld [smem:$0x3F7A]  }
0x3d: {  	_ =	shalt  }
0x3e: {  	_ =	shalt  }
0x3f: {  	_ =	shalt  }
0x40: {  	_ =	shalt  }
0x41: {  	_ =	shalt  }
0x42: {  	_ =	shalt  }
0x43: {  	_ =	shalt  }
0x44: {  	_ =	shalt  }
0x45: {  	_ =	shalt  }
0x46: {  	_ =	shalt  }
0x47: {  	_ =	shalt  }
0x48: {  	_ =	shalt  }
0x49: {  	_ =	shalt  }
0x4a: {  	_ =	shalt  }
0x4b: {  	_ =	shalt  }
0x4c: {  	_ =	shalt  }
0x4d: {  	_ =	shalt  }
0x4e: {  	_ =	shalt  }
0x4f: {  	_ =	shalt  }
0x50: {  	_ =	shalt  }
0x51: {  	_ =	shalt  }
0x52: {  	_ =	shalt  }
0x53: {  	_ =	shalt  }
0x54: {  	_ =	shalt  }
0x55: {  	_ =	shalt  }
0x56: {  	_ =	shalt  }
0x57: {  	_ =	shalt  }
0x58: {  	_ =	shalt  }
0x59: {  	_ =	shalt  }
0x5a: {  	_ =	shalt  }
0x5b: {  	_ =	shalt  }
0x5c: {  	_ =	shalt  }
0x5d: {  	_ =	shalt  }
0x5e: {  	_ =	shalt  }
0x5f: {  	_ =	shalt  }
0x60: {  	_ =	shalt  }
0x61: {  	_ =	shalt  }
0x62: {  	_ =	shalt  }
0x63: {  	_ =	shalt  }
0x64: {  	_ =	shalt  }
0x65: {  	_ =	shalt  }
0x66: {  	_ =	shalt  }
0x67: {  	_ =	shalt  }
0x68: {  	_ =	shalt  }
0x69: {  	_ =	shalt  }
0x6a: {  	_ =	shalt  }
0x6b: {  	_ =	shalt  }
0x6c: {  	_ =	shalt  }
0x6d: {  	_ =	shalt  }
0x6e: {  	_ =	shalt  }
0x6f: {  	_ =	shalt  }
0x70: {  	_ =	shalt  }
0x71: {  	_ =	shalt  }
0x72: {  	_ =	shalt  }
0x73: {  	_ =	shalt  }
0x74: {  	_ =	shalt  }
0x75: {  	_ =	shalt  }
0x76: {  	_ =	shalt  }
0x77: {  	_ =	shalt  }
0x78: {  	_ =	shalt  }
0x79: {  	_ =	shalt  }
0x7a: {  	_ =	shalt  }
0x7b: {  	_ =	shalt  }
0x7c: {  	_ =	shalt  }
0x7d: {  	_ =	shalt  }
0x7e: {  	_ =	shalt  }
0x7f: {  	_ =	shalt  }
0x80: {  	_ =	shalt  }
0x81: {  	_ =	shalt  }
0x82: {  	_ =	shalt  }
0x83: {  	_ =	shalt  }
0x84: {  	_ =	shalt  }
0x85: {  	_ =	shalt  }
0x86: {  	_ =	shalt  }
0x87: {  	_ =	shalt  }
.Lfunc_end0:
.L_simem_size_0:
called_computation.2_lowered:
.L_overlay_start_0:
0x88: {  	s2 =	sld [smem:$0x3FD9]  }
0x89: {  	s3 =	sld [smem:$0x3FFE];
	_ =	sdelay $0x1  }
0x8a: {  	s1 =	srdreg.scid  }
0x8b: {  	s0 =	sand.u32 $0x1, s1  }
0x8c: {  	s16 =	sshll.u32 s0, $0xA;
	s2 =	sadd.s32 s3, s2  }
0x8d: {  	s2 =	sadd.s32 s2, s16  }
0x8e: {  	[smem:$0x3F86] =	sst s2  }
0x8f: {  	_ = 	snop  }
0x90: {  	(tm) =	ssettm $0x1  }
0x91: {  	s17 =	sld [smem:$0x3FFB];
	_ =	sdelay $0x3  }
0x92: {  	_ =	strace s17  }
0x93: {  	s2 =	sld [smem:$0x3FFC];
	_ =	sdelay $0x3  }
0x94: {  	_ =	strace s2  }
0x95: {  	s2 =	sld [smem:$0x3FFD];
	_ =	sdelay $0x3  }
0x96: {  	_ =	strace s2  }
0x97: {  	_ =	strace $0x8FFFFFFF  }
0x98: {  	s18 =	sld [smem:$0x3FDB];
	_ =	sdelay $0x1  }
0x99: {  	s19 =	simm.s32 $_scs_section_size  }
0x9a: {  	s4 =	simm.s32 $_size__tile_overlayer_lowered;
	s5 =	simm.s32 $_tile_overlayer_lowered  }
0x9b: {  	s22 =	simm.s32 $0x1BFF;
	s21 =	sshll.u32 s5, $0x1;
	s2 =	sadd.s32 s19, s18  }
0x9c: {  	s6 =	simm.s32 $0x0;
	s20 =	sshll.u32 s4, $0x1;
	s4 =	sadd.s32 s21, s2  }
0x9d: {  	[timem:s6], [sflag:s22] =	dma.local [hbm:s4], s20  }
0x9e: {  	_ =	swait.ge [sflag:s22], s20  }
0x9f: {  	s3 =	ssub.s32 $0x0, s20;
	[sflag:s22] =	ssyncset.done $0x0  }
0xa0: {  	[sflag:s22] =	ssyncadd.s32 s3;
	_ =	sdelay $0x1  }
0xa1: {  	s23 =	simm.s32 $0x1B8B  }
0xa2: {  	_ =	swait.ge [sflag:s23], $0x1  }
0xa3: {  	[sflag:s23] =	ssyncset.done $0x0  }
0xa4: {  	s25 =	simm.s32 $0x1B8E;
	s24 =	sld [smem:$0x3FFE];
	[sflag:s23] =	ssyncadd.s32 $0xFFFFFFFF  }
0xa5: {  	s26 =	simm.s32 $execute0_lowered;
	[smem:$0x3FD2] =	sst s25  }
0xa6: {  	s4 =	sshll.u32 s26, $0x1;
	_ =	strace $0x8000004C;
	[dreg:$0x1] =	wrdreg $0xFFFFFFFF  }
0xa7: {  	s28 =	simm.s32 $_size_execute0_lowered;
	s2 =	sadd.s32 s2, s4;
	[dreg:$0x0] =	wrdreg $0x0  }
0xa8: {  	s4 =	sshll.u32 s28, $0x1;
	[dreg:$0x2] =	wrdreg s2  }
0xa9: {  	[dreg:$0x3] =	wrdreg s4  }
0xaa: {  	[dreg:$0x4] =	wrdreg $0xC0  }
0xab: {  	_ =	task [dreg:s6], $0x5FFFF  }
0xac: {  	[dreg:$0x1] =	wrdreg $0xFFFFFFFF  }
0xad: {  	[dreg:$0x0] =	wrdreg $0x60  }
0xae: {  	[dreg:$0x2] =	wrdreg s24  }
0xaf: {  	[dreg:$0x3] =	wrdreg $0x6F000  }
0xb0: {  	[dreg:$0x4] =	wrdreg $0x9  }
0xb1: {  	_ =	task.clear_ibuf [dreg:s6], $0x5FFFF;
	_ =	strace $0x9000004C  }
0xb2: {  	s29 =	simm.s32 $0x9;
	_ =	strace $0x8000004E  }
0xb3: {  	_ =	swait.ge [sflag:s29], $0x1  }
0xb4: {  	[sflag:s29] =	ssyncadd.s32 $0xFFFFFFFF  }
0xb5: {  	_ =	strace $0x9000004E  }
0xb6: {  	_ =	sfence  }
0xb7: {  	s30 =	sld [smem:$0x0];
	_ =	sdelay $0x2  }
0xb8: {  	s31 =	sshll.u32 s1, $0xD;
	s1 =	sshrl.u32 s1, $0x2  }
0xb9: {  	s3 =	sand.u32 $0x4000, s31;
	s1 =	sadd.s32 s1, s30  }
0xba: {  	s0 =	sor.u32 s3, s0;
	s1 =	sshll.u32 s1, $0x11  }
0xbb: {  	s0 =	sor.u32 s1, s0  }
0xbc: {  	s0 =	sadd.s32 $0x8F2B, s0  }
0xbd: {  	[sflag:s0] =	ssyncadd.remote.s32 $0x1  }
0xbe: {  	_ =	sfence.sel $0xFFFF  }
0xbf: {  	[dreg:$0x0] =	wrdreg $0xFFFFFFFF;
	(pc) =	sbr.abs _section_cstart, $3  }
0xc0: {  	[dreg:$0x1] =	wrdreg $0xFFFFFFFF  }
0xc1: {  	_ =	task.clear_ibuf [dreg:s6], $0x2FFFF;
	_ =	strace $0x9FFFFFFF  }
0xc2: {  	(tm) =	ssettm $0x7FFFFFFF  }
0xc3: {  	_ =	shalt  }
tec
execute0_lowered:
.L_overlay_start_1:
0x0: {  	(tag) =	ssettag $0x1  }
0x1: {  	s6 =	rddreg [dreg:$0x0]  }
0x2: {  	s0 =	srdreg.scid;
	s2 =	rddreg [dreg:$0x1]  }
0x3: {  	s3 =	simm.s32 $0x0;
	s14 =	simm.s32 $0x80;
	s15 =	simm.s32 $0x4F00  }
0x4: {  	s16 =	simm.s32 $0x5F00;
	s17 =	simm.s32 $0x1;
	s18 =	simm.s32 $0x2  }
0x5: {  	s19 =	simm.s32 $0x3;
	s20 =	simm.s32 $0x4;
	s21 =	simm.s32 $0x2700  }
0x6: {  	s22 =	simm.s32 $0x4E80;
	s5 =	sand.u32 $0x1, s0;
	s0 =	stileid.u32  }
0x7: {  	s23 =	simm.s32 $0x0;
	[smem:$0x7FF] =	sst s3;
	s8 =	smul.u32 $0x4F00, s0  }
0x8: {  	s4 =	sadd.s32 $0x1F200, s6;
	s1 =	sshll.u32 s5, $0x4;
	s9 =	smul.u32 $0x4F000, s5  }
0x9: {  	s5 =	ssub.s32 $0x2, s5;
	s12 =	sshll.u32 s0, $0x6;
	s1 =	sor.u32 s0, s1  }
0xa: {  	s11 =	sshrl.u32 s5, $0x1;
	s12 =	sor.u32 $0x1C05, s12;
	s7 =	smul.u32 $0x4F0, s1  }
0xb: {  	s1 =	rddreg [dreg:$0x2];
	_ =	strace $0x8000004D;
	s9 =	sadd.s32 s8, s9  }
0xc: {  	s10 =	sshrl.u32 s8, $0x3;
	s11 =	ssub.s32 s5, s11;
	s13 =	sadd.s32 s8, s2  }
0xd: {  	s9 =	sshrl.u32 s9, $0x3;
	s10 =	sadd.s32 s10, s6;
	s7 =	sadd.s32 s7, s6  }
0xe: {  	s13 =	sshrl.u32 s13, $0x3;
	s9 =	sadd.s32 s9, s6;
	s5 =	sadd.s32 $0x15400, s7  }
0xf: {  	s6 =	sadd.s32 $0xB600, s7;
	s7 =	sadd.s32 $0x29000, s10;
	s8 =	sadd.s32 $0x46A00, s9  }
0x10: {  	s9 =	smax.u32 s11, $0x1;
	s10 =	simm.s32 $0x5;
	s11 =	simm.s32 $0x2780  }
.LBB2_1:
0x11: {  	[tilespmem:s3], [sflag:$0x5] =	stream.linear.gather [hbm4b:s5+s3], $0x2780, $0x38;
	[tilespmem:$0xBE00] =	vst v63  }
0x12: {  	_ =	swait.ge [sflag:s10], $0x2780  }
0x13: {  	[sflag:s10] =	ssyncset.done $0x0  }
0x14: {  	[sflag:s10] =	ssyncadd.s32 $0xFFFFD880  }
0x15: {  	[tilespmem:s11], [sflag:$0x5] =	stream.linear.gather [hbm4b:s6+s3], $0x2780, $0x38;
	[tilespmem:$0xBE00] =	vst v63  }
0x16: {  	_ =	swait.ge [sflag:s10], $0x2780  }
0x17: {  	[sflag:s10] =	ssyncset.done $0x0  }
0x18: {  	[sflag:s10] =	ssyncadd.s32 $0xFFFFD880  }
0x19: {  	[spmem:s13], [sflag:s12] =	dma.local [hbm:s7], $0x9E0  }
0x1a: {  	_ =	swait.ge [sflag:s10], $0x9E0  }
0x1b: {  	[sflag:s10] =	ssyncset.done $0x0  }
0x1c: {  	[sflag:s10] =	ssyncadd.s32 $0xFFFFF620  }
0x1d: {  	s24 =	simm.s32 $0x0;
	[bflag:$0x0] =	sbarrier.arrive $0xFFFF  }
0x1e: {  	[tilespmem:s15], [sflag:$0x1] =	stream.indirect.gather [hbm4b:s4+s14], $0x20, s24, s14, $0xb8;
	[tilespmem:$0xBE00] =	vst v63  }
0x1f: {  	s29 =	simm.s32 $0x80  }
0x20: {  	[tilespmem:s16], [sflag:$0x2] =	stream.indirect.gather [hbm4b:s4+s14], $0x20, s29, s14, $0xb8;
	[tilespmem:$0xBE00] =	vst v63  }
0x21: {  	_ =	swait.ge [sflag:s17], $0x1000  }
0x22: {  	[sflag:s17] =	ssyncset.done $0x0  }
0x23: {  	s30 =	simm.s32 $0x2780;
	[sflag:s17] =	ssyncadd.s32 $0xFFFFF000  }
0x24: {  	[spmem:s2] =	stream.indirect.scatter.add.f32 [tilespmem:s15], [sflag:$0x3], $0x20, s30, s14, $0xb8;
	[tilespmem:$0xBE00] =	vst v63  }
0x25: {  	_ =	swait.ge [sflag:s18], $0x1000  }
0x26: {  	[sflag:s18] =	ssyncset.done $0x0  }
0x27: {  	s31 =	simm.s32 $0x2800;
	[sflag:s18] =	ssyncadd.s32 $0xFFFFF000  }
0x28: {  	[spmem:s2] =	stream.indirect.scatter.add.f32 [tilespmem:s16], [sflag:$0x4], $0x20, s31, s14, $0xb8;
	[tilespmem:$0xBE00] =	vst v63  }
0x29: {  	_ =	swait.ge [sflag:s19], $0x1000  }
0x2a: {  	[sflag:s19] =	ssyncset.done $0x0  }
0x2b: {  	[sflag:s19] =	ssyncadd.s32 $0xFFFFF000  }
0x2c: {  	_ =	swait.ge [sflag:s20], $0x1000  }
0x2d: {  	s25 =	simm.s32 $0x800;
	s24 =	simm.s32 $0x400;
	[sflag:s20] =	ssyncset.done $0x0  }
.LBB2_2:
0x2e: {  	s26 =	sshra.s32 s24, $0x2  }
0x2f: {  	[sflag:s20] =	ssyncadd.s32 $0xFFFFF000;
	s24 =	smov.u32 s25;
	s28 =	sadd.s32 $0x400, s25  }
0x30: {  	[tilespmem:s15], [sflag:$0x1] =	stream.indirect.gather [hbm4b:s4+s14], $0x20, s26, s14, $0xb8;
	[tilespmem:$0xBE00] =	vst v63  }
0x31: {  	p0 =	sne.s32 s25, $0x9800;
	s25 =	sadd.s32 $0x80, s26  }
0x32: {  	[tilespmem:s16], [sflag:$0x2] =	stream.indirect.gather [hbm4b:s4+s14], $0x20, s25, s14, $0xb8;
	[tilespmem:$0xBE00] =	vst v63  }
0x33: {  	_ =	swait.ge [sflag:s17], $0x1000  }
0x34: {  	[sflag:s17] =	ssyncset.done $0x0  }
0x35: {  	s25 =	sadd.s32 $0x2780, s26;
	[sflag:s17] =	ssyncadd.s32 $0xFFFFF000  }
0x36: {  	[spmem:s2] =	stream.indirect.scatter.add.f32 [tilespmem:s15], [sflag:$0x3], $0x20, s25, s14, $0xb8;
	[tilespmem:$0xBE00] =	vst v63  }
0x37: {  	_ =	swait.ge [sflag:s18], $0x1000  }
0x38: {  	[sflag:s18] =	ssyncset.done $0x0  }
0x39: {  	s25 =	sadd.s32 $0x2800, s26;
	[sflag:s18] =	ssyncadd.s32 $0xFFFFF000  }
0x3a: {  	[spmem:s2] =	stream.indirect.scatter.add.f32 [tilespmem:s16], [sflag:$0x4], $0x20, s25, s14, $0xb8;
	[tilespmem:$0xBE00] =	vst v63  }
.Ltmp0:
0x3b: {  	_ =	swait.ge [sflag:s19], $0x1000;
	(pc) =	sbr.rel @p0 .LBB2_2-.Ltmp0, $4  }
0x3c: {  	[sflag:s19] =	ssyncset.done $0x0  }
0x3d: {  	[sflag:s19] =	ssyncadd.s32 $0xFFFFF000  }
0x3e: {  	_ =	swait.ge [sflag:s20], $0x1000  }
0x3f: {  	s25 =	smov.u32 s28;
	[sflag:s20] =	ssyncset.done $0x0  }
0x40: {  	s24 =	sshra.s32 s24, $0x2;
	[sflag:s20] =	ssyncadd.s32 $0xFFFFF000  }
0x41: {  	[tilespmem:s15], [sflag:$0x1] =	stream.indirect.gather [hbm4b:s4+s14], $0x20, s24, s14, $0xb8;
	[tilespmem:$0xBE00] =	vst v63  }
0x42: {  	s25 =	sadd.s32 $0x80, s24  }
0x43: {  	[tilespmem:s16], [sflag:$0x2] =	stream.indirect.gather [hbm4b:s4+s14], $0x20, s25, s14, $0xb8;
	[tilespmem:$0xBE00] =	vst v63  }
0x44: {  	_ =	swait.ge [sflag:s17], $0x1000  }
0x45: {  	[sflag:s17] =	ssyncset.done $0x0  }
0x46: {  	s31 =	sadd.s32 $0x2780, s24;
	[sflag:s17] =	ssyncadd.s32 $0xFFFFF000  }
0x47: {  	[spmem:s2] =	stream.indirect.scatter.add.f32 [tilespmem:s15], [sflag:$0x3], $0x20, s31, s14, $0xb8;
	[tilespmem:$0xBE00] =	vst v63  }
0x48: {  	_ =	swait.ge [sflag:s18], $0x1000  }
0x49: {  	[sflag:s18] =	ssyncset.done $0x0  }
0x4a: {  	s24 =	sadd.s32 $0x2800, s24;
	[sflag:s18] =	ssyncadd.s32 $0xFFFFF000  }
0x4b: {  	[spmem:s2] =	stream.indirect.scatter.add.f32 [tilespmem:s16], [sflag:$0x4], $0x20, s24, s14, $0xb8;
	[tilespmem:$0xBE00] =	vst v63  }
0x4c: {  	_ =	swait.ge [sflag:s19], $0x1000  }
0x4d: {  	[sflag:s19] =	ssyncset.done $0x0  }
0x4e: {  	[sflag:s19] =	ssyncadd.s32 $0xFFFFF000  }
0x4f: {  	_ =	swait.ge [sflag:s20], $0x1000  }
0x50: {  	[sflag:s20] =	ssyncset.done $0x0  }
0x51: {  	[sflag:s20] =	ssyncadd.s32 $0xFFFFF000  }
0x52: {  	[tilespmem:s15], [sflag:$0x1] =	stream.indirect.gather [hbm4b:s4+s14], $0x20, s21, s14, $0xb8;
	[tilespmem:$0xBE00] =	vst v63  }
0x53: {  	_ =	swait.ge [sflag:s17], $0x1000  }
0x54: {  	[sflag:s17] =	ssyncset.done $0x0  }
0x55: {  	[sflag:s17] =	ssyncadd.s32 $0xFFFFF000  }
0x56: {  	[spmem:s2] =	stream.indirect.scatter.add.f32 [tilespmem:s15], [sflag:$0x5], $0x20, s22, s14, $0xb8;
	[tilespmem:$0xBE00] =	vst v63  }
0x57: {  	_ =	swait.ge [sflag:s10], $0x1000  }
0x58: {  	s23 =	sadd.s32 $0x1, s23;
	[sflag:s10] =	ssyncset.done $0x0  }
0x59: {  	p0 =	sne.s32 s23, s9;
	[sflag:s10] =	ssyncadd.s32 $0xFFFFF000  }
.Ltmp1:
0x5a: {  	[bflag:$0x0] =	sbarrier.arrive $0xFFFF;
	(pc) =	sbr.rel @p0 .LBB2_1-.Ltmp1, $4  }
0x5b: {  	[hbm:s8], [sflag:s12] =	dma.local [spmem:s13], $0x9E0  }
0x5c: {  	_ =	swait.ge [sflag:s10], $0x9E0  }
0x5d: {  	[sflag:s10] =	ssyncset.done $0x0  }
0x5e: {  	[sflag:s10] =	ssyncadd.s32 $0xFFFFF620  }
0x5f: {  	_ =	sfence.sel $0x180000  }
0x60: {  	[bflag:$0x0] =	sbarrier.arrive $0xFFFF  }
0x61: {  	p0 =	sne.s32 s0, $0x0;
	_ =	strace $0x9000004D  }
0x62: {  	s0 =	sadd.s32 @!p0 $0x100000, s1;
	[bflag:$0x2] =	sbarrier.arrive $0xFFFF  }
0x63: {  	[sflag:s0] =	ssyncadd.tile.s32 @!p0 $0x1;
	_ =	shalt  }
.Lfunc_end2:
_tile_overlayer_lowered:
.L_overlay_start_2:
0x64: {  	(tag) =	ssettag $0x2  }
0x65: {  	s0 =	rddreg [dreg:$0x0];
	s2 =	stileid.u32  }
0x66: {  	s1 =	rddreg [dreg:$0x1];
	p0 =	sne.s32 s2, $0x0  }
0x67: {  	s3 =	rddreg [dreg:$0x2];
	[bflag:$0x3] =	sbarrier.arrive $0xFFFF;
	s2 =	simm.s32 @!p0 $0x1C05  }
0x68: {  	[timem:s3], [sflag:s2] =	dma.local @!p0 [hbm:s0], s1  }
0x69: {  	s0 =	simm.s32 @!p0 $0x5  }
0x6a: {  	_ =	swait.ge @!p0 [sflag:s0], s1  }
0x6b: {  	s1 =	ssub.s32 @!p0 $0x0, s1;
	[sflag:s0] =	ssyncset.done @!p0 $0x0  }
0x6c: {  	[sflag:s0] =	ssyncadd.s32 @!p0 s1  }
0x6d: {  	[bflag:$0x3] =	sbarrier.arrive $0xFFFF  }
0x6e: {  	_ =	shalt  }

// kernel: kernel.25.cloned.1.call-start
scs
__scs_entry_jumppad:
0x0: {  	(pc) =	sbr.rel $0x88, $3  }
0x1: {  	(tag) =	ssettag $0x0;
	lr =	simm.s32 $0x1  }
0x2: {  	[smem:$0x3F5F] =	sst lr;
	_ =	strace $0xD0000000  }
0x3: {  	_ = 	snop  }
0x4: {  	_ = 	snop  }
0x5: {  	_ = 	snop  }
0x6: {  	_ = 	snop  }
0x7: {  	_ = 	snop  }
__scs_overlays_trampoline_lowered:
0x8: {  	[smem:$0x3F6E] =	sst s0  }
0x9: {  	[smem:$0x3F6F] =	sst s1  }
0xa: {  	[smem:$0x3F70] =	sst s2  }
0xb: {  	[smem:$0x3F71] =	sst s3  }
0xc: {  	[smem:$0x3F72] =	sst s4  }
0xd: {  	[smem:$0x3F73] =	sst s5  }
0xe: {  	[smem:$0x3F74] =	sst s6  }
0xf: {  	[smem:$0x3F75] =	sst s7  }
0x10: {  	[smem:$0x3F76] =	sst s8  }
0x11: {  	[smem:$0x3F77] =	sst s9;
	s0 =	simm.s32 @!p0 $0x0  }
0x12: {  	s1 =	sld [smem:$0x3F5D];
	s0 =	simm.s32 @p0 $0x1  }
0x13: {  	[smem:$0x3F78] =	sst s0;
	s0 =	simm.s32 @!p1 $0x0  }
0x14: {  	s2 =	sld [smem:$0x3F5C];
	s0 =	simm.s32 @p1 $0x1  }
0x15: {  	[smem:$0x3F79] =	sst s0;
	s0 =	simm.s32 @!p2 $0x0  }
0x16: {  	s3 =	sld [smem:$0x3FDB];
	s0 =	simm.s32 @p2 $0x1  }
0x17: {  	s4 =	simm.s32 $0x1BF5;
	[smem:$0x3F7B] =	sst s0  }
0x18: {  	s0 =	sld [smem:$0x3F5E];
	_ =	swait.ge [sflag:s4], $0x0  }
0x19: {  	s7 =	sld [smem:$0x3F5F]  }
0x1a: {  	s8 =	sadd.s32 $0xFFFFE003, lr  }
0x1b: {  	s9 =	sadd.s32 $0xFFFFFEF7, lr;
	s5 =	simm.s32 $0xFFFFFFFF;
	p2 =	slt.u32 s8, $0xFFFFF086  }
0x1c: {  	p1 =	slt.u32 s9, $0xF7A;
	s5 =	simm.s32 @!p2 $0x0  }
0x1d: {  	s5 =	simm.s32 @p1 $0x1;
	p0 =	seq.s32 s7, s2  }
0x1e: {  	s7 =	smul.u32 @!p0 $0xF7A, s2;
	p2 =	seq.s32 @!p0 s5, $0x0  }
0x1f: {  	s9 =	smul.u32 $0xF7A, s1;
	s8 =	simm.s32 @!p0 $0x1BF5;
	p2 =	por !p2, p0  }
0x20: {  	[sflag:s8] =	ssyncset.s32 @!p0 $0xFFFFF086;
	s6 =	sadd.s32 @!p0 s3, s7;
	s7 =	simm.s32 @!p0 $0x108  }
0x21: {  	s3 =	sadd.s32 s3, s9;
	s6 =	sadd.s32 @!p0 $0x88, s6;
	s7 =	simm.s32 @p2 $0x1082  }
0x22: {  	[simem:s7], [sflag:s8] =	dma.local @!p0 [hbm:s6], $0xF7A  }
0x23: {  	s9 =	sor.u32 $0xD0000000, s2;
	s6 =	simm.s32 $0x108;
	_ =	swait.ge @!p0 [sflag:s8], $0x0  }
0x24: {  	s3 =	sadd.s32 $0x88, s3;
	s6 =	simm.s32 @!p1 $0x1082;
	[sflag:s4] =	ssyncset.s32 $0xFFFFF086  }
0x25: {  	[simem:s6], [sflag:s4] =	dma.local [hbm:s3], $0xF7A  }
0x26: {  	[smem:$0x3F5F] =	sst s1;
	(tag) =	ssettag s2;
	_ =	strace s9  }
0x27: {  	s1 =	sld [smem:$0x3F6F]  }
0x28: {  	s2 =	sld [smem:$0x3F70]  }
0x29: {  	s4 =	sld [smem:$0x3F72]  }
0x2a: {  	p0 =	seq.s32 s5, $0x0;
	s5 =	sld [smem:$0x3F73]  }
0x2b: {  	s6 =	sld [smem:$0x3F74]  }
0x2c: {  	s7 =	sld [smem:$0x3F75]  }
0x2d: {  	s3 =	simm.s32 $0x108;
	s8 =	sld [smem:$0x3F76]  }
0x2e: {  	s3 =	simm.s32 @!p0 $0x1082;
	s9 =	sld [smem:$0x3F77]  }
0x2f: {  	lr =	sadd.s32 s0, s3;
	s0 =	sld [smem:$0x3F6E]  }
0x30: {  	s3 =	sld [smem:$0x3F71]  }
0x31: {  	[smem:$0x3F7A] =	sst s10  }
0x32: {  	s10 =	sld [smem:$0x3F78];
	_ =	sdelay $0x3  }
0x33: {  	p0 =	seq.s32 s10, $0x1;
	s10 =	sld [smem:$0x3F7A];
	_ =	sdelay $0x3  }
0x34: {  	[smem:$0x3F7A] =	sst s10  }
0x35: {  	s10 =	sld [smem:$0x3F79];
	_ =	sdelay $0x3  }
0x36: {  	p1 =	seq.s32 s10, $0x1;
	s10 =	sld [smem:$0x3F7A];
	_ =	sdelay $0x3  }
0x37: {  	[smem:$0x3F7A] =	sst s10  }
0x38: {  	s10 =	sld [smem:$0x3F7B]  }
0x39: {  	_ = 	snop;
	(pc) =	sbr.ind lr, $3  }
0x3a: {  	_ = 	snop  }
0x3b: {  	_ = 	snop  }
0x3c: {  	p2 =	seq.s32 s10, $0x1;
	s10 =	sld [smem:$0x3F7A]  }
0x3d: {  	_ =	shalt  }
0x3e: {  	_ =	shalt  }
0x3f: {  	_ =	shalt  }
0x40: {  	_ =	shalt  }
0x41: {  	_ =	shalt  }
0x42: {  	_ =	shalt  }
0x43: {  	_ =	shalt  }
0x44: {  	_ =	shalt  }
0x45: {  	_ =	shalt  }
0x46: {  	_ =	shalt  }
0x47: {  	_ =	shalt  }
0x48: {  	_ =	shalt  }
0x49: {  	_ =	shalt  }
0x4a: {  	_ =	shalt  }
0x4b: {  	_ =	shalt  }
0x4c: {  	_ =	shalt  }
0x4d: {  	_ =	shalt  }
0x4e: {  	_ =	shalt  }
0x4f: {  	_ =	shalt  }
0x50: {  	_ =	shalt  }
0x51: {  	_ =	shalt  }
0x52: {  	_ =	shalt  }
0x53: {  	_ =	shalt  }
0x54: {  	_ =	shalt  }
0x55: {  	_ =	shalt  }
0x56: {  	_ =	shalt  }
0x57: {  	_ =	shalt  }
0x58: {  	_ =	shalt  }
0x59: {  	_ =	shalt  }
0x5a: {  	_ =	shalt  }
0x5b: {  	_ =	shalt  }
0x5c: {  	_ =	shalt  }
0x5d: {  	_ =	shalt  }
0x5e: {  	_ =	shalt  }
0x5f: {  	_ =	shalt  }
0x60: {  	_ =	shalt  }
0x61: {  	_ =	shalt  }
0x62: {  	_ =	shalt  }
0x63: {  	_ =	shalt  }
0x64: {  	_ =	shalt  }
0x65: {  	_ =	shalt  }
0x66: {  	_ =	shalt  }
0x67: {  	_ =	shalt  }
0x68: {  	_ =	shalt  }
0x69: {  	_ =	shalt  }
0x6a: {  	_ =	shalt  }
0x6b: {  	_ =	shalt  }
0x6c: {  	_ =	shalt  }
0x6d: {  	_ =	shalt  }
0x6e: {  	_ =	shalt  }
0x6f: {  	_ =	shalt  }
0x70: {  	_ =	shalt  }
0x71: {  	_ =	shalt  }
0x72: {  	_ =	shalt  }
0x73: {  	_ =	shalt  }
0x74: {  	_ =	shalt  }
0x75: {  	_ =	shalt  }
0x76: {  	_ =	shalt  }
0x77: {  	_ =	shalt  }
0x78: {  	_ =	shalt  }
0x79: {  	_ =	shalt  }
0x7a: {  	_ =	shalt  }
0x7b: {  	_ =	shalt  }
0x7c: {  	_ =	shalt  }
0x7d: {  	_ =	shalt  }
0x7e: {  	_ =	shalt  }
0x7f: {  	_ =	shalt  }
0x80: {  	_ =	shalt  }
0x81: {  	_ =	shalt  }
0x82: {  	_ =	shalt  }
0x83: {  	_ =	shalt  }
0x84: {  	_ =	shalt  }
0x85: {  	_ =	shalt  }
0x86: {  	_ =	shalt  }
0x87: {  	_ =	shalt  }
.Lfunc_end0:
.L_simem_size_0:
called_computation.3_lowered:
.L_overlay_start_0:
0x88: {  	s2 =	sld [smem:$0x3FD9]  }
0x89: {  	s3 =	sld [smem:$0x3FFE];
	_ =	sdelay $0x1  }
0x8a: {  	s1 =	srdreg.scid  }
0x8b: {  	s0 =	sand.u32 $0x1, s1  }
0x8c: {  	s16 =	sshll.u32 s0, $0xA;
	s2 =	sadd.s32 s3, s2  }
0x8d: {  	s2 =	sadd.s32 s2, s16  }
0x8e: {  	[smem:$0x3F86] =	sst s2  }
0x8f: {  	_ = 	snop  }
0x90: {  	(tm) =	ssettm $0x1  }
0x91: {  	s17 =	sld [smem:$0x3FFB];
	_ =	sdelay $0x3  }
0x92: {  	_ =	strace s17  }
0x93: {  	s2 =	sld [smem:$0x3FFC];
	_ =	sdelay $0x3  }
0x94: {  	_ =	strace s2  }
0x95: {  	s2 =	sld [smem:$0x3FFD];
	_ =	sdelay $0x3  }
0x96: {  	_ =	strace s2  }
0x97: {  	_ =	strace $0x8FFFFFFF  }
0x98: {  	s18 =	sld [smem:$0x3FDB];
	_ =	sdelay $0x1  }
0x99: {  	s19 =	simm.s32 $_scs_section_size  }
0x9a: {  	s4 =	simm.s32 $_size__tile_overlayer_lowered;
	s5 =	simm.s32 $_tile_overlayer_lowered  }
0x9b: {  	s22 =	simm.s32 $0x1BFF;
	s21 =	sshll.u32 s5, $0x1;
	s2 =	sadd.s32 s19, s18  }
0x9c: {  	s6 =	simm.s32 $0x0;
	s20 =	sshll.u32 s4, $0x1;
	s4 =	sadd.s32 s21, s2  }
0x9d: {  	[timem:s6], [sflag:s22] =	dma.local [hbm:s4], s20  }
0x9e: {  	_ =	swait.ge [sflag:s22], s20  }
0x9f: {  	s3 =	ssub.s32 $0x0, s20;
	[sflag:s22] =	ssyncset.done $0x0  }
0xa0: {  	[sflag:s22] =	ssyncadd.s32 s3;
	_ =	sdelay $0x1  }
0xa1: {  	s23 =	simm.s32 $0x1B8B  }
0xa2: {  	_ =	swait.ge [sflag:s23], $0x1  }
0xa3: {  	[sflag:s23] =	ssyncset.done $0x0  }
0xa4: {  	s25 =	simm.s32 $0x1B8E;
	s24 =	sld [smem:$0x3FFE];
	[sflag:s23] =	ssyncadd.s32 $0xFFFFFFFF  }
0xa5: {  	s26 =	simm.s32 $execute0_lowered;
	[smem:$0x3FD2] =	sst s25  }
0xa6: {  	s4 =	sshll.u32 s26, $0x1;
	_ =	strace $0x8000004F;
	[dreg:$0x1] =	wrdreg $0xFFFFFFFF  }
0xa7: {  	s28 =	simm.s32 $_size_execute0_lowered;
	s2 =	sadd.s32 s2, s4;
	[dreg:$0x0] =	wrdreg $0x0  }
0xa8: {  	s4 =	sshll.u32 s28, $0x1;
	[dreg:$0x2] =	wrdreg s2  }
0xa9: {  	[dreg:$0x3] =	wrdreg s4  }
0xaa: {  	[dreg:$0x4] =	wrdreg $0xC0  }
0xab: {  	_ =	task [dreg:s6], $0x5FFFF  }
0xac: {  	[dreg:$0x1] =	wrdreg $0xFFFFFFFF  }
0xad: {  	[dreg:$0x0] =	wrdreg $0x60  }
0xae: {  	[dreg:$0x2] =	wrdreg s24  }
0xaf: {  	[dreg:$0x3] =	wrdreg $0x6F000  }
0xb0: {  	[dreg:$0x4] =	wrdreg $0x9  }
0xb1: {  	_ =	task.clear_ibuf [dreg:s6], $0x5FFFF;
	_ =	strace $0x9000004F  }
0xb2: {  	s29 =	simm.s32 $0x9;
	_ =	strace $0x80000051  }
0xb3: {  	_ =	swait.ge [sflag:s29], $0x1  }
0xb4: {  	[sflag:s29] =	ssyncadd.s32 $0xFFFFFFFF  }
0xb5: {  	_ =	strace $0x90000051  }
0xb6: {  	_ =	sfence  }
0xb7: {  	s30 =	sld [smem:$0x0];
	_ =	sdelay $0x2  }
0xb8: {  	s31 =	sshll.u32 s1, $0xD;
	s1 =	sshrl.u32 s1, $0x2  }
0xb9: {  	s3 =	sand.u32 $0x4000, s31;
	s1 =	sadd.s32 s1, s30  }
0xba: {  	s0 =	sor.u32 s3, s0;
	s1 =	sshll.u32 s1, $0x11  }
0xbb: {  	s0 =	sor.u32 s1, s0  }
0xbc: {  	s0 =	sadd.s32 $0x8F2B, s0  }
0xbd: {  	[sflag:s0] =	ssyncadd.remote.s32 $0x1  }
0xbe: {  	_ =	sfence.sel $0xFFFF  }
0xbf: {  	[dreg:$0x0] =	wrdreg $0xFFFFFFFF;
	(pc) =	sbr.abs _section_cstart, $3  }
0xc0: {  	[dreg:$0x1] =	wrdreg $0xFFFFFFFF  }
0xc1: {  	_ =	task.clear_ibuf [dreg:s6], $0x2FFFF;
	_ =	strace $0x9FFFFFFF  }
0xc2: {  	(tm) =	ssettm $0x7FFFFFFF  }
0xc3: {  	_ =	shalt  }
tec
execute0_lowered:
.L_overlay_start_1:
0x0: {  	(tag) =	ssettag $0x1  }
0x1: {  	s6 =	rddreg [dreg:$0x0]  }
0x2: {  	s0 =	srdreg.scid;
	s2 =	rddreg [dreg:$0x1]  }
0x3: {  	s3 =	simm.s32 $0x0;
	s14 =	simm.s32 $0x80;
	s15 =	simm.s32 $0x4F00  }
0x4: {  	s16 =	simm.s32 $0x5F00;
	s17 =	simm.s32 $0x1;
	s18 =	simm.s32 $0x2  }
0x5: {  	s19 =	simm.s32 $0x3;
	s20 =	simm.s32 $0x4;
	s21 =	simm.s32 $0x2700  }
0x6: {  	s22 =	simm.s32 $0x4E80;
	s5 =	sand.u32 $0x1, s0;
	s0 =	stileid.u32  }
0x7: {  	s23 =	simm.s32 $0x0;
	[smem:$0x7FF] =	sst s3;
	s8 =	smul.u32 $0x4F00, s0  }
0x8: {  	s4 =	sadd.s32 $0x1F200, s6;
	s1 =	sshll.u32 s5, $0x4;
	s9 =	smul.u32 $0x4F000, s5  }
0x9: {  	s5 =	ssub.s32 $0x2, s5;
	s12 =	sshll.u32 s0, $0x6;
	s1 =	sor.u32 s0, s1  }
0xa: {  	s11 =	sshrl.u32 s5, $0x1;
	s12 =	sor.u32 $0x1C05, s12;
	s7 =	smul.u32 $0x4F0, s1  }
0xb: {  	s1 =	rddreg [dreg:$0x2];
	_ =	strace $0x80000050;
	s9 =	sadd.s32 s8, s9  }
0xc: {  	s10 =	sshrl.u32 s8, $0x3;
	s11 =	ssub.s32 s5, s11;
	s13 =	sadd.s32 s8, s2  }
0xd: {  	s9 =	sshrl.u32 s9, $0x3;
	s10 =	sadd.s32 s10, s6;
	s7 =	sadd.s32 s7, s6  }
0xe: {  	s13 =	sshrl.u32 s13, $0x3;
	s9 =	sadd.s32 s9, s6;
	s5 =	sadd.s32 $0x15400, s7  }
0xf: {  	s6 =	sadd.s32 $0xB600, s7;
	s7 =	sadd.s32 $0x29000, s10;
	s8 =	sadd.s32 $0x6E200, s9  }
0x10: {  	s9 =	smax.u32 s11, $0x1;
	s10 =	simm.s32 $0x5;
	s11 =	simm.s32 $0x2780  }
.LBB2_1:
0x11: {  	[tilespmem:s3], [sflag:$0x5] =	stream.linear.gather [hbm4b:s5+s3], $0x2780, $0x38;
	[tilespmem:$0xBE00] =	vst v63  }
0x12: {  	_ =	swait.ge [sflag:s10], $0x2780  }
0x13: {  	[sflag:s10] =	ssyncset.done $0x0  }
0x14: {  	[sflag:s10] =	ssyncadd.s32 $0xFFFFD880  }
0x15: {  	[tilespmem:s11], [sflag:$0x5] =	stream.linear.gather [hbm4b:s6+s3], $0x2780, $0x38;
	[tilespmem:$0xBE00] =	vst v63  }
0x16: {  	_ =	swait.ge [sflag:s10], $0x2780  }
0x17: {  	[sflag:s10] =	ssyncset.done $0x0  }
0x18: {  	[sflag:s10] =	ssyncadd.s32 $0xFFFFD880  }
0x19: {  	[spmem:s13], [sflag:s12] =	dma.local [hbm:s7], $0x9E0  }
0x1a: {  	_ =	swait.ge [sflag:s10], $0x9E0  }
0x1b: {  	[sflag:s10] =	ssyncset.done $0x0  }
0x1c: {  	[sflag:s10] =	ssyncadd.s32 $0xFFFFF620  }
0x1d: {  	s24 =	simm.s32 $0x0;
	[bflag:$0x0] =	sbarrier.arrive $0xFFFF  }
0x1e: {  	[tilespmem:s15], [sflag:$0x1] =	stream.indirect.gather [hbm4b:s4+s14], $0x20, s24, s14, $0xb8;
	[tilespmem:$0xBE00] =	vst v63  }
0x1f: {  	s29 =	simm.s32 $0x80  }
0x20: {  	[tilespmem:s16], [sflag:$0x2] =	stream.indirect.gather [hbm4b:s4+s14], $0x20, s29, s14, $0xb8;
	[tilespmem:$0xBE00] =	vst v63  }
0x21: {  	_ =	swait.ge [sflag:s17], $0x1000  }
0x22: {  	[sflag:s17] =	ssyncset.done $0x0  }
0x23: {  	s30 =	simm.s32 $0x2780;
	[sflag:s17] =	ssyncadd.s32 $0xFFFFF000  }
0x24: {  	[spmem:s2] =	stream.indirect.scatter.add.f32 [tilespmem:s15], [sflag:$0x3], $0x20, s30, s14, $0xb8;
	[tilespmem:$0xBE00] =	vst v63  }
0x25: {  	_ =	swait.ge [sflag:s18], $0x1000  }
0x26: {  	[sflag:s18] =	ssyncset.done $0x0  }
0x27: {  	s31 =	simm.s32 $0x2800;
	[sflag:s18] =	ssyncadd.s32 $0xFFFFF000  }
0x28: {  	[spmem:s2] =	stream.indirect.scatter.add.f32 [tilespmem:s16], [sflag:$0x4], $0x20, s31, s14, $0xb8;
	[tilespmem:$0xBE00] =	vst v63  }
0x29: {  	_ =	swait.ge [sflag:s19], $0x1000  }
0x2a: {  	[sflag:s19] =	ssyncset.done $0x0  }
0x2b: {  	[sflag:s19] =	ssyncadd.s32 $0xFFFFF000  }
0x2c: {  	_ =	swait.ge [sflag:s20], $0x1000  }
0x2d: {  	s25 =	simm.s32 $0x800;
	s24 =	simm.s32 $0x400;
	[sflag:s20] =	ssyncset.done $0x0  }
.LBB2_2:
0x2e: {  	s26 =	sshra.s32 s24, $0x2  }
0x2f: {  	[sflag:s20] =	ssyncadd.s32 $0xFFFFF000;
	s24 =	smov.u32 s25;
	s28 =	sadd.s32 $0x400, s25  }
0x30: {  	[tilespmem:s15], [sflag:$0x1] =	stream.indirect.gather [hbm4b:s4+s14], $0x20, s26, s14, $0xb8;
	[tilespmem:$0xBE00] =	vst v63  }
0x31: {  	p0 =	sne.s32 s25, $0x9800;
	s25 =	sadd.s32 $0x80, s26  }
0x32: {  	[tilespmem:s16], [sflag:$0x2] =	stream.indirect.gather [hbm4b:s4+s14], $0x20, s25, s14, $0xb8;
	[tilespmem:$0xBE00] =	vst v63  }
0x33: {  	_ =	swait.ge [sflag:s17], $0x1000  }
0x34: {  	[sflag:s17] =	ssyncset.done $0x0  }
0x35: {  	s25 =	sadd.s32 $0x2780, s26;
	[sflag:s17] =	ssyncadd.s32 $0xFFFFF000  }
0x36: {  	[spmem:s2] =	stream.indirect.scatter.add.f32 [tilespmem:s15], [sflag:$0x3], $0x20, s25, s14, $0xb8;
	[tilespmem:$0xBE00] =	vst v63  }
0x37: {  	_ =	swait.ge [sflag:s18], $0x1000  }
0x38: {  	[sflag:s18] =	ssyncset.done $0x0  }
0x39: {  	s25 =	sadd.s32 $0x2800, s26;
	[sflag:s18] =	ssyncadd.s32 $0xFFFFF000  }
0x3a: {  	[spmem:s2] =	stream.indirect.scatter.add.f32 [tilespmem:s16], [sflag:$0x4], $0x20, s25, s14, $0xb8;
	[tilespmem:$0xBE00] =	vst v63  }
.Ltmp0:
0x3b: {  	_ =	swait.ge [sflag:s19], $0x1000;
	(pc) =	sbr.rel @p0 .LBB2_2-.Ltmp0, $4  }
0x3c: {  	[sflag:s19] =	ssyncset.done $0x0  }
0x3d: {  	[sflag:s19] =	ssyncadd.s32 $0xFFFFF000  }
0x3e: {  	_ =	swait.ge [sflag:s20], $0x1000  }
0x3f: {  	s25 =	smov.u32 s28;
	[sflag:s20] =	ssyncset.done $0x0  }
0x40: {  	s24 =	sshra.s32 s24, $0x2;
	[sflag:s20] =	ssyncadd.s32 $0xFFFFF000  }
0x41: {  	[tilespmem:s15], [sflag:$0x1] =	stream.indirect.gather [hbm4b:s4+s14], $0x20, s24, s14, $0xb8;
	[tilespmem:$0xBE00] =	vst v63  }
0x42: {  	s25 =	sadd.s32 $0x80, s24  }
0x43: {  	[tilespmem:s16], [sflag:$0x2] =	stream.indirect.gather [hbm4b:s4+s14], $0x20, s25, s14, $0xb8;
	[tilespmem:$0xBE00] =	vst v63  }
0x44: {  	_ =	swait.ge [sflag:s17], $0x1000  }
0x45: {  	[sflag:s17] =	ssyncset.done $0x0  }
0x46: {  	s31 =	sadd.s32 $0x2780, s24;
	[sflag:s17] =	ssyncadd.s32 $0xFFFFF000  }
0x47: {  	[spmem:s2] =	stream.indirect.scatter.add.f32 [tilespmem:s15], [sflag:$0x3], $0x20, s31, s14, $0xb8;
	[tilespmem:$0xBE00] =	vst v63  }
0x48: {  	_ =	swait.ge [sflag:s18], $0x1000  }
0x49: {  	[sflag:s18] =	ssyncset.done $0x0  }
0x4a: {  	s24 =	sadd.s32 $0x2800, s24;
	[sflag:s18] =	ssyncadd.s32 $0xFFFFF000  }
0x4b: {  	[spmem:s2] =	stream.indirect.scatter.add.f32 [tilespmem:s16], [sflag:$0x4], $0x20, s24, s14, $0xb8;
	[tilespmem:$0xBE00] =	vst v63  }
0x4c: {  	_ =	swait.ge [sflag:s19], $0x1000  }
0x4d: {  	[sflag:s19] =	ssyncset.done $0x0  }
0x4e: {  	[sflag:s19] =	ssyncadd.s32 $0xFFFFF000  }
0x4f: {  	_ =	swait.ge [sflag:s20], $0x1000  }
0x50: {  	[sflag:s20] =	ssyncset.done $0x0  }
0x51: {  	[sflag:s20] =	ssyncadd.s32 $0xFFFFF000  }
0x52: {  	[tilespmem:s15], [sflag:$0x1] =	stream.indirect.gather [hbm4b:s4+s14], $0x20, s21, s14, $0xb8;
	[tilespmem:$0xBE00] =	vst v63  }
0x53: {  	_ =	swait.ge [sflag:s17], $0x1000  }
0x54: {  	[sflag:s17] =	ssyncset.done $0x0  }
0x55: {  	[sflag:s17] =	ssyncadd.s32 $0xFFFFF000  }
0x56: {  	[spmem:s2] =	stream.indirect.scatter.add.f32 [tilespmem:s15], [sflag:$0x5], $0x20, s22, s14, $0xb8;
	[tilespmem:$0xBE00] =	vst v63  }
0x57: {  	_ =	swait.ge [sflag:s10], $0x1000  }
0x58: {  	s23 =	sadd.s32 $0x1, s23;
	[sflag:s10] =	ssyncset.done $0x0  }
0x59: {  	p0 =	sne.s32 s23, s9;
	[sflag:s10] =	ssyncadd.s32 $0xFFFFF000  }
.Ltmp1:
0x5a: {  	[bflag:$0x0] =	sbarrier.arrive $0xFFFF;
	(pc) =	sbr.rel @p0 .LBB2_1-.Ltmp1, $4  }
0x5b: {  	[hbm:s8], [sflag:s12] =	dma.local [spmem:s13], $0x9E0  }
0x5c: {  	_ =	swait.ge [sflag:s10], $0x9E0  }
0x5d: {  	[sflag:s10] =	ssyncset.done $0x0  }
0x5e: {  	[sflag:s10] =	ssyncadd.s32 $0xFFFFF620  }
0x5f: {  	_ =	sfence.sel $0x180000  }
0x60: {  	[bflag:$0x0] =	sbarrier.arrive $0xFFFF  }
0x61: {  	p0 =	sne.s32 s0, $0x0;
	_ =	strace $0x90000050  }
0x62: {  	s0 =	sadd.s32 @!p0 $0x100000, s1;
	[bflag:$0x2] =	sbarrier.arrive $0xFFFF  }
0x63: {  	[sflag:s0] =	ssyncadd.tile.s32 @!p0 $0x1;
	_ =	shalt  }
.Lfunc_end2:
_tile_overlayer_lowered:
.L_overlay_start_2:
0x64: {  	(tag) =	ssettag $0x2  }
0x65: {  	s0 =	rddreg [dreg:$0x0];
	s2 =	stileid.u32  }
0x66: {  	s1 =	rddreg [dreg:$0x1];
	p0 =	sne.s32 s2, $0x0  }
0x67: {  	s3 =	rddreg [dreg:$0x2];
	[bflag:$0x3] =	sbarrier.arrive $0xFFFF;
	s2 =	simm.s32 @!p0 $0x1C05  }
0x68: {  	[timem:s3], [sflag:s2] =	dma.local @!p0 [hbm:s0], s1  }
0x69: {  	s0 =	simm.s32 @!p0 $0x5  }
0x6a: {  	_ =	swait.ge @!p0 [sflag:s0], s1  }
0x6b: {  	s1 =	ssub.s32 @!p0 $0x0, s1;
	[sflag:s0] =	ssyncset.done @!p0 $0x0  }
0x6c: {  	[sflag:s0] =	ssyncadd.s32 @!p0 s1  }
0x6d: {  	[bflag:$0x3] =	sbarrier.arrive $0xFFFF  }
0x6e: {  	_ =	shalt  }

// kernel: kernel.28.cloned.1.call-start
scs
__scs_entry_jumppad:
0x0: {  	(pc) =	sbr.rel $0x88, $3  }
0x1: {  	(tag) =	ssettag $0x0;
	lr =	simm.s32 $0x1  }
0x2: {  	[smem:$0x3F5F] =	sst lr;
	_ =	strace $0xD0000000  }
0x3: {  	_ = 	snop  }
0x4: {  	_ = 	snop  }
0x5: {  	_ = 	snop  }
0x6: {  	_ = 	snop  }
0x7: {  	_ = 	snop  }
__scs_overlays_trampoline_lowered:
0x8: {  	[smem:$0x3F6E] =	sst s0  }
0x9: {  	[smem:$0x3F6F] =	sst s1  }
0xa: {  	[smem:$0x3F70] =	sst s2  }
0xb: {  	[smem:$0x3F71] =	sst s3  }
0xc: {  	[smem:$0x3F72] =	sst s4  }
0xd: {  	[smem:$0x3F73] =	sst s5  }
0xe: {  	[smem:$0x3F74] =	sst s6  }
0xf: {  	[smem:$0x3F75] =	sst s7  }
0x10: {  	[smem:$0x3F76] =	sst s8  }
0x11: {  	[smem:$0x3F77] =	sst s9;
	s0 =	simm.s32 @!p0 $0x0  }
0x12: {  	s1 =	sld [smem:$0x3F5D];
	s0 =	simm.s32 @p0 $0x1  }
0x13: {  	[smem:$0x3F78] =	sst s0;
	s0 =	simm.s32 @!p1 $0x0  }
0x14: {  	s2 =	sld [smem:$0x3F5C];
	s0 =	simm.s32 @p1 $0x1  }
0x15: {  	[smem:$0x3F79] =	sst s0;
	s0 =	simm.s32 @!p2 $0x0  }
0x16: {  	s3 =	sld [smem:$0x3FDB];
	s0 =	simm.s32 @p2 $0x1  }
0x17: {  	s4 =	simm.s32 $0x1BF5;
	[smem:$0x3F7B] =	sst s0  }
0x18: {  	s0 =	sld [smem:$0x3F5E];
	_ =	swait.ge [sflag:s4], $0x0  }
0x19: {  	s7 =	sld [smem:$0x3F5F]  }
0x1a: {  	s8 =	sadd.s32 $0xFFFFE003, lr  }
0x1b: {  	s9 =	sadd.s32 $0xFFFFFEF7, lr;
	s5 =	simm.s32 $0xFFFFFFFF;
	p2 =	slt.u32 s8, $0xFFFFF086  }
0x1c: {  	p1 =	slt.u32 s9, $0xF7A;
	s5 =	simm.s32 @!p2 $0x0  }
0x1d: {  	s5 =	simm.s32 @p1 $0x1;
	p0 =	seq.s32 s7, s2  }
0x1e: {  	s7 =	smul.u32 @!p0 $0xF7A, s2;
	p2 =	seq.s32 @!p0 s5, $0x0  }
0x1f: {  	s9 =	smul.u32 $0xF7A, s1;
	s8 =	simm.s32 @!p0 $0x1BF5;
	p2 =	por !p2, p0  }
0x20: {  	[sflag:s8] =	ssyncset.s32 @!p0 $0xFFFFF086;
	s6 =	sadd.s32 @!p0 s3, s7;
	s7 =	simm.s32 @!p0 $0x108  }
0x21: {  	s3 =	sadd.s32 s3, s9;
	s6 =	sadd.s32 @!p0 $0x88, s6;
	s7 =	simm.s32 @p2 $0x1082  }
0x22: {  	[simem:s7], [sflag:s8] =	dma.local @!p0 [hbm:s6], $0xF7A  }
0x23: {  	s9 =	sor.u32 $0xD0000000, s2;
	s6 =	simm.s32 $0x108;
	_ =	swait.ge @!p0 [sflag:s8], $0x0  }
0x24: {  	s3 =	sadd.s32 $0x88, s3;
	s6 =	simm.s32 @!p1 $0x1082;
	[sflag:s4] =	ssyncset.s32 $0xFFFFF086  }
0x25: {  	[simem:s6], [sflag:s4] =	dma.local [hbm:s3], $0xF7A  }
0x26: {  	[smem:$0x3F5F] =	sst s1;
	(tag) =	ssettag s2;
	_ =	strace s9  }
0x27: {  	s1 =	sld [smem:$0x3F6F]  }
0x28: {  	s2 =	sld [smem:$0x3F70]  }
0x29: {  	s4 =	sld [smem:$0x3F72]  }
0x2a: {  	p0 =	seq.s32 s5, $0x0;
	s5 =	sld [smem:$0x3F73]  }
0x2b: {  	s6 =	sld [smem:$0x3F74]  }
0x2c: {  	s7 =	sld [smem:$0x3F75]  }
0x2d: {  	s3 =	simm.s32 $0x108;
	s8 =	sld [smem:$0x3F76]  }
0x2e: {  	s3 =	simm.s32 @!p0 $0x1082;
	s9 =	sld [smem:$0x3F77]  }
0x2f: {  	lr =	sadd.s32 s0, s3;
	s0 =	sld [smem:$0x3F6E]  }
0x30: {  	s3 =	sld [smem:$0x3F71]  }
0x31: {  	[smem:$0x3F7A] =	sst s10  }
0x32: {  	s10 =	sld [smem:$0x3F78];
	_ =	sdelay $0x3  }
0x33: {  	p0 =	seq.s32 s10, $0x1;
	s10 =	sld [smem:$0x3F7A];
	_ =	sdelay $0x3  }
0x34: {  	[smem:$0x3F7A] =	sst s10  }
0x35: {  	s10 =	sld [smem:$0x3F79];
	_ =	sdelay $0x3  }
0x36: {  	p1 =	seq.s32 s10, $0x1;
	s10 =	sld [smem:$0x3F7A];
	_ =	sdelay $0x3  }
0x37: {  	[smem:$0x3F7A] =	sst s10  }
0x38: {  	s10 =	sld [smem:$0x3F7B]  }
0x39: {  	_ = 	snop;
	(pc) =	sbr.ind lr, $3  }
0x3a: {  	_ = 	snop  }
0x3b: {  	_ = 	snop  }
0x3c: {  	p2 =	seq.s32 s10, $0x1;
	s10 =	sld [smem:$0x3F7A]  }
0x3d: {  	_ =	shalt  }
0x3e: {  	_ =	shalt  }
0x3f: {  	_ =	shalt  }
0x40: {  	_ =	shalt  }
0x41: {  	_ =	shalt  }
0x42: {  	_ =	shalt  }
0x43: {  	_ =	shalt  }
0x44: {  	_ =	shalt  }
0x45: {  	_ =	shalt  }
0x46: {  	_ =	shalt  }
0x47: {  	_ =	shalt  }
0x48: {  	_ =	shalt  }
0x49: {  	_ =	shalt  }
0x4a: {  	_ =	shalt  }
0x4b: {  	_ =	shalt  }
0x4c: {  	_ =	shalt  }
0x4d: {  	_ =	shalt  }
0x4e: {  	_ =	shalt  }
0x4f: {  	_ =	shalt  }
0x50: {  	_ =	shalt  }
0x51: {  	_ =	shalt  }
0x52: {  	_ =	shalt  }
0x53: {  	_ =	shalt  }
0x54: {  	_ =	shalt  }
0x55: {  	_ =	shalt  }
0x56: {  	_ =	shalt  }
0x57: {  	_ =	shalt  }
0x58: {  	_ =	shalt  }
0x59: {  	_ =	shalt  }
0x5a: {  	_ =	shalt  }
0x5b: {  	_ =	shalt  }
0x5c: {  	_ =	shalt  }
0x5d: {  	_ =	shalt  }
0x5e: {  	_ =	shalt  }
0x5f: {  	_ =	shalt  }
0x60: {  	_ =	shalt  }
0x61: {  	_ =	shalt  }
0x62: {  	_ =	shalt  }
0x63: {  	_ =	shalt  }
0x64: {  	_ =	shalt  }
0x65: {  	_ =	shalt  }
0x66: {  	_ =	shalt  }
0x67: {  	_ =	shalt  }
0x68: {  	_ =	shalt  }
0x69: {  	_ =	shalt  }
0x6a: {  	_ =	shalt  }
0x6b: {  	_ =	shalt  }
0x6c: {  	_ =	shalt  }
0x6d: {  	_ =	shalt  }
0x6e: {  	_ =	shalt  }
0x6f: {  	_ =	shalt  }
0x70: {  	_ =	shalt  }
0x71: {  	_ =	shalt  }
0x72: {  	_ =	shalt  }
0x73: {  	_ =	shalt  }
0x74: {  	_ =	shalt  }
0x75: {  	_ =	shalt  }
0x76: {  	_ =	shalt  }
0x77: {  	_ =	shalt  }
0x78: {  	_ =	shalt  }
0x79: {  	_ =	shalt  }
0x7a: {  	_ =	shalt  }
0x7b: {  	_ =	shalt  }
0x7c: {  	_ =	shalt  }
0x7d: {  	_ =	shalt  }
0x7e: {  	_ =	shalt  }
0x7f: {  	_ =	shalt  }
0x80: {  	_ =	shalt  }
0x81: {  	_ =	shalt  }
0x82: {  	_ =	shalt  }
0x83: {  	_ =	shalt  }
0x84: {  	_ =	shalt  }
0x85: {  	_ =	shalt  }
0x86: {  	_ =	shalt  }
0x87: {  	_ =	shalt  }
.Lfunc_end0:
.L_simem_size_0:
called_computation.4_lowered:
.L_overlay_start_0:
0x88: {  	s2 =	sld [smem:$0x3FD9]  }
0x89: {  	s3 =	sld [smem:$0x3FFE];
	_ =	sdelay $0x1  }
0x8a: {  	s1 =	srdreg.scid  }
0x8b: {  	s0 =	sand.u32 $0x1, s1  }
0x8c: {  	s14 =	sshll.u32 s0, $0xA;
	s2 =	sadd.s32 s3, s2  }
0x8d: {  	s2 =	sadd.s32 s2, s14  }
0x8e: {  	[smem:$0x3F86] =	sst s2  }
0x8f: {  	_ = 	snop  }
0x90: {  	s2 =	sld [smem:$0x3FD0];
	_ =	sdelay $0x3  }
0x91: {  	s15 =	simm.s32 $0xB;
	s4 =	simm.s32 $0x10;
	s2 =	sadd.s32 $0x1, s2  }
0x92: {  	[smem:s4], [sflag:s15] =	dma.local [hbm:s2], $0x1  }
0x93: {  	_ =	swait.eq [sflag:s15], $0x1  }
0x94: {  	[sflag:s15] =	ssyncset.done $0x0  }
0x95: {  	[sflag:s15] =	ssyncadd.s32 $0xFFFFFFFF  }
0x96: {  	s16 =	sld [smem:$0x10];
	(tm) =	ssettm $0x1  }
0x97: {  	s17 =	sld [smem:$0x3FFB];
	_ =	sdelay $0x3  }
0x98: {  	_ =	strace s17  }
0x99: {  	s3 =	sld [smem:$0x3FFC];
	_ =	sdelay $0x3  }
0x9a: {  	_ =	strace s3  }
0x9b: {  	s3 =	sld [smem:$0x3FFD];
	_ =	sdelay $0x3  }
0x9c: {  	_ =	strace s3  }
0x9d: {  	_ =	strace $0x8FFFFFFF  }
0x9e: {  	s18 =	sld [smem:$0x3FDB];
	_ =	sdelay $0x1  }
0x9f: {  	s19 =	simm.s32 $_scs_section_size  }
0xa0: {  	s5 =	simm.s32 $_size__tile_overlayer_lowered;
	s6 =	simm.s32 $_tile_overlayer_lowered  }
0xa1: {  	s22 =	simm.s32 $0x1BFF;
	s21 =	sshll.u32 s6, $0x1;
	s3 =	sadd.s32 s19, s18  }
0xa2: {  	s7 =	simm.s32 $0x0;
	s20 =	sshll.u32 s5, $0x1;
	s5 =	sadd.s32 s21, s3  }
0xa3: {  	[timem:s7], [sflag:s22] =	dma.local [hbm:s5], s20  }
0xa4: {  	_ =	swait.ge [sflag:s22], s20  }
0xa5: {  	s4 =	ssub.s32 $0x0, s20;
	[sflag:s22] =	ssyncset.done $0x0  }
0xa6: {  	[sflag:s22] =	ssyncadd.s32 s4;
	_ =	sdelay $0x1  }
0xa7: {  	s23 =	simm.s32 $0x1B8B  }
0xa8: {  	_ =	swait.ge [sflag:s23], $0x1  }
0xa9: {  	[sflag:s23] =	ssyncset.done $0x0  }
0xaa: {  	s25 =	simm.s32 $0x1B8E;
	s24 =	sld [smem:$0x3FFE];
	[sflag:s23] =	ssyncadd.s32 $0xFFFFFFFF  }
0xab: {  	s26 =	simm.s32 $execute0_lowered;
	[smem:$0x3FD2] =	sst s25  }
0xac: {  	s5 =	sshll.u32 s26, $0x1;
	_ =	strace $0x80000052;
	[dreg:$0x1] =	wrdreg $0xFFFFFFFF  }
0xad: {  	s28 =	simm.s32 $_size_execute0_lowered;
	s3 =	sadd.s32 s3, s5;
	[dreg:$0x0] =	wrdreg $0x0  }
0xae: {  	s5 =	sshll.u32 s28, $0x1;
	[dreg:$0x2] =	wrdreg s3  }
0xaf: {  	[dreg:$0x3] =	wrdreg s5  }
0xb0: {  	[dreg:$0x4] =	wrdreg $0xC0  }
0xb1: {  	_ =	task [dreg:s7], $0x5FFFF  }
0xb2: {  	[dreg:$0x1] =	wrdreg $0xFFFFFFFF  }
0xb3: {  	[dreg:$0x0] =	wrdreg $0x60  }
0xb4: {  	[dreg:$0x2] =	wrdreg s24  }
0xb5: {  	[dreg:$0x3] =	wrdreg s16  }
0xb6: {  	[dreg:$0x4] =	wrdreg $0x8F000  }
0xb7: {  	[dreg:$0x5] =	wrdreg $0x9  }
0xb8: {  	_ =	task.clear_ibuf [dreg:s7], $0x6FFFF;
	_ =	strace $0x90000052  }
0xb9: {  	s29 =	simm.s32 $0x9;
	_ =	strace $0x80000054  }
0xba: {  	_ =	swait.ge [sflag:s29], $0x1  }
0xbb: {  	[sflag:s29] =	ssyncadd.s32 $0xFFFFFFFF  }
0xbc: {  	_ =	strace $0x90000054  }
0xbd: {  	_ =	sfence  }
0xbe: {  	s30 =	sld [smem:$0x0];
	_ =	sdelay $0x2  }
0xbf: {  	s31 =	sshll.u32 s1, $0xD;
	s1 =	sshrl.u32 s1, $0x2  }
0xc0: {  	s3 =	sand.u32 $0x4000, s31;
	s1 =	sadd.s32 s1, s30  }
0xc1: {  	s0 =	sor.u32 s3, s0;
	s1 =	sshll.u32 s1, $0x11  }
0xc2: {  	s0 =	sor.u32 s1, s0  }
0xc3: {  	s0 =	sadd.s32 $0x8F2B, s0  }
0xc4: {  	[sflag:s0] =	ssyncadd.remote.s32 $0x1  }
0xc5: {  	_ =	sfence.sel $0xFFFF  }
0xc6: {  	[dreg:$0x0] =	wrdreg $0xFFFFFFFF;
	(pc) =	sbr.abs _section_cstart, $3  }
0xc7: {  	[dreg:$0x1] =	wrdreg $0xFFFFFFFF  }
0xc8: {  	_ =	task.clear_ibuf [dreg:s7], $0x2FFFF;
	_ =	strace $0x9FFFFFFF  }
0xc9: {  	(tm) =	ssettm $0x7FFFFFFF  }
tec
execute0_lowered:
.L_overlay_start_1:
0x0: {  	(tag) =	ssettag $0x1  }
0x1: {  	s6 =	rddreg [dreg:$0x0]  }
0x2: {  	s2 =	rddreg [dreg:$0x1]  }
0x3: {  	s3 =	rddreg [dreg:$0x2]  }
0x4: {  	s4 =	simm.s32 $0x0;
	s1 =	stileid.u32;
	s5 =	srdreg.scid  }
0x5: {  	s16 =	simm.s32 $0x80;
	s17 =	simm.s32 $0x4F00;
	s18 =	simm.s32 $0x6F00  }
0x6: {  	s19 =	simm.s32 $0x1;
	s20 =	simm.s32 $0x2;
	s21 =	simm.s32 $0x3  }
0x7: {  	s22 =	simm.s32 $0x4;
	s23 =	simm.s32 $0x2700;
	s24 =	simm.s32 $0x4E80  }
0x8: {  	s25 =	simm.s32 $0x12D00;
	s26 =	simm.s32 $0x15480;
	s28 =	simm.s32 $0x0  }
0x9: {  	[smem:$0x7FF] =	sst s4;
	s8 =	smul.u32 $0x9E00, s1;
	s7 =	sand.u32 $0x1, s5  }
0xa: {  	s5 =	sadd.s32 $0x1F200, s6;
	s14 =	sshll.u32 s1, $0x6;
	_ =	strace $0x80000053  }
0xb: {  	s9 =	smul.u32 $0x9E000, s7;
	s10 =	sshll.u32 s7, $0x4;
	s7 =	ssub.s32 $0x2, s7  }
0xc: {  	s14 =	sor.u32 $0x1C05, s14;
	s11 =	sshrl.u32 s8, $0x3;
	s10 =	sor.u32 s1, s10  }
0xd: {  	s12 =	sshrl.u32 s7, $0x1;
	s15 =	sadd.s32 s8, s3;
	s9 =	sadd.s32 s8, s9  }
0xe: {  	s10 =	smul.u32 $0x4F0, s10;
	s11 =	sadd.s32 s11, s6;
	s12 =	ssub.s32 s7, s12  }
0xf: {  	s15 =	sshrl.u32 s15, $0x3;
	s9 =	sshrl.u32 s9, $0x3;
	s8 =	sadd.s32 $0x32E00, s11  }
0x10: {  	s11 =	smax.u32 s12, $0x1;
	s12 =	simm.s32 $0x5;
	s31 =	sadd.s32 s10, s6  }
0x11: {  	s13 =	sadd.s32 s9, s6;
	s6 =	sadd.s32 $0x15400, s31;
	s7 =	sadd.s32 $0xB600, s31  }
0x12: {  	s9 =	sadd.s32 $0x6E200, s31;
	s10 =	sadd.s32 $0xD0E00, s13;
	s13 =	simm.s32 $0x2780  }
.LBB2_1:
0x13: {  	[tilespmem:s4], [sflag:$0x5] =	stream.linear.gather [hbm4b:s6+s4], $0x2780, $0x38;
	[tilespmem:$0x17C00] =	vst v63  }
0x14: {  	_ =	swait.ge [sflag:s12], $0x2780  }
0x15: {  	[sflag:s12] =	ssyncset.done $0x0  }
0x16: {  	[sflag:s12] =	ssyncadd.s32 $0xFFFFD880  }
0x17: {  	[tilespmem:s13], [sflag:$0x5] =	stream.linear.gather [hbm4b:s7+s4], $0x2780, $0x38;
	[tilespmem:$0x17C00] =	vst v63  }
0x18: {  	_ =	swait.ge [sflag:s12], $0x2780  }
0x19: {  	[sflag:s12] =	ssyncset.done $0x0  }
0x1a: {  	[sflag:s12] =	ssyncadd.s32 $0xFFFFD880  }
0x1b: {  	[spmem:s15], [sflag:s14] =	dma.local [hbm:s8], $0x13C0  }
0x1c: {  	_ =	swait.ge [sflag:s12], $0x13C0  }
0x1d: {  	[sflag:s12] =	ssyncset.done $0x0  }
0x1e: {  	[sflag:s12] =	ssyncadd.s32 $0xFFFFEC40  }
0x1f: {  	s29 =	simm.s32 $0x0;
	[bflag:$0x0] =	sbarrier.arrive $0xFFFF  }
0x20: {  	[tilespmem:s17], [sflag:$0x1] =	stream.indirect.gather [hbm4b:s5+s16], $0x40, s29, s16, $0xb8;
	[tilespmem:$0x17C00] =	vst v63  }
0x21: {  	s29 =	simm.s32 $0x80  }
0x22: {  	[tilespmem:s18], [sflag:$0x2] =	stream.indirect.gather [hbm4b:s5+s16], $0x40, s29, s16, $0xb8;
	[tilespmem:$0x17C00] =	vst v63  }
0x23: {  	_ =	swait.ge [sflag:s19], $0x2000  }
0x24: {  	[sflag:s19] =	ssyncset.done $0x0  }
0x25: {  	s29 =	simm.s32 $0x2780;
	[sflag:s19] =	ssyncadd.s32 $0xFFFFE000  }
0x26: {  	[spmem:s3] =	stream.indirect.scatter.add.f32 [tilespmem:s17], [sflag:$0x3], $0x40, s29, s16, $0xb8;
	[tilespmem:$0x17C00] =	vst v63  }
0x27: {  	_ =	swait.ge [sflag:s20], $0x2000  }
0x28: {  	[sflag:s20] =	ssyncset.done $0x0  }
0x29: {  	s29 =	simm.s32 $0x2800;
	[sflag:s20] =	ssyncadd.s32 $0xFFFFE000  }
0x2a: {  	[spmem:s3] =	stream.indirect.scatter.add.f32 [tilespmem:s18], [sflag:$0x4], $0x40, s29, s16, $0xb8;
	[tilespmem:$0x17C00] =	vst v63  }
0x2b: {  	_ =	swait.ge [sflag:s21], $0x2000  }
0x2c: {  	[sflag:s21] =	ssyncset.done $0x0  }
0x2d: {  	[sflag:s21] =	ssyncadd.s32 $0xFFFFE000  }
0x2e: {  	_ =	swait.ge [sflag:s22], $0x2000  }
0x2f: {  	s30 =	simm.s32 $0x800;
	s29 =	simm.s32 $0x400;
	[sflag:s22] =	ssyncset.done $0x0  }
.LBB2_2:
0x30: {  	s31 =	sshra.s32 s29, $0x2  }
0x31: {  	[sflag:s22] =	ssyncadd.s32 $0xFFFFE000;
	s29 =	smov.u32 s30;
	s0 =	sadd.s32 $0x400, s30  }
0x32: {  	[tilespmem:s17], [sflag:$0x1] =	stream.indirect.gather [hbm4b:s5+s16], $0x40, s31, s16, $0xb8;
	[tilespmem:$0x17C00] =	vst v63  }
0x33: {  	p0 =	sne.s32 s30, $0x9800;
	s30 =	sadd.s32 $0x80, s31  }
0x34: {  	[tilespmem:s18], [sflag:$0x2] =	stream.indirect.gather [hbm4b:s5+s16], $0x40, s30, s16, $0xb8;
	[tilespmem:$0x17C00] =	vst v63  }
0x35: {  	_ =	swait.ge [sflag:s19], $0x2000  }
0x36: {  	[sflag:s19] =	ssyncset.done $0x0  }
0x37: {  	s30 =	sadd.s32 $0x2780, s31;
	[sflag:s19] =	ssyncadd.s32 $0xFFFFE000  }
0x38: {  	[spmem:s3] =	stream.indirect.scatter.add.f32 [tilespmem:s17], [sflag:$0x3], $0x40, s30, s16, $0xb8;
	[tilespmem:$0x17C00] =	vst v63  }
0x39: {  	_ =	swait.ge [sflag:s20], $0x2000  }
0x3a: {  	[sflag:s20] =	ssyncset.done $0x0  }
0x3b: {  	s30 =	sadd.s32 $0x2800, s31;
	[sflag:s20] =	ssyncadd.s32 $0xFFFFE000  }
0x3c: {  	[spmem:s3] =	stream.indirect.scatter.add.f32 [tilespmem:s18], [sflag:$0x4], $0x40, s30, s16, $0xb8;
	[tilespmem:$0x17C00] =	vst v63  }
.Ltmp0:
0x3d: {  	_ =	swait.ge [sflag:s21], $0x2000;
	(pc) =	sbr.rel @p0 .LBB2_2-.Ltmp0, $4  }
0x3e: {  	[sflag:s21] =	ssyncset.done $0x0  }
0x3f: {  	[sflag:s21] =	ssyncadd.s32 $0xFFFFE000  }
0x40: {  	_ =	swait.ge [sflag:s22], $0x2000  }
0x41: {  	s30 =	smov.u32 s0;
	[sflag:s22] =	ssyncset.done $0x0  }
0x42: {  	s0 =	sshra.s32 s29, $0x2;
	[sflag:s22] =	ssyncadd.s32 $0xFFFFE000  }
0x43: {  	[tilespmem:s17], [sflag:$0x1] =	stream.indirect.gather [hbm4b:s5+s16], $0x40, s0, s16, $0xb8;
	[tilespmem:$0x17C00] =	vst v63  }
0x44: {  	s29 =	sadd.s32 $0x80, s0  }
0x45: {  	[tilespmem:s18], [sflag:$0x2] =	stream.indirect.gather [hbm4b:s5+s16], $0x40, s29, s16, $0xb8;
	[tilespmem:$0x17C00] =	vst v63  }
0x46: {  	_ =	swait.ge [sflag:s19], $0x2000  }
0x47: {  	[sflag:s19] =	ssyncset.done $0x0  }
0x48: {  	s29 =	sadd.s32 $0x2780, s0;
	[sflag:s19] =	ssyncadd.s32 $0xFFFFE000  }
0x49: {  	[spmem:s3] =	stream.indirect.scatter.add.f32 [tilespmem:s17], [sflag:$0x3], $0x40, s29, s16, $0xb8;
	[tilespmem:$0x17C00] =	vst v63  }
0x4a: {  	_ =	swait.ge [sflag:s20], $0x2000  }
0x4b: {  	[sflag:s20] =	ssyncset.done $0x0  }
0x4c: {  	s0 =	sadd.s32 $0x2800, s0;
	[sflag:s20] =	ssyncadd.s32 $0xFFFFE000  }
0x4d: {  	[spmem:s3] =	stream.indirect.scatter.add.f32 [tilespmem:s18], [sflag:$0x4], $0x40, s0, s16, $0xb8;
	[tilespmem:$0x17C00] =	vst v63  }
0x4e: {  	_ =	swait.ge [sflag:s21], $0x2000  }
0x4f: {  	[sflag:s21] =	ssyncset.done $0x0  }
0x50: {  	[sflag:s21] =	ssyncadd.s32 $0xFFFFE000  }
0x51: {  	_ =	swait.ge [sflag:s22], $0x2000  }
0x52: {  	[sflag:s22] =	ssyncset.done $0x0  }
0x53: {  	[sflag:s22] =	ssyncadd.s32 $0xFFFFE000  }
0x54: {  	[tilespmem:s17], [sflag:$0x1] =	stream.indirect.gather [hbm4b:s5+s16], $0x40, s23, s16, $0xb8;
	[tilespmem:$0x17C00] =	vst v63  }
0x55: {  	_ =	swait.ge [sflag:s19], $0x2000  }
0x56: {  	[sflag:s19] =	ssyncset.done $0x0  }
0x57: {  	[sflag:s19] =	ssyncadd.s32 $0xFFFFE000  }
0x58: {  	[spmem:s3] =	stream.indirect.scatter.add.f32 [tilespmem:s17], [sflag:$0x5], $0x40, s24, s16, $0xb8;
	[tilespmem:$0x17C00] =	vst v63  }
0x59: {  	_ =	swait.ge [sflag:s12], $0x2000  }
0x5a: {  	[sflag:s12] =	ssyncset.done $0x0  }
0x5b: {  	s0 =	simm.s32 $0x0;
	[sflag:s12] =	ssyncadd.s32 $0xFFFFE000  }
0x5c: {  	[tilespmem:s25], [sflag:$0x5] =	stream.linear.gather [hbm4b:s2+s0], $0x2780, $0x38;
	[tilespmem:$0x17C00] =	vst v63  }
0x5d: {  	_ =	swait.ge [sflag:s12], $0x2780  }
0x5e: {  	[sflag:s12] =	ssyncset.done $0x0  }
0x5f: {  	s29 =	simm.s32 $0x0;
	[sflag:s12] =	ssyncadd.s32 $0xFFFFD880  }
0x60: {  	v0 =	vld [tilespmem:s29+$0x0]  }
0x61: {  	v1 =	vld [tilespmem:s29+$0x2780];
	_ =	sdelay $0x5  }
0x62: {  	v2 =	vld [tilespmem:s29+$0x10]  }
0x63: {  	v0 =	vld.idx.msk [tilespmem:v0+s25+$0x0], $0xffff  }
0x64: {  	v1 =	vld.idx.msk [tilespmem:v1+s25+$0x0], $0xffff  }
0x65: {  	v3 =	vld [tilespmem:s29+$0x2790];
	_ =	sdelay $0x3  }
0x66: {  	v0 =	vmul.f32 v1, v0;
	_ =	sdelay $0x1  }
0x67: {  	[tilespmem:s29+$0x15480] =	vst v0  }
0x68: {  	v0 =	vld.idx.msk [tilespmem:v2+s25+$0x0], $0xffff  }
0x69: {  	v1 =	vld.idx.msk [tilespmem:v3+s25+$0x0], $0xffff  }
0x6a: {  	v2 =	vld [tilespmem:s29+$0x20]  }
0x6b: {  	v3 =	vld [tilespmem:s29+$0x27A0];
	_ =	sdelay $0x3  }
0x6c: {  	v0 =	vmul.f32 v1, v0;
	_ =	sdelay $0x1  }
0x6d: {  	[tilespmem:s29+$0x15490] =	vst v0  }
0x6e: {  	v0 =	vld.idx.msk [tilespmem:v2+s25+$0x0], $0xffff  }
0x6f: {  	v1 =	vld.idx.msk [tilespmem:v3+s25+$0x0], $0xffff  }
0x70: {  	v2 =	vld [tilespmem:s29+$0x30]  }
0x71: {  	v3 =	vld [tilespmem:s29+$0x27B0];
	_ =	sdelay $0x3  }
0x72: {  	v0 =	vmul.f32 v1, v0;
	_ =	sdelay $0x1  }
0x73: {  	[tilespmem:s29+$0x154A0] =	vst v0  }
0x74: {  	v0 =	vld.idx.msk [tilespmem:v2+s25+$0x0], $0xffff  }
0x75: {  	v1 =	vld.idx.msk [tilespmem:v3+s25+$0x0], $0xffff  }
0x76: {  	v2 =	vld [tilespmem:s29+$0x40]  }
0x77: {  	v3 =	vld [tilespmem:s29+$0x27C0];
	_ =	sdelay $0x3  }
0x78: {  	v0 =	vmul.f32 v1, v0;
	_ =	sdelay $0x1  }
0x79: {  	[tilespmem:s29+$0x154B0] =	vst v0  }
0x7a: {  	v0 =	vld.idx.msk [tilespmem:v2+s25+$0x0], $0xffff  }
0x7b: {  	v1 =	vld.idx.msk [tilespmem:v3+s25+$0x0], $0xffff  }
0x7c: {  	v2 =	vld [tilespmem:s29+$0x50]  }
0x7d: {  	v3 =	vld [tilespmem:s29+$0x27D0];
	_ =	sdelay $0x3  }
0x7e: {  	v0 =	vmul.f32 v1, v0;
	_ =	sdelay $0x1  }
0x7f: {  	[tilespmem:s29+$0x154C0] =	vst v0  }
0x80: {  	v0 =	vld.idx.msk [tilespmem:v2+s25+$0x0], $0xffff  }
0x81: {  	v1 =	vld.idx.msk [tilespmem:v3+s25+$0x0], $0xffff  }
0x82: {  	v2 =	vld [tilespmem:s29+$0x60]  }
0x83: {  	v3 =	vld [tilespmem:s29+$0x27E0];
	_ =	sdelay $0x3  }
0x84: {  	v0 =	vmul.f32 v1, v0;
	_ =	sdelay $0x1  }
0x85: {  	[tilespmem:s29+$0x154D0] =	vst v0  }
0x86: {  	v0 =	vld.idx.msk [tilespmem:v2+s25+$0x0], $0xffff  }
0x87: {  	v1 =	vld.idx.msk [tilespmem:v3+s25+$0x0], $0xffff;
	_ =	sdelay $0x2  }
0x88: {  	v2 =	vld [tilespmem:s29+$0x70];
	_ =	sdelay $0x1  }
0x89: {  	v1 =	vmul.f32 v1, v0;
	v0 =	vld [tilespmem:s29+$0x27F0];
	_ =	sdelay $0x4  }
0x8a: {  	[tilespmem:s29+$0x154E0] =	vst v1  }
0x8b: {  	s30 =	simm.s32 $0x200;
	s31 =	simm.s32 $0x400;
	v1 =	vld.idx.msk [tilespmem:v2+s25+$0x0], $0xffff  }
.LBB2_4:
0x8c: {  	p0 =	sne.s32 s31, $0x9C00  }
0x8d: {  	s0 =	sshra.s32 s30, $0x2;
	v0 =	vld.idx.msk [tilespmem:v0+s25+$0x0], $0xffff;
	s30 =	smov.u32 s31;
	s31 =	sadd.s32 $0x200, s31  }
0x8e: {  	v2 =	vld [tilespmem:s0+$0x0]  }
0x8f: {  	v3 =	vld [tilespmem:s0+$0x2780];
	_ =	sdelay $0x3  }
0x90: {  	v0 =	vmul.f32 v0, v1;
	_ =	sdelay $0x1  }
0x91: {  	v1 =	vld [tilespmem:s0+$0x2790];
	[tilespmem:s29+$0x154F0] =	vst v0;
	s29 =	smov.u32 s0  }
0x92: {  	v0 =	vld.idx.msk [tilespmem:v2+s25+$0x0], $0xffff  }
0x93: {  	v2 =	vld.idx.msk [tilespmem:v3+s25+$0x0], $0xffff  }
0x94: {  	v3 =	vld [tilespmem:s29+$0x10];
	_ =	sdelay $0x4  }
0x95: {  	v0 =	vmul.f32 v2, v0;
	_ =	sdelay $0x1  }
0x96: {  	[tilespmem:s29+$0x15480] =	vst v0;
	v0 =	vld [tilespmem:s29+$0x27A0]  }
0x97: {  	v2 =	vld.idx.msk [tilespmem:v3+s25+$0x0], $0xffff  }
0x98: {  	v1 =	vld.idx.msk [tilespmem:v1+s25+$0x0], $0xffff  }
0x99: {  	v3 =	vld [tilespmem:s29+$0x20];
	_ =	sdelay $0x4  }
0x9a: {  	v1 =	vmul.f32 v1, v2;
	_ =	sdelay $0x1  }
0x9b: {  	[tilespmem:s29+$0x15490] =	vst v1;
	v1 =	vld [tilespmem:s29+$0x27B0]  }
0x9c: {  	v2 =	vld.idx.msk [tilespmem:v3+s25+$0x0], $0xffff  }
0x9d: {  	v0 =	vld.idx.msk [tilespmem:v0+s25+$0x0], $0xffff  }
0x9e: {  	v3 =	vld [tilespmem:s29+$0x30];
	_ =	sdelay $0x4  }
0x9f: {  	v0 =	vmul.f32 v0, v2;
	_ =	sdelay $0x1  }
0xa0: {  	[tilespmem:s29+$0x154A0] =	vst v0;
	v0 =	vld [tilespmem:s29+$0x27C0]  }
0xa1: {  	v2 =	vld.idx.msk [tilespmem:v3+s25+$0x0], $0xffff  }
0xa2: {  	v1 =	vld.idx.msk [tilespmem:v1+s25+$0x0], $0xffff  }
0xa3: {  	v3 =	vld [tilespmem:s29+$0x40];
	_ =	sdelay $0x4  }
0xa4: {  	v1 =	vmul.f32 v1, v2;
	_ =	sdelay $0x1  }
0xa5: {  	[tilespmem:s29+$0x154B0] =	vst v1;
	v1 =	vld [tilespmem:s29+$0x27D0]  }
0xa6: {  	v2 =	vld.idx.msk [tilespmem:v3+s25+$0x0], $0xffff  }
0xa7: {  	v0 =	vld.idx.msk [tilespmem:v0+s25+$0x0], $0xffff  }
0xa8: {  	v3 =	vld [tilespmem:s29+$0x50];
	_ =	sdelay $0x4  }
0xa9: {  	v0 =	vmul.f32 v0, v2;
	_ =	sdelay $0x1  }
0xaa: {  	[tilespmem:s29+$0x154C0] =	vst v0;
	v2 =	vld [tilespmem:s29+$0x27E0]  }
0xab: {  	v0 =	vld.idx.msk [tilespmem:v3+s25+$0x0], $0xffff  }
0xac: {  	v1 =	vld.idx.msk [tilespmem:v1+s25+$0x0], $0xffff  }
0xad: {  	v3 =	vld [tilespmem:s29+$0x60];
	_ =	sdelay $0x4  }
0xae: {  	v0 =	vmul.f32 v1, v0;
	_ =	sdelay $0x1  }
0xaf: {  	[tilespmem:s29+$0x154D0] =	vst v0;
	v0 =	vld [tilespmem:s29+$0x27F0]  }
0xb0: {  	v1 =	vld.idx.msk [tilespmem:v3+s25+$0x0], $0xffff  }
0xb1: {  	v2 =	vld.idx.msk [tilespmem:v2+s25+$0x0], $0xffff  }
0xb2: {  	v3 =	vld [tilespmem:s29+$0x70];
	_ =	sdelay $0x3  }
.Ltmp1:
0xb3: {  	(pc) =	sbr.rel @p0 .LBB2_4-.Ltmp1, $3  }
0xb4: {  	v1 =	vmul.f32 v2, v1;
	_ =	sdelay $0x1  }
0xb5: {  	[tilespmem:s29+$0x154E0] =	vst v1  }
0xb6: {  	v1 =	vld.idx.msk [tilespmem:v3+s25+$0x0], $0xffff  }
0xb7: {  	_ =	sdelay $0x3  }
0xb8: {  	s0 =	sshra.s32 s30, $0x2;
	v0 =	vld.idx.msk [tilespmem:v0+s25+$0x0], $0xffff  }
0xb9: {  	v2 =	vld [tilespmem:s0+$0x0]  }
0xba: {  	v3 =	vld [tilespmem:s0+$0x2780];
	_ =	sdelay $0x2  }
0xbb: {  	v0 =	vmul.f32 v0, v1;
	_ =	sdelay $0x1  }
0xbc: {  	v43 =	vld [tilespmem:s0+$0x2790];
	[tilespmem:s29+$0x154F0] =	vst v0  }
0xbd: {  	v45 =	vld [tilespmem:s0+$0x10]  }
0xbe: {  	v0 =	vld.idx.msk [tilespmem:v2+s25+$0x0], $0xffff  }
0xbf: {  	v44 =	vld.idx.msk [tilespmem:v3+s25+$0x0], $0xffff;
	_ =	sdelay $0x4  }
0xc0: {  	v0 =	vmul.f32 v44, v0;
	_ =	sdelay $0x1  }
0xc1: {  	v46 =	vld [tilespmem:s0+$0x20];
	[tilespmem:s0+$0x15480] =	vst v0  }
0xc2: {  	v0 =	vld.idx.msk [tilespmem:v45+s25+$0x0], $0xffff  }
0xc3: {  	v1 =	vld.idx.msk [tilespmem:v43+s25+$0x0], $0xffff  }
0xc4: {  	v47 =	vld [tilespmem:s0+$0x27A0];
	_ =	sdelay $0x3  }
0xc5: {  	v0 =	vmul.f32 v1, v0;
	_ =	sdelay $0x1  }
0xc6: {  	v49 =	vld [tilespmem:s0+$0x30];
	[tilespmem:s0+$0x15490] =	vst v0  }
0xc7: {  	v0 =	vld.idx.msk [tilespmem:v46+s25+$0x0], $0xffff  }
0xc8: {  	v48 =	vld.idx.msk [tilespmem:v47+s25+$0x0], $0xffff  }
0xc9: {  	v50 =	vld [tilespmem:s0+$0x27B0];
	_ =	sdelay $0x3  }
0xca: {  	v0 =	vmul.f32 v48, v0;
	_ =	sdelay $0x1  }
0xcb: {  	v52 =	vld [tilespmem:s0+$0x40];
	[tilespmem:s0+$0x154A0] =	vst v0  }
0xcc: {  	v0 =	vld.idx.msk [tilespmem:v49+s25+$0x0], $0xffff  }
0xcd: {  	v51 =	vld.idx.msk [tilespmem:v50+s25+$0x0], $0xffff  }
0xce: {  	v53 =	vld [tilespmem:s0+$0x27C0];
	_ =	sdelay $0x3  }
0xcf: {  	v0 =	vmul.f32 v51, v0;
	_ =	sdelay $0x1  }
0xd0: {  	v55 =	vld [tilespmem:s0+$0x50];
	[tilespmem:s0+$0x154B0] =	vst v0  }
0xd1: {  	v0 =	vld.idx.msk [tilespmem:v52+s25+$0x0], $0xffff  }
0xd2: {  	v54 =	vld.idx.msk [tilespmem:v53+s25+$0x0], $0xffff  }
0xd3: {  	v56 =	vld [tilespmem:s0+$0x27D0];
	_ =	sdelay $0x3  }
0xd4: {  	v0 =	vmul.f32 v54, v0;
	_ =	sdelay $0x1  }
0xd5: {  	v58 =	vld [tilespmem:s0+$0x60];
	[tilespmem:s0+$0x154C0] =	vst v0  }
0xd6: {  	v0 =	vld.idx.msk [tilespmem:v55+s25+$0x0], $0xffff  }
0xd7: {  	v57 =	vld.idx.msk [tilespmem:v56+s25+$0x0], $0xffff  }
0xd8: {  	v59 =	vld [tilespmem:s0+$0x27E0];
	_ =	sdelay $0x3  }
0xd9: {  	v0 =	vmul.f32 v57, v0;
	_ =	sdelay $0x1  }
0xda: {  	v61 =	vld [tilespmem:s0+$0x70];
	[tilespmem:s0+$0x154D0] =	vst v0  }
0xdb: {  	v0 =	vld.idx.msk [tilespmem:v58+s25+$0x0], $0xffff  }
0xdc: {  	v60 =	vld.idx.msk [tilespmem:v59+s25+$0x0], $0xffff  }
0xdd: {  	v62 =	vld [tilespmem:s0+$0x27F0];
	_ =	sdelay $0x3  }
0xde: {  	v0 =	vmul.f32 v60, v0;
	_ =	sdelay $0x1  }
0xdf: {  	[tilespmem:s0+$0x154E0] =	vst v0  }
0xe0: {  	v0 =	vld.idx.msk [tilespmem:v61+s25+$0x0], $0xffff  }
0xe1: {  	v63 =	vld.idx.msk [tilespmem:v62+s25+$0x0], $0xffff;
	_ =	sdelay $0x4  }
0xe2: {  	v0 =	vmul.f32 v63, v0;
	_ =	sdelay $0x1  }
0xe3: {  	[tilespmem:s0+$0x154F0] =	vst v0  }
0xe4: {  	[hbm4b:s9+s4] =	stream.linear.scatter [tilespmem:s26], [sflag:$0x5], $0x2780, $0x38;
	[tilespmem:$0x17C00] =	vst v63  }
0xe5: {  	_ =	swait.ge [sflag:s12], $0x2780  }
0xe6: {  	s28 =	sadd.s32 $0x1, s28;
	[sflag:s12] =	ssyncset.done $0x0  }
0xe7: {  	p0 =	sne.s32 s28, s11;
	[sflag:s12] =	ssyncadd.s32 $0xFFFFD880  }
.Ltmp2:
0xe8: {  	[bflag:$0x0] =	sbarrier.arrive $0xFFFF;
	(pc) =	sbr.rel @p0 .LBB2_1-.Ltmp2, $4  }
0xe9: {  	[hbm:s10], [sflag:s14] =	dma.local [spmem:s15], $0x13C0  }
0xea: {  	_ =	swait.ge [sflag:s12], $0x13C0  }
0xeb: {  	[sflag:s12] =	ssyncset.done $0x0  }
0xec: {  	[sflag:s12] =	ssyncadd.s32 $0xFFFFEC40  }
0xed: {  	_ =	sfence.sel $0x180000  }
0xee: {  	[bflag:$0x0] =	sbarrier.arrive $0xFFFF  }
0xef: {  	_ =	strace $0x90000053  }
0xf0: {  	[bflag:$0x2] =	sbarrier.arrive $0xFFFF  }
0xf1: {  	p0 =	sne.s32 s1, $0x0;
	s0 =	rddreg [dreg:$0x3]  }
0xf2: {  	s0 =	sadd.s32 @!p0 $0x100000, s0  }
0xf3: {  	[sflag:s0] =	ssyncadd.tile.s32 @!p0 $0x1;
	_ =	shalt  }
.Lfunc_end2:
_tile_overlayer_lowered:
.L_overlay_start_2:
0xf4: {  	(tag) =	ssettag $0x2  }
0xf5: {  	s0 =	rddreg [dreg:$0x0];
	s2 =	stileid.u32  }
0xf6: {  	s1 =	rddreg [dreg:$0x1];
	p0 =	sne.s32 s2, $0x0  }
0xf7: {  	s3 =	rddreg [dreg:$0x2];
	[bflag:$0x3] =	sbarrier.arrive $0xFFFF;
	s2 =	simm.s32 @!p0 $0x1C05  }
0xf8: {  	[timem:s3], [sflag:s2] =	dma.local @!p0 [hbm:s0], s1  }
0xf9: {  	s0 =	simm.s32 @!p0 $0x5  }
0xfa: {  	_ =	swait.ge @!p0 [sflag:s0], s1  }
0xfb: {  	s1 =	ssub.s32 @!p0 $0x0, s1;
	[sflag:s0] =	ssyncset.done @!p0 $0x0  }
0xfc: {  	[sflag:s0] =	ssyncadd.s32 @!p0 s1  }
0xfd: {  	[bflag:$0x3] =	sbarrier.arrive $0xFFFF  }
0xfe: {  	_ =	shalt  }

// kernel: kernel.31.cloned.1.call-start
scs
__scs_entry_jumppad:
0x0: {  	(pc) =	sbr.rel $0x88, $3  }
0x1: {  	(tag) =	ssettag $0x0;
	lr =	simm.s32 $0x1  }
0x2: {  	[smem:$0x3F5F] =	sst lr;
	_ =	strace $0xD0000000  }
0x3: {  	_ = 	snop  }
0x4: {  	_ = 	snop  }
0x5: {  	_ = 	snop  }
0x6: {  	_ = 	snop  }
0x7: {  	_ = 	snop  }
__scs_overlays_trampoline_lowered:
0x8: {  	[smem:$0x3F6E] =	sst s0  }
0x9: {  	[smem:$0x3F6F] =	sst s1  }
0xa: {  	[smem:$0x3F70] =	sst s2  }
0xb: {  	[smem:$0x3F71] =	sst s3  }
0xc: {  	[smem:$0x3F72] =	sst s4  }
0xd: {  	[smem:$0x3F73] =	sst s5  }
0xe: {  	[smem:$0x3F74] =	sst s6  }
0xf: {  	[smem:$0x3F75] =	sst s7  }
0x10: {  	[smem:$0x3F76] =	sst s8  }
0x11: {  	[smem:$0x3F77] =	sst s9;
	s0 =	simm.s32 @!p0 $0x0  }
0x12: {  	s1 =	sld [smem:$0x3F5D];
	s0 =	simm.s32 @p0 $0x1  }
0x13: {  	[smem:$0x3F78] =	sst s0;
	s0 =	simm.s32 @!p1 $0x0  }
0x14: {  	s2 =	sld [smem:$0x3F5C];
	s0 =	simm.s32 @p1 $0x1  }
0x15: {  	[smem:$0x3F79] =	sst s0;
	s0 =	simm.s32 @!p2 $0x0  }
0x16: {  	s3 =	sld [smem:$0x3FDB];
	s0 =	simm.s32 @p2 $0x1  }
0x17: {  	s4 =	simm.s32 $0x1BF5;
	[smem:$0x3F7B] =	sst s0  }
0x18: {  	s0 =	sld [smem:$0x3F5E];
	_ =	swait.ge [sflag:s4], $0x0  }
0x19: {  	s7 =	sld [smem:$0x3F5F]  }
0x1a: {  	s8 =	sadd.s32 $0xFFFFE003, lr  }
0x1b: {  	s9 =	sadd.s32 $0xFFFFFEF7, lr;
	s5 =	simm.s32 $0xFFFFFFFF;
	p2 =	slt.u32 s8, $0xFFFFF086  }
0x1c: {  	p1 =	slt.u32 s9, $0xF7A;
	s5 =	simm.s32 @!p2 $0x0  }
0x1d: {  	s5 =	simm.s32 @p1 $0x1;
	p0 =	seq.s32 s7, s2  }
0x1e: {  	s7 =	smul.u32 @!p0 $0xF7A, s2;
	p2 =	seq.s32 @!p0 s5, $0x0  }
0x1f: {  	s9 =	smul.u32 $0xF7A, s1;
	s8 =	simm.s32 @!p0 $0x1BF5;
	p2 =	por !p2, p0  }
0x20: {  	[sflag:s8] =	ssyncset.s32 @!p0 $0xFFFFF086;
	s6 =	sadd.s32 @!p0 s3, s7;
	s7 =	simm.s32 @!p0 $0x108  }
0x21: {  	s3 =	sadd.s32 s3, s9;
	s6 =	sadd.s32 @!p0 $0x88, s6;
	s7 =	simm.s32 @p2 $0x1082  }
0x22: {  	[simem:s7], [sflag:s8] =	dma.local @!p0 [hbm:s6], $0xF7A  }
0x23: {  	s9 =	sor.u32 $0xD0000000, s2;
	s6 =	simm.s32 $0x108;
	_ =	swait.ge @!p0 [sflag:s8], $0x0  }
0x24: {  	s3 =	sadd.s32 $0x88, s3;
	s6 =	simm.s32 @!p1 $0x1082;
	[sflag:s4] =	ssyncset.s32 $0xFFFFF086  }
0x25: {  	[simem:s6], [sflag:s4] =	dma.local [hbm:s3], $0xF7A  }
0x26: {  	[smem:$0x3F5F] =	sst s1;
	(tag) =	ssettag s2;
	_ =	strace s9  }
0x27: {  	s1 =	sld [smem:$0x3F6F]  }
0x28: {  	s2 =	sld [smem:$0x3F70]  }
0x29: {  	s4 =	sld [smem:$0x3F72]  }
0x2a: {  	p0 =	seq.s32 s5, $0x0;
	s5 =	sld [smem:$0x3F73]  }
0x2b: {  	s6 =	sld [smem:$0x3F74]  }
0x2c: {  	s7 =	sld [smem:$0x3F75]  }
0x2d: {  	s3 =	simm.s32 $0x108;
	s8 =	sld [smem:$0x3F76]  }
0x2e: {  	s3 =	simm.s32 @!p0 $0x1082;
	s9 =	sld [smem:$0x3F77]  }
0x2f: {  	lr =	sadd.s32 s0, s3;
	s0 =	sld [smem:$0x3F6E]  }
0x30: {  	s3 =	sld [smem:$0x3F71]  }
0x31: {  	[smem:$0x3F7A] =	sst s10  }
0x32: {  	s10 =	sld [smem:$0x3F78];
	_ =	sdelay $0x3  }
0x33: {  	p0 =	seq.s32 s10, $0x1;
	s10 =	sld [smem:$0x3F7A];
	_ =	sdelay $0x3  }
0x34: {  	[smem:$0x3F7A] =	sst s10  }
0x35: {  	s10 =	sld [smem:$0x3F79];
	_ =	sdelay $0x3  }
0x36: {  	p1 =	seq.s32 s10, $0x1;
	s10 =	sld [smem:$0x3F7A];
	_ =	sdelay $0x3  }
0x37: {  	[smem:$0x3F7A] =	sst s10  }
0x38: {  	s10 =	sld [smem:$0x3F7B]  }
0x39: {  	_ = 	snop;
	(pc) =	sbr.ind lr, $3  }
0x3a: {  	_ = 	snop  }
0x3b: {  	_ = 	snop  }
0x3c: {  	p2 =	seq.s32 s10, $0x1;
	s10 =	sld [smem:$0x3F7A]  }
0x3d: {  	_ =	shalt  }
0x3e: {  	_ =	shalt  }
0x3f: {  	_ =	shalt  }
0x40: {  	_ =	shalt  }
0x41: {  	_ =	shalt  }
0x42: {  	_ =	shalt  }
0x43: {  	_ =	shalt  }
0x44: {  	_ =	shalt  }
0x45: {  	_ =	shalt  }
0x46: {  	_ =	shalt  }
0x47: {  	_ =	shalt  }
0x48: {  	_ =	shalt  }
0x49: {  	_ =	shalt  }
0x4a: {  	_ =	shalt  }
0x4b: {  	_ =	shalt  }
0x4c: {  	_ =	shalt  }
0x4d: {  	_ =	shalt  }
0x4e: {  	_ =	shalt  }
0x4f: {  	_ =	shalt  }
0x50: {  	_ =	shalt  }
0x51: {  	_ =	shalt  }
0x52: {  	_ =	shalt  }
0x53: {  	_ =	shalt  }
0x54: {  	_ =	shalt  }
0x55: {  	_ =	shalt  }
0x56: {  	_ =	shalt  }
0x57: {  	_ =	shalt  }
0x58: {  	_ =	shalt  }
0x59: {  	_ =	shalt  }
0x5a: {  	_ =	shalt  }
0x5b: {  	_ =	shalt  }
0x5c: {  	_ =	shalt  }
0x5d: {  	_ =	shalt  }
0x5e: {  	_ =	shalt  }
0x5f: {  	_ =	shalt  }
0x60: {  	_ =	shalt  }
0x61: {  	_ =	shalt  }
0x62: {  	_ =	shalt  }
0x63: {  	_ =	shalt  }
0x64: {  	_ =	shalt  }
0x65: {  	_ =	shalt  }
0x66: {  	_ =	shalt  }
0x67: {  	_ =	shalt  }
0x68: {  	_ =	shalt  }
0x69: {  	_ =	shalt  }
0x6a: {  	_ =	shalt  }
0x6b: {  	_ =	shalt  }
0x6c: {  	_ =	shalt  }
0x6d: {  	_ =	shalt  }
0x6e: {  	_ =	shalt  }
0x6f: {  	_ =	shalt  }
0x70: {  	_ =	shalt  }
0x71: {  	_ =	shalt  }
0x72: {  	_ =	shalt  }
0x73: {  	_ =	shalt  }
0x74: {  	_ =	shalt  }
0x75: {  	_ =	shalt  }
0x76: {  	_ =	shalt  }
0x77: {  	_ =	shalt  }
0x78: {  	_ =	shalt  }
0x79: {  	_ =	shalt  }
0x7a: {  	_ =	shalt  }
0x7b: {  	_ =	shalt  }
0x7c: {  	_ =	shalt  }
0x7d: {  	_ =	shalt  }
0x7e: {  	_ =	shalt  }
0x7f: {  	_ =	shalt  }
0x80: {  	_ =	shalt  }
0x81: {  	_ =	shalt  }
0x82: {  	_ =	shalt  }
0x83: {  	_ =	shalt  }
0x84: {  	_ =	shalt  }
0x85: {  	_ =	shalt  }
0x86: {  	_ =	shalt  }
0x87: {  	_ =	shalt  }
.Lfunc_end0:
.L_simem_size_0:
called_computation.5_lowered:
.L_overlay_start_0:
0x88: {  	s2 =	sld [smem:$0x3FD9]  }
0x89: {  	s3 =	sld [smem:$0x3FFE];
	_ =	sdelay $0x1  }
0x8a: {  	s1 =	srdreg.scid  }
0x8b: {  	s0 =	sand.u32 $0x1, s1  }
0x8c: {  	s16 =	sshll.u32 s0, $0xA;
	s2 =	sadd.s32 s3, s2  }
0x8d: {  	s2 =	sadd.s32 s2, s16  }
0x8e: {  	[smem:$0x3F86] =	sst s2  }
0x8f: {  	_ = 	snop  }
0x90: {  	(tm) =	ssettm $0x1  }
0x91: {  	s17 =	sld [smem:$0x3FFB];
	_ =	sdelay $0x3  }
0x92: {  	_ =	strace s17  }
0x93: {  	s2 =	sld [smem:$0x3FFC];
	_ =	sdelay $0x3  }
0x94: {  	_ =	strace s2  }
0x95: {  	s2 =	sld [smem:$0x3FFD];
	_ =	sdelay $0x3  }
0x96: {  	_ =	strace s2  }
0x97: {  	_ =	strace $0x8FFFFFFF  }
0x98: {  	s18 =	sld [smem:$0x3FDB];
	_ =	sdelay $0x1  }
0x99: {  	s19 =	simm.s32 $_scs_section_size  }
0x9a: {  	s4 =	simm.s32 $_size__tile_overlayer_lowered;
	s5 =	simm.s32 $_tile_overlayer_lowered  }
0x9b: {  	s22 =	simm.s32 $0x1BFF;
	s21 =	sshll.u32 s5, $0x1;
	s2 =	sadd.s32 s19, s18  }
0x9c: {  	s6 =	simm.s32 $0x0;
	s20 =	sshll.u32 s4, $0x1;
	s4 =	sadd.s32 s21, s2  }
0x9d: {  	[timem:s6], [sflag:s22] =	dma.local [hbm:s4], s20  }
0x9e: {  	_ =	swait.ge [sflag:s22], s20  }
0x9f: {  	s3 =	ssub.s32 $0x0, s20;
	[sflag:s22] =	ssyncset.done $0x0  }
0xa0: {  	[sflag:s22] =	ssyncadd.s32 s3;
	_ =	sdelay $0x1  }
0xa1: {  	s23 =	simm.s32 $0x1B8B  }
0xa2: {  	_ =	swait.ge [sflag:s23], $0x1  }
0xa3: {  	[sflag:s23] =	ssyncset.done $0x0  }
0xa4: {  	s25 =	simm.s32 $0x1B8E;
	s24 =	sld [smem:$0x3FFE];
	[sflag:s23] =	ssyncadd.s32 $0xFFFFFFFF  }
0xa5: {  	s26 =	simm.s32 $execute0_lowered;
	[smem:$0x3FD2] =	sst s25  }
0xa6: {  	s4 =	sshll.u32 s26, $0x1;
	_ =	strace $0x80000055;
	[dreg:$0x1] =	wrdreg $0xFFFFFFFF  }
0xa7: {  	s28 =	simm.s32 $_size_execute0_lowered;
	s2 =	sadd.s32 s2, s4;
	[dreg:$0x0] =	wrdreg $0x0  }
0xa8: {  	s4 =	sshll.u32 s28, $0x1;
	[dreg:$0x2] =	wrdreg s2  }
0xa9: {  	[dreg:$0x3] =	wrdreg s4  }
0xaa: {  	[dreg:$0x4] =	wrdreg $0xC0  }
0xab: {  	_ =	task [dreg:s6], $0x5FFFF  }
0xac: {  	[dreg:$0x1] =	wrdreg $0xFFFFFFFF  }
0xad: {  	[dreg:$0x0] =	wrdreg $0x60  }
0xae: {  	[dreg:$0x2] =	wrdreg s24  }
0xaf: {  	[dreg:$0x3] =	wrdreg $0x8F000  }
0xb0: {  	[dreg:$0x4] =	wrdreg $0x9  }
0xb1: {  	_ =	task.clear_ibuf [dreg:s6], $0x5FFFF;
	_ =	strace $0x90000055  }
0xb2: {  	s29 =	simm.s32 $0x9;
	_ =	strace $0x80000057  }
0xb3: {  	_ =	swait.ge [sflag:s29], $0x1  }
0xb4: {  	[sflag:s29] =	ssyncadd.s32 $0xFFFFFFFF  }
0xb5: {  	_ =	strace $0x90000057  }
0xb6: {  	_ =	sfence  }
0xb7: {  	s30 =	sld [smem:$0x0];
	_ =	sdelay $0x2  }
0xb8: {  	s31 =	sshll.u32 s1, $0xD;
	s1 =	sshrl.u32 s1, $0x2  }
0xb9: {  	s3 =	sand.u32 $0x4000, s31;
	s1 =	sadd.s32 s1, s30  }
0xba: {  	s0 =	sor.u32 s3, s0;
	s1 =	sshll.u32 s1, $0x11  }
0xbb: {  	s0 =	sor.u32 s1, s0  }
0xbc: {  	s0 =	sadd.s32 $0x8F2B, s0  }
0xbd: {  	[sflag:s0] =	ssyncadd.remote.s32 $0x1  }
0xbe: {  	_ =	sfence.sel $0xFFFF  }
0xbf: {  	[dreg:$0x0] =	wrdreg $0xFFFFFFFF;
	(pc) =	sbr.abs _section_cstart, $3  }
0xc0: {  	[dreg:$0x1] =	wrdreg $0xFFFFFFFF  }
0xc1: {  	_ =	task.clear_ibuf [dreg:s6], $0x2FFFF;
	_ =	strace $0x9FFFFFFF  }
0xc2: {  	(tm) =	ssettm $0x7FFFFFFF  }
0xc3: {  	_ =	shalt  }
tec
execute0_lowered:
.L_overlay_start_1:
0x0: {  	(tag) =	ssettag $0x1  }
0x1: {  	s6 =	rddreg [dreg:$0x0]  }
0x2: {  	s0 =	srdreg.scid;
	s2 =	rddreg [dreg:$0x1]  }
0x3: {  	s3 =	simm.s32 $0x0;
	s14 =	simm.s32 $0x80;
	s15 =	simm.s32 $0x4F00  }
0x4: {  	s16 =	simm.s32 $0x6F00;
	s17 =	simm.s32 $0x1;
	s18 =	simm.s32 $0x2  }
0x5: {  	s19 =	simm.s32 $0x3;
	s20 =	simm.s32 $0x4;
	s21 =	simm.s32 $0x2700  }
0x6: {  	s22 =	simm.s32 $0x4E80;
	s5 =	sand.u32 $0x1, s0;
	s0 =	stileid.u32  }
0x7: {  	s23 =	simm.s32 $0x0;
	[smem:$0x7FF] =	sst s3;
	s8 =	smul.u32 $0x9E00, s0  }
0x8: {  	s4 =	sadd.s32 $0x1F200, s6;
	s1 =	sshll.u32 s5, $0x4;
	s9 =	smul.u32 $0x9E000, s5  }
0x9: {  	s5 =	ssub.s32 $0x2, s5;
	s12 =	sshll.u32 s0, $0x6;
	s1 =	sor.u32 s0, s1  }
0xa: {  	s11 =	sshrl.u32 s5, $0x1;
	s12 =	sor.u32 $0x1C05, s12;
	s7 =	smul.u32 $0x4F0, s1  }
0xb: {  	s1 =	rddreg [dreg:$0x2];
	_ =	strace $0x80000056;
	s9 =	sadd.s32 s8, s9  }
0xc: {  	s10 =	sshrl.u32 s8, $0x3;
	s11 =	ssub.s32 s5, s11;
	s13 =	sadd.s32 s8, s2  }
0xd: {  	s9 =	sshrl.u32 s9, $0x3;
	s10 =	sadd.s32 s10, s6;
	s7 =	sadd.s32 s7, s6  }
0xe: {  	s13 =	sshrl.u32 s13, $0x3;
	s9 =	sadd.s32 s9, s6;
	s5 =	sadd.s32 $0x15400, s7  }
0xf: {  	s6 =	sadd.s32 $0xB600, s7;
	s7 =	sadd.s32 $0x32E00, s10;
	s8 =	sadd.s32 $0xD0E00, s9  }
0x10: {  	s9 =	smax.u32 s11, $0x1;
	s10 =	simm.s32 $0x5;
	s11 =	simm.s32 $0x2780  }
.LBB2_1:
0x11: {  	[tilespmem:s3], [sflag:$0x5] =	stream.linear.gather [hbm4b:s5+s3], $0x2780, $0x38;
	[tilespmem:$0x12D00] =	vst v63  }
0x12: {  	_ =	swait.ge [sflag:s10], $0x2780  }
0x13: {  	[sflag:s10] =	ssyncset.done $0x0  }
0x14: {  	[sflag:s10] =	ssyncadd.s32 $0xFFFFD880  }
0x15: {  	[tilespmem:s11], [sflag:$0x5] =	stream.linear.gather [hbm4b:s6+s3], $0x2780, $0x38;
	[tilespmem:$0x12D00] =	vst v63  }
0x16: {  	_ =	swait.ge [sflag:s10], $0x2780  }
0x17: {  	[sflag:s10] =	ssyncset.done $0x0  }
0x18: {  	[sflag:s10] =	ssyncadd.s32 $0xFFFFD880  }
0x19: {  	[spmem:s13], [sflag:s12] =	dma.local [hbm:s7], $0x13C0  }
0x1a: {  	_ =	swait.ge [sflag:s10], $0x13C0  }
0x1b: {  	[sflag:s10] =	ssyncset.done $0x0  }
0x1c: {  	[sflag:s10] =	ssyncadd.s32 $0xFFFFEC40  }
0x1d: {  	s24 =	simm.s32 $0x0;
	[bflag:$0x0] =	sbarrier.arrive $0xFFFF  }
0x1e: {  	[tilespmem:s15], [sflag:$0x1] =	stream.indirect.gather [hbm4b:s4+s14], $0x40, s24, s14, $0xb8;
	[tilespmem:$0x12D00] =	vst v63  }
0x1f: {  	s29 =	simm.s32 $0x80  }
0x20: {  	[tilespmem:s16], [sflag:$0x2] =	stream.indirect.gather [hbm4b:s4+s14], $0x40, s29, s14, $0xb8;
	[tilespmem:$0x12D00] =	vst v63  }
0x21: {  	_ =	swait.ge [sflag:s17], $0x2000  }
0x22: {  	[sflag:s17] =	ssyncset.done $0x0  }
0x23: {  	s30 =	simm.s32 $0x2780;
	[sflag:s17] =	ssyncadd.s32 $0xFFFFE000  }
0x24: {  	[spmem:s2] =	stream.indirect.scatter.add.f32 [tilespmem:s15], [sflag:$0x3], $0x40, s30, s14, $0xb8;
	[tilespmem:$0x12D00] =	vst v63  }
0x25: {  	_ =	swait.ge [sflag:s18], $0x2000  }
0x26: {  	[sflag:s18] =	ssyncset.done $0x0  }
0x27: {  	s31 =	simm.s32 $0x2800;
	[sflag:s18] =	ssyncadd.s32 $0xFFFFE000  }
0x28: {  	[spmem:s2] =	stream.indirect.scatter.add.f32 [tilespmem:s16], [sflag:$0x4], $0x40, s31, s14, $0xb8;
	[tilespmem:$0x12D00] =	vst v63  }
0x29: {  	_ =	swait.ge [sflag:s19], $0x2000  }
0x2a: {  	[sflag:s19] =	ssyncset.done $0x0  }
0x2b: {  	[sflag:s19] =	ssyncadd.s32 $0xFFFFE000  }
0x2c: {  	_ =	swait.ge [sflag:s20], $0x2000  }
0x2d: {  	s25 =	simm.s32 $0x800;
	s24 =	simm.s32 $0x400;
	[sflag:s20] =	ssyncset.done $0x0  }
.LBB2_2:
0x2e: {  	s26 =	sshra.s32 s24, $0x2  }
0x2f: {  	[sflag:s20] =	ssyncadd.s32 $0xFFFFE000;
	s24 =	smov.u32 s25;
	s28 =	sadd.s32 $0x400, s25  }
0x30: {  	[tilespmem:s15], [sflag:$0x1] =	stream.indirect.gather [hbm4b:s4+s14], $0x40, s26, s14, $0xb8;
	[tilespmem:$0x12D00] =	vst v63  }
0x31: {  	p0 =	sne.s32 s25, $0x9800;
	s25 =	sadd.s32 $0x80, s26  }
0x32: {  	[tilespmem:s16], [sflag:$0x2] =	stream.indirect.gather [hbm4b:s4+s14], $0x40, s25, s14, $0xb8;
	[tilespmem:$0x12D00] =	vst v63  }
0x33: {  	_ =	swait.ge [sflag:s17], $0x2000  }
0x34: {  	[sflag:s17] =	ssyncset.done $0x0  }
0x35: {  	s25 =	sadd.s32 $0x2780, s26;
	[sflag:s17] =	ssyncadd.s32 $0xFFFFE000  }
0x36: {  	[spmem:s2] =	stream.indirect.scatter.add.f32 [tilespmem:s15], [sflag:$0x3], $0x40, s25, s14, $0xb8;
	[tilespmem:$0x12D00] =	vst v63  }
0x37: {  	_ =	swait.ge [sflag:s18], $0x2000  }
0x38: {  	[sflag:s18] =	ssyncset.done $0x0  }
0x39: {  	s25 =	sadd.s32 $0x2800, s26;
	[sflag:s18] =	ssyncadd.s32 $0xFFFFE000  }
0x3a: {  	[spmem:s2] =	stream.indirect.scatter.add.f32 [tilespmem:s16], [sflag:$0x4], $0x40, s25, s14, $0xb8;
	[tilespmem:$0x12D00] =	vst v63  }
.Ltmp0:
0x3b: {  	_ =	swait.ge [sflag:s19], $0x2000;
	(pc) =	sbr.rel @p0 .LBB2_2-.Ltmp0, $4  }
0x3c: {  	[sflag:s19] =	ssyncset.done $0x0  }
0x3d: {  	[sflag:s19] =	ssyncadd.s32 $0xFFFFE000  }
0x3e: {  	_ =	swait.ge [sflag:s20], $0x2000  }
0x3f: {  	s25 =	smov.u32 s28;
	[sflag:s20] =	ssyncset.done $0x0  }
0x40: {  	s24 =	sshra.s32 s24, $0x2;
	[sflag:s20] =	ssyncadd.s32 $0xFFFFE000  }
0x41: {  	[tilespmem:s15], [sflag:$0x1] =	stream.indirect.gather [hbm4b:s4+s14], $0x40, s24, s14, $0xb8;
	[tilespmem:$0x12D00] =	vst v63  }
0x42: {  	s25 =	sadd.s32 $0x80, s24  }
0x43: {  	[tilespmem:s16], [sflag:$0x2] =	stream.indirect.gather [hbm4b:s4+s14], $0x40, s25, s14, $0xb8;
	[tilespmem:$0x12D00] =	vst v63  }
0x44: {  	_ =	swait.ge [sflag:s17], $0x2000  }
0x45: {  	[sflag:s17] =	ssyncset.done $0x0  }
0x46: {  	s31 =	sadd.s32 $0x2780, s24;
	[sflag:s17] =	ssyncadd.s32 $0xFFFFE000  }
0x47: {  	[spmem:s2] =	stream.indirect.scatter.add.f32 [tilespmem:s15], [sflag:$0x3], $0x40, s31, s14, $0xb8;
	[tilespmem:$0x12D00] =	vst v63  }
0x48: {  	_ =	swait.ge [sflag:s18], $0x2000  }
0x49: {  	[sflag:s18] =	ssyncset.done $0x0  }
0x4a: {  	s24 =	sadd.s32 $0x2800, s24;
	[sflag:s18] =	ssyncadd.s32 $0xFFFFE000  }
0x4b: {  	[spmem:s2] =	stream.indirect.scatter.add.f32 [tilespmem:s16], [sflag:$0x4], $0x40, s24, s14, $0xb8;
	[tilespmem:$0x12D00] =	vst v63  }
0x4c: {  	_ =	swait.ge [sflag:s19], $0x2000  }
0x4d: {  	[sflag:s19] =	ssyncset.done $0x0  }
0x4e: {  	[sflag:s19] =	ssyncadd.s32 $0xFFFFE000  }
0x4f: {  	_ =	swait.ge [sflag:s20], $0x2000  }
0x50: {  	[sflag:s20] =	ssyncset.done $0x0  }
0x51: {  	[sflag:s20] =	ssyncadd.s32 $0xFFFFE000  }
0x52: {  	[tilespmem:s15], [sflag:$0x1] =	stream.indirect.gather [hbm4b:s4+s14], $0x40, s21, s14, $0xb8;
	[tilespmem:$0x12D00] =	vst v63  }
0x53: {  	_ =	swait.ge [sflag:s17], $0x2000  }
0x54: {  	[sflag:s17] =	ssyncset.done $0x0  }
0x55: {  	[sflag:s17] =	ssyncadd.s32 $0xFFFFE000  }
0x56: {  	[spmem:s2] =	stream.indirect.scatter.add.f32 [tilespmem:s15], [sflag:$0x5], $0x40, s22, s14, $0xb8;
	[tilespmem:$0x12D00] =	vst v63  }
0x57: {  	_ =	swait.ge [sflag:s10], $0x2000  }
0x58: {  	s23 =	sadd.s32 $0x1, s23;
	[sflag:s10] =	ssyncset.done $0x0  }
0x59: {  	p0 =	sne.s32 s23, s9;
	[sflag:s10] =	ssyncadd.s32 $0xFFFFE000  }
.Ltmp1:
0x5a: {  	[bflag:$0x0] =	sbarrier.arrive $0xFFFF;
	(pc) =	sbr.rel @p0 .LBB2_1-.Ltmp1, $4  }
0x5b: {  	[hbm:s8], [sflag:s12] =	dma.local [spmem:s13], $0x13C0  }
0x5c: {  	_ =	swait.ge [sflag:s10], $0x13C0  }
0x5d: {  	[sflag:s10] =	ssyncset.done $0x0  }
0x5e: {  	[sflag:s10] =	ssyncadd.s32 $0xFFFFEC40  }
0x5f: {  	_ =	sfence.sel $0x180000  }
0x60: {  	[bflag:$0x0] =	sbarrier.arrive $0xFFFF  }
0x61: {  	p0 =	sne.s32 s0, $0x0;
	_ =	strace $0x90000056  }
0x62: {  	s0 =	sadd.s32 @!p0 $0x100000, s1;
	[bflag:$0x2] =	sbarrier.arrive $0xFFFF  }
0x63: {  	[sflag:s0] =	ssyncadd.tile.s32 @!p0 $0x1;
	_ =	shalt  }
.Lfunc_end2:
_tile_overlayer_lowered:
.L_overlay_start_2:
0x64: {  	(tag) =	ssettag $0x2  }
0x65: {  	s0 =	rddreg [dreg:$0x0];
	s2 =	stileid.u32  }
0x66: {  	s1 =	rddreg [dreg:$0x1];
	p0 =	sne.s32 s2, $0x0  }
0x67: {  	s3 =	rddreg [dreg:$0x2];
	[bflag:$0x3] =	sbarrier.arrive $0xFFFF;
	s2 =	simm.s32 @!p0 $0x1C05  }
0x68: {  	[timem:s3], [sflag:s2] =	dma.local @!p0 [hbm:s0], s1  }
0x69: {  	s0 =	simm.s32 @!p0 $0x5  }
0x6a: {  	_ =	swait.ge @!p0 [sflag:s0], s1  }
0x6b: {  	s1 =	ssub.s32 @!p0 $0x0, s1;
	[sflag:s0] =	ssyncset.done @!p0 $0x0  }
0x6c: {  	[sflag:s0] =	ssyncadd.s32 @!p0 s1  }
0x6d: {  	[bflag:$0x3] =	sbarrier.arrive $0xFFFF  }
0x6e: {  	_ =	shalt  }

// kernel: kernel.34.cloned.1.call-start
scs
__scs_entry_jumppad:
0x0: {  	(pc) =	sbr.rel $0x88, $3  }
0x1: {  	(tag) =	ssettag $0x0;
	lr =	simm.s32 $0x1  }
0x2: {  	[smem:$0x3F5F] =	sst lr;
	_ =	strace $0xD0000000  }
0x3: {  	_ = 	snop  }
0x4: {  	_ = 	snop  }
0x5: {  	_ = 	snop  }
0x6: {  	_ = 	snop  }
0x7: {  	_ = 	snop  }
__scs_overlays_trampoline_lowered:
0x8: {  	[smem:$0x3F6E] =	sst s0  }
0x9: {  	[smem:$0x3F6F] =	sst s1  }
0xa: {  	[smem:$0x3F70] =	sst s2  }
0xb: {  	[smem:$0x3F71] =	sst s3  }
0xc: {  	[smem:$0x3F72] =	sst s4  }
0xd: {  	[smem:$0x3F73] =	sst s5  }
0xe: {  	[smem:$0x3F74] =	sst s6  }
0xf: {  	[smem:$0x3F75] =	sst s7  }
0x10: {  	[smem:$0x3F76] =	sst s8  }
0x11: {  	[smem:$0x3F77] =	sst s9;
	s0 =	simm.s32 @!p0 $0x0  }
0x12: {  	s1 =	sld [smem:$0x3F5D];
	s0 =	simm.s32 @p0 $0x1  }
0x13: {  	[smem:$0x3F78] =	sst s0;
	s0 =	simm.s32 @!p1 $0x0  }
0x14: {  	s2 =	sld [smem:$0x3F5C];
	s0 =	simm.s32 @p1 $0x1  }
0x15: {  	[smem:$0x3F79] =	sst s0;
	s0 =	simm.s32 @!p2 $0x0  }
0x16: {  	s3 =	sld [smem:$0x3FDB];
	s0 =	simm.s32 @p2 $0x1  }
0x17: {  	s4 =	simm.s32 $0x1BF5;
	[smem:$0x3F7B] =	sst s0  }
0x18: {  	s0 =	sld [smem:$0x3F5E];
	_ =	swait.ge [sflag:s4], $0x0  }
0x19: {  	s7 =	sld [smem:$0x3F5F]  }
0x1a: {  	s8 =	sadd.s32 $0xFFFFE003, lr  }
0x1b: {  	s9 =	sadd.s32 $0xFFFFFEF7, lr;
	s5 =	simm.s32 $0xFFFFFFFF;
	p2 =	slt.u32 s8, $0xFFFFF086  }
0x1c: {  	p1 =	slt.u32 s9, $0xF7A;
	s5 =	simm.s32 @!p2 $0x0  }
0x1d: {  	s5 =	simm.s32 @p1 $0x1;
	p0 =	seq.s32 s7, s2  }
0x1e: {  	s7 =	smul.u32 @!p0 $0xF7A, s2;
	p2 =	seq.s32 @!p0 s5, $0x0  }
0x1f: {  	s9 =	smul.u32 $0xF7A, s1;
	s8 =	simm.s32 @!p0 $0x1BF5;
	p2 =	por !p2, p0  }
0x20: {  	[sflag:s8] =	ssyncset.s32 @!p0 $0xFFFFF086;
	s6 =	sadd.s32 @!p0 s3, s7;
	s7 =	simm.s32 @!p0 $0x108  }
0x21: {  	s3 =	sadd.s32 s3, s9;
	s6 =	sadd.s32 @!p0 $0x88, s6;
	s7 =	simm.s32 @p2 $0x1082  }
0x22: {  	[simem:s7], [sflag:s8] =	dma.local @!p0 [hbm:s6], $0xF7A  }
0x23: {  	s9 =	sor.u32 $0xD0000000, s2;
	s6 =	simm.s32 $0x108;
	_ =	swait.ge @!p0 [sflag:s8], $0x0  }
0x24: {  	s3 =	sadd.s32 $0x88, s3;
	s6 =	simm.s32 @!p1 $0x1082;
	[sflag:s4] =	ssyncset.s32 $0xFFFFF086  }
0x25: {  	[simem:s6], [sflag:s4] =	dma.local [hbm:s3], $0xF7A  }
0x26: {  	[smem:$0x3F5F] =	sst s1;
	(tag) =	ssettag s2;
	_ =	strace s9  }
0x27: {  	s1 =	sld [smem:$0x3F6F]  }
0x28: {  	s2 =	sld [smem:$0x3F70]  }
0x29: {  	s4 =	sld [smem:$0x3F72]  }
0x2a: {  	p0 =	seq.s32 s5, $0x0;
	s5 =	sld [smem:$0x3F73]  }
0x2b: {  	s6 =	sld [smem:$0x3F74]  }
0x2c: {  	s7 =	sld [smem:$0x3F75]  }
0x2d: {  	s3 =	simm.s32 $0x108;
	s8 =	sld [smem:$0x3F76]  }
0x2e: {  	s3 =	simm.s32 @!p0 $0x1082;
	s9 =	sld [smem:$0x3F77]  }
0x2f: {  	lr =	sadd.s32 s0, s3;
	s0 =	sld [smem:$0x3F6E]  }
0x30: {  	s3 =	sld [smem:$0x3F71]  }
0x31: {  	[smem:$0x3F7A] =	sst s10  }
0x32: {  	s10 =	sld [smem:$0x3F78];
	_ =	sdelay $0x3  }
0x33: {  	p0 =	seq.s32 s10, $0x1;
	s10 =	sld [smem:$0x3F7A];
	_ =	sdelay $0x3  }
0x34: {  	[smem:$0x3F7A] =	sst s10  }
0x35: {  	s10 =	sld [smem:$0x3F79];
	_ =	sdelay $0x3  }
0x36: {  	p1 =	seq.s32 s10, $0x1;
	s10 =	sld [smem:$0x3F7A];
	_ =	sdelay $0x3  }
0x37: {  	[smem:$0x3F7A] =	sst s10  }
0x38: {  	s10 =	sld [smem:$0x3F7B]  }
0x39: {  	_ = 	snop;
	(pc) =	sbr.ind lr, $3  }
0x3a: {  	_ = 	snop  }
0x3b: {  	_ = 	snop  }
0x3c: {  	p2 =	seq.s32 s10, $0x1;
	s10 =	sld [smem:$0x3F7A]  }
0x3d: {  	_ =	shalt  }
0x3e: {  	_ =	shalt  }
0x3f: {  	_ =	shalt  }
0x40: {  	_ =	shalt  }
0x41: {  	_ =	shalt  }
0x42: {  	_ =	shalt  }
0x43: {  	_ =	shalt  }
0x44: {  	_ =	shalt  }
0x45: {  	_ =	shalt  }
0x46: {  	_ =	shalt  }
0x47: {  	_ =	shalt  }
0x48: {  	_ =	shalt  }
0x49: {  	_ =	shalt  }
0x4a: {  	_ =	shalt  }
0x4b: {  	_ =	shalt  }
0x4c: {  	_ =	shalt  }
0x4d: {  	_ =	shalt  }
0x4e: {  	_ =	shalt  }
0x4f: {  	_ =	shalt  }
0x50: {  	_ =	shalt  }
0x51: {  	_ =	shalt  }
0x52: {  	_ =	shalt  }
0x53: {  	_ =	shalt  }
0x54: {  	_ =	shalt  }
0x55: {  	_ =	shalt  }
0x56: {  	_ =	shalt  }
0x57: {  	_ =	shalt  }
0x58: {  	_ =	shalt  }
0x59: {  	_ =	shalt  }
0x5a: {  	_ =	shalt  }
0x5b: {  	_ =	shalt  }
0x5c: {  	_ =	shalt  }
0x5d: {  	_ =	shalt  }
0x5e: {  	_ =	shalt  }
0x5f: {  	_ =	shalt  }
0x60: {  	_ =	shalt  }
0x61: {  	_ =	shalt  }
0x62: {  	_ =	shalt  }
0x63: {  	_ =	shalt  }
0x64: {  	_ =	shalt  }
0x65: {  	_ =	shalt  }
0x66: {  	_ =	shalt  }
0x67: {  	_ =	shalt  }
0x68: {  	_ =	shalt  }
0x69: {  	_ =	shalt  }
0x6a: {  	_ =	shalt  }
0x6b: {  	_ =	shalt  }
0x6c: {  	_ =	shalt  }
0x6d: {  	_ =	shalt  }
0x6e: {  	_ =	shalt  }
0x6f: {  	_ =	shalt  }
0x70: {  	_ =	shalt  }
0x71: {  	_ =	shalt  }
0x72: {  	_ =	shalt  }
0x73: {  	_ =	shalt  }
0x74: {  	_ =	shalt  }
0x75: {  	_ =	shalt  }
0x76: {  	_ =	shalt  }
0x77: {  	_ =	shalt  }
0x78: {  	_ =	shalt  }
0x79: {  	_ =	shalt  }
0x7a: {  	_ =	shalt  }
0x7b: {  	_ =	shalt  }
0x7c: {  	_ =	shalt  }
0x7d: {  	_ =	shalt  }
0x7e: {  	_ =	shalt  }
0x7f: {  	_ =	shalt  }
0x80: {  	_ =	shalt  }
0x81: {  	_ =	shalt  }
0x82: {  	_ =	shalt  }
0x83: {  	_ =	shalt  }
0x84: {  	_ =	shalt  }
0x85: {  	_ =	shalt  }
0x86: {  	_ =	shalt  }
0x87: {  	_ =	shalt  }
.Lfunc_end0:
.L_simem_size_0:
called_computation.6_lowered:
.L_overlay_start_0:
0x88: {  	s2 =	sld [smem:$0x3FD9]  }
0x89: {  	s3 =	sld [smem:$0x3FFE];
	_ =	sdelay $0x1  }
0x8a: {  	s1 =	srdreg.scid  }
0x8b: {  	s0 =	sand.u32 $0x1, s1  }
0x8c: {  	s16 =	sshll.u32 s0, $0xA;
	s2 =	sadd.s32 s3, s2  }
0x8d: {  	s2 =	sadd.s32 s2, s16  }
0x8e: {  	[smem:$0x3F86] =	sst s2  }
0x8f: {  	_ = 	snop  }
0x90: {  	(tm) =	ssettm $0x1  }
0x91: {  	s17 =	sld [smem:$0x3FFB];
	_ =	sdelay $0x3  }
0x92: {  	_ =	strace s17  }
0x93: {  	s2 =	sld [smem:$0x3FFC];
	_ =	sdelay $0x3  }
0x94: {  	_ =	strace s2  }
0x95: {  	s2 =	sld [smem:$0x3FFD];
	_ =	sdelay $0x3  }
0x96: {  	_ =	strace s2  }
0x97: {  	_ =	strace $0x8FFFFFFF  }
0x98: {  	s18 =	sld [smem:$0x3FDB];
	_ =	sdelay $0x1  }
0x99: {  	s19 =	simm.s32 $_scs_section_size  }
0x9a: {  	s4 =	simm.s32 $_size__tile_overlayer_lowered;
	s5 =	simm.s32 $_tile_overlayer_lowered  }
0x9b: {  	s22 =	simm.s32 $0x1BFF;
	s21 =	sshll.u32 s5, $0x1;
	s2 =	sadd.s32 s19, s18  }
0x9c: {  	s6 =	simm.s32 $0x0;
	s20 =	sshll.u32 s4, $0x1;
	s4 =	sadd.s32 s21, s2  }
0x9d: {  	[timem:s6], [sflag:s22] =	dma.local [hbm:s4], s20  }
0x9e: {  	_ =	swait.ge [sflag:s22], s20  }
0x9f: {  	s3 =	ssub.s32 $0x0, s20;
	[sflag:s22] =	ssyncset.done $0x0  }
0xa0: {  	[sflag:s22] =	ssyncadd.s32 s3;
	_ =	sdelay $0x1  }
0xa1: {  	s23 =	simm.s32 $0x1B8B  }
0xa2: {  	_ =	swait.ge [sflag:s23], $0x1  }
0xa3: {  	[sflag:s23] =	ssyncset.done $0x0  }
0xa4: {  	s25 =	simm.s32 $0x1B8E;
	s24 =	sld [smem:$0x3FFE];
	[sflag:s23] =	ssyncadd.s32 $0xFFFFFFFF  }
0xa5: {  	s26 =	simm.s32 $execute0_lowered;
	[smem:$0x3FD2] =	sst s25  }
0xa6: {  	s4 =	sshll.u32 s26, $0x1;
	_ =	strace $0x80000058;
	[dreg:$0x1] =	wrdreg $0xFFFFFFFF  }
0xa7: {  	s28 =	simm.s32 $_size_execute0_lowered;
	s2 =	sadd.s32 s2, s4;
	[dreg:$0x0] =	wrdreg $0x0  }
0xa8: {  	s4 =	sshll.u32 s28, $0x1;
	[dreg:$0x2] =	wrdreg s2  }
0xa9: {  	[dreg:$0x3] =	wrdreg s4  }
0xaa: {  	[dreg:$0x4] =	wrdreg $0xC0  }
0xab: {  	_ =	task [dreg:s6], $0x5FFFF  }
0xac: {  	[dreg:$0x1] =	wrdreg $0xFFFFFFFF  }
0xad: {  	[dreg:$0x0] =	wrdreg $0x60  }
0xae: {  	[dreg:$0x2] =	wrdreg s24  }
0xaf: {  	[dreg:$0x3] =	wrdreg $0x8F000  }
0xb0: {  	[dreg:$0x4] =	wrdreg $0x9  }
0xb1: {  	_ =	task.clear_ibuf [dreg:s6], $0x5FFFF;
	_ =	strace $0x90000058  }
0xb2: {  	s29 =	simm.s32 $0x9;
	_ =	strace $0x8000005A  }
0xb3: {  	_ =	swait.ge [sflag:s29], $0x1  }
0xb4: {  	[sflag:s29] =	ssyncadd.s32 $0xFFFFFFFF  }
0xb5: {  	_ =	strace $0x9000005A  }
0xb6: {  	_ =	sfence  }
0xb7: {  	s30 =	sld [smem:$0x0];
	_ =	sdelay $0x2  }
0xb8: {  	s31 =	sshll.u32 s1, $0xD;
	s1 =	sshrl.u32 s1, $0x2  }
0xb9: {  	s3 =	sand.u32 $0x4000, s31;
	s1 =	sadd.s32 s1, s30  }
0xba: {  	s0 =	sor.u32 s3, s0;
	s1 =	sshll.u32 s1, $0x11  }
0xbb: {  	s0 =	sor.u32 s1, s0  }
0xbc: {  	s0 =	sadd.s32 $0x8F2B, s0  }
0xbd: {  	[sflag:s0] =	ssyncadd.remote.s32 $0x1  }
0xbe: {  	_ =	sfence.sel $0xFFFF  }
0xbf: {  	[dreg:$0x0] =	wrdreg $0xFFFFFFFF;
	(pc) =	sbr.abs _section_cstart, $3  }
0xc0: {  	[dreg:$0x1] =	wrdreg $0xFFFFFFFF  }
0xc1: {  	_ =	task.clear_ibuf [dreg:s6], $0x2FFFF;
	_ =	strace $0x9FFFFFFF  }
0xc2: {  	(tm) =	ssettm $0x7FFFFFFF  }
0xc3: {  	_ =	shalt  }
tec
execute0_lowered:
.L_overlay_start_1:
0x0: {  	(tag) =	ssettag $0x1  }
0x1: {  	s6 =	rddreg [dreg:$0x0]  }
0x2: {  	s0 =	srdreg.scid;
	s2 =	rddreg [dreg:$0x1]  }
0x3: {  	s3 =	simm.s32 $0x0;
	s14 =	simm.s32 $0x80;
	s15 =	simm.s32 $0x4F00  }
0x4: {  	s16 =	simm.s32 $0x6F00;
	s17 =	simm.s32 $0x1;
	s18 =	simm.s32 $0x2  }
0x5: {  	s19 =	simm.s32 $0x3;
	s20 =	simm.s32 $0x4;
	s21 =	simm.s32 $0x2700  }
0x6: {  	s22 =	simm.s32 $0x4E80;
	s5 =	sand.u32 $0x1, s0;
	s0 =	stileid.u32  }
0x7: {  	s23 =	simm.s32 $0x0;
	[smem:$0x7FF] =	sst s3;
	s8 =	smul.u32 $0x9E00, s0  }
0x8: {  	s4 =	sadd.s32 $0x1F200, s6;
	s1 =	sshll.u32 s5, $0x4;
	s9 =	smul.u32 $0x9E000, s5  }
0x9: {  	s5 =	ssub.s32 $0x2, s5;
	s12 =	sshll.u32 s0, $0x6;
	s1 =	sor.u32 s0, s1  }
0xa: {  	s11 =	sshrl.u32 s5, $0x1;
	s12 =	sor.u32 $0x1C05, s12;
	s7 =	smul.u32 $0x4F0, s1  }
0xb: {  	s1 =	rddreg [dreg:$0x2];
	_ =	strace $0x80000059;
	s9 =	sadd.s32 s8, s9  }
0xc: {  	s10 =	sshrl.u32 s8, $0x3;
	s11 =	ssub.s32 s5, s11;
	s13 =	sadd.s32 s8, s2  }
0xd: {  	s9 =	sshrl.u32 s9, $0x3;
	s10 =	sadd.s32 s10, s6;
	s7 =	sadd.s32 s7, s6  }
0xe: {  	s13 =	sshrl.u32 s13, $0x3;
	s9 =	sadd.s32 s9, s6;
	s5 =	sadd.s32 $0x15400, s7  }
0xf: {  	s6 =	sadd.s32 $0xB600, s7;
	s7 =	sadd.s32 $0x32E00, s10;
	s8 =	sadd.s32 $0x78000, s9  }
0x10: {  	s9 =	smax.u32 s11, $0x1;
	s10 =	simm.s32 $0x5;
	s11 =	simm.s32 $0x2780  }
.LBB2_1:
0x11: {  	[tilespmem:s3], [sflag:$0x5] =	stream.linear.gather [hbm4b:s5+s3], $0x2780, $0x38;
	[tilespmem:$0x12D00] =	vst v63  }
0x12: {  	_ =	swait.ge [sflag:s10], $0x2780  }
0x13: {  	[sflag:s10] =	ssyncset.done $0x0  }
0x14: {  	[sflag:s10] =	ssyncadd.s32 $0xFFFFD880  }
0x15: {  	[tilespmem:s11], [sflag:$0x5] =	stream.linear.gather [hbm4b:s6+s3], $0x2780, $0x38;
	[tilespmem:$0x12D00] =	vst v63  }
0x16: {  	_ =	swait.ge [sflag:s10], $0x2780  }
0x17: {  	[sflag:s10] =	ssyncset.done $0x0  }
0x18: {  	[sflag:s10] =	ssyncadd.s32 $0xFFFFD880  }
0x19: {  	[spmem:s13], [sflag:s12] =	dma.local [hbm:s7], $0x13C0  }
0x1a: {  	_ =	swait.ge [sflag:s10], $0x13C0  }
0x1b: {  	[sflag:s10] =	ssyncset.done $0x0  }
0x1c: {  	[sflag:s10] =	ssyncadd.s32 $0xFFFFEC40  }
0x1d: {  	s24 =	simm.s32 $0x0;
	[bflag:$0x0] =	sbarrier.arrive $0xFFFF  }
0x1e: {  	[tilespmem:s15], [sflag:$0x1] =	stream.indirect.gather [hbm4b:s4+s14], $0x40, s24, s14, $0xb8;
	[tilespmem:$0x12D00] =	vst v63  }
0x1f: {  	s29 =	simm.s32 $0x80  }
0x20: {  	[tilespmem:s16], [sflag:$0x2] =	stream.indirect.gather [hbm4b:s4+s14], $0x40, s29, s14, $0xb8;
	[tilespmem:$0x12D00] =	vst v63  }
0x21: {  	_ =	swait.ge [sflag:s17], $0x2000  }
0x22: {  	[sflag:s17] =	ssyncset.done $0x0  }
0x23: {  	s30 =	simm.s32 $0x2780;
	[sflag:s17] =	ssyncadd.s32 $0xFFFFE000  }
0x24: {  	[spmem:s2] =	stream.indirect.scatter.add.f32 [tilespmem:s15], [sflag:$0x3], $0x40, s30, s14, $0xb8;
	[tilespmem:$0x12D00] =	vst v63  }
0x25: {  	_ =	swait.ge [sflag:s18], $0x2000  }
0x26: {  	[sflag:s18] =	ssyncset.done $0x0  }
0x27: {  	s31 =	simm.s32 $0x2800;
	[sflag:s18] =	ssyncadd.s32 $0xFFFFE000  }
0x28: {  	[spmem:s2] =	stream.indirect.scatter.add.f32 [tilespmem:s16], [sflag:$0x4], $0x40, s31, s14, $0xb8;
	[tilespmem:$0x12D00] =	vst v63  }
0x29: {  	_ =	swait.ge [sflag:s19], $0x2000  }
0x2a: {  	[sflag:s19] =	ssyncset.done $0x0  }
0x2b: {  	[sflag:s19] =	ssyncadd.s32 $0xFFFFE000  }
0x2c: {  	_ =	swait.ge [sflag:s20], $0x2000  }
0x2d: {  	s25 =	simm.s32 $0x800;
	s24 =	simm.s32 $0x400;
	[sflag:s20] =	ssyncset.done $0x0  }
.LBB2_2:
0x2e: {  	s26 =	sshra.s32 s24, $0x2  }
0x2f: {  	[sflag:s20] =	ssyncadd.s32 $0xFFFFE000;
	s24 =	smov.u32 s25;
	s28 =	sadd.s32 $0x400, s25  }
0x30: {  	[tilespmem:s15], [sflag:$0x1] =	stream.indirect.gather [hbm4b:s4+s14], $0x40, s26, s14, $0xb8;
	[tilespmem:$0x12D00] =	vst v63  }
0x31: {  	p0 =	sne.s32 s25, $0x9800;
	s25 =	sadd.s32 $0x80, s26  }
0x32: {  	[tilespmem:s16], [sflag:$0x2] =	stream.indirect.gather [hbm4b:s4+s14], $0x40, s25, s14, $0xb8;
	[tilespmem:$0x12D00] =	vst v63  }
0x33: {  	_ =	swait.ge [sflag:s17], $0x2000  }
0x34: {  	[sflag:s17] =	ssyncset.done $0x0  }
0x35: {  	s25 =	sadd.s32 $0x2780, s26;
	[sflag:s17] =	ssyncadd.s32 $0xFFFFE000  }
0x36: {  	[spmem:s2] =	stream.indirect.scatter.add.f32 [tilespmem:s15], [sflag:$0x3], $0x40, s25, s14, $0xb8;
	[tilespmem:$0x12D00] =	vst v63  }
0x37: {  	_ =	swait.ge [sflag:s18], $0x2000  }
0x38: {  	[sflag:s18] =	ssyncset.done $0x0  }
0x39: {  	s25 =	sadd.s32 $0x2800, s26;
	[sflag:s18] =	ssyncadd.s32 $0xFFFFE000  }
0x3a: {  	[spmem:s2] =	stream.indirect.scatter.add.f32 [tilespmem:s16], [sflag:$0x4], $0x40, s25, s14, $0xb8;
	[tilespmem:$0x12D00] =	vst v63  }
.Ltmp0:
0x3b: {  	_ =	swait.ge [sflag:s19], $0x2000;
	(pc) =	sbr.rel @p0 .LBB2_2-.Ltmp0, $4  }
0x3c: {  	[sflag:s19] =	ssyncset.done $0x0  }
0x3d: {  	[sflag:s19] =	ssyncadd.s32 $0xFFFFE000  }
0x3e: {  	_ =	swait.ge [sflag:s20], $0x2000  }
0x3f: {  	s25 =	smov.u32 s28;
	[sflag:s20] =	ssyncset.done $0x0  }
0x40: {  	s24 =	sshra.s32 s24, $0x2;
	[sflag:s20] =	ssyncadd.s32 $0xFFFFE000  }
0x41: {  	[tilespmem:s15], [sflag:$0x1] =	stream.indirect.gather [hbm4b:s4+s14], $0x40, s24, s14, $0xb8;
	[tilespmem:$0x12D00] =	vst v63  }
0x42: {  	s25 =	sadd.s32 $0x80, s24  }
0x43: {  	[tilespmem:s16], [sflag:$0x2] =	stream.indirect.gather [hbm4b:s4+s14], $0x40, s25, s14, $0xb8;
	[tilespmem:$0x12D00] =	vst v63  }
0x44: {  	_ =	swait.ge [sflag:s17], $0x2000  }
0x45: {  	[sflag:s17] =	ssyncset.done $0x0  }
0x46: {  	s31 =	sadd.s32 $0x2780, s24;
	[sflag:s17] =	ssyncadd.s32 $0xFFFFE000  }
0x47: {  	[spmem:s2] =	stream.indirect.scatter.add.f32 [tilespmem:s15], [sflag:$0x3], $0x40, s31, s14, $0xb8;
	[tilespmem:$0x12D00] =	vst v63  }
0x48: {  	_ =	swait.ge [sflag:s18], $0x2000  }
0x49: {  	[sflag:s18] =	ssyncset.done $0x0  }
0x4a: {  	s24 =	sadd.s32 $0x2800, s24;
	[sflag:s18] =	ssyncadd.s32 $0xFFFFE000  }
0x4b: {  	[spmem:s2] =	stream.indirect.scatter.add.f32 [tilespmem:s16], [sflag:$0x4], $0x40, s24, s14, $0xb8;
	[tilespmem:$0x12D00] =	vst v63  }
0x4c: {  	_ =	swait.ge [sflag:s19], $0x2000  }
0x4d: {  	[sflag:s19] =	ssyncset.done $0x0  }
0x4e: {  	[sflag:s19] =	ssyncadd.s32 $0xFFFFE000  }
0x4f: {  	_ =	swait.ge [sflag:s20], $0x2000  }
0x50: {  	[sflag:s20] =	ssyncset.done $0x0  }
0x51: {  	[sflag:s20] =	ssyncadd.s32 $0xFFFFE000  }
0x52: {  	[tilespmem:s15], [sflag:$0x1] =	stream.indirect.gather [hbm4b:s4+s14], $0x40, s21, s14, $0xb8;
	[tilespmem:$0x12D00] =	vst v63  }
0x53: {  	_ =	swait.ge [sflag:s17], $0x2000  }
0x54: {  	[sflag:s17] =	ssyncset.done $0x0  }
0x55: {  	[sflag:s17] =	ssyncadd.s32 $0xFFFFE000  }
0x56: {  	[spmem:s2] =	stream.indirect.scatter.add.f32 [tilespmem:s15], [sflag:$0x5], $0x40, s22, s14, $0xb8;
	[tilespmem:$0x12D00] =	vst v63  }
0x57: {  	_ =	swait.ge [sflag:s10], $0x2000  }
0x58: {  	s23 =	sadd.s32 $0x1, s23;
	[sflag:s10] =	ssyncset.done $0x0  }
0x59: {  	p0 =	sne.s32 s23, s9;
	[sflag:s10] =	ssyncadd.s32 $0xFFFFE000  }
.Ltmp1:
0x5a: {  	[bflag:$0x0] =	sbarrier.arrive $0xFFFF;
	(pc) =	sbr.rel @p0 .LBB2_1-.Ltmp1, $4  }
0x5b: {  	[hbm:s8], [sflag:s12] =	dma.local [spmem:s13], $0x13C0  }
0x5c: {  	_ =	swait.ge [sflag:s10], $0x13C0  }
0x5d: {  	[sflag:s10] =	ssyncset.done $0x0  }
0x5e: {  	[sflag:s10] =	ssyncadd.s32 $0xFFFFEC40  }
0x5f: {  	_ =	sfence.sel $0x180000  }
0x60: {  	[bflag:$0x0] =	sbarrier.arrive $0xFFFF  }
0x61: {  	p0 =	sne.s32 s0, $0x0;
	_ =	strace $0x90000059  }
0x62: {  	s0 =	sadd.s32 @!p0 $0x100000, s1;
	[bflag:$0x2] =	sbarrier.arrive $0xFFFF  }
0x63: {  	[sflag:s0] =	ssyncadd.tile.s32 @!p0 $0x1;
	_ =	shalt  }
.Lfunc_end2:
_tile_overlayer_lowered:
.L_overlay_start_2:
0x64: {  	(tag) =	ssettag $0x2  }
0x65: {  	s0 =	rddreg [dreg:$0x0];
	s2 =	stileid.u32  }
0x66: {  	s1 =	rddreg [dreg:$0x1];
	p0 =	sne.s32 s2, $0x0  }
0x67: {  	s3 =	rddreg [dreg:$0x2];
	[bflag:$0x3] =	sbarrier.arrive $0xFFFF;
	s2 =	simm.s32 @!p0 $0x1C05  }
0x68: {  	[timem:s3], [sflag:s2] =	dma.local @!p0 [hbm:s0], s1  }
0x69: {  	s0 =	simm.s32 @!p0 $0x5  }
0x6a: {  	_ =	swait.ge @!p0 [sflag:s0], s1  }
0x6b: {  	s1 =	ssub.s32 @!p0 $0x0, s1;
	[sflag:s0] =	ssyncset.done @!p0 $0x0  }
0x6c: {  	[sflag:s0] =	ssyncadd.s32 @!p0 s1  }
0x6d: {  	[bflag:$0x3] =	sbarrier.arrive $0xFFFF  }
0x6e: {  	_ =	shalt  }

</sc_bundles>
